<compile_context>
chip_gen: v7x
topology: tpu7x:2x2x1
jax: 0.10.2.dev20260603
libtpu: 0.0.44.dev20260713+nightly
codegen_flags: <defaults>
</compile_context>

<pallas_src>
import functools

import jax
import jax.numpy as jnp
from jax import lax
from jax.experimental import pallas as pl
from jax.experimental.pallas import tpu as pltpu
from jax.experimental.pallas import tpu_sc as plsc

D_MODEL = 1024
SCALE = 32.0
NC = 2
NS = 16
NW = NC * NS
LANES = 16
C = 16
NIN = 4
NOUT = 2
UNROLL = 4


@functools.partial(jax.jit, static_argnums=(2,))
def _emb(idx, table, B):
    chunks = B // (NW * C)
    mesh = plsc.VectorSubcoreMesh(core_axis_name="c", subcore_axis_name="s")

    @functools.partial(
        pl.kernel,
        out_type=jax.ShapeDtypeStruct((B, D_MODEL), jnp.float32),
        mesh=mesh,
        scratch_types=(
            [pltpu.VMEM((chunks, C), jnp.int32)]
            + [pltpu.VMEM((C, D_MODEL), jnp.float32)] * (NIN + NOUT)
            + [pltpu.SemaphoreType.DMA] * (NIN + NOUT)
        ),
    )
    def emb_kernel(idx_hbm, table_hbm, out_hbm, idx_v, *bufs_and_sems):
        ins = bufs_and_sems[:NIN]
        outs = bufs_and_sems[NIN:NIN + NOUT]
        sis = bufs_and_sems[NIN + NOUT:2 * NIN + NOUT]
        sos = bufs_and_sems[2 * NIN + NOUT:]
        wid = lax.axis_index("s") * NC + lax.axis_index("c")
        base = wid * (chunks * C)
        pltpu.sync_copy(idx_hbm.at[wid], idx_v)
        for b in range(NIN):
            pltpu.async_copy(table_hbm.at[idx_v.at[b]], ins[b], sis[b])

        def step(j, b, ob, regather):
            inb, sib = ins[b], sis[b]
            outb, sob = outs[ob], sos[ob]
            pltpu.make_async_copy(table_hbm.at[idx_v.at[j]], inb, sib).wait()

            @pl.when(j >= NOUT)
            def _():
                pltpu.make_async_copy(
                    outb, out_hbm.at[pl.ds(base, C)], sob).wait()

            @plsc.parallel_loop(0, C, 1)
            def row_body(r):
                for k in range(D_MODEL // LANES):
                    sl = pl.ds(k * LANES, LANES)
                    outb[r, sl] = inb[r, sl] * SCALE

            if regather:
                @pl.when(j < chunks - NIN)
                def _():
                    pltpu.async_copy(table_hbm.at[idx_v.at[j + NIN]], inb, sib)

            pltpu.async_copy(outb, out_hbm.at[pl.ds(base + j * C, C)], sob)

        def outer(jj, carry):
            for u in range(UNROLL):
                step(UNROLL * jj + u, u % NIN, u % NOUT, regather=True)
            return carry

        n_main = (chunks // UNROLL) * UNROLL
        lax.fori_loop(0, chunks // UNROLL, outer, 0)
        for j in range(n_main, chunks):
            step(j, j % NIN, j % NOUT, regather=False)
        for u in range(NOUT):
            j = chunks - NOUT + u
            pltpu.make_async_copy(
                outs[j % NOUT], out_hbm.at[pl.ds(base + j * C, C)],
                sos[j % NOUT]).wait()

    return emb_kernel(idx, table)


def kernel(x, table):
    b, s = x.shape
    B = b * s
    idx = x.reshape(NW, B // (NW * C), C).astype(jnp.int32)
    out = _emb(idx, table, B)
    return out.reshape(b, s, D_MODEL)

# --- scband reference (transcript-rebuilt; emitter-appended) ---
"""Pipeline reference for scband-input-embedding-26018911879590 (READ-ONLY COPY).

The authoritative reference and input builder live on the scoring server;
editing this copy changes nothing except your own understanding.
"""

import jax, jax.numpy as jnp
import numpy as np

D_MODEL = 1024
VOCAB = 100000

def setup_inputs(seed: int = 0) -> dict:
    key = jax.random.key(seed)
    k1, k2 = jax.random.split(key)
    x = jax.random.randint(k1, (4, 8192), 0, VOCAB, dtype=jnp.int64 if jax.config.jax_enable_x64 else jnp.int32)
    table = jax.random.normal(k2, (VOCAB, D_MODEL), dtype=jnp.float32)
    return {"x": x, "table": table}

def reference(x, table):
    # nn.Embedding lookup: gather rows of the table by token id
    emb = jnp.take(table, x, axis=0)  # [B, S, d_model]
    scale = jnp.sqrt(jnp.asarray([D_MODEL], dtype=jnp.float32))
    return emb * scale

if __name__ == "__main__":
    import jax
    _d = setup_inputs()
    print(jax.jit(kernel)(*tuple(_d.values())))

</pallas_src>

<mosaic_0001>
#map = affine_map<(d0, d1) -> (0, 0, 0)>
#map1 = affine_map<(d0, d1) -> (0, 0)>
module attributes {stable_mosaic.version = 14 : i64} {
  func.func @emb_kernel(%arg0: i32, %arg1: i32, %arg2: memref<32x64x16xi32, #tpu.memory_space<hbm>>, %arg3: memref<100000x1024xf32, #tpu.memory_space<hbm>>, %arg4: memref<32768x1024xf32, #tpu.memory_space<hbm>>, %arg5: memref<64x16xi32, #tpu.memory_space<vmem>>, %arg6: memref<16x1024xf32, #tpu.memory_space<vmem>>, %arg7: memref<16x1024xf32, #tpu.memory_space<vmem>>, %arg8: memref<16x1024xf32, #tpu.memory_space<vmem>>, %arg9: memref<16x1024xf32, #tpu.memory_space<vmem>>, %arg10: memref<16x1024xf32, #tpu.memory_space<vmem>>, %arg11: memref<16x1024xf32, #tpu.memory_space<vmem>>, %arg12: memref<!tpu.dma_semaphore, #tpu.memory_space<semaphore_mem>>, %arg13: memref<!tpu.dma_semaphore, #tpu.memory_space<semaphore_mem>>, %arg14: memref<!tpu.dma_semaphore, #tpu.memory_space<semaphore_mem>>, %arg15: memref<!tpu.dma_semaphore, #tpu.memory_space<semaphore_mem>>, %arg16: memref<!tpu.dma_semaphore, #tpu.memory_space<semaphore_mem>>, %arg17: memref<!tpu.dma_semaphore, #tpu.memory_space<semaphore_mem>>) attributes {dimension_semantics = [#tpu.dimension_semantics<core_parallel>, #tpu.dimension_semantics<subcore_parallel>], iteration_bounds = array<i64: 2, 16>, scalar_prefetch = 0 : i64, scratch_operands = 13 : i64, tpu.core_type = #tpu.core_type<sc_vector_subcore>, window_params = [{transform_indices = #map}, {transform_indices = #map1}, {transform_indices = #map1}]} {
    %mul3A = arith.constant 2 : i32
    %mul3A_0 = arith.muli %arg1, %mul3A : i32
    %add3A = arith.addi %mul3A_0, %arg0 : i32
    %mul3A_1 = arith.constant 1024 : i32
    %mul3A_2 = arith.muli %add3A, %mul3A_1 : i32
    "tpu.region"() ({
      %run_scoped3A = tpu.sem_alloc : memref<!tpu.dma_semaphore, #tpu.memory_space<semaphore_mem>>
      %dma_start3A_46 = arith.constant 0 : i32
      %dma_start3A_47 = arith.constant 0 : i32
      %dma_start3A_48 = tpu.memref_slice %arg2[%add3A, %dma_start3A_46, %dma_start3A_47] : memref<32x64x16xi32, #tpu.memory_space<hbm>> -> memref<1x64x16xi32, #tpu.memory_space<hbm>>
      %dma_start3A_49 = tpu.memref_squeeze %dma_start3A_48 : memref<1x64x16xi32, #tpu.memory_space<hbm>> -> memref<64x16xi32, #tpu.memory_space<hbm>>
      %dma_start3A_50 = arith.constant 0 : i32
      %dma_start3A_51 = arith.constant 0 : i32
      %dma_start3A_52 = tpu.memref_slice %arg2[%add3A, %dma_start3A_50, %dma_start3A_51] : memref<32x64x16xi32, #tpu.memory_space<hbm>> -> memref<1x64x16xi32, #tpu.memory_space<hbm>>
      %dma_start3A_53 = tpu.memref_squeeze %dma_start3A_52 : memref<1x64x16xi32, #tpu.memory_space<hbm>> -> memref<64x16xi32, #tpu.memory_space<hbm>>
      tpu.enqueue_dma source(%dma_start3A_53 : memref<64x16xi32, #tpu.memory_space<hbm>>) target(%arg5 : memref<64x16xi32, #tpu.memory_space<vmem>>) target_semaphore(%run_scoped3A : memref<!tpu.dma_semaphore, #tpu.memory_space<semaphore_mem>>)
      %dma_wait3A_54 = arith.constant 0 : i32
      %dma_wait3A_55 = arith.constant 0 : i32
      %dma_wait3A_56 = tpu.memref_slice %arg2[%add3A, %dma_wait3A_54, %dma_wait3A_55] : memref<32x64x16xi32, #tpu.memory_space<hbm>> -> memref<1x64x16xi32, #tpu.memory_space<hbm>>
      %dma_wait3A_57 = tpu.memref_squeeze %dma_wait3A_56 : memref<1x64x16xi32, #tpu.memory_space<hbm>> -> memref<64x16xi32, #tpu.memory_space<hbm>>
      %dma_wait3A_58 = arith.constant 0 : i32
      %dma_wait3A_59 = arith.constant 0 : i32
      %dma_wait3A_60 = tpu.memref_slice %arg2[%add3A, %dma_wait3A_58, %dma_wait3A_59] : memref<32x64x16xi32, #tpu.memory_space<hbm>> -> memref<1x64x16xi32, #tpu.memory_space<hbm>>
      %dma_wait3A_61 = tpu.memref_squeeze %dma_wait3A_60 : memref<1x64x16xi32, #tpu.memory_space<hbm>> -> memref<64x16xi32, #tpu.memory_space<hbm>>
      tpu.wait_dma2 semaphore(%run_scoped3A : memref<!tpu.dma_semaphore, #tpu.memory_space<semaphore_mem>>) src(%dma_wait3A_61 : memref<64x16xi32, #tpu.memory_space<hbm>>) dst(%arg5 : memref<64x16xi32, #tpu.memory_space<vmem>>)
      tpu.yield
    }) : () -> ()
    %dma_start3A = arith.constant 0 : i32
    %dma_start3A_3 = arith.constant 0 : i32
    %dma_start3A_4 = tpu.memref_slice %arg5[%dma_start3A, %dma_start3A_3] : memref<64x16xi32, #tpu.memory_space<vmem>> -> memref<1x16xi32, #tpu.memory_space<vmem>>
    %dma_start3A_5 = tpu.memref_squeeze %dma_start3A_4 : memref<1x16xi32, #tpu.memory_space<vmem>> -> memref<16xi32, #tpu.memory_space<vmem>>
    %dma_start3A_6 = arith.constant 0 : i32
    %dma_start3A_7 = arith.constant 0 : i32
    %dma_start3A_8 = tpu.memref_slice %arg3[%dma_start3A_6, %dma_start3A_7] : memref<100000x1024xf32, #tpu.memory_space<hbm>> -> memref<100000x1024xf32, #tpu.memory_space<hbm>>
    tpu.enqueue_indirect_dma source(%dma_start3A_8 : memref<100000x1024xf32, #tpu.memory_space<hbm>>) target(%arg6 : memref<16x1024xf32, #tpu.memory_space<vmem>>) offsets(%dma_start3A_5 : memref<16xi32, #tpu.memory_space<vmem>>) semaphore(%arg12 : memref<!tpu.dma_semaphore, #tpu.memory_space<semaphore_mem>>)
    %dma_start3A_9 = arith.constant 1 : i32
    %dma_start3A_10 = arith.constant 0 : i32
    %dma_start3A_11 = tpu.memref_slice %arg5[%dma_start3A_9, %dma_start3A_10] : memref<64x16xi32, #tpu.memory_space<vmem>> -> memref<1x16xi32, #tpu.memory_space<vmem>>
    %dma_start3A_12 = tpu.memref_squeeze %dma_start3A_11 : memref<1x16xi32, #tpu.memory_space<vmem>> -> memref<16xi32, #tpu.memory_space<vmem>>
    %dma_start3A_13 = arith.constant 0 : i32
    %dma_start3A_14 = arith.constant 0 : i32
    %dma_start3A_15 = tpu.memref_slice %arg3[%dma_start3A_13, %dma_start3A_14] : memref<100000x1024xf32, #tpu.memory_space<hbm>> -> memref<100000x1024xf32, #tpu.memory_space<hbm>>
    tpu.enqueue_indirect_dma source(%dma_start3A_15 : memref<100000x1024xf32, #tpu.memory_space<hbm>>) target(%arg7 : memref<16x1024xf32, #tpu.memory_space<vmem>>) offsets(%dma_start3A_12 : memref<16xi32, #tpu.memory_space<vmem>>) semaphore(%arg13 : memref<!tpu.dma_semaphore, #tpu.memory_space<semaphore_mem>>)
    %dma_start3A_16 = arith.constant 2 : i32
    %dma_start3A_17 = arith.constant 0 : i32
    %dma_start3A_18 = tpu.memref_slice %arg5[%dma_start3A_16, %dma_start3A_17] : memref<64x16xi32, #tpu.memory_space<vmem>> -> memref<1x16xi32, #tpu.memory_space<vmem>>
    %dma_start3A_19 = tpu.memref_squeeze %dma_start3A_18 : memref<1x16xi32, #tpu.memory_space<vmem>> -> memref<16xi32, #tpu.memory_space<vmem>>
    %dma_start3A_20 = arith.constant 0 : i32
    %dma_start3A_21 = arith.constant 0 : i32
    %dma_start3A_22 = tpu.memref_slice %arg3[%dma_start3A_20, %dma_start3A_21] : memref<100000x1024xf32, #tpu.memory_space<hbm>> -> memref<100000x1024xf32, #tpu.memory_space<hbm>>
    tpu.enqueue_indirect_dma source(%dma_start3A_22 : memref<100000x1024xf32, #tpu.memory_space<hbm>>) target(%arg8 : memref<16x1024xf32, #tpu.memory_space<vmem>>) offsets(%dma_start3A_19 : memref<16xi32, #tpu.memory_space<vmem>>) semaphore(%arg14 : memref<!tpu.dma_semaphore, #tpu.memory_space<semaphore_mem>>)
    %dma_start3A_23 = arith.constant 3 : i32
    %dma_start3A_24 = arith.constant 0 : i32
    %dma_start3A_25 = tpu.memref_slice %arg5[%dma_start3A_23, %dma_start3A_24] : memref<64x16xi32, #tpu.memory_space<vmem>> -> memref<1x16xi32, #tpu.memory_space<vmem>>
    %dma_start3A_26 = tpu.memref_squeeze %dma_start3A_25 : memref<1x16xi32, #tpu.memory_space<vmem>> -> memref<16xi32, #tpu.memory_space<vmem>>
    %dma_start3A_27 = arith.constant 0 : i32
    %dma_start3A_28 = arith.constant 0 : i32
    %dma_start3A_29 = tpu.memref_slice %arg3[%dma_start3A_27, %dma_start3A_28] : memref<100000x1024xf32, #tpu.memory_space<hbm>> -> memref<100000x1024xf32, #tpu.memory_space<hbm>>
    tpu.enqueue_indirect_dma source(%dma_start3A_29 : memref<100000x1024xf32, #tpu.memory_space<hbm>>) target(%arg9 : memref<16x1024xf32, #tpu.memory_space<vmem>>) offsets(%dma_start3A_26 : memref<16xi32, #tpu.memory_space<vmem>>) semaphore(%arg15 : memref<!tpu.dma_semaphore, #tpu.memory_space<semaphore_mem>>)
    %scan3A = arith.constant 0 : i32
    %scan3A_30 = arith.constant 0 : i32
    %scan3A_31 = arith.constant 16 : i32
    %scan3A_32 = arith.addi %scan3A_30, %scan3A_31 : i32
    %scan3A_33 = arith.constant 1 : i32
    scf.for %scan3A_46 = %scan3A_30 to %scan3A_32 step %scan3A_33  : i32 {
      %mul3A_47 = arith.constant 4 : i32
      %mul3A_48 = arith.muli %mul3A_47, %scan3A_46 : i32
      %add3A_49 = arith.constant 0 : i32
      %add3A_50 = arith.addi %mul3A_48, %add3A_49 : i32
      %dma_wait3A_51 = arith.constant 0 : i32
      %dma_wait3A_52 = tpu.memref_slice %arg5[%add3A_50, %dma_wait3A_51] : memref<64x16xi32, #tpu.memory_space<vmem>> -> memref<1x16xi32, #tpu.memory_space<vmem>>
      %dma_wait3A_53 = tpu.memref_squeeze %dma_wait3A_52 : memref<1x16xi32, #tpu.memory_space<vmem>> -> memref<16xi32, #tpu.memory_space<vmem>>
      %dma_wait3A_54 = arith.constant 0 : i32
      %dma_wait3A_55 = arith.constant 0 : i32
      %dma_wait3A_56 = tpu.memref_slice %arg3[%dma_wait3A_54, %dma_wait3A_55] : memref<100000x1024xf32, #tpu.memory_space<hbm>> -> memref<100000x1024xf32, #tpu.memory_space<hbm>>
      tpu.wait_indirect_dma semaphore(%arg12 : memref<!tpu.dma_semaphore, #tpu.memory_space<semaphore_mem>>) src(%dma_wait3A_56 : memref<100000x1024xf32, #tpu.memory_space<hbm>>) dst(%arg6 : memref<16x1024xf32, #tpu.memory_space<vmem>>)
      %ge3A = arith.constant 2 : i32
      %ge3A_57 = arith.cmpi sge, %add3A_50, %ge3A : i32
      %convert_element_type3A = arith.extui %ge3A_57 : i1 to i32
      %cond3A = arith.constant 0 : i32
      %cond3A_58 = arith.cmpi ne, %convert_element_type3A, %cond3A : i32
      scf.if %cond3A_58 {
        %dma_wait3A_162 = arith.constant 0 : i32
        %dma_wait3A_163 = tpu.memref_slice %arg4[%mul3A_2, %dma_wait3A_162] : memref<32768x1024xf32, #tpu.memory_space<hbm>> -> memref<16x1024xf32, #tpu.memory_space<hbm>>
        %dma_wait3A_164 = arith.constant 0 : i32
        %dma_wait3A_165 = tpu.memref_slice %arg4[%mul3A_2, %dma_wait3A_164] : memref<32768x1024xf32, #tpu.memory_space<hbm>> -> memref<16x1024xf32, #tpu.memory_space<hbm>>
        tpu.wait_dma2 semaphore(%arg16 : memref<!tpu.dma_semaphore, #tpu.memory_space<semaphore_mem>>) src(%arg10 : memref<16x1024xf32, #tpu.memory_space<vmem>>) dst(%dma_wait3A_165 : memref<16x1024xf32, #tpu.memory_space<hbm>>)
      } else {
      }
      %parallel_loop3A = arith.constant 0 : i32
      %parallel_loop3A_59 = arith.constant 16 : i32
      %parallel_loop3A_60 = arith.constant 1 : i32
      scf.for %parallel_loop3A_162 = %parallel_loop3A to %parallel_loop3A_59 step %parallel_loop3A_60  : i32 {
        %parallel_loop3A_163 = arith.index_cast %parallel_loop3A_162 : i32 to index
        %parallel_loop3A_164 = arith.constant 0 : index
        %parallel_loop3A_165 = tpu.vector_load %arg6[%parallel_loop3A_163, %parallel_loop3A_164] {strides = array<i32>} : memref<16x1024xf32, #tpu.memory_space<vmem>>, vector<1x16xf32>,
        %parallel_loop3A_166 = vector.shape_cast %parallel_loop3A_165 : vector<1x16xf32> to vector<16xf32>
        %parallel_loop3A_167 = arith.constant 3.200000e+01 : f32
        %parallel_loop3A_168 = vector.broadcast %parallel_loop3A_167 : f32 to vector<16xf32>
        %parallel_loop3A_169 = arith.mulf %parallel_loop3A_166, %parallel_loop3A_168 : vector<16xf32>
        %parallel_loop3A_170 = arith.index_cast %parallel_loop3A_162 : i32 to index
        %parallel_loop3A_171 = arith.constant 0 : index
        %parallel_loop3A_172 = tpu.vector_load %arg10[%parallel_loop3A_170, %parallel_loop3A_171] {strides = array<i32>} : memref<16x1024xf32, #tpu.memory_space<vmem>>, vector<1x16xf32>,
        %parallel_loop3A_173 = vector.shape_cast %parallel_loop3A_172 : vector<1x16xf32> to vector<16xf32>
        %parallel_loop3A_174 = vector.shape_cast %parallel_loop3A_169 : vector<16xf32> to vector<1x16xf32>
        tpu.vector_store %arg10[%parallel_loop3A_170, %parallel_loop3A_171], %parallel_loop3A_174 {strides = array<i32>} : memref<16x1024xf32, #tpu.memory_space<vmem>>, vector<1x16xf32>,
        %parallel_loop3A_175 = arith.index_cast %parallel_loop3A_162 : i32 to index
        %parallel_loop3A_176 = arith.constant 16 : index
        %parallel_loop3A_177 = tpu.vector_load %arg6[%parallel_loop3A_175, %parallel_loop3A_176] {strides = array<i32>} : memref<16x1024xf32, #tpu.memory_space<vmem>>, vector<1x16xf32>,
        %parallel_loop3A_178 = vector.shape_cast %parallel_loop3A_177 : vector<1x16xf32> to vector<16xf32>
        %parallel_loop3A_179 = arith.constant 3.200000e+01 : f32
        %parallel_loop3A_180 = vector.broadcast %parallel_loop3A_179 : f32 to vector<16xf32>
        %parallel_loop3A_181 = arith.mulf %parallel_loop3A_178, %parallel_loop3A_180 : vector<16xf32>
        %parallel_loop3A_182 = arith.index_cast %parallel_loop3A_162 : i32 to index
        %parallel_loop3A_183 = arith.constant 16 : index
        %parallel_loop3A_184 = tpu.vector_load %arg10[%parallel_loop3A_182, %parallel_loop3A_183] {strides = array<i32>} : memref<16x1024xf32, #tpu.memory_space<vmem>>, vector<1x16xf32>,
        %parallel_loop3A_185 = vector.shape_cast %parallel_loop3A_184 : vector<1x16xf32> to vector<16xf32>
        %parallel_loop3A_186 = vector.shape_cast %parallel_loop3A_181 : vector<16xf32> to vector<1x16xf32>
        tpu.vector_store %arg10[%parallel_loop3A_182, %parallel_loop3A_183], %parallel_loop3A_186 {strides = array<i32>} : memref<16x1024xf32, #tpu.memory_space<vmem>>, vector<1x16xf32>,
        %parallel_loop3A_187 = arith.index_cast %parallel_loop3A_162 : i32 to index
        %parallel_loop3A_188 = arith.constant 32 : index
        %parallel_loop3A_189 = tpu.vector_load %arg6[%parallel_loop3A_187, %parallel_loop3A_188] {strides = array<i32>} : memref<16x1024xf32, #tpu.memory_space<vmem>>, vector<1x16xf32>,
        %parallel_loop3A_190 = vector.shape_cast %parallel_loop3A_189 : vector<1x16xf32> to vector<16xf32>
        %parallel_loop3A_191 = arith.constant 3.200000e+01 : f32
        %parallel_loop3A_192 = vector.broadcast %parallel_loop3A_191 : f32 to vector<16xf32>
        %parallel_loop3A_193 = arith.mulf %parallel_loop3A_190, %parallel_loop3A_192 : vector<16xf32>
        %parallel_loop3A_194 = arith.index_cast %parallel_loop3A_162 : i32 to index
        %parallel_loop3A_195 = arith.constant 32 : index
        %parallel_loop3A_196 = tpu.vector_load %arg10[%parallel_loop3A_194, %parallel_loop3A_195] {strides = array<i32>} : memref<16x1024xf32, #tpu.memory_space<vmem>>, vector<1x16xf32>,
        %parallel_loop3A_197 = vector.shape_cast %parallel_loop3A_196 : vector<1x16xf32> to vector<16xf32>
        %parallel_loop3A_198 = vector.shape_cast %parallel_loop3A_193 : vector<16xf32> to vector<1x16xf32>
        tpu.vector_store %arg10[%parallel_loop3A_194, %parallel_loop3A_195], %parallel_loop3A_198 {strides = array<i32>} : memref<16x1024xf32, #tpu.memory_space<vmem>>, vector<1x16xf32>,
        %parallel_loop3A_199 = arith.index_cast %parallel_loop3A_162 : i32 to index
        %parallel_loop3A_200 = arith.constant 48 : index
        %parallel_loop3A_201 = tpu.vector_load %arg6[%parallel_loop3A_199, %parallel_loop3A_200] {strides = array<i32>} : memref<16x1024xf32, #tpu.memory_space<vmem>>, vector<1x16xf32>,
        %parallel_loop3A_202 = vector.shape_cast %parallel_loop3A_201 : vector<1x16xf32> to vector<16xf32>
        %parallel_loop3A_203 = arith.constant 3.200000e+01 : f32
        %parallel_loop3A_204 = vector.broadcast %parallel_loop3A_203 : f32 to vector<16xf32>
        %parallel_loop3A_205 = arith.mulf %parallel_loop3A_202, %parallel_loop3A_204 : vector<16xf32>
        %parallel_loop3A_206 = arith.index_cast %parallel_loop3A_162 : i32 to index
        %parallel_loop3A_207 = arith.constant 48 : index
        %parallel_loop3A_208 = tpu.vector_load %arg10[%parallel_loop3A_206, %parallel_loop3A_207] {strides = array<i32>} : memref<16x1024xf32, #tpu.memory_space<vmem>>, vector<1x16xf32>,
        %parallel_loop3A_209 = vector.shape_cast %parallel_loop3A_208 : vector<1x16xf32> to vector<16xf32>
        %parallel_loop3A_210 = vector.shape_cast %parallel_loop3A_205 : vector<16xf32> to vector<1x16xf32>
        tpu.vector_store %arg10[%parallel_loop3A_206, %parallel_loop3A_207], %parallel_loop3A_210 {strides = array<i32>} : memref<16x1024xf32, #tpu.memory_space<vmem>>, vector<1x16xf32>,
        %parallel_loop3A_211 = arith.index_cast %parallel_loop3A_162 : i32 to index
        %parallel_loop3A_212 = arith.constant 64 : index
        %parallel_loop3A_213 = tpu.vector_load %arg6[%parallel_loop3A_211, %parallel_loop3A_212] {strides = array<i32>} : memref<16x1024xf32, #tpu.memory_space<vmem>>, vector<1x16xf32>,
        %parallel_loop3A_214 = vector.shape_cast %parallel_loop3A_213 : vector<1x16xf32> to vector<16xf32>
        %parallel_loop3A_215 = arith.constant 3.200000e+01 : f32
        %parallel_loop3A_216 = vector.broadcast %parallel_loop3A_215 : f32 to vector<16xf32>
        %parallel_loop3A_217 = arith.mulf %parallel_loop3A_214, %parallel_loop3A_216 : vector<16xf32>
        %parallel_loop3A_218 = arith.index_cast %parallel_loop3A_162 : i32 to index
        %parallel_loop3A_219 = arith.constant 64 : index
        %parallel_loop3A_220 = tpu.vector_load %arg10[%parallel_loop3A_218, %parallel_loop3A_219] {strides = array<i32>} : memref<16x1024xf32, #tpu.memory_space<vmem>>, vector<1x16xf32>,
        %parallel_loop3A_221 = vector.shape_cast %parallel_loop3A_220 : vector<1x16xf32> to vector<16xf32>
        %parallel_loop3A_222 = vector.shape_cast %parallel_loop3A_217 : vector<16xf32> to vector<1x16xf32>
        tpu.vector_store %arg10[%parallel_loop3A_218, %parallel_loop3A_219], %parallel_loop3A_222 {strides = array<i32>} : memref<16x1024xf32, #tpu.memory_space<vmem>>, vector<1x16xf32>,
        %parallel_loop3A_223 = arith.index_cast %parallel_loop3A_162 : i32 to index
        %parallel_loop3A_224 = arith.constant 80 : index
        %parallel_loop3A_225 = tpu.vector_load %arg6[%parallel_loop3A_223, %parallel_loop3A_224] {strides = array<i32>} : memref<16x1024xf32, #tpu.memory_space<vmem>>, vector<1x16xf32>,
        %parallel_loop3A_226 = vector.shape_cast %parallel_loop3A_225 : vector<1x16xf32> to vector<16xf32>
        %parallel_loop3A_227 = arith.constant 3.200000e+01 : f32
        %parallel_loop3A_228 = vector.broadcast %parallel_loop3A_227 : f32 to vector<16xf32>
        %parallel_loop3A_229 = arith.mulf %parallel_loop3A_226, %parallel_loop3A_228 : vector<16xf32>
        %parallel_loop3A_230 = arith.index_cast %parallel_loop3A_162 : i32 to index
        %parallel_loop3A_231 = arith.constant 80 : index
        %parallel_loop3A_232 = tpu.vector_load %arg10[%parallel_loop3A_230, %parallel_loop3A_231] {strides = array<i32>} : memref<16x1024xf32, #tpu.memory_space<vmem>>, vector<1x16xf32>,
        %parallel_loop3A_233 = vector.shape_cast %parallel_loop3A_232 : vector<1x16xf32> to vector<16xf32>
        %parallel_loop3A_234 = vector.shape_cast %parallel_loop3A_229 : vector<16xf32> to vector<1x16xf32>
        tpu.vector_store %arg10[%parallel_loop3A_230, %parallel_loop3A_231], %parallel_loop3A_234 {strides = array<i32>} : memref<16x1024xf32, #tpu.memory_space<vmem>>, vector<1x16xf32>,
        %parallel_loop3A_235 = arith.index_cast %parallel_loop3A_162 : i32 to index
        %parallel_loop3A_236 = arith.constant 96 : index
        %parallel_loop3A_237 = tpu.vector_load %arg6[%parallel_loop3A_235, %parallel_loop3A_236] {strides = array<i32>} : memref<16x1024xf32, #tpu.memory_space<vmem>>, vector<1x16xf32>,
        %parallel_loop3A_238 = vector.shape_cast %parallel_loop3A_237 : vector<1x16xf32> to vector<16xf32>
        %parallel_loop3A_239 = arith.constant 3.200000e+01 : f32
        %parallel_loop3A_240 = vector.broadcast %parallel_loop3A_239 : f32 to vector<16xf32>
        %parallel_loop3A_241 = arith.mulf %parallel_loop3A_238, %parallel_loop3A_240 : vector<16xf32>
        %parallel_loop3A_242 = arith.index_cast %parallel_loop3A_162 : i32 to index
        %parallel_loop3A_243 = arith.constant 96 : index
        %parallel_loop3A_244 = tpu.vector_load %arg10[%parallel_loop3A_242, %parallel_loop3A_243] {strides = array<i32>} : memref<16x1024xf32, #tpu.memory_space<vmem>>, vector<1x16xf32>,
        %parallel_loop3A_245 = vector.shape_cast %parallel_loop3A_244 : vector<1x16xf32> to vector<16xf32>
        %parallel_loop3A_246 = vector.shape_cast %parallel_loop3A_241 : vector<16xf32> to vector<1x16xf32>
        tpu.vector_store %arg10[%parallel_loop3A_242, %parallel_loop3A_243], %parallel_loop3A_246 {strides = array<i32>} : memref<16x1024xf32, #tpu.memory_space<vmem>>, vector<1x16xf32>,
        %parallel_loop3A_247 = arith.index_cast %parallel_loop3A_162 : i32 to index
        %parallel_loop3A_248 = arith.constant 112 : index
        %parallel_loop3A_249 = tpu.vector_load %arg6[%parallel_loop3A_247, %parallel_loop3A_248] {strides = array<i32>} : memref<16x1024xf32, #tpu.memory_space<vmem>>, vector<1x16xf32>,
        %parallel_loop3A_250 = vector.shape_cast %parallel_loop3A_249 : vector<1x16xf32> to vector<16xf32>
        %parallel_loop3A_251 = arith.constant 3.200000e+01 : f32
        %parallel_loop3A_252 = vector.broadcast %parallel_loop3A_251 : f32 to vector<16xf32>
        %parallel_loop3A_253 = arith.mulf %parallel_loop3A_250, %parallel_loop3A_252 : vector<16xf32>
        %parallel_loop3A_254 = arith.index_cast %parallel_loop3A_162 : i32 to index
        %parallel_loop3A_255 = arith.constant 112 : index
        %parallel_loop3A_256 = tpu.vector_load %arg10[%parallel_loop3A_254, %parallel_loop3A_255] {strides = array<i32>} : memref<16x1024xf32, #tpu.memory_space<vmem>>, vector<1x16xf32>,
        %parallel_loop3A_257 = vector.shape_cast %parallel_loop3A_256 : vector<1x16xf32> to vector<16xf32>
        %parallel_loop3A_258 = vector.shape_cast %parallel_loop3A_253 : vector<16xf32> to vector<1x16xf32>
        tpu.vector_store %arg10[%parallel_loop3A_254, %parallel_loop3A_255], %parallel_loop3A_258 {strides = array<i32>} : memref<16x1024xf32, #tpu.memory_space<vmem>>, vector<1x16xf32>,
        %parallel_loop3A_259 = arith.index_cast %parallel_loop3A_162 : i32 to index
        %parallel_loop3A_260 = arith.constant 128 : index
        %parallel_loop3A_261 = tpu.vector_load %arg6[%parallel_loop3A_259, %parallel_loop3A_260] {strides = array<i32>} : memref<16x1024xf32, #tpu.memory_space<vmem>>, vector<1x16xf32>,
        %parallel_loop3A_262 = vector.shape_cast %parallel_loop3A_261 : vector<1x16xf32> to vector<16xf32>
        %parallel_loop3A_263 = arith.constant 3.200000e+01 : f32
        %parallel_loop3A_264 = vector.broadcast %parallel_loop3A_263 : f32 to vector<16xf32>
        %parallel_loop3A_265 = arith.mulf %parallel_loop3A_262, %parallel_loop3A_264 : vector<16xf32>
        %parallel_loop3A_266 = arith.index_cast %parallel_loop3A_162 : i32 to index
        %parallel_loop3A_267 = arith.constant 128 : index
        %parallel_loop3A_268 = tpu.vector_load %arg10[%parallel_loop3A_266, %parallel_loop3A_267] {strides = array<i32>} : memref<16x1024xf32, #tpu.memory_space<vmem>>, vector<1x16xf32>,
        %parallel_loop3A_269 = vector.shape_cast %parallel_loop3A_268 : vector<1x16xf32> to vector<16xf32>
        %parallel_loop3A_270 = vector.shape_cast %parallel_loop3A_265 : vector<16xf32> to vector<1x16xf32>
        tpu.vector_store %arg10[%parallel_loop3A_266, %parallel_loop3A_267], %parallel_loop3A_270 {strides = array<i32>} : memref<16x1024xf32, #tpu.memory_space<vmem>>, vector<1x16xf32>,
        %parallel_loop3A_271 = arith.index_cast %parallel_loop3A_162 : i32 to index
        %parallel_loop3A_272 = arith.constant 144 : index
        %parallel_loop3A_273 = tpu.vector_load %arg6[%parallel_loop3A_271, %parallel_loop3A_272] {strides = array<i32>} : memref<16x1024xf32, #tpu.memory_space<vmem>>, vector<1x16xf32>,
        %parallel_loop3A_274 = vector.shape_cast %parallel_loop3A_273 : vector<1x16xf32> to vector<16xf32>
        %parallel_loop3A_275 = arith.constant 3.200000e+01 : f32
        %parallel_loop3A_276 = vector.broadcast %parallel_loop3A_275 : f32 to vector<16xf32>
        %parallel_loop3A_277 = arith.mulf %parallel_loop3A_274, %parallel_loop3A_276 : vector<16xf32>
        %parallel_loop3A_278 = arith.index_cast %parallel_loop3A_162 : i32 to index
        %parallel_loop3A_279 = arith.constant 144 : index
        %parallel_loop3A_280 = tpu.vector_load %arg10[%parallel_loop3A_278, %parallel_loop3A_279] {strides = array<i32>} : memref<16x1024xf32, #tpu.memory_space<vmem>>, vector<1x16xf32>,
        %parallel_loop3A_281 = vector.shape_cast %parallel_loop3A_280 : vector<1x16xf32> to vector<16xf32>
        %parallel_loop3A_282 = vector.shape_cast %parallel_loop3A_277 : vector<16xf32> to vector<1x16xf32>
        tpu.vector_store %arg10[%parallel_loop3A_278, %parallel_loop3A_279], %parallel_loop3A_282 {strides = array<i32>} : memref<16x1024xf32, #tpu.memory_space<vmem>>, vector<1x16xf32>,
        %parallel_loop3A_283 = arith.index_cast %parallel_loop3A_162 : i32 to index
        %parallel_loop3A_284 = arith.constant 160 : index
        %parallel_loop3A_285 = tpu.vector_load %arg6[%parallel_loop3A_283, %parallel_loop3A_284] {strides = array<i32>} : memref<16x1024xf32, #tpu.memory_space<vmem>>, vector<1x16xf32>,
        %parallel_loop3A_286 = vector.shape_cast %parallel_loop3A_285 : vector<1x16xf32> to vector<16xf32>
        %parallel_loop3A_287 = arith.constant 3.200000e+01 : f32
        %parallel_loop3A_288 = vector.broadcast %parallel_loop3A_287 : f32 to vector<16xf32>
        %parallel_loop3A_289 = arith.mulf %parallel_loop3A_286, %parallel_loop3A_288 : vector<16xf32>
        %parallel_loop3A_290 = arith.index_cast %parallel_loop3A_162 : i32 to index
        %parallel_loop3A_291 = arith.constant 160 : index
        %parallel_loop3A_292 = tpu.vector_load %arg10[%parallel_loop3A_290, %parallel_loop3A_291] {strides = array<i32>} : memref<16x1024xf32, #tpu.memory_space<vmem>>, vector<1x16xf32>,
        %parallel_loop3A_293 = vector.shape_cast %parallel_loop3A_292 : vector<1x16xf32> to vector<16xf32>
        %parallel_loop3A_294 = vector.shape_cast %parallel_loop3A_289 : vector<16xf32> to vector<1x16xf32>
        tpu.vector_store %arg10[%parallel_loop3A_290, %parallel_loop3A_291], %parallel_loop3A_294 {strides = array<i32>} : memref<16x1024xf32, #tpu.memory_space<vmem>>, vector<1x16xf32>,
        %parallel_loop3A_295 = arith.index_cast %parallel_loop3A_162 : i32 to index
        %parallel_loop3A_296 = arith.constant 176 : index
        %parallel_loop3A_297 = tpu.vector_load %arg6[%parallel_loop3A_295, %parallel_loop3A_296] {strides = array<i32>} : memref<16x1024xf32, #tpu.memory_space<vmem>>, vector<1x16xf32>,
        %parallel_loop3A_298 = vector.shape_cast %parallel_loop3A_297 : vector<1x16xf32> to vector<16xf32>
        %parallel_loop3A_299 = arith.constant 3.200000e+01 : f32
        %parallel_loop3A_300 = vector.broadcast %parallel_loop3A_299 : f32 to vector<16xf32>
        %parallel_loop3A_301 = arith.mulf %parallel_loop3A_298, %parallel_loop3A_300 : vector<16xf32>
        %parallel_loop3A_302 = arith.index_cast %parallel_loop3A_162 : i32 to index
        %parallel_loop3A_303 = arith.constant 176 : index
        %parallel_loop3A_304 = tpu.vector_load %arg10[%parallel_loop3A_302, %parallel_loop3A_303] {strides = array<i32>} : memref<16x1024xf32, #tpu.memory_space<vmem>>, vector<1x16xf32>,
        %parallel_loop3A_305 = vector.shape_cast %parallel_loop3A_304 : vector<1x16xf32> to vector<16xf32>
        %parallel_loop3A_306 = vector.shape_cast %parallel_loop3A_301 : vector<16xf32> to vector<1x16xf32>
        tpu.vector_store %arg10[%parallel_loop3A_302, %parallel_loop3A_303], %parallel_loop3A_306 {strides = array<i32>} : memref<16x1024xf32, #tpu.memory_space<vmem>>, vector<1x16xf32>,
        %parallel_loop3A_307 = arith.index_cast %parallel_loop3A_162 : i32 to index
        %parallel_loop3A_308 = arith.constant 192 : index
        %parallel_loop3A_309 = tpu.vector_load %arg6[%parallel_loop3A_307, %parallel_loop3A_308] {strides = array<i32>} : memref<16x1024xf32, #tpu.memory_space<vmem>>, vector<1x16xf32>,
        %parallel_loop3A_310 = vector.shape_cast %parallel_loop3A_309 : vector<1x16xf32> to vector<16xf32>
        %parallel_loop3A_311 = arith.constant 3.200000e+01 : f32
        %parallel_loop3A_312 = vector.broadcast %parallel_loop3A_311 : f32 to vector<16xf32>
        %parallel_loop3A_313 = arith.mulf %parallel_loop3A_310, %parallel_loop3A_312 : vector<16xf32>
        %parallel_loop3A_314 = arith.index_cast %parallel_loop3A_162 : i32 to index
        %parallel_loop3A_315 = arith.constant 192 : index
        %parallel_loop3A_316 = tpu.vector_load %arg10[%parallel_loop3A_314, %parallel_loop3A_315] {strides = array<i32>} : memref<16x1024xf32, #tpu.memory_space<vmem>>, vector<1x16xf32>,
        %parallel_loop3A_317 = vector.shape_cast %parallel_loop3A_316 : vector<1x16xf32> to vector<16xf32>
        %parallel_loop3A_318 = vector.shape_cast %parallel_loop3A_313 : vector<16xf32> to vector<1x16xf32>
        tpu.vector_store %arg10[%parallel_loop3A_314, %parallel_loop3A_315], %parallel_loop3A_318 {strides = array<i32>} : memref<16x1024xf32, #tpu.memory_space<vmem>>, vector<1x16xf32>,
        %parallel_loop3A_319 = arith.index_cast %parallel_loop3A_162 : i32 to index
        %parallel_loop3A_320 = arith.constant 208 : index
        %parallel_loop3A_321 = tpu.vector_load %arg6[%parallel_loop3A_319, %parallel_loop3A_320] {strides = array<i32>} : memref<16x1024xf32, #tpu.memory_space<vmem>>, vector<1x16xf32>,
        %parallel_loop3A_322 = vector.shape_cast %parallel_loop3A_321 : vector<1x16xf32> to vector<16xf32>
        %parallel_loop3A_323 = arith.constant 3.200000e+01 : f32
        %parallel_loop3A_324 = vector.broadcast %parallel_loop3A_323 : f32 to vector<16xf32>
        %parallel_loop3A_325 = arith.mulf %parallel_loop3A_322, %parallel_loop3A_324 : vector<16xf32>
        %parallel_loop3A_326 = arith.index_cast %parallel_loop3A_162 : i32 to index
        %parallel_loop3A_327 = arith.constant 208 : index
        %parallel_loop3A_328 = tpu.vector_load %arg10[%parallel_loop3A_326, %parallel_loop3A_327] {strides = array<i32>} : memref<16x1024xf32, #tpu.memory_space<vmem>>, vector<1x16xf32>,
        %parallel_loop3A_329 = vector.shape_cast %parallel_loop3A_328 : vector<1x16xf32> to vector<16xf32>
        %parallel_loop3A_330 = vector.shape_cast %parallel_loop3A_325 : vector<16xf32> to vector<1x16xf32>
        tpu.vector_store %arg10[%parallel_loop3A_326, %parallel_loop3A_327], %parallel_loop3A_330 {strides = array<i32>} : memref<16x1024xf32, #tpu.memory_space<vmem>>, vector<1x16xf32>,
        %parallel_loop3A_331 = arith.index_cast %parallel_loop3A_162 : i32 to index
        %parallel_loop3A_332 = arith.constant 224 : index
        %parallel_loop3A_333 = tpu.vector_load %arg6[%parallel_loop3A_331, %parallel_loop3A_332] {strides = array<i32>} : memref<16x1024xf32, #tpu.memory_space<vmem>>, vector<1x16xf32>,
        %parallel_loop3A_334 = vector.shape_cast %parallel_loop3A_333 : vector<1x16xf32> to vector<16xf32>
        %parallel_loop3A_335 = arith.constant 3.200000e+01 : f32
        %parallel_loop3A_336 = vector.broadcast %parallel_loop3A_335 : f32 to vector<16xf32>
        %parallel_loop3A_337 = arith.mulf %parallel_loop3A_334, %parallel_loop3A_336 : vector<16xf32>
        %parallel_loop3A_338 = arith.index_cast %parallel_loop3A_162 : i32 to index
        %parallel_loop3A_339 = arith.constant 224 : index
        %parallel_loop3A_340 = tpu.vector_load %arg10[%parallel_loop3A_338, %parallel_loop3A_339] {strides = array<i32>} : memref<16x1024xf32, #tpu.memory_space<vmem>>, vector<1x16xf32>,
        %parallel_loop3A_341 = vector.shape_cast %parallel_loop3A_340 : vector<1x16xf32> to vector<16xf32>
        %parallel_loop3A_342 = vector.shape_cast %parallel_loop3A_337 : vector<16xf32> to vector<1x16xf32>
        tpu.vector_store %arg10[%parallel_loop3A_338, %parallel_loop3A_339], %parallel_loop3A_342 {strides = array<i32>} : memref<16x1024xf32, #tpu.memory_space<vmem>>, vector<1x16xf32>,
        %parallel_loop3A_343 = arith.index_cast %parallel_loop3A_162 : i32 to index
        %parallel_loop3A_344 = arith.constant 240 : index
        %parallel_loop3A_345 = tpu.vector_load %arg6[%parallel_loop3A_343, %parallel_loop3A_344] {strides = array<i32>} : memref<16x1024xf32, #tpu.memory_space<vmem>>, vector<1x16xf32>,
        %parallel_loop3A_346 = vector.shape_cast %parallel_loop3A_345 : vector<1x16xf32> to vector<16xf32>
        %parallel_loop3A_347 = arith.constant 3.200000e+01 : f32
        %parallel_loop3A_348 = vector.broadcast %parallel_loop3A_347 : f32 to vector<16xf32>
        %parallel_loop3A_349 = arith.mulf %parallel_loop3A_346, %parallel_loop3A_348 : vector<16xf32>
        %parallel_loop3A_350 = arith.index_cast %parallel_loop3A_162 : i32 to index
        %parallel_loop3A_351 = arith.constant 240 : index
        %parallel_loop3A_352 = tpu.vector_load %arg10[%parallel_loop3A_350, %parallel_loop3A_351] {strides = array<i32>} : memref<16x1024xf32, #tpu.memory_space<vmem>>, vector<1x16xf32>,
        %parallel_loop3A_353 = vector.shape_cast %parallel_loop3A_352 : vector<1x16xf32> to vector<16xf32>
        %parallel_loop3A_354 = vector.shape_cast %parallel_loop3A_349 : vector<16xf32> to vector<1x16xf32>
        tpu.vector_store %arg10[%parallel_loop3A_350, %parallel_loop3A_351], %parallel_loop3A_354 {strides = array<i32>} : memref<16x1024xf32, #tpu.memory_space<vmem>>, vector<1x16xf32>,
        %parallel_loop3A_355 = arith.index_cast %parallel_loop3A_162 : i32 to index
        %parallel_loop3A_356 = arith.constant 256 : index
        %parallel_loop3A_357 = tpu.vector_load %arg6[%parallel_loop3A_355, %parallel_loop3A_356] {strides = array<i32>} : memref<16x1024xf32, #tpu.memory_space<vmem>>, vector<1x16xf32>,
        %parallel_loop3A_358 = vector.shape_cast %parallel_loop3A_357 : vector<1x16xf32> to vector<16xf32>
        %parallel_loop3A_359 = arith.constant 3.200000e+01 : f32
        %parallel_loop3A_360 = vector.broadcast %parallel_loop3A_359 : f32 to vector<16xf32>
        %parallel_loop3A_361 = arith.mulf %parallel_loop3A_358, %parallel_loop3A_360 : vector<16xf32>
        %parallel_loop3A_362 = arith.index_cast %parallel_loop3A_162 : i32 to index
        %parallel_loop3A_363 = arith.constant 256 : index
        %parallel_loop3A_364 = tpu.vector_load %arg10[%parallel_loop3A_362, %parallel_loop3A_363] {strides = array<i32>} : memref<16x1024xf32, #tpu.memory_space<vmem>>, vector<1x16xf32>,
        %parallel_loop3A_365 = vector.shape_cast %parallel_loop3A_364 : vector<1x16xf32> to vector<16xf32>
        %parallel_loop3A_366 = vector.shape_cast %parallel_loop3A_361 : vector<16xf32> to vector<1x16xf32>
        tpu.vector_store %arg10[%parallel_loop3A_362, %parallel_loop3A_363], %parallel_loop3A_366 {strides = array<i32>} : memref<16x1024xf32, #tpu.memory_space<vmem>>, vector<1x16xf32>,
        %parallel_loop3A_367 = arith.index_cast %parallel_loop3A_162 : i32 to index
        %parallel_loop3A_368 = arith.constant 272 : index
        %parallel_loop3A_369 = tpu.vector_load %arg6[%parallel_loop3A_367, %parallel_loop3A_368] {strides = array<i32>} : memref<16x1024xf32, #tpu.memory_space<vmem>>, vector<1x16xf32>,
        %parallel_loop3A_370 = vector.shape_cast %parallel_loop3A_369 : vector<1x16xf32> to vector<16xf32>
        %parallel_loop3A_371 = arith.constant 3.200000e+01 : f32
        %parallel_loop3A_372 = vector.broadcast %parallel_loop3A_371 : f32 to vector<16xf32>
        %parallel_loop3A_373 = arith.mulf %parallel_loop3A_370, %parallel_loop3A_372 : vector<16xf32>
        %parallel_loop3A_374 = arith.index_cast %parallel_loop3A_162 : i32 to index
        %parallel_loop3A_375 = arith.constant 272 : index
        %parallel_loop3A_376 = tpu.vector_load %arg10[%parallel_loop3A_374, %parallel_loop3A_375] {strides = array<i32>} : memref<16x1024xf32, #tpu.memory_space<vmem>>, vector<1x16xf32>,
        %parallel_loop3A_377 = vector.shape_cast %parallel_loop3A_376 : vector<1x16xf32> to vector<16xf32>
        %parallel_loop3A_378 = vector.shape_cast %parallel_loop3A_373 : vector<16xf32> to vector<1x16xf32>
        tpu.vector_store %arg10[%parallel_loop3A_374, %parallel_loop3A_375], %parallel_loop3A_378 {strides = array<i32>} : memref<16x1024xf32, #tpu.memory_space<vmem>>, vector<1x16xf32>,
        %parallel_loop3A_379 = arith.index_cast %parallel_loop3A_162 : i32 to index
        %parallel_loop3A_380 = arith.constant 288 : index
        %parallel_loop3A_381 = tpu.vector_load %arg6[%parallel_loop3A_379, %parallel_loop3A_380] {strides = array<i32>} : memref<16x1024xf32, #tpu.memory_space<vmem>>, vector<1x16xf32>,
        %parallel_loop3A_382 = vector.shape_cast %parallel_loop3A_381 : vector<1x16xf32> to vector<16xf32>
        %parallel_loop3A_383 = arith.constant 3.200000e+01 : f32
        %parallel_loop3A_384 = vector.broadcast %parallel_loop3A_383 : f32 to vector<16xf32>
        %parallel_loop3A_385 = arith.mulf %parallel_loop3A_382, %parallel_loop3A_384 : vector<16xf32>
        %parallel_loop3A_386 = arith.index_cast %parallel_loop3A_162 : i32 to index
        %parallel_loop3A_387 = arith.constant 288 : index
        %parallel_loop3A_388 = tpu.vector_load %arg10[%parallel_loop3A_386, %parallel_loop3A_387] {strides = array<i32>} : memref<16x1024xf32, #tpu.memory_space<vmem>>, vector<1x16xf32>,
        %parallel_loop3A_389 = vector.shape_cast %parallel_loop3A_388 : vector<1x16xf32> to vector<16xf32>
        %parallel_loop3A_390 = vector.shape_cast %parallel_loop3A_385 : vector<16xf32> to vector<1x16xf32>
        tpu.vector_store %arg10[%parallel_loop3A_386, %parallel_loop3A_387], %parallel_loop3A_390 {strides = array<i32>} : memref<16x1024xf32, #tpu.memory_space<vmem>>, vector<1x16xf32>,
        %parallel_loop3A_391 = arith.index_cast %parallel_loop3A_162 : i32 to index
        %parallel_loop3A_392 = arith.constant 304 : index
        %parallel_loop3A_393 = tpu.vector_load %arg6[%parallel_loop3A_391, %parallel_loop3A_392] {strides = array<i32>} : memref<16x1024xf32, #tpu.memory_space<vmem>>, vector<1x16xf32>,
        %parallel_loop3A_394 = vector.shape_cast %parallel_loop3A_393 : vector<1x16xf32> to vector<16xf32>
        %parallel_loop3A_395 = arith.constant 3.200000e+01 : f32
        %parallel_loop3A_396 = vector.broadcast %parallel_loop3A_395 : f32 to vector<16xf32>
        %parallel_loop3A_397 = arith.mulf %parallel_loop3A_394, %parallel_loop3A_396 : vector<16xf32>
        %parallel_loop3A_398 = arith.index_cast %parallel_loop3A_162 : i32 to index
        %parallel_loop3A_399 = arith.constant 304 : index
        %parallel_loop3A_400 = tpu.vector_load %arg10[%parallel_loop3A_398, %parallel_loop3A_399] {strides = array<i32>} : memref<16x1024xf32, #tpu.memory_space<vmem>>, vector<1x16xf32>,
        %parallel_loop3A_401 = vector.shape_cast %parallel_loop3A_400 : vector<1x16xf32> to vector<16xf32>
        %parallel_loop3A_402 = vector.shape_cast %parallel_loop3A_397 : vector<16xf32> to vector<1x16xf32>
        tpu.vector_store %arg10[%parallel_loop3A_398, %parallel_loop3A_399], %parallel_loop3A_402 {strides = array<i32>} : memref<16x1024xf32, #tpu.memory_space<vmem>>, vector<1x16xf32>,
        %parallel_loop3A_403 = arith.index_cast %parallel_loop3A_162 : i32 to index
        %parallel_loop3A_404 = arith.constant 320 : index
        %parallel_loop3A_405 = tpu.vector_load %arg6[%parallel_loop3A_403, %parallel_loop3A_404] {strides = array<i32>} : memref<16x1024xf32, #tpu.memory_space<vmem>>, vector<1x16xf32>,
        %parallel_loop3A_406 = vector.shape_cast %parallel_loop3A_405 : vector<1x16xf32> to vector<16xf32>
        %parallel_loop3A_407 = arith.constant 3.200000e+01 : f32
        %parallel_loop3A_408 = vector.broadcast %parallel_loop3A_407 : f32 to vector<16xf32>
        %parallel_loop3A_409 = arith.mulf %parallel_loop3A_406, %parallel_loop3A_408 : vector<16xf32>
        %parallel_loop3A_410 = arith.index_cast %parallel_loop3A_162 : i32 to index
        %parallel_loop3A_411 = arith.constant 320 : index
        %parallel_loop3A_412 = tpu.vector_load %arg10[%parallel_loop3A_410, %parallel_loop3A_411] {strides = array<i32>} : memref<16x1024xf32, #tpu.memory_space<vmem>>, vector<1x16xf32>,
        %parallel_loop3A_413 = vector.shape_cast %parallel_loop3A_412 : vector<1x16xf32> to vector<16xf32>
        %parallel_loop3A_414 = vector.shape_cast %parallel_loop3A_409 : vector<16xf32> to vector<1x16xf32>
        tpu.vector_store %arg10[%parallel_loop3A_410, %parallel_loop3A_411], %parallel_loop3A_414 {strides = array<i32>} : memref<16x1024xf32, #tpu.memory_space<vmem>>, vector<1x16xf32>,
        %parallel_loop3A_415 = arith.index_cast %parallel_loop3A_162 : i32 to index
        %parallel_loop3A_416 = arith.constant 336 : index
        %parallel_loop3A_417 = tpu.vector_load %arg6[%parallel_loop3A_415, %parallel_loop3A_416] {strides = array<i32>} : memref<16x1024xf32, #tpu.memory_space<vmem>>, vector<1x16xf32>,
        %parallel_loop3A_418 = vector.shape_cast %parallel_loop3A_417 : vector<1x16xf32> to vector<16xf32>
        %parallel_loop3A_419 = arith.constant 3.200000e+01 : f32
        %parallel_loop3A_420 = vector.broadcast %parallel_loop3A_419 : f32 to vector<16xf32>
        %parallel_loop3A_421 = arith.mulf %parallel_loop3A_418, %parallel_loop3A_420 : vector<16xf32>
        %parallel_loop3A_422 = arith.index_cast %parallel_loop3A_162 : i32 to index
        %parallel_loop3A_423 = arith.constant 336 : index
        %parallel_loop3A_424 = tpu.vector_load %arg10[%parallel_loop3A_422, %parallel_loop3A_423] {strides = array<i32>} : memref<16x1024xf32, #tpu.memory_space<vmem>>, vector<1x16xf32>,
        %parallel_loop3A_425 = vector.shape_cast %parallel_loop3A_424 : vector<1x16xf32> to vector<16xf32>
        %parallel_loop3A_426 = vector.shape_cast %parallel_loop3A_421 : vector<16xf32> to vector<1x16xf32>
        tpu.vector_store %arg10[%parallel_loop3A_422, %parallel_loop3A_423], %parallel_loop3A_426 {strides = array<i32>} : memref<16x1024xf32, #tpu.memory_space<vmem>>, vector<1x16xf32>,
        %parallel_loop3A_427 = arith.index_cast %parallel_loop3A_162 : i32 to index
        %parallel_loop3A_428 = arith.constant 352 : index
        %parallel_loop3A_429 = tpu.vector_load %arg6[%parallel_loop3A_427, %parallel_loop3A_428] {strides = array<i32>} : memref<16x1024xf32, #tpu.memory_space<vmem>>, vector<1x16xf32>,
        %parallel_loop3A_430 = vector.shape_cast %parallel_loop3A_429 : vector<1x16xf32> to vector<16xf32>
        %parallel_loop3A_431 = arith.constant 3.200000e+01 : f32
        %parallel_loop3A_432 = vector.broadcast %parallel_loop3A_431 : f32 to vector<16xf32>
        %parallel_loop3A_433 = arith.mulf %parallel_loop3A_430, %parallel_loop3A_432 : vector<16xf32>
        %parallel_loop3A_434 = arith.index_cast %parallel_loop3A_162 : i32 to index
        %parallel_loop3A_435 = arith.constant 352 : index
        %parallel_loop3A_436 = tpu.vector_load %arg10[%parallel_loop3A_434, %parallel_loop3A_435] {strides = array<i32>} : memref<16x1024xf32, #tpu.memory_space<vmem>>, vector<1x16xf32>,
        %parallel_loop3A_437 = vector.shape_cast %parallel_loop3A_436 : vector<1x16xf32> to vector<16xf32>
        %parallel_loop3A_438 = vector.shape_cast %parallel_loop3A_433 : vector<16xf32> to vector<1x16xf32>
        tpu.vector_store %arg10[%parallel_loop3A_434, %parallel_loop3A_435], %parallel_loop3A_438 {strides = array<i32>} : memref<16x1024xf32, #tpu.memory_space<vmem>>, vector<1x16xf32>,
        %parallel_loop3A_439 = arith.index_cast %parallel_loop3A_162 : i32 to index
        %parallel_loop3A_440 = arith.constant 368 : index
        %parallel_loop3A_441 = tpu.vector_load %arg6[%parallel_loop3A_439, %parallel_loop3A_440] {strides = array<i32>} : memref<16x1024xf32, #tpu.memory_space<vmem>>, vector<1x16xf32>,
        %parallel_loop3A_442 = vector.shape_cast %parallel_loop3A_441 : vector<1x16xf32> to vector<16xf32>
        %parallel_loop3A_443 = arith.constant 3.200000e+01 : f32
        %parallel_loop3A_444 = vector.broadcast %parallel_loop3A_443 : f32 to vector<16xf32>
        %parallel_loop3A_445 = arith.mulf %parallel_loop3A_442, %parallel_loop3A_444 : vector<16xf32>
        %parallel_loop3A_446 = arith.index_cast %parallel_loop3A_162 : i32 to index
        %parallel_loop3A_447 = arith.constant 368 : index
        %parallel_loop3A_448 = tpu.vector_load %arg10[%parallel_loop3A_446, %parallel_loop3A_447] {strides = array<i32>} : memref<16x1024xf32, #tpu.memory_space<vmem>>, vector<1x16xf32>,
        %parallel_loop3A_449 = vector.shape_cast %parallel_loop3A_448 : vector<1x16xf32> to vector<16xf32>
        %parallel_loop3A_450 = vector.shape_cast %parallel_loop3A_445 : vector<16xf32> to vector<1x16xf32>
        tpu.vector_store %arg10[%parallel_loop3A_446, %parallel_loop3A_447], %parallel_loop3A_450 {strides = array<i32>} : memref<16x1024xf32, #tpu.memory_space<vmem>>, vector<1x16xf32>,
        %parallel_loop3A_451 = arith.index_cast %parallel_loop3A_162 : i32 to index
        %parallel_loop3A_452 = arith.constant 384 : index
        %parallel_loop3A_453 = tpu.vector_load %arg6[%parallel_loop3A_451, %parallel_loop3A_452] {strides = array<i32>} : memref<16x1024xf32, #tpu.memory_space<vmem>>, vector<1x16xf32>,
        %parallel_loop3A_454 = vector.shape_cast %parallel_loop3A_453 : vector<1x16xf32> to vector<16xf32>
        %parallel_loop3A_455 = arith.constant 3.200000e+01 : f32
        %parallel_loop3A_456 = vector.broadcast %parallel_loop3A_455 : f32 to vector<16xf32>
        %parallel_loop3A_457 = arith.mulf %parallel_loop3A_454, %parallel_loop3A_456 : vector<16xf32>
        %parallel_loop3A_458 = arith.index_cast %parallel_loop3A_162 : i32 to index
        %parallel_loop3A_459 = arith.constant 384 : index
        %parallel_loop3A_460 = tpu.vector_load %arg10[%parallel_loop3A_458, %parallel_loop3A_459] {strides = array<i32>} : memref<16x1024xf32, #tpu.memory_space<vmem>>, vector<1x16xf32>,
        %parallel_loop3A_461 = vector.shape_cast %parallel_loop3A_460 : vector<1x16xf32> to vector<16xf32>
        %parallel_loop3A_462 = vector.shape_cast %parallel_loop3A_457 : vector<16xf32> to vector<1x16xf32>
        tpu.vector_store %arg10[%parallel_loop3A_458, %parallel_loop3A_459], %parallel_loop3A_462 {strides = array<i32>} : memref<16x1024xf32, #tpu.memory_space<vmem>>, vector<1x16xf32>,
        %parallel_loop3A_463 = arith.index_cast %parallel_loop3A_162 : i32 to index
        %parallel_loop3A_464 = arith.constant 400 : index
        %parallel_loop3A_465 = tpu.vector_load %arg6[%parallel_loop3A_463, %parallel_loop3A_464] {strides = array<i32>} : memref<16x1024xf32, #tpu.memory_space<vmem>>, vector<1x16xf32>,
        %parallel_loop3A_466 = vector.shape_cast %parallel_loop3A_465 : vector<1x16xf32> to vector<16xf32>
        %parallel_loop3A_467 = arith.constant 3.200000e+01 : f32
        %parallel_loop3A_468 = vector.broadcast %parallel_loop3A_467 : f32 to vector<16xf32>
        %parallel_loop3A_469 = arith.mulf %parallel_loop3A_466, %parallel_loop3A_468 : vector<16xf32>
        %parallel_loop3A_470 = arith.index_cast %parallel_loop3A_162 : i32 to index
        %parallel_loop3A_471 = arith.constant 400 : index
        %parallel_loop3A_472 = tpu.vector_load %arg10[%parallel_loop3A_470, %parallel_loop3A_471] {strides = array<i32>} : memref<16x1024xf32, #tpu.memory_space<vmem>>, vector<1x16xf32>,
        %parallel_loop3A_473 = vector.shape_cast %parallel_loop3A_472 : vector<1x16xf32> to vector<16xf32>
        %parallel_loop3A_474 = vector.shape_cast %parallel_loop3A_469 : vector<16xf32> to vector<1x16xf32>
        tpu.vector_store %arg10[%parallel_loop3A_470, %parallel_loop3A_471], %parallel_loop3A_474 {strides = array<i32>} : memref<16x1024xf32, #tpu.memory_space<vmem>>, vector<1x16xf32>,
        %parallel_loop3A_475 = arith.index_cast %parallel_loop3A_162 : i32 to index
        %parallel_loop3A_476 = arith.constant 416 : index
        %parallel_loop3A_477 = tpu.vector_load %arg6[%parallel_loop3A_475, %parallel_loop3A_476] {strides = array<i32>} : memref<16x1024xf32, #tpu.memory_space<vmem>>, vector<1x16xf32>,
        %parallel_loop3A_478 = vector.shape_cast %parallel_loop3A_477 : vector<1x16xf32> to vector<16xf32>
        %parallel_loop3A_479 = arith.constant 3.200000e+01 : f32
        %parallel_loop3A_480 = vector.broadcast %parallel_loop3A_479 : f32 to vector<16xf32>
        %parallel_loop3A_481 = arith.mulf %parallel_loop3A_478, %parallel_loop3A_480 : vector<16xf32>
        %parallel_loop3A_482 = arith.index_cast %parallel_loop3A_162 : i32 to index
        %parallel_loop3A_483 = arith.constant 416 : index
        %parallel_loop3A_484 = tpu.vector_load %arg10[%parallel_loop3A_482, %parallel_loop3A_483] {strides = array<i32>} : memref<16x1024xf32, #tpu.memory_space<vmem>>, vector<1x16xf32>,
        %parallel_loop3A_485 = vector.shape_cast %parallel_loop3A_484 : vector<1x16xf32> to vector<16xf32>
        %parallel_loop3A_486 = vector.shape_cast %parallel_loop3A_481 : vector<16xf32> to vector<1x16xf32>
        tpu.vector_store %arg10[%parallel_loop3A_482, %parallel_loop3A_483], %parallel_loop3A_486 {strides = array<i32>} : memref<16x1024xf32, #tpu.memory_space<vmem>>, vector<1x16xf32>,
        %parallel_loop3A_487 = arith.index_cast %parallel_loop3A_162 : i32 to index
        %parallel_loop3A_488 = arith.constant 432 : index
        %parallel_loop3A_489 = tpu.vector_load %arg6[%parallel_loop3A_487, %parallel_loop3A_488] {strides = array<i32>} : memref<16x1024xf32, #tpu.memory_space<vmem>>, vector<1x16xf32>,
        %parallel_loop3A_490 = vector.shape_cast %parallel_loop3A_489 : vector<1x16xf32> to vector<16xf32>
        %parallel_loop3A_491 = arith.constant 3.200000e+01 : f32
        %parallel_loop3A_492 = vector.broadcast %parallel_loop3A_491 : f32 to vector<16xf32>
        %parallel_loop3A_493 = arith.mulf %parallel_loop3A_490, %parallel_loop3A_492 : vector<16xf32>
        %parallel_loop3A_494 = arith.index_cast %parallel_loop3A_162 : i32 to index
        %parallel_loop3A_495 = arith.constant 432 : index
        %parallel_loop3A_496 = tpu.vector_load %arg10[%parallel_loop3A_494, %parallel_loop3A_495] {strides = array<i32>} : memref<16x1024xf32, #tpu.memory_space<vmem>>, vector<1x16xf32>,
        %parallel_loop3A_497 = vector.shape_cast %parallel_loop3A_496 : vector<1x16xf32> to vector<16xf32>
        %parallel_loop3A_498 = vector.shape_cast %parallel_loop3A_493 : vector<16xf32> to vector<1x16xf32>
        tpu.vector_store %arg10[%parallel_loop3A_494, %parallel_loop3A_495], %parallel_loop3A_498 {strides = array<i32>} : memref<16x1024xf32, #tpu.memory_space<vmem>>, vector<1x16xf32>,
        %parallel_loop3A_499 = arith.index_cast %parallel_loop3A_162 : i32 to index
        %parallel_loop3A_500 = arith.constant 448 : index
        %parallel_loop3A_501 = tpu.vector_load %arg6[%parallel_loop3A_499, %parallel_loop3A_500] {strides = array<i32>} : memref<16x1024xf32, #tpu.memory_space<vmem>>, vector<1x16xf32>,
        %parallel_loop3A_502 = vector.shape_cast %parallel_loop3A_501 : vector<1x16xf32> to vector<16xf32>
        %parallel_loop3A_503 = arith.constant 3.200000e+01 : f32
        %parallel_loop3A_504 = vector.broadcast %parallel_loop3A_503 : f32 to vector<16xf32>
        %parallel_loop3A_505 = arith.mulf %parallel_loop3A_502, %parallel_loop3A_504 : vector<16xf32>
        %parallel_loop3A_506 = arith.index_cast %parallel_loop3A_162 : i32 to index
        %parallel_loop3A_507 = arith.constant 448 : index
        %parallel_loop3A_508 = tpu.vector_load %arg10[%parallel_loop3A_506, %parallel_loop3A_507] {strides = array<i32>} : memref<16x1024xf32, #tpu.memory_space<vmem>>, vector<1x16xf32>,
        %parallel_loop3A_509 = vector.shape_cast %parallel_loop3A_508 : vector<1x16xf32> to vector<16xf32>
        %parallel_loop3A_510 = vector.shape_cast %parallel_loop3A_505 : vector<16xf32> to vector<1x16xf32>
        tpu.vector_store %arg10[%parallel_loop3A_506, %parallel_loop3A_507], %parallel_loop3A_510 {strides = array<i32>} : memref<16x1024xf32, #tpu.memory_space<vmem>>, vector<1x16xf32>,
        %parallel_loop3A_511 = arith.index_cast %parallel_loop3A_162 : i32 to index
        %parallel_loop3A_512 = arith.constant 464 : index
        %parallel_loop3A_513 = tpu.vector_load %arg6[%parallel_loop3A_511, %parallel_loop3A_512] {strides = array<i32>} : memref<16x1024xf32, #tpu.memory_space<vmem>>, vector<1x16xf32>,
        %parallel_loop3A_514 = vector.shape_cast %parallel_loop3A_513 : vector<1x16xf32> to vector<16xf32>
        %parallel_loop3A_515 = arith.constant 3.200000e+01 : f32
        %parallel_loop3A_516 = vector.broadcast %parallel_loop3A_515 : f32 to vector<16xf32>
        %parallel_loop3A_517 = arith.mulf %parallel_loop3A_514, %parallel_loop3A_516 : vector<16xf32>
        %parallel_loop3A_518 = arith.index_cast %parallel_loop3A_162 : i32 to index
        %parallel_loop3A_519 = arith.constant 464 : index
        %parallel_loop3A_520 = tpu.vector_load %arg10[%parallel_loop3A_518, %parallel_loop3A_519] {strides = array<i32>} : memref<16x1024xf32, #tpu.memory_space<vmem>>, vector<1x16xf32>,
        %parallel_loop3A_521 = vector.shape_cast %parallel_loop3A_520 : vector<1x16xf32> to vector<16xf32>
        %parallel_loop3A_522 = vector.shape_cast %parallel_loop3A_517 : vector<16xf32> to vector<1x16xf32>
        tpu.vector_store %arg10[%parallel_loop3A_518, %parallel_loop3A_519], %parallel_loop3A_522 {strides = array<i32>} : memref<16x1024xf32, #tpu.memory_space<vmem>>, vector<1x16xf32>,
        %parallel_loop3A_523 = arith.index_cast %parallel_loop3A_162 : i32 to index
        %parallel_loop3A_524 = arith.constant 480 : index
        %parallel_loop3A_525 = tpu.vector_load %arg6[%parallel_loop3A_523, %parallel_loop3A_524] {strides = array<i32>} : memref<16x1024xf32, #tpu.memory_space<vmem>>, vector<1x16xf32>,
        %parallel_loop3A_526 = vector.shape_cast %parallel_loop3A_525 : vector<1x16xf32> to vector<16xf32>
        %parallel_loop3A_527 = arith.constant 3.200000e+01 : f32
        %parallel_loop3A_528 = vector.broadcast %parallel_loop3A_527 : f32 to vector<16xf32>
        %parallel_loop3A_529 = arith.mulf %parallel_loop3A_526, %parallel_loop3A_528 : vector<16xf32>
        %parallel_loop3A_530 = arith.index_cast %parallel_loop3A_162 : i32 to index
        %parallel_loop3A_531 = arith.constant 480 : index
        %parallel_loop3A_532 = tpu.vector_load %arg10[%parallel_loop3A_530, %parallel_loop3A_531] {strides = array<i32>} : memref<16x1024xf32, #tpu.memory_space<vmem>>, vector<1x16xf32>,
        %parallel_loop3A_533 = vector.shape_cast %parallel_loop3A_532 : vector<1x16xf32> to vector<16xf32>
        %parallel_loop3A_534 = vector.shape_cast %parallel_loop3A_529 : vector<16xf32> to vector<1x16xf32>
        tpu.vector_store %arg10[%parallel_loop3A_530, %parallel_loop3A_531], %parallel_loop3A_534 {strides = array<i32>} : memref<16x1024xf32, #tpu.memory_space<vmem>>, vector<1x16xf32>,
        %parallel_loop3A_535 = arith.index_cast %parallel_loop3A_162 : i32 to index
        %parallel_loop3A_536 = arith.constant 496 : index
        %parallel_loop3A_537 = tpu.vector_load %arg6[%parallel_loop3A_535, %parallel_loop3A_536] {strides = array<i32>} : memref<16x1024xf32, #tpu.memory_space<vmem>>, vector<1x16xf32>,
        %parallel_loop3A_538 = vector.shape_cast %parallel_loop3A_537 : vector<1x16xf32> to vector<16xf32>
        %parallel_loop3A_539 = arith.constant 3.200000e+01 : f32
        %parallel_loop3A_540 = vector.broadcast %parallel_loop3A_539 : f32 to vector<16xf32>
        %parallel_loop3A_541 = arith.mulf %parallel_loop3A_538, %parallel_loop3A_540 : vector<16xf32>
        %parallel_loop3A_542 = arith.index_cast %parallel_loop3A_162 : i32 to index
        %parallel_loop3A_543 = arith.constant 496 : index
        %parallel_loop3A_544 = tpu.vector_load %arg10[%parallel_loop3A_542, %parallel_loop3A_543] {strides = array<i32>} : memref<16x1024xf32, #tpu.memory_space<vmem>>, vector<1x16xf32>,
        %parallel_loop3A_545 = vector.shape_cast %parallel_loop3A_544 : vector<1x16xf32> to vector<16xf32>
        %parallel_loop3A_546 = vector.shape_cast %parallel_loop3A_541 : vector<16xf32> to vector<1x16xf32>
        tpu.vector_store %arg10[%parallel_loop3A_542, %parallel_loop3A_543], %parallel_loop3A_546 {strides = array<i32>} : memref<16x1024xf32, #tpu.memory_space<vmem>>, vector<1x16xf32>,
        %parallel_loop3A_547 = arith.index_cast %parallel_loop3A_162 : i32 to index
        %parallel_loop3A_548 = arith.constant 512 : index
        %parallel_loop3A_549 = tpu.vector_load %arg6[%parallel_loop3A_547, %parallel_loop3A_548] {strides = array<i32>} : memref<16x1024xf32, #tpu.memory_space<vmem>>, vector<1x16xf32>,
        %parallel_loop3A_550 = vector.shape_cast %parallel_loop3A_549 : vector<1x16xf32> to vector<16xf32>
        %parallel_loop3A_551 = arith.constant 3.200000e+01 : f32
        %parallel_loop3A_552 = vector.broadcast %parallel_loop3A_551 : f32 to vector<16xf32>
        %parallel_loop3A_553 = arith.mulf %parallel_loop3A_550, %parallel_loop3A_552 : vector<16xf32>
        %parallel_loop3A_554 = arith.index_cast %parallel_loop3A_162 : i32 to index
        %parallel_loop3A_555 = arith.constant 512 : index
        %parallel_loop3A_556 = tpu.vector_load %arg10[%parallel_loop3A_554, %parallel_loop3A_555] {strides = array<i32>} : memref<16x1024xf32, #tpu.memory_space<vmem>>, vector<1x16xf32>,
        %parallel_loop3A_557 = vector.shape_cast %parallel_loop3A_556 : vector<1x16xf32> to vector<16xf32>
        %parallel_loop3A_558 = vector.shape_cast %parallel_loop3A_553 : vector<16xf32> to vector<1x16xf32>
        tpu.vector_store %arg10[%parallel_loop3A_554, %parallel_loop3A_555], %parallel_loop3A_558 {strides = array<i32>} : memref<16x1024xf32, #tpu.memory_space<vmem>>, vector<1x16xf32>,
        %parallel_loop3A_559 = arith.index_cast %parallel_loop3A_162 : i32 to index
        %parallel_loop3A_560 = arith.constant 528 : index
        %parallel_loop3A_561 = tpu.vector_load %arg6[%parallel_loop3A_559, %parallel_loop3A_560] {strides = array<i32>} : memref<16x1024xf32, #tpu.memory_space<vmem>>, vector<1x16xf32>,
        %parallel_loop3A_562 = vector.shape_cast %parallel_loop3A_561 : vector<1x16xf32> to vector<16xf32>
        %parallel_loop3A_563 = arith.constant 3.200000e+01 : f32
        %parallel_loop3A_564 = vector.broadcast %parallel_loop3A_563 : f32 to vector<16xf32>
        %parallel_loop3A_565 = arith.mulf %parallel_loop3A_562, %parallel_loop3A_564 : vector<16xf32>
        %parallel_loop3A_566 = arith.index_cast %parallel_loop3A_162 : i32 to index
        %parallel_loop3A_567 = arith.constant 528 : index
        %parallel_loop3A_568 = tpu.vector_load %arg10[%parallel_loop3A_566, %parallel_loop3A_567] {strides = array<i32>} : memref<16x1024xf32, #tpu.memory_space<vmem>>, vector<1x16xf32>,
        %parallel_loop3A_569 = vector.shape_cast %parallel_loop3A_568 : vector<1x16xf32> to vector<16xf32>
        %parallel_loop3A_570 = vector.shape_cast %parallel_loop3A_565 : vector<16xf32> to vector<1x16xf32>
        tpu.vector_store %arg10[%parallel_loop3A_566, %parallel_loop3A_567], %parallel_loop3A_570 {strides = array<i32>} : memref<16x1024xf32, #tpu.memory_space<vmem>>, vector<1x16xf32>,
        %parallel_loop3A_571 = arith.index_cast %parallel_loop3A_162 : i32 to index
        %parallel_loop3A_572 = arith.constant 544 : index
        %parallel_loop3A_573 = tpu.vector_load %arg6[%parallel_loop3A_571, %parallel_loop3A_572] {strides = array<i32>} : memref<16x1024xf32, #tpu.memory_space<vmem>>, vector<1x16xf32>,
        %parallel_loop3A_574 = vector.shape_cast %parallel_loop3A_573 : vector<1x16xf32> to vector<16xf32>
        %parallel_loop3A_575 = arith.constant 3.200000e+01 : f32
        %parallel_loop3A_576 = vector.broadcast %parallel_loop3A_575 : f32 to vector<16xf32>
        %parallel_loop3A_577 = arith.mulf %parallel_loop3A_574, %parallel_loop3A_576 : vector<16xf32>
        %parallel_loop3A_578 = arith.index_cast %parallel_loop3A_162 : i32 to index
        %parallel_loop3A_579 = arith.constant 544 : index
        %parallel_loop3A_580 = tpu.vector_load %arg10[%parallel_loop3A_578, %parallel_loop3A_579] {strides = array<i32>} : memref<16x1024xf32, #tpu.memory_space<vmem>>, vector<1x16xf32>,
        %parallel_loop3A_581 = vector.shape_cast %parallel_loop3A_580 : vector<1x16xf32> to vector<16xf32>
        %parallel_loop3A_582 = vector.shape_cast %parallel_loop3A_577 : vector<16xf32> to vector<1x16xf32>
        tpu.vector_store %arg10[%parallel_loop3A_578, %parallel_loop3A_579], %parallel_loop3A_582 {strides = array<i32>} : memref<16x1024xf32, #tpu.memory_space<vmem>>, vector<1x16xf32>,
        %parallel_loop3A_583 = arith.index_cast %parallel_loop3A_162 : i32 to index
        %parallel_loop3A_584 = arith.constant 560 : index
        %parallel_loop3A_585 = tpu.vector_load %arg6[%parallel_loop3A_583, %parallel_loop3A_584] {strides = array<i32>} : memref<16x1024xf32, #tpu.memory_space<vmem>>, vector<1x16xf32>,
        %parallel_loop3A_586 = vector.shape_cast %parallel_loop3A_585 : vector<1x16xf32> to vector<16xf32>
        %parallel_loop3A_587 = arith.constant 3.200000e+01 : f32
        %parallel_loop3A_588 = vector.broadcast %parallel_loop3A_587 : f32 to vector<16xf32>
        %parallel_loop3A_589 = arith.mulf %parallel_loop3A_586, %parallel_loop3A_588 : vector<16xf32>
        %parallel_loop3A_590 = arith.index_cast %parallel_loop3A_162 : i32 to index
        %parallel_loop3A_591 = arith.constant 560 : index
        %parallel_loop3A_592 = tpu.vector_load %arg10[%parallel_loop3A_590, %parallel_loop3A_591] {strides = array<i32>} : memref<16x1024xf32, #tpu.memory_space<vmem>>, vector<1x16xf32>,
        %parallel_loop3A_593 = vector.shape_cast %parallel_loop3A_592 : vector<1x16xf32> to vector<16xf32>
        %parallel_loop3A_594 = vector.shape_cast %parallel_loop3A_589 : vector<16xf32> to vector<1x16xf32>
        tpu.vector_store %arg10[%parallel_loop3A_590, %parallel_loop3A_591], %parallel_loop3A_594 {strides = array<i32>} : memref<16x1024xf32, #tpu.memory_space<vmem>>, vector<1x16xf32>,
        %parallel_loop3A_595 = arith.index_cast %parallel_loop3A_162 : i32 to index
        %parallel_loop3A_596 = arith.constant 576 : index
        %parallel_loop3A_597 = tpu.vector_load %arg6[%parallel_loop3A_595, %parallel_loop3A_596] {strides = array<i32>} : memref<16x1024xf32, #tpu.memory_space<vmem>>, vector<1x16xf32>,
        %parallel_loop3A_598 = vector.shape_cast %parallel_loop3A_597 : vector<1x16xf32> to vector<16xf32>
        %parallel_loop3A_599 = arith.constant 3.200000e+01 : f32
        %parallel_loop3A_600 = vector.broadcast %parallel_loop3A_599 : f32 to vector<16xf32>
        %parallel_loop3A_601 = arith.mulf %parallel_loop3A_598, %parallel_loop3A_600 : vector<16xf32>
        %parallel_loop3A_602 = arith.index_cast %parallel_loop3A_162 : i32 to index
        %parallel_loop3A_603 = arith.constant 576 : index
        %parallel_loop3A_604 = tpu.vector_load %arg10[%parallel_loop3A_602, %parallel_loop3A_603] {strides = array<i32>} : memref<16x1024xf32, #tpu.memory_space<vmem>>, vector<1x16xf32>,
        %parallel_loop3A_605 = vector.shape_cast %parallel_loop3A_604 : vector<1x16xf32> to vector<16xf32>
        %parallel_loop3A_606 = vector.shape_cast %parallel_loop3A_601 : vector<16xf32> to vector<1x16xf32>
        tpu.vector_store %arg10[%parallel_loop3A_602, %parallel_loop3A_603], %parallel_loop3A_606 {strides = array<i32>} : memref<16x1024xf32, #tpu.memory_space<vmem>>, vector<1x16xf32>,
        %parallel_loop3A_607 = arith.index_cast %parallel_loop3A_162 : i32 to index
        %parallel_loop3A_608 = arith.constant 592 : index
        %parallel_loop3A_609 = tpu.vector_load %arg6[%parallel_loop3A_607, %parallel_loop3A_608] {strides = array<i32>} : memref<16x1024xf32, #tpu.memory_space<vmem>>, vector<1x16xf32>,
        %parallel_loop3A_610 = vector.shape_cast %parallel_loop3A_609 : vector<1x16xf32> to vector<16xf32>
        %parallel_loop3A_611 = arith.constant 3.200000e+01 : f32
        %parallel_loop3A_612 = vector.broadcast %parallel_loop3A_611 : f32 to vector<16xf32>
        %parallel_loop3A_613 = arith.mulf %parallel_loop3A_610, %parallel_loop3A_612 : vector<16xf32>
        %parallel_loop3A_614 = arith.index_cast %parallel_loop3A_162 : i32 to index
        %parallel_loop3A_615 = arith.constant 592 : index
        %parallel_loop3A_616 = tpu.vector_load %arg10[%parallel_loop3A_614, %parallel_loop3A_615] {strides = array<i32>} : memref<16x1024xf32, #tpu.memory_space<vmem>>, vector<1x16xf32>,
        %parallel_loop3A_617 = vector.shape_cast %parallel_loop3A_616 : vector<1x16xf32> to vector<16xf32>
        %parallel_loop3A_618 = vector.shape_cast %parallel_loop3A_613 : vector<16xf32> to vector<1x16xf32>
        tpu.vector_store %arg10[%parallel_loop3A_614, %parallel_loop3A_615], %parallel_loop3A_618 {strides = array<i32>} : memref<16x1024xf32, #tpu.memory_space<vmem>>, vector<1x16xf32>,
        %parallel_loop3A_619 = arith.index_cast %parallel_loop3A_162 : i32 to index
        %parallel_loop3A_620 = arith.constant 608 : index
        %parallel_loop3A_621 = tpu.vector_load %arg6[%parallel_loop3A_619, %parallel_loop3A_620] {strides = array<i32>} : memref<16x1024xf32, #tpu.memory_space<vmem>>, vector<1x16xf32>,
        %parallel_loop3A_622 = vector.shape_cast %parallel_loop3A_621 : vector<1x16xf32> to vector<16xf32>
        %parallel_loop3A_623 = arith.constant 3.200000e+01 : f32
        %parallel_loop3A_624 = vector.broadcast %parallel_loop3A_623 : f32 to vector<16xf32>
        %parallel_loop3A_625 = arith.mulf %parallel_loop3A_622, %parallel_loop3A_624 : vector<16xf32>
        %parallel_loop3A_626 = arith.index_cast %parallel_loop3A_162 : i32 to index
        %parallel_loop3A_627 = arith.constant 608 : index
        %parallel_loop3A_628 = tpu.vector_load %arg10[%parallel_loop3A_626, %parallel_loop3A_627] {strides = array<i32>} : memref<16x1024xf32, #tpu.memory_space<vmem>>, vector<1x16xf32>,
        %parallel_loop3A_629 = vector.shape_cast %parallel_loop3A_628 : vector<1x16xf32> to vector<16xf32>
        %parallel_loop3A_630 = vector.shape_cast %parallel_loop3A_625 : vector<16xf32> to vector<1x16xf32>
        tpu.vector_store %arg10[%parallel_loop3A_626, %parallel_loop3A_627], %parallel_loop3A_630 {strides = array<i32>} : memref<16x1024xf32, #tpu.memory_space<vmem>>, vector<1x16xf32>,
        %parallel_loop3A_631 = arith.index_cast %parallel_loop3A_162 : i32 to index
        %parallel_loop3A_632 = arith.constant 624 : index
        %parallel_loop3A_633 = tpu.vector_load %arg6[%parallel_loop3A_631, %parallel_loop3A_632] {strides = array<i32>} : memref<16x1024xf32, #tpu.memory_space<vmem>>, vector<1x16xf32>,
        %parallel_loop3A_634 = vector.shape_cast %parallel_loop3A_633 : vector<1x16xf32> to vector<16xf32>
        %parallel_loop3A_635 = arith.constant 3.200000e+01 : f32
        %parallel_loop3A_636 = vector.broadcast %parallel_loop3A_635 : f32 to vector<16xf32>
        %parallel_loop3A_637 = arith.mulf %parallel_loop3A_634, %parallel_loop3A_636 : vector<16xf32>
        %parallel_loop3A_638 = arith.index_cast %parallel_loop3A_162 : i32 to index
        %parallel_loop3A_639 = arith.constant 624 : index
        %parallel_loop3A_640 = tpu.vector_load %arg10[%parallel_loop3A_638, %parallel_loop3A_639] {strides = array<i32>} : memref<16x1024xf32, #tpu.memory_space<vmem>>, vector<1x16xf32>,
        %parallel_loop3A_641 = vector.shape_cast %parallel_loop3A_640 : vector<1x16xf32> to vector<16xf32>
        %parallel_loop3A_642 = vector.shape_cast %parallel_loop3A_637 : vector<16xf32> to vector<1x16xf32>
        tpu.vector_store %arg10[%parallel_loop3A_638, %parallel_loop3A_639], %parallel_loop3A_642 {strides = array<i32>} : memref<16x1024xf32, #tpu.memory_space<vmem>>, vector<1x16xf32>,
        %parallel_loop3A_643 = arith.index_cast %parallel_loop3A_162 : i32 to index
        %parallel_loop3A_644 = arith.constant 640 : index
        %parallel_loop3A_645 = tpu.vector_load %arg6[%parallel_loop3A_643, %parallel_loop3A_644] {strides = array<i32>} : memref<16x1024xf32, #tpu.memory_space<vmem>>, vector<1x16xf32>,
        %parallel_loop3A_646 = vector.shape_cast %parallel_loop3A_645 : vector<1x16xf32> to vector<16xf32>
        %parallel_loop3A_647 = arith.constant 3.200000e+01 : f32
        %parallel_loop3A_648 = vector.broadcast %parallel_loop3A_647 : f32 to vector<16xf32>
        %parallel_loop3A_649 = arith.mulf %parallel_loop3A_646, %parallel_loop3A_648 : vector<16xf32>
        %parallel_loop3A_650 = arith.index_cast %parallel_loop3A_162 : i32 to index
        %parallel_loop3A_651 = arith.constant 640 : index
        %parallel_loop3A_652 = tpu.vector_load %arg10[%parallel_loop3A_650, %parallel_loop3A_651] {strides = array<i32>} : memref<16x1024xf32, #tpu.memory_space<vmem>>, vector<1x16xf32>,
        %parallel_loop3A_653 = vector.shape_cast %parallel_loop3A_652 : vector<1x16xf32> to vector<16xf32>
        %parallel_loop3A_654 = vector.shape_cast %parallel_loop3A_649 : vector<16xf32> to vector<1x16xf32>
        tpu.vector_store %arg10[%parallel_loop3A_650, %parallel_loop3A_651], %parallel_loop3A_654 {strides = array<i32>} : memref<16x1024xf32, #tpu.memory_space<vmem>>, vector<1x16xf32>,
        %parallel_loop3A_655 = arith.index_cast %parallel_loop3A_162 : i32 to index
        %parallel_loop3A_656 = arith.constant 656 : index
        %parallel_loop3A_657 = tpu.vector_load %arg6[%parallel_loop3A_655, %parallel_loop3A_656] {strides = array<i32>} : memref<16x1024xf32, #tpu.memory_space<vmem>>, vector<1x16xf32>,
        %parallel_loop3A_658 = vector.shape_cast %parallel_loop3A_657 : vector<1x16xf32> to vector<16xf32>
        %parallel_loop3A_659 = arith.constant 3.200000e+01 : f32
        %parallel_loop3A_660 = vector.broadcast %parallel_loop3A_659 : f32 to vector<16xf32>
        %parallel_loop3A_661 = arith.mulf %parallel_loop3A_658, %parallel_loop3A_660 : vector<16xf32>
        %parallel_loop3A_662 = arith.index_cast %parallel_loop3A_162 : i32 to index
        %parallel_loop3A_663 = arith.constant 656 : index
        %parallel_loop3A_664 = tpu.vector_load %arg10[%parallel_loop3A_662, %parallel_loop3A_663] {strides = array<i32>} : memref<16x1024xf32, #tpu.memory_space<vmem>>, vector<1x16xf32>,
        %parallel_loop3A_665 = vector.shape_cast %parallel_loop3A_664 : vector<1x16xf32> to vector<16xf32>
        %parallel_loop3A_666 = vector.shape_cast %parallel_loop3A_661 : vector<16xf32> to vector<1x16xf32>
        tpu.vector_store %arg10[%parallel_loop3A_662, %parallel_loop3A_663], %parallel_loop3A_666 {strides = array<i32>} : memref<16x1024xf32, #tpu.memory_space<vmem>>, vector<1x16xf32>,
        %parallel_loop3A_667 = arith.index_cast %parallel_loop3A_162 : i32 to index
        %parallel_loop3A_668 = arith.constant 672 : index
        %parallel_loop3A_669 = tpu.vector_load %arg6[%parallel_loop3A_667, %parallel_loop3A_668] {strides = array<i32>} : memref<16x1024xf32, #tpu.memory_space<vmem>>, vector<1x16xf32>,
        %parallel_loop3A_670 = vector.shape_cast %parallel_loop3A_669 : vector<1x16xf32> to vector<16xf32>
        %parallel_loop3A_671 = arith.constant 3.200000e+01 : f32
        %parallel_loop3A_672 = vector.broadcast %parallel_loop3A_671 : f32 to vector<16xf32>
        %parallel_loop3A_673 = arith.mulf %parallel_loop3A_670, %parallel_loop3A_672 : vector<16xf32>
        %parallel_loop3A_674 = arith.index_cast %parallel_loop3A_162 : i32 to index
        %parallel_loop3A_675 = arith.constant 672 : index
        %parallel_loop3A_676 = tpu.vector_load %arg10[%parallel_loop3A_674, %parallel_loop3A_675] {strides = array<i32>} : memref<16x1024xf32, #tpu.memory_space<vmem>>, vector<1x16xf32>,
        %parallel_loop3A_677 = vector.shape_cast %parallel_loop3A_676 : vector<1x16xf32> to vector<16xf32>
        %parallel_loop3A_678 = vector.shape_cast %parallel_loop3A_673 : vector<16xf32> to vector<1x16xf32>
        tpu.vector_store %arg10[%parallel_loop3A_674, %parallel_loop3A_675], %parallel_loop3A_678 {strides = array<i32>} : memref<16x1024xf32, #tpu.memory_space<vmem>>, vector<1x16xf32>,
        %parallel_loop3A_679 = arith.index_cast %parallel_loop3A_162 : i32 to index
        %parallel_loop3A_680 = arith.constant 688 : index
        %parallel_loop3A_681 = tpu.vector_load %arg6[%parallel_loop3A_679, %parallel_loop3A_680] {strides = array<i32>} : memref<16x1024xf32, #tpu.memory_space<vmem>>, vector<1x16xf32>,
        %parallel_loop3A_682 = vector.shape_cast %parallel_loop3A_681 : vector<1x16xf32> to vector<16xf32>
        %parallel_loop3A_683 = arith.constant 3.200000e+01 : f32
        %parallel_loop3A_684 = vector.broadcast %parallel_loop3A_683 : f32 to vector<16xf32>
        %parallel_loop3A_685 = arith.mulf %parallel_loop3A_682, %parallel_loop3A_684 : vector<16xf32>
        %parallel_loop3A_686 = arith.index_cast %parallel_loop3A_162 : i32 to index
        %parallel_loop3A_687 = arith.constant 688 : index
        %parallel_loop3A_688 = tpu.vector_load %arg10[%parallel_loop3A_686, %parallel_loop3A_687] {strides = array<i32>} : memref<16x1024xf32, #tpu.memory_space<vmem>>, vector<1x16xf32>,
        %parallel_loop3A_689 = vector.shape_cast %parallel_loop3A_688 : vector<1x16xf32> to vector<16xf32>
        %parallel_loop3A_690 = vector.shape_cast %parallel_loop3A_685 : vector<16xf32> to vector<1x16xf32>
        tpu.vector_store %arg10[%parallel_loop3A_686, %parallel_loop3A_687], %parallel_loop3A_690 {strides = array<i32>} : memref<16x1024xf32, #tpu.memory_space<vmem>>, vector<1x16xf32>,
        %parallel_loop3A_691 = arith.index_cast %parallel_loop3A_162 : i32 to index
        %parallel_loop3A_692 = arith.constant 704 : index
        %parallel_loop3A_693 = tpu.vector_load %arg6[%parallel_loop3A_691, %parallel_loop3A_692] {strides = array<i32>} : memref<16x1024xf32, #tpu.memory_space<vmem>>, vector<1x16xf32>,
        %parallel_loop3A_694 = vector.shape_cast %parallel_loop3A_693 : vector<1x16xf32> to vector<16xf32>
        %parallel_loop3A_695 = arith.constant 3.200000e+01 : f32
        %parallel_loop3A_696 = vector.broadcast %parallel_loop3A_695 : f32 to vector<16xf32>
        %parallel_loop3A_697 = arith.mulf %parallel_loop3A_694, %parallel_loop3A_696 : vector<16xf32>
        %parallel_loop3A_698 = arith.index_cast %parallel_loop3A_162 : i32 to index
        %parallel_loop3A_699 = arith.constant 704 : index
        %parallel_loop3A_700 = tpu.vector_load %arg10[%parallel_loop3A_698, %parallel_loop3A_699] {strides = array<i32>} : memref<16x1024xf32, #tpu.memory_space<vmem>>, vector<1x16xf32>,
        %parallel_loop3A_701 = vector.shape_cast %parallel_loop3A_700 : vector<1x16xf32> to vector<16xf32>
        %parallel_loop3A_702 = vector.shape_cast %parallel_loop3A_697 : vector<16xf32> to vector<1x16xf32>
        tpu.vector_store %arg10[%parallel_loop3A_698, %parallel_loop3A_699], %parallel_loop3A_702 {strides = array<i32>} : memref<16x1024xf32, #tpu.memory_space<vmem>>, vector<1x16xf32>,
        %parallel_loop3A_703 = arith.index_cast %parallel_loop3A_162 : i32 to index
        %parallel_loop3A_704 = arith.constant 720 : index
        %parallel_loop3A_705 = tpu.vector_load %arg6[%parallel_loop3A_703, %parallel_loop3A_704] {strides = array<i32>} : memref<16x1024xf32, #tpu.memory_space<vmem>>, vector<1x16xf32>,
        %parallel_loop3A_706 = vector.shape_cast %parallel_loop3A_705 : vector<1x16xf32> to vector<16xf32>
        %parallel_loop3A_707 = arith.constant 3.200000e+01 : f32
        %parallel_loop3A_708 = vector.broadcast %parallel_loop3A_707 : f32 to vector<16xf32>
        %parallel_loop3A_709 = arith.mulf %parallel_loop3A_706, %parallel_loop3A_708 : vector<16xf32>
        %parallel_loop3A_710 = arith.index_cast %parallel_loop3A_162 : i32 to index
        %parallel_loop3A_711 = arith.constant 720 : index
        %parallel_loop3A_712 = tpu.vector_load %arg10[%parallel_loop3A_710, %parallel_loop3A_711] {strides = array<i32>} : memref<16x1024xf32, #tpu.memory_space<vmem>>, vector<1x16xf32>,
        %parallel_loop3A_713 = vector.shape_cast %parallel_loop3A_712 : vector<1x16xf32> to vector<16xf32>
        %parallel_loop3A_714 = vector.shape_cast %parallel_loop3A_709 : vector<16xf32> to vector<1x16xf32>
        tpu.vector_store %arg10[%parallel_loop3A_710, %parallel_loop3A_711], %parallel_loop3A_714 {strides = array<i32>} : memref<16x1024xf32, #tpu.memory_space<vmem>>, vector<1x16xf32>,
        %parallel_loop3A_715 = arith.index_cast %parallel_loop3A_162 : i32 to index
        %parallel_loop3A_716 = arith.constant 736 : index
        %parallel_loop3A_717 = tpu.vector_load %arg6[%parallel_loop3A_715, %parallel_loop3A_716] {strides = array<i32>} : memref<16x1024xf32, #tpu.memory_space<vmem>>, vector<1x16xf32>,
        %parallel_loop3A_718 = vector.shape_cast %parallel_loop3A_717 : vector<1x16xf32> to vector<16xf32>
        %parallel_loop3A_719 = arith.constant 3.200000e+01 : f32
        %parallel_loop3A_720 = vector.broadcast %parallel_loop3A_719 : f32 to vector<16xf32>
        %parallel_loop3A_721 = arith.mulf %parallel_loop3A_718, %parallel_loop3A_720 : vector<16xf32>
        %parallel_loop3A_722 = arith.index_cast %parallel_loop3A_162 : i32 to index
        %parallel_loop3A_723 = arith.constant 736 : index
        %parallel_loop3A_724 = tpu.vector_load %arg10[%parallel_loop3A_722, %parallel_loop3A_723] {strides = array<i32>} : memref<16x1024xf32, #tpu.memory_space<vmem>>, vector<1x16xf32>,
        %parallel_loop3A_725 = vector.shape_cast %parallel_loop3A_724 : vector<1x16xf32> to vector<16xf32>
        %parallel_loop3A_726 = vector.shape_cast %parallel_loop3A_721 : vector<16xf32> to vector<1x16xf32>
        tpu.vector_store %arg10[%parallel_loop3A_722, %parallel_loop3A_723], %parallel_loop3A_726 {strides = array<i32>} : memref<16x1024xf32, #tpu.memory_space<vmem>>, vector<1x16xf32>,
        %parallel_loop3A_727 = arith.index_cast %parallel_loop3A_162 : i32 to index
        %parallel_loop3A_728 = arith.constant 752 : index
        %parallel_loop3A_729 = tpu.vector_load %arg6[%parallel_loop3A_727, %parallel_loop3A_728] {strides = array<i32>} : memref<16x1024xf32, #tpu.memory_space<vmem>>, vector<1x16xf32>,
        %parallel_loop3A_730 = vector.shape_cast %parallel_loop3A_729 : vector<1x16xf32> to vector<16xf32>
        %parallel_loop3A_731 = arith.constant 3.200000e+01 : f32
        %parallel_loop3A_732 = vector.broadcast %parallel_loop3A_731 : f32 to vector<16xf32>
        %parallel_loop3A_733 = arith.mulf %parallel_loop3A_730, %parallel_loop3A_732 : vector<16xf32>
        %parallel_loop3A_734 = arith.index_cast %parallel_loop3A_162 : i32 to index
        %parallel_loop3A_735 = arith.constant 752 : index
        %parallel_loop3A_736 = tpu.vector_load %arg10[%parallel_loop3A_734, %parallel_loop3A_735] {strides = array<i32>} : memref<16x1024xf32, #tpu.memory_space<vmem>>, vector<1x16xf32>,
        %parallel_loop3A_737 = vector.shape_cast %parallel_loop3A_736 : vector<1x16xf32> to vector<16xf32>
        %parallel_loop3A_738 = vector.shape_cast %parallel_loop3A_733 : vector<16xf32> to vector<1x16xf32>
        tpu.vector_store %arg10[%parallel_loop3A_734, %parallel_loop3A_735], %parallel_loop3A_738 {strides = array<i32>} : memref<16x1024xf32, #tpu.memory_space<vmem>>, vector<1x16xf32>,
        %parallel_loop3A_739 = arith.index_cast %parallel_loop3A_162 : i32 to index
        %parallel_loop3A_740 = arith.constant 768 : index
        %parallel_loop3A_741 = tpu.vector_load %arg6[%parallel_loop3A_739, %parallel_loop3A_740] {strides = array<i32>} : memref<16x1024xf32, #tpu.memory_space<vmem>>, vector<1x16xf32>,
        %parallel_loop3A_742 = vector.shape_cast %parallel_loop3A_741 : vector<1x16xf32> to vector<16xf32>
        %parallel_loop3A_743 = arith.constant 3.200000e+01 : f32
        %parallel_loop3A_744 = vector.broadcast %parallel_loop3A_743 : f32 to vector<16xf32>
        %parallel_loop3A_745 = arith.mulf %parallel_loop3A_742, %parallel_loop3A_744 : vector<16xf32>
        %parallel_loop3A_746 = arith.index_cast %parallel_loop3A_162 : i32 to index
        %parallel_loop3A_747 = arith.constant 768 : index
        %parallel_loop3A_748 = tpu.vector_load %arg10[%parallel_loop3A_746, %parallel_loop3A_747] {strides = array<i32>} : memref<16x1024xf32, #tpu.memory_space<vmem>>, vector<1x16xf32>,
        %parallel_loop3A_749 = vector.shape_cast %parallel_loop3A_748 : vector<1x16xf32> to vector<16xf32>
        %parallel_loop3A_750 = vector.shape_cast %parallel_loop3A_745 : vector<16xf32> to vector<1x16xf32>
        tpu.vector_store %arg10[%parallel_loop3A_746, %parallel_loop3A_747], %parallel_loop3A_750 {strides = array<i32>} : memref<16x1024xf32, #tpu.memory_space<vmem>>, vector<1x16xf32>,
        %parallel_loop3A_751 = arith.index_cast %parallel_loop3A_162 : i32 to index
        %parallel_loop3A_752 = arith.constant 784 : index
        %parallel_loop3A_753 = tpu.vector_load %arg6[%parallel_loop3A_751, %parallel_loop3A_752] {strides = array<i32>} : memref<16x1024xf32, #tpu.memory_space<vmem>>, vector<1x16xf32>,
        %parallel_loop3A_754 = vector.shape_cast %parallel_loop3A_753 : vector<1x16xf32> to vector<16xf32>
        %parallel_loop3A_755 = arith.constant 3.200000e+01 : f32
        %parallel_loop3A_756 = vector.broadcast %parallel_loop3A_755 : f32 to vector<16xf32>
        %parallel_loop3A_757 = arith.mulf %parallel_loop3A_754, %parallel_loop3A_756 : vector<16xf32>
        %parallel_loop3A_758 = arith.index_cast %parallel_loop3A_162 : i32 to index
        %parallel_loop3A_759 = arith.constant 784 : index
        %parallel_loop3A_760 = tpu.vector_load %arg10[%parallel_loop3A_758, %parallel_loop3A_759] {strides = array<i32>} : memref<16x1024xf32, #tpu.memory_space<vmem>>, vector<1x16xf32>,
        %parallel_loop3A_761 = vector.shape_cast %parallel_loop3A_760 : vector<1x16xf32> to vector<16xf32>
        %parallel_loop3A_762 = vector.shape_cast %parallel_loop3A_757 : vector<16xf32> to vector<1x16xf32>
        tpu.vector_store %arg10[%parallel_loop3A_758, %parallel_loop3A_759], %parallel_loop3A_762 {strides = array<i32>} : memref<16x1024xf32, #tpu.memory_space<vmem>>, vector<1x16xf32>,
        %parallel_loop3A_763 = arith.index_cast %parallel_loop3A_162 : i32 to index
        %parallel_loop3A_764 = arith.constant 800 : index
        %parallel_loop3A_765 = tpu.vector_load %arg6[%parallel_loop3A_763, %parallel_loop3A_764] {strides = array<i32>} : memref<16x1024xf32, #tpu.memory_space<vmem>>, vector<1x16xf32>,
        %parallel_loop3A_766 = vector.shape_cast %parallel_loop3A_765 : vector<1x16xf32> to vector<16xf32>
        %parallel_loop3A_767 = arith.constant 3.200000e+01 : f32
        %parallel_loop3A_768 = vector.broadcast %parallel_loop3A_767 : f32 to vector<16xf32>
        %parallel_loop3A_769 = arith.mulf %parallel_loop3A_766, %parallel_loop3A_768 : vector<16xf32>
        %parallel_loop3A_770 = arith.index_cast %parallel_loop3A_162 : i32 to index
        %parallel_loop3A_771 = arith.constant 800 : index
        %parallel_loop3A_772 = tpu.vector_load %arg10[%parallel_loop3A_770, %parallel_loop3A_771] {strides = array<i32>} : memref<16x1024xf32, #tpu.memory_space<vmem>>, vector<1x16xf32>,
        %parallel_loop3A_773 = vector.shape_cast %parallel_loop3A_772 : vector<1x16xf32> to vector<16xf32>
        %parallel_loop3A_774 = vector.shape_cast %parallel_loop3A_769 : vector<16xf32> to vector<1x16xf32>
        tpu.vector_store %arg10[%parallel_loop3A_770, %parallel_loop3A_771], %parallel_loop3A_774 {strides = array<i32>} : memref<16x1024xf32, #tpu.memory_space<vmem>>, vector<1x16xf32>,
        %parallel_loop3A_775 = arith.index_cast %parallel_loop3A_162 : i32 to index
        %parallel_loop3A_776 = arith.constant 816 : index
        %parallel_loop3A_777 = tpu.vector_load %arg6[%parallel_loop3A_775, %parallel_loop3A_776] {strides = array<i32>} : memref<16x1024xf32, #tpu.memory_space<vmem>>, vector<1x16xf32>,
        %parallel_loop3A_778 = vector.shape_cast %parallel_loop3A_777 : vector<1x16xf32> to vector<16xf32>
        %parallel_loop3A_779 = arith.constant 3.200000e+01 : f32
        %parallel_loop3A_780 = vector.broadcast %parallel_loop3A_779 : f32 to vector<16xf32>
        %parallel_loop3A_781 = arith.mulf %parallel_loop3A_778, %parallel_loop3A_780 : vector<16xf32>
        %parallel_loop3A_782 = arith.index_cast %parallel_loop3A_162 : i32 to index
        %parallel_loop3A_783 = arith.constant 816 : index
        %parallel_loop3A_784 = tpu.vector_load %arg10[%parallel_loop3A_782, %parallel_loop3A_783] {strides = array<i32>} : memref<16x1024xf32, #tpu.memory_space<vmem>>, vector<1x16xf32>,
        %parallel_loop3A_785 = vector.shape_cast %parallel_loop3A_784 : vector<1x16xf32> to vector<16xf32>
        %parallel_loop3A_786 = vector.shape_cast %parallel_loop3A_781 : vector<16xf32> to vector<1x16xf32>
        tpu.vector_store %arg10[%parallel_loop3A_782, %parallel_loop3A_783], %parallel_loop3A_786 {strides = array<i32>} : memref<16x1024xf32, #tpu.memory_space<vmem>>, vector<1x16xf32>,
        %parallel_loop3A_787 = arith.index_cast %parallel_loop3A_162 : i32 to index
        %parallel_loop3A_788 = arith.constant 832 : index
        %parallel_loop3A_789 = tpu.vector_load %arg6[%parallel_loop3A_787, %parallel_loop3A_788] {strides = array<i32>} : memref<16x1024xf32, #tpu.memory_space<vmem>>, vector<1x16xf32>,
        %parallel_loop3A_790 = vector.shape_cast %parallel_loop3A_789 : vector<1x16xf32> to vector<16xf32>
        %parallel_loop3A_791 = arith.constant 3.200000e+01 : f32
        %parallel_loop3A_792 = vector.broadcast %parallel_loop3A_791 : f32 to vector<16xf32>
        %parallel_loop3A_793 = arith.mulf %parallel_loop3A_790, %parallel_loop3A_792 : vector<16xf32>
        %parallel_loop3A_794 = arith.index_cast %parallel_loop3A_162 : i32 to index
        %parallel_loop3A_795 = arith.constant 832 : index
        %parallel_loop3A_796 = tpu.vector_load %arg10[%parallel_loop3A_794, %parallel_loop3A_795] {strides = array<i32>} : memref<16x1024xf32, #tpu.memory_space<vmem>>, vector<1x16xf32>,
        %parallel_loop3A_797 = vector.shape_cast %parallel_loop3A_796 : vector<1x16xf32> to vector<16xf32>
        %parallel_loop3A_798 = vector.shape_cast %parallel_loop3A_793 : vector<16xf32> to vector<1x16xf32>
        tpu.vector_store %arg10[%parallel_loop3A_794, %parallel_loop3A_795], %parallel_loop3A_798 {strides = array<i32>} : memref<16x1024xf32, #tpu.memory_space<vmem>>, vector<1x16xf32>,
        %parallel_loop3A_799 = arith.index_cast %parallel_loop3A_162 : i32 to index
        %parallel_loop3A_800 = arith.constant 848 : index
        %parallel_loop3A_801 = tpu.vector_load %arg6[%parallel_loop3A_799, %parallel_loop3A_800] {strides = array<i32>} : memref<16x1024xf32, #tpu.memory_space<vmem>>, vector<1x16xf32>,
        %parallel_loop3A_802 = vector.shape_cast %parallel_loop3A_801 : vector<1x16xf32> to vector<16xf32>
        %parallel_loop3A_803 = arith.constant 3.200000e+01 : f32
        %parallel_loop3A_804 = vector.broadcast %parallel_loop3A_803 : f32 to vector<16xf32>
        %parallel_loop3A_805 = arith.mulf %parallel_loop3A_802, %parallel_loop3A_804 : vector<16xf32>
        %parallel_loop3A_806 = arith.index_cast %parallel_loop3A_162 : i32 to index
        %parallel_loop3A_807 = arith.constant 848 : index
        %parallel_loop3A_808 = tpu.vector_load %arg10[%parallel_loop3A_806, %parallel_loop3A_807] {strides = array<i32>} : memref<16x1024xf32, #tpu.memory_space<vmem>>, vector<1x16xf32>,
        %parallel_loop3A_809 = vector.shape_cast %parallel_loop3A_808 : vector<1x16xf32> to vector<16xf32>
        %parallel_loop3A_810 = vector.shape_cast %parallel_loop3A_805 : vector<16xf32> to vector<1x16xf32>
        tpu.vector_store %arg10[%parallel_loop3A_806, %parallel_loop3A_807], %parallel_loop3A_810 {strides = array<i32>} : memref<16x1024xf32, #tpu.memory_space<vmem>>, vector<1x16xf32>,
        %parallel_loop3A_811 = arith.index_cast %parallel_loop3A_162 : i32 to index
        %parallel_loop3A_812 = arith.constant 864 : index
        %parallel_loop3A_813 = tpu.vector_load %arg6[%parallel_loop3A_811, %parallel_loop3A_812] {strides = array<i32>} : memref<16x1024xf32, #tpu.memory_space<vmem>>, vector<1x16xf32>,
        %parallel_loop3A_814 = vector.shape_cast %parallel_loop3A_813 : vector<1x16xf32> to vector<16xf32>
        %parallel_loop3A_815 = arith.constant 3.200000e+01 : f32
        %parallel_loop3A_816 = vector.broadcast %parallel_loop3A_815 : f32 to vector<16xf32>
        %parallel_loop3A_817 = arith.mulf %parallel_loop3A_814, %parallel_loop3A_816 : vector<16xf32>
        %parallel_loop3A_818 = arith.index_cast %parallel_loop3A_162 : i32 to index
        %parallel_loop3A_819 = arith.constant 864 : index
        %parallel_loop3A_820 = tpu.vector_load %arg10[%parallel_loop3A_818, %parallel_loop3A_819] {strides = array<i32>} : memref<16x1024xf32, #tpu.memory_space<vmem>>, vector<1x16xf32>,
        %parallel_loop3A_821 = vector.shape_cast %parallel_loop3A_820 : vector<1x16xf32> to vector<16xf32>
        %parallel_loop3A_822 = vector.shape_cast %parallel_loop3A_817 : vector<16xf32> to vector<1x16xf32>
        tpu.vector_store %arg10[%parallel_loop3A_818, %parallel_loop3A_819], %parallel_loop3A_822 {strides = array<i32>} : memref<16x1024xf32, #tpu.memory_space<vmem>>, vector<1x16xf32>,
        %parallel_loop3A_823 = arith.index_cast %parallel_loop3A_162 : i32 to index
        %parallel_loop3A_824 = arith.constant 880 : index
        %parallel_loop3A_825 = tpu.vector_load %arg6[%parallel_loop3A_823, %parallel_loop3A_824] {strides = array<i32>} : memref<16x1024xf32, #tpu.memory_space<vmem>>, vector<1x16xf32>,
        %parallel_loop3A_826 = vector.shape_cast %parallel_loop3A_825 : vector<1x16xf32> to vector<16xf32>
        %parallel_loop3A_827 = arith.constant 3.200000e+01 : f32
        %parallel_loop3A_828 = vector.broadcast %parallel_loop3A_827 : f32 to vector<16xf32>
        %parallel_loop3A_829 = arith.mulf %parallel_loop3A_826, %parallel_loop3A_828 : vector<16xf32>
        %parallel_loop3A_830 = arith.index_cast %parallel_loop3A_162 : i32 to index
        %parallel_loop3A_831 = arith.constant 880 : index
        %parallel_loop3A_832 = tpu.vector_load %arg10[%parallel_loop3A_830, %parallel_loop3A_831] {strides = array<i32>} : memref<16x1024xf32, #tpu.memory_space<vmem>>, vector<1x16xf32>,
        %parallel_loop3A_833 = vector.shape_cast %parallel_loop3A_832 : vector<1x16xf32> to vector<16xf32>
        %parallel_loop3A_834 = vector.shape_cast %parallel_loop3A_829 : vector<16xf32> to vector<1x16xf32>
        tpu.vector_store %arg10[%parallel_loop3A_830, %parallel_loop3A_831], %parallel_loop3A_834 {strides = array<i32>} : memref<16x1024xf32, #tpu.memory_space<vmem>>, vector<1x16xf32>,
        %parallel_loop3A_835 = arith.index_cast %parallel_loop3A_162 : i32 to index
        %parallel_loop3A_836 = arith.constant 896 : index
        %parallel_loop3A_837 = tpu.vector_load %arg6[%parallel_loop3A_835, %parallel_loop3A_836] {strides = array<i32>} : memref<16x1024xf32, #tpu.memory_space<vmem>>, vector<1x16xf32>,
        %parallel_loop3A_838 = vector.shape_cast %parallel_loop3A_837 : vector<1x16xf32> to vector<16xf32>
        %parallel_loop3A_839 = arith.constant 3.200000e+01 : f32
        %parallel_loop3A_840 = vector.broadcast %parallel_loop3A_839 : f32 to vector<16xf32>
        %parallel_loop3A_841 = arith.mulf %parallel_loop3A_838, %parallel_loop3A_840 : vector<16xf32>
        %parallel_loop3A_842 = arith.index_cast %parallel_loop3A_162 : i32 to index
        %parallel_loop3A_843 = arith.constant 896 : index
        %parallel_loop3A_844 = tpu.vector_load %arg10[%parallel_loop3A_842, %parallel_loop3A_843] {strides = array<i32>} : memref<16x1024xf32, #tpu.memory_space<vmem>>, vector<1x16xf32>,
        %parallel_loop3A_845 = vector.shape_cast %parallel_loop3A_844 : vector<1x16xf32> to vector<16xf32>
        %parallel_loop3A_846 = vector.shape_cast %parallel_loop3A_841 : vector<16xf32> to vector<1x16xf32>
        tpu.vector_store %arg10[%parallel_loop3A_842, %parallel_loop3A_843], %parallel_loop3A_846 {strides = array<i32>} : memref<16x1024xf32, #tpu.memory_space<vmem>>, vector<1x16xf32>,
        %parallel_loop3A_847 = arith.index_cast %parallel_loop3A_162 : i32 to index
        %parallel_loop3A_848 = arith.constant 912 : index
        %parallel_loop3A_849 = tpu.vector_load %arg6[%parallel_loop3A_847, %parallel_loop3A_848] {strides = array<i32>} : memref<16x1024xf32, #tpu.memory_space<vmem>>, vector<1x16xf32>,
        %parallel_loop3A_850 = vector.shape_cast %parallel_loop3A_849 : vector<1x16xf32> to vector<16xf32>
        %parallel_loop3A_851 = arith.constant 3.200000e+01 : f32
        %parallel_loop3A_852 = vector.broadcast %parallel_loop3A_851 : f32 to vector<16xf32>
        %parallel_loop3A_853 = arith.mulf %parallel_loop3A_850, %parallel_loop3A_852 : vector<16xf32>
        %parallel_loop3A_854 = arith.index_cast %parallel_loop3A_162 : i32 to index
        %parallel_loop3A_855 = arith.constant 912 : index
        %parallel_loop3A_856 = tpu.vector_load %arg10[%parallel_loop3A_854, %parallel_loop3A_855] {strides = array<i32>} : memref<16x1024xf32, #tpu.memory_space<vmem>>, vector<1x16xf32>,
        %parallel_loop3A_857 = vector.shape_cast %parallel_loop3A_856 : vector<1x16xf32> to vector<16xf32>
        %parallel_loop3A_858 = vector.shape_cast %parallel_loop3A_853 : vector<16xf32> to vector<1x16xf32>
        tpu.vector_store %arg10[%parallel_loop3A_854, %parallel_loop3A_855], %parallel_loop3A_858 {strides = array<i32>} : memref<16x1024xf32, #tpu.memory_space<vmem>>, vector<1x16xf32>,
        %parallel_loop3A_859 = arith.index_cast %parallel_loop3A_162 : i32 to index
        %parallel_loop3A_860 = arith.constant 928 : index
        %parallel_loop3A_861 = tpu.vector_load %arg6[%parallel_loop3A_859, %parallel_loop3A_860] {strides = array<i32>} : memref<16x1024xf32, #tpu.memory_space<vmem>>, vector<1x16xf32>,
        %parallel_loop3A_862 = vector.shape_cast %parallel_loop3A_861 : vector<1x16xf32> to vector<16xf32>
        %parallel_loop3A_863 = arith.constant 3.200000e+01 : f32
        %parallel_loop3A_864 = vector.broadcast %parallel_loop3A_863 : f32 to vector<16xf32>
        %parallel_loop3A_865 = arith.mulf %parallel_loop3A_862, %parallel_loop3A_864 : vector<16xf32>
        %parallel_loop3A_866 = arith.index_cast %parallel_loop3A_162 : i32 to index
        %parallel_loop3A_867 = arith.constant 928 : index
        %parallel_loop3A_868 = tpu.vector_load %arg10[%parallel_loop3A_866, %parallel_loop3A_867] {strides = array<i32>} : memref<16x1024xf32, #tpu.memory_space<vmem>>, vector<1x16xf32>,
        %parallel_loop3A_869 = vector.shape_cast %parallel_loop3A_868 : vector<1x16xf32> to vector<16xf32>
        %parallel_loop3A_870 = vector.shape_cast %parallel_loop3A_865 : vector<16xf32> to vector<1x16xf32>
        tpu.vector_store %arg10[%parallel_loop3A_866, %parallel_loop3A_867], %parallel_loop3A_870 {strides = array<i32>} : memref<16x1024xf32, #tpu.memory_space<vmem>>, vector<1x16xf32>,
        %parallel_loop3A_871 = arith.index_cast %parallel_loop3A_162 : i32 to index
        %parallel_loop3A_872 = arith.constant 944 : index
        %parallel_loop3A_873 = tpu.vector_load %arg6[%parallel_loop3A_871, %parallel_loop3A_872] {strides = array<i32>} : memref<16x1024xf32, #tpu.memory_space<vmem>>, vector<1x16xf32>,
        %parallel_loop3A_874 = vector.shape_cast %parallel_loop3A_873 : vector<1x16xf32> to vector<16xf32>
        %parallel_loop3A_875 = arith.constant 3.200000e+01 : f32
        %parallel_loop3A_876 = vector.broadcast %parallel_loop3A_875 : f32 to vector<16xf32>
        %parallel_loop3A_877 = arith.mulf %parallel_loop3A_874, %parallel_loop3A_876 : vector<16xf32>
        %parallel_loop3A_878 = arith.index_cast %parallel_loop3A_162 : i32 to index
        %parallel_loop3A_879 = arith.constant 944 : index
        %parallel_loop3A_880 = tpu.vector_load %arg10[%parallel_loop3A_878, %parallel_loop3A_879] {strides = array<i32>} : memref<16x1024xf32, #tpu.memory_space<vmem>>, vector<1x16xf32>,
        %parallel_loop3A_881 = vector.shape_cast %parallel_loop3A_880 : vector<1x16xf32> to vector<16xf32>
        %parallel_loop3A_882 = vector.shape_cast %parallel_loop3A_877 : vector<16xf32> to vector<1x16xf32>
        tpu.vector_store %arg10[%parallel_loop3A_878, %parallel_loop3A_879], %parallel_loop3A_882 {strides = array<i32>} : memref<16x1024xf32, #tpu.memory_space<vmem>>, vector<1x16xf32>,
        %parallel_loop3A_883 = arith.index_cast %parallel_loop3A_162 : i32 to index
        %parallel_loop3A_884 = arith.constant 960 : index
        %parallel_loop3A_885 = tpu.vector_load %arg6[%parallel_loop3A_883, %parallel_loop3A_884] {strides = array<i32>} : memref<16x1024xf32, #tpu.memory_space<vmem>>, vector<1x16xf32>,
        %parallel_loop3A_886 = vector.shape_cast %parallel_loop3A_885 : vector<1x16xf32> to vector<16xf32>
        %parallel_loop3A_887 = arith.constant 3.200000e+01 : f32
        %parallel_loop3A_888 = vector.broadcast %parallel_loop3A_887 : f32 to vector<16xf32>
        %parallel_loop3A_889 = arith.mulf %parallel_loop3A_886, %parallel_loop3A_888 : vector<16xf32>
        %parallel_loop3A_890 = arith.index_cast %parallel_loop3A_162 : i32 to index
        %parallel_loop3A_891 = arith.constant 960 : index
        %parallel_loop3A_892 = tpu.vector_load %arg10[%parallel_loop3A_890, %parallel_loop3A_891] {strides = array<i32>} : memref<16x1024xf32, #tpu.memory_space<vmem>>, vector<1x16xf32>,
        %parallel_loop3A_893 = vector.shape_cast %parallel_loop3A_892 : vector<1x16xf32> to vector<16xf32>
        %parallel_loop3A_894 = vector.shape_cast %parallel_loop3A_889 : vector<16xf32> to vector<1x16xf32>
        tpu.vector_store %arg10[%parallel_loop3A_890, %parallel_loop3A_891], %parallel_loop3A_894 {strides = array<i32>} : memref<16x1024xf32, #tpu.memory_space<vmem>>, vector<1x16xf32>,
        %parallel_loop3A_895 = arith.index_cast %parallel_loop3A_162 : i32 to index
        %parallel_loop3A_896 = arith.constant 976 : index
        %parallel_loop3A_897 = tpu.vector_load %arg6[%parallel_loop3A_895, %parallel_loop3A_896] {strides = array<i32>} : memref<16x1024xf32, #tpu.memory_space<vmem>>, vector<1x16xf32>,
        %parallel_loop3A_898 = vector.shape_cast %parallel_loop3A_897 : vector<1x16xf32> to vector<16xf32>
        %parallel_loop3A_899 = arith.constant 3.200000e+01 : f32
        %parallel_loop3A_900 = vector.broadcast %parallel_loop3A_899 : f32 to vector<16xf32>
        %parallel_loop3A_901 = arith.mulf %parallel_loop3A_898, %parallel_loop3A_900 : vector<16xf32>
        %parallel_loop3A_902 = arith.index_cast %parallel_loop3A_162 : i32 to index
        %parallel_loop3A_903 = arith.constant 976 : index
        %parallel_loop3A_904 = tpu.vector_load %arg10[%parallel_loop3A_902, %parallel_loop3A_903] {strides = array<i32>} : memref<16x1024xf32, #tpu.memory_space<vmem>>, vector<1x16xf32>,
        %parallel_loop3A_905 = vector.shape_cast %parallel_loop3A_904 : vector<1x16xf32> to vector<16xf32>
        %parallel_loop3A_906 = vector.shape_cast %parallel_loop3A_901 : vector<16xf32> to vector<1x16xf32>
        tpu.vector_store %arg10[%parallel_loop3A_902, %parallel_loop3A_903], %parallel_loop3A_906 {strides = array<i32>} : memref<16x1024xf32, #tpu.memory_space<vmem>>, vector<1x16xf32>,
        %parallel_loop3A_907 = arith.index_cast %parallel_loop3A_162 : i32 to index
        %parallel_loop3A_908 = arith.constant 992 : index
        %parallel_loop3A_909 = tpu.vector_load %arg6[%parallel_loop3A_907, %parallel_loop3A_908] {strides = array<i32>} : memref<16x1024xf32, #tpu.memory_space<vmem>>, vector<1x16xf32>,
        %parallel_loop3A_910 = vector.shape_cast %parallel_loop3A_909 : vector<1x16xf32> to vector<16xf32>
        %parallel_loop3A_911 = arith.constant 3.200000e+01 : f32
        %parallel_loop3A_912 = vector.broadcast %parallel_loop3A_911 : f32 to vector<16xf32>
        %parallel_loop3A_913 = arith.mulf %parallel_loop3A_910, %parallel_loop3A_912 : vector<16xf32>
        %parallel_loop3A_914 = arith.index_cast %parallel_loop3A_162 : i32 to index
        %parallel_loop3A_915 = arith.constant 992 : index
        %parallel_loop3A_916 = tpu.vector_load %arg10[%parallel_loop3A_914, %parallel_loop3A_915] {strides = array<i32>} : memref<16x1024xf32, #tpu.memory_space<vmem>>, vector<1x16xf32>,
        %parallel_loop3A_917 = vector.shape_cast %parallel_loop3A_916 : vector<1x16xf32> to vector<16xf32>
        %parallel_loop3A_918 = vector.shape_cast %parallel_loop3A_913 : vector<16xf32> to vector<1x16xf32>
        tpu.vector_store %arg10[%parallel_loop3A_914, %parallel_loop3A_915], %parallel_loop3A_918 {strides = array<i32>} : memref<16x1024xf32, #tpu.memory_space<vmem>>, vector<1x16xf32>,
        %parallel_loop3A_919 = arith.index_cast %parallel_loop3A_162 : i32 to index
        %parallel_loop3A_920 = arith.constant 1008 : index
        %parallel_loop3A_921 = tpu.vector_load %arg6[%parallel_loop3A_919, %parallel_loop3A_920] {strides = array<i32>} : memref<16x1024xf32, #tpu.memory_space<vmem>>, vector<1x16xf32>,
        %parallel_loop3A_922 = vector.shape_cast %parallel_loop3A_921 : vector<1x16xf32> to vector<16xf32>
        %parallel_loop3A_923 = arith.constant 3.200000e+01 : f32
        %parallel_loop3A_924 = vector.broadcast %parallel_loop3A_923 : f32 to vector<16xf32>
        %parallel_loop3A_925 = arith.mulf %parallel_loop3A_922, %parallel_loop3A_924 : vector<16xf32>
        %parallel_loop3A_926 = arith.index_cast %parallel_loop3A_162 : i32 to index
        %parallel_loop3A_927 = arith.constant 1008 : index
        %parallel_loop3A_928 = tpu.vector_load %arg10[%parallel_loop3A_926, %parallel_loop3A_927] {strides = array<i32>} : memref<16x1024xf32, #tpu.memory_space<vmem>>, vector<1x16xf32>,
        %parallel_loop3A_929 = vector.shape_cast %parallel_loop3A_928 : vector<1x16xf32> to vector<16xf32>
        %parallel_loop3A_930 = vector.shape_cast %parallel_loop3A_925 : vector<16xf32> to vector<1x16xf32>
        tpu.vector_store %arg10[%parallel_loop3A_926, %parallel_loop3A_927], %parallel_loop3A_930 {strides = array<i32>} : memref<16x1024xf32, #tpu.memory_space<vmem>>, vector<1x16xf32>,
      } {sc.loop_unroll_factor = 1 : i64, sc.parallel_access}
      %lt3A = arith.constant 60 : i32
      %lt3A_61 = arith.cmpi slt, %add3A_50, %lt3A : i32
      %convert_element_type3A_62 = arith.extui %lt3A_61 : i1 to i32
      %cond3A_63 = arith.constant 0 : i32
      %cond3A_64 = arith.cmpi ne, %convert_element_type3A_62, %cond3A_63 : i32
      scf.if %cond3A_64 {
        %add3A_162 = arith.constant 4 : i32
        %add3A_163 = arith.addi %add3A_50, %add3A_162 : i32
        %dma_start3A_164 = arith.constant 0 : i32
        %dma_start3A_165 = tpu.memref_slice %arg5[%add3A_163, %dma_start3A_164] : memref<64x16xi32, #tpu.memory_space<vmem>> -> memref<1x16xi32, #tpu.memory_space<vmem>>
        %dma_start3A_166 = tpu.memref_squeeze %dma_start3A_165 : memref<1x16xi32, #tpu.memory_space<vmem>> -> memref<16xi32, #tpu.memory_space<vmem>>
        %dma_start3A_167 = arith.constant 0 : i32
        %dma_start3A_168 = arith.constant 0 : i32
        %dma_start3A_169 = tpu.memref_slice %arg3[%dma_start3A_167, %dma_start3A_168] : memref<100000x1024xf32, #tpu.memory_space<hbm>> -> memref<100000x1024xf32, #tpu.memory_space<hbm>>
        tpu.enqueue_indirect_dma source(%dma_start3A_169 : memref<100000x1024xf32, #tpu.memory_space<hbm>>) target(%arg6 : memref<16x1024xf32, #tpu.memory_space<vmem>>) offsets(%dma_start3A_166 : memref<16xi32, #tpu.memory_space<vmem>>) semaphore(%arg12 : memref<!tpu.dma_semaphore, #tpu.memory_space<semaphore_mem>>)
      } else {
      }
      %mul3A_65 = arith.constant 16 : i32
      %mul3A_66 = arith.muli %add3A_50, %mul3A_65 : i32
      %add3A_67 = arith.addi %mul3A_2, %mul3A_66 : i32
      %dma_start3A_68 = arith.constant 0 : i32
      %dma_start3A_69 = tpu.memref_slice %arg4[%add3A_67, %dma_start3A_68] : memref<32768x1024xf32, #tpu.memory_space<hbm>> -> memref<16x1024xf32, #tpu.memory_space<hbm>>
      %dma_start3A_70 = arith.constant 0 : i32
      %dma_start3A_71 = tpu.memref_slice %arg4[%add3A_67, %dma_start3A_70] : memref<32768x1024xf32, #tpu.memory_space<hbm>> -> memref<16x1024xf32, #tpu.memory_space<hbm>>
      tpu.enqueue_dma source(%arg10 : memref<16x1024xf32, #tpu.memory_space<vmem>>) target(%dma_start3A_71 : memref<16x1024xf32, #tpu.memory_space<hbm>>) target_semaphore(%arg16 : memref<!tpu.dma_semaphore, #tpu.memory_space<semaphore_mem>>)
      %mul3A_72 = arith.constant 4 : i32
      %mul3A_73 = arith.muli %mul3A_72, %scan3A_46 : i32
      %add3A_74 = arith.constant 1 : i32
      %add3A_75 = arith.addi %mul3A_73, %add3A_74 : i32
      %dma_wait3A_76 = arith.constant 0 : i32
      %dma_wait3A_77 = tpu.memref_slice %arg5[%add3A_75, %dma_wait3A_76] : memref<64x16xi32, #tpu.memory_space<vmem>> -> memref<1x16xi32, #tpu.memory_space<vmem>>
      %dma_wait3A_78 = tpu.memref_squeeze %dma_wait3A_77 : memref<1x16xi32, #tpu.memory_space<vmem>> -> memref<16xi32, #tpu.memory_space<vmem>>
      %dma_wait3A_79 = arith.constant 0 : i32
      %dma_wait3A_80 = arith.constant 0 : i32
      %dma_wait3A_81 = tpu.memref_slice %arg3[%dma_wait3A_79, %dma_wait3A_80] : memref<100000x1024xf32, #tpu.memory_space<hbm>> -> memref<100000x1024xf32, #tpu.memory_space<hbm>>
      tpu.wait_indirect_dma semaphore(%arg13 : memref<!tpu.dma_semaphore, #tpu.memory_space<semaphore_mem>>) src(%dma_wait3A_81 : memref<100000x1024xf32, #tpu.memory_space<hbm>>) dst(%arg7 : memref<16x1024xf32, #tpu.memory_space<vmem>>)
      %ge3A_82 = arith.constant 2 : i32
      %ge3A_83 = arith.cmpi sge, %add3A_75, %ge3A_82 : i32
      %convert_element_type3A_84 = arith.extui %ge3A_83 : i1 to i32
      %cond3A_85 = arith.constant 0 : i32
      %cond3A_86 = arith.cmpi ne, %convert_element_type3A_84, %cond3A_85 : i32
      scf.if %cond3A_86 {
        %dma_wait3A_162 = arith.constant 0 : i32
        %dma_wait3A_163 = tpu.memref_slice %arg4[%mul3A_2, %dma_wait3A_162] : memref<32768x1024xf32, #tpu.memory_space<hbm>> -> memref<16x1024xf32, #tpu.memory_space<hbm>>
        %dma_wait3A_164 = arith.constant 0 : i32
        %dma_wait3A_165 = tpu.memref_slice %arg4[%mul3A_2, %dma_wait3A_164] : memref<32768x1024xf32, #tpu.memory_space<hbm>> -> memref<16x1024xf32, #tpu.memory_space<hbm>>
        tpu.wait_dma2 semaphore(%arg17 : memref<!tpu.dma_semaphore, #tpu.memory_space<semaphore_mem>>) src(%arg11 : memref<16x1024xf32, #tpu.memory_space<vmem>>) dst(%dma_wait3A_165 : memref<16x1024xf32, #tpu.memory_space<hbm>>)
      } else {
      }
      %parallel_loop3A_87 = arith.constant 0 : i32
      %parallel_loop3A_88 = arith.constant 16 : i32
      %parallel_loop3A_89 = arith.constant 1 : i32
      scf.for %parallel_loop3A_162 = %parallel_loop3A_87 to %parallel_loop3A_88 step %parallel_loop3A_89  : i32 {
        %parallel_loop3A_163 = arith.index_cast %parallel_loop3A_162 : i32 to index
        %parallel_loop3A_164 = arith.constant 0 : index
        %parallel_loop3A_165 = tpu.vector_load %arg7[%parallel_loop3A_163, %parallel_loop3A_164] {strides = array<i32>} : memref<16x1024xf32, #tpu.memory_space<vmem>>, vector<1x16xf32>,
        %parallel_loop3A_166 = vector.shape_cast %parallel_loop3A_165 : vector<1x16xf32> to vector<16xf32>
        %parallel_loop3A_167 = arith.constant 3.200000e+01 : f32
        %parallel_loop3A_168 = vector.broadcast %parallel_loop3A_167 : f32 to vector<16xf32>
        %parallel_loop3A_169 = arith.mulf %parallel_loop3A_166, %parallel_loop3A_168 : vector<16xf32>
        %parallel_loop3A_170 = arith.index_cast %parallel_loop3A_162 : i32 to index
        %parallel_loop3A_171 = arith.constant 0 : index
        %parallel_loop3A_172 = tpu.vector_load %arg11[%parallel_loop3A_170, %parallel_loop3A_171] {strides = array<i32>} : memref<16x1024xf32, #tpu.memory_space<vmem>>, vector<1x16xf32>,
        %parallel_loop3A_173 = vector.shape_cast %parallel_loop3A_172 : vector<1x16xf32> to vector<16xf32>
        %parallel_loop3A_174 = vector.shape_cast %parallel_loop3A_169 : vector<16xf32> to vector<1x16xf32>
        tpu.vector_store %arg11[%parallel_loop3A_170, %parallel_loop3A_171], %parallel_loop3A_174 {strides = array<i32>} : memref<16x1024xf32, #tpu.memory_space<vmem>>, vector<1x16xf32>,
        %parallel_loop3A_175 = arith.index_cast %parallel_loop3A_162 : i32 to index
        %parallel_loop3A_176 = arith.constant 16 : index
        %parallel_loop3A_177 = tpu.vector_load %arg7[%parallel_loop3A_175, %parallel_loop3A_176] {strides = array<i32>} : memref<16x1024xf32, #tpu.memory_space<vmem>>, vector<1x16xf32>,
        %parallel_loop3A_178 = vector.shape_cast %parallel_loop3A_177 : vector<1x16xf32> to vector<16xf32>
        %parallel_loop3A_179 = arith.constant 3.200000e+01 : f32
        %parallel_loop3A_180 = vector.broadcast %parallel_loop3A_179 : f32 to vector<16xf32>
        %parallel_loop3A_181 = arith.mulf %parallel_loop3A_178, %parallel_loop3A_180 : vector<16xf32>
        %parallel_loop3A_182 = arith.index_cast %parallel_loop3A_162 : i32 to index
        %parallel_loop3A_183 = arith.constant 16 : index
        %parallel_loop3A_184 = tpu.vector_load %arg11[%parallel_loop3A_182, %parallel_loop3A_183] {strides = array<i32>} : memref<16x1024xf32, #tpu.memory_space<vmem>>, vector<1x16xf32>,
        %parallel_loop3A_185 = vector.shape_cast %parallel_loop3A_184 : vector<1x16xf32> to vector<16xf32>
        %parallel_loop3A_186 = vector.shape_cast %parallel_loop3A_181 : vector<16xf32> to vector<1x16xf32>
        tpu.vector_store %arg11[%parallel_loop3A_182, %parallel_loop3A_183], %parallel_loop3A_186 {strides = array<i32>} : memref<16x1024xf32, #tpu.memory_space<vmem>>, vector<1x16xf32>,
        %parallel_loop3A_187 = arith.index_cast %parallel_loop3A_162 : i32 to index
        %parallel_loop3A_188 = arith.constant 32 : index
        %parallel_loop3A_189 = tpu.vector_load %arg7[%parallel_loop3A_187, %parallel_loop3A_188] {strides = array<i32>} : memref<16x1024xf32, #tpu.memory_space<vmem>>, vector<1x16xf32>,
        %parallel_loop3A_190 = vector.shape_cast %parallel_loop3A_189 : vector<1x16xf32> to vector<16xf32>
        %parallel_loop3A_191 = arith.constant 3.200000e+01 : f32
        %parallel_loop3A_192 = vector.broadcast %parallel_loop3A_191 : f32 to vector<16xf32>
        %parallel_loop3A_193 = arith.mulf %parallel_loop3A_190, %parallel_loop3A_192 : vector<16xf32>
        %parallel_loop3A_194 = arith.index_cast %parallel_loop3A_162 : i32 to index
        %parallel_loop3A_195 = arith.constant 32 : index
        %parallel_loop3A_196 = tpu.vector_load %arg11[%parallel_loop3A_194, %parallel_loop3A_195] {strides = array<i32>} : memref<16x1024xf32, #tpu.memory_space<vmem>>, vector<1x16xf32>,
        %parallel_loop3A_197 = vector.shape_cast %parallel_loop3A_196 : vector<1x16xf32> to vector<16xf32>
        %parallel_loop3A_198 = vector.shape_cast %parallel_loop3A_193 : vector<16xf32> to vector<1x16xf32>
        tpu.vector_store %arg11[%parallel_loop3A_194, %parallel_loop3A_195], %parallel_loop3A_198 {strides = array<i32>} : memref<16x1024xf32, #tpu.memory_space<vmem>>, vector<1x16xf32>,
        %parallel_loop3A_199 = arith.index_cast %parallel_loop3A_162 : i32 to index
        %parallel_loop3A_200 = arith.constant 48 : index
        %parallel_loop3A_201 = tpu.vector_load %arg7[%parallel_loop3A_199, %parallel_loop3A_200] {strides = array<i32>} : memref<16x1024xf32, #tpu.memory_space<vmem>>, vector<1x16xf32>,
        %parallel_loop3A_202 = vector.shape_cast %parallel_loop3A_201 : vector<1x16xf32> to vector<16xf32>
        %parallel_loop3A_203 = arith.constant 3.200000e+01 : f32
        %parallel_loop3A_204 = vector.broadcast %parallel_loop3A_203 : f32 to vector<16xf32>
        %parallel_loop3A_205 = arith.mulf %parallel_loop3A_202, %parallel_loop3A_204 : vector<16xf32>
        %parallel_loop3A_206 = arith.index_cast %parallel_loop3A_162 : i32 to index
        %parallel_loop3A_207 = arith.constant 48 : index
        %parallel_loop3A_208 = tpu.vector_load %arg11[%parallel_loop3A_206, %parallel_loop3A_207] {strides = array<i32>} : memref<16x1024xf32, #tpu.memory_space<vmem>>, vector<1x16xf32>,
        %parallel_loop3A_209 = vector.shape_cast %parallel_loop3A_208 : vector<1x16xf32> to vector<16xf32>
        %parallel_loop3A_210 = vector.shape_cast %parallel_loop3A_205 : vector<16xf32> to vector<1x16xf32>
        tpu.vector_store %arg11[%parallel_loop3A_206, %parallel_loop3A_207], %parallel_loop3A_210 {strides = array<i32>} : memref<16x1024xf32, #tpu.memory_space<vmem>>, vector<1x16xf32>,
        %parallel_loop3A_211 = arith.index_cast %parallel_loop3A_162 : i32 to index
        %parallel_loop3A_212 = arith.constant 64 : index
        %parallel_loop3A_213 = tpu.vector_load %arg7[%parallel_loop3A_211, %parallel_loop3A_212] {strides = array<i32>} : memref<16x1024xf32, #tpu.memory_space<vmem>>, vector<1x16xf32>,
        %parallel_loop3A_214 = vector.shape_cast %parallel_loop3A_213 : vector<1x16xf32> to vector<16xf32>
        %parallel_loop3A_215 = arith.constant 3.200000e+01 : f32
        %parallel_loop3A_216 = vector.broadcast %parallel_loop3A_215 : f32 to vector<16xf32>
        %parallel_loop3A_217 = arith.mulf %parallel_loop3A_214, %parallel_loop3A_216 : vector<16xf32>
        %parallel_loop3A_218 = arith.index_cast %parallel_loop3A_162 : i32 to index
        %parallel_loop3A_219 = arith.constant 64 : index
        %parallel_loop3A_220 = tpu.vector_load %arg11[%parallel_loop3A_218, %parallel_loop3A_219] {strides = array<i32>} : memref<16x1024xf32, #tpu.memory_space<vmem>>, vector<1x16xf32>,
        %parallel_loop3A_221 = vector.shape_cast %parallel_loop3A_220 : vector<1x16xf32> to vector<16xf32>
        %parallel_loop3A_222 = vector.shape_cast %parallel_loop3A_217 : vector<16xf32> to vector<1x16xf32>
        tpu.vector_store %arg11[%parallel_loop3A_218, %parallel_loop3A_219], %parallel_loop3A_222 {strides = array<i32>} : memref<16x1024xf32, #tpu.memory_space<vmem>>, vector<1x16xf32>,
        %parallel_loop3A_223 = arith.index_cast %parallel_loop3A_162 : i32 to index
        %parallel_loop3A_224 = arith.constant 80 : index
        %parallel_loop3A_225 = tpu.vector_load %arg7[%parallel_loop3A_223, %parallel_loop3A_224] {strides = array<i32>} : memref<16x1024xf32, #tpu.memory_space<vmem>>, vector<1x16xf32>,
        %parallel_loop3A_226 = vector.shape_cast %parallel_loop3A_225 : vector<1x16xf32> to vector<16xf32>
        %parallel_loop3A_227 = arith.constant 3.200000e+01 : f32
        %parallel_loop3A_228 = vector.broadcast %parallel_loop3A_227 : f32 to vector<16xf32>
        %parallel_loop3A_229 = arith.mulf %parallel_loop3A_226, %parallel_loop3A_228 : vector<16xf32>
        %parallel_loop3A_230 = arith.index_cast %parallel_loop3A_162 : i32 to index
        %parallel_loop3A_231 = arith.constant 80 : index
        %parallel_loop3A_232 = tpu.vector_load %arg11[%parallel_loop3A_230, %parallel_loop3A_231] {strides = array<i32>} : memref<16x1024xf32, #tpu.memory_space<vmem>>, vector<1x16xf32>,
        %parallel_loop3A_233 = vector.shape_cast %parallel_loop3A_232 : vector<1x16xf32> to vector<16xf32>
        %parallel_loop3A_234 = vector.shape_cast %parallel_loop3A_229 : vector<16xf32> to vector<1x16xf32>
        tpu.vector_store %arg11[%parallel_loop3A_230, %parallel_loop3A_231], %parallel_loop3A_234 {strides = array<i32>} : memref<16x1024xf32, #tpu.memory_space<vmem>>, vector<1x16xf32>,
        %parallel_loop3A_235 = arith.index_cast %parallel_loop3A_162 : i32 to index
        %parallel_loop3A_236 = arith.constant 96 : index
        %parallel_loop3A_237 = tpu.vector_load %arg7[%parallel_loop3A_235, %parallel_loop3A_236] {strides = array<i32>} : memref<16x1024xf32, #tpu.memory_space<vmem>>, vector<1x16xf32>,
        %parallel_loop3A_238 = vector.shape_cast %parallel_loop3A_237 : vector<1x16xf32> to vector<16xf32>
        %parallel_loop3A_239 = arith.constant 3.200000e+01 : f32
        %parallel_loop3A_240 = vector.broadcast %parallel_loop3A_239 : f32 to vector<16xf32>
        %parallel_loop3A_241 = arith.mulf %parallel_loop3A_238, %parallel_loop3A_240 : vector<16xf32>
        %parallel_loop3A_242 = arith.index_cast %parallel_loop3A_162 : i32 to index
        %parallel_loop3A_243 = arith.constant 96 : index
        %parallel_loop3A_244 = tpu.vector_load %arg11[%parallel_loop3A_242, %parallel_loop3A_243] {strides = array<i32>} : memref<16x1024xf32, #tpu.memory_space<vmem>>, vector<1x16xf32>,
        %parallel_loop3A_245 = vector.shape_cast %parallel_loop3A_244 : vector<1x16xf32> to vector<16xf32>
        %parallel_loop3A_246 = vector.shape_cast %parallel_loop3A_241 : vector<16xf32> to vector<1x16xf32>
        tpu.vector_store %arg11[%parallel_loop3A_242, %parallel_loop3A_243], %parallel_loop3A_246 {strides = array<i32>} : memref<16x1024xf32, #tpu.memory_space<vmem>>, vector<1x16xf32>,
        %parallel_loop3A_247 = arith.index_cast %parallel_loop3A_162 : i32 to index
        %parallel_loop3A_248 = arith.constant 112 : index
        %parallel_loop3A_249 = tpu.vector_load %arg7[%parallel_loop3A_247, %parallel_loop3A_248] {strides = array<i32>} : memref<16x1024xf32, #tpu.memory_space<vmem>>, vector<1x16xf32>,
        %parallel_loop3A_250 = vector.shape_cast %parallel_loop3A_249 : vector<1x16xf32> to vector<16xf32>
        %parallel_loop3A_251 = arith.constant 3.200000e+01 : f32
        %parallel_loop3A_252 = vector.broadcast %parallel_loop3A_251 : f32 to vector<16xf32>
        %parallel_loop3A_253 = arith.mulf %parallel_loop3A_250, %parallel_loop3A_252 : vector<16xf32>
        %parallel_loop3A_254 = arith.index_cast %parallel_loop3A_162 : i32 to index
        %parallel_loop3A_255 = arith.constant 112 : index
        %parallel_loop3A_256 = tpu.vector_load %arg11[%parallel_loop3A_254, %parallel_loop3A_255] {strides = array<i32>} : memref<16x1024xf32, #tpu.memory_space<vmem>>, vector<1x16xf32>,
        %parallel_loop3A_257 = vector.shape_cast %parallel_loop3A_256 : vector<1x16xf32> to vector<16xf32>
        %parallel_loop3A_258 = vector.shape_cast %parallel_loop3A_253 : vector<16xf32> to vector<1x16xf32>
        tpu.vector_store %arg11[%parallel_loop3A_254, %parallel_loop3A_255], %parallel_loop3A_258 {strides = array<i32>} : memref<16x1024xf32, #tpu.memory_space<vmem>>, vector<1x16xf32>,
        %parallel_loop3A_259 = arith.index_cast %parallel_loop3A_162 : i32 to index
        %parallel_loop3A_260 = arith.constant 128 : index
        %parallel_loop3A_261 = tpu.vector_load %arg7[%parallel_loop3A_259, %parallel_loop3A_260] {strides = array<i32>} : memref<16x1024xf32, #tpu.memory_space<vmem>>, vector<1x16xf32>,
        %parallel_loop3A_262 = vector.shape_cast %parallel_loop3A_261 : vector<1x16xf32> to vector<16xf32>
        %parallel_loop3A_263 = arith.constant 3.200000e+01 : f32
        %parallel_loop3A_264 = vector.broadcast %parallel_loop3A_263 : f32 to vector<16xf32>
        %parallel_loop3A_265 = arith.mulf %parallel_loop3A_262, %parallel_loop3A_264 : vector<16xf32>
        %parallel_loop3A_266 = arith.index_cast %parallel_loop3A_162 : i32 to index
        %parallel_loop3A_267 = arith.constant 128 : index
        %parallel_loop3A_268 = tpu.vector_load %arg11[%parallel_loop3A_266, %parallel_loop3A_267] {strides = array<i32>} : memref<16x1024xf32, #tpu.memory_space<vmem>>, vector<1x16xf32>,
        %parallel_loop3A_269 = vector.shape_cast %parallel_loop3A_268 : vector<1x16xf32> to vector<16xf32>
        %parallel_loop3A_270 = vector.shape_cast %parallel_loop3A_265 : vector<16xf32> to vector<1x16xf32>
        tpu.vector_store %arg11[%parallel_loop3A_266, %parallel_loop3A_267], %parallel_loop3A_270 {strides = array<i32>} : memref<16x1024xf32, #tpu.memory_space<vmem>>, vector<1x16xf32>,
        %parallel_loop3A_271 = arith.index_cast %parallel_loop3A_162 : i32 to index
        %parallel_loop3A_272 = arith.constant 144 : index
        %parallel_loop3A_273 = tpu.vector_load %arg7[%parallel_loop3A_271, %parallel_loop3A_272] {strides = array<i32>} : memref<16x1024xf32, #tpu.memory_space<vmem>>, vector<1x16xf32>,
        %parallel_loop3A_274 = vector.shape_cast %parallel_loop3A_273 : vector<1x16xf32> to vector<16xf32>
        %parallel_loop3A_275 = arith.constant 3.200000e+01 : f32
        %parallel_loop3A_276 = vector.broadcast %parallel_loop3A_275 : f32 to vector<16xf32>
        %parallel_loop3A_277 = arith.mulf %parallel_loop3A_274, %parallel_loop3A_276 : vector<16xf32>
        %parallel_loop3A_278 = arith.index_cast %parallel_loop3A_162 : i32 to index
        %parallel_loop3A_279 = arith.constant 144 : index
        %parallel_loop3A_280 = tpu.vector_load %arg11[%parallel_loop3A_278, %parallel_loop3A_279] {strides = array<i32>} : memref<16x1024xf32, #tpu.memory_space<vmem>>, vector<1x16xf32>,
        %parallel_loop3A_281 = vector.shape_cast %parallel_loop3A_280 : vector<1x16xf32> to vector<16xf32>
        %parallel_loop3A_282 = vector.shape_cast %parallel_loop3A_277 : vector<16xf32> to vector<1x16xf32>
        tpu.vector_store %arg11[%parallel_loop3A_278, %parallel_loop3A_279], %parallel_loop3A_282 {strides = array<i32>} : memref<16x1024xf32, #tpu.memory_space<vmem>>, vector<1x16xf32>,
        %parallel_loop3A_283 = arith.index_cast %parallel_loop3A_162 : i32 to index
        %parallel_loop3A_284 = arith.constant 160 : index
        %parallel_loop3A_285 = tpu.vector_load %arg7[%parallel_loop3A_283, %parallel_loop3A_284] {strides = array<i32>} : memref<16x1024xf32, #tpu.memory_space<vmem>>, vector<1x16xf32>,
        %parallel_loop3A_286 = vector.shape_cast %parallel_loop3A_285 : vector<1x16xf32> to vector<16xf32>
        %parallel_loop3A_287 = arith.constant 3.200000e+01 : f32
        %parallel_loop3A_288 = vector.broadcast %parallel_loop3A_287 : f32 to vector<16xf32>
        %parallel_loop3A_289 = arith.mulf %parallel_loop3A_286, %parallel_loop3A_288 : vector<16xf32>
        %parallel_loop3A_290 = arith.index_cast %parallel_loop3A_162 : i32 to index
        %parallel_loop3A_291 = arith.constant 160 : index
        %parallel_loop3A_292 = tpu.vector_load %arg11[%parallel_loop3A_290, %parallel_loop3A_291] {strides = array<i32>} : memref<16x1024xf32, #tpu.memory_space<vmem>>, vector<1x16xf32>,
        %parallel_loop3A_293 = vector.shape_cast %parallel_loop3A_292 : vector<1x16xf32> to vector<16xf32>
        %parallel_loop3A_294 = vector.shape_cast %parallel_loop3A_289 : vector<16xf32> to vector<1x16xf32>
        tpu.vector_store %arg11[%parallel_loop3A_290, %parallel_loop3A_291], %parallel_loop3A_294 {strides = array<i32>} : memref<16x1024xf32, #tpu.memory_space<vmem>>, vector<1x16xf32>,
        %parallel_loop3A_295 = arith.index_cast %parallel_loop3A_162 : i32 to index
        %parallel_loop3A_296 = arith.constant 176 : index
        %parallel_loop3A_297 = tpu.vector_load %arg7[%parallel_loop3A_295, %parallel_loop3A_296] {strides = array<i32>} : memref<16x1024xf32, #tpu.memory_space<vmem>>, vector<1x16xf32>,
        %parallel_loop3A_298 = vector.shape_cast %parallel_loop3A_297 : vector<1x16xf32> to vector<16xf32>
        %parallel_loop3A_299 = arith.constant 3.200000e+01 : f32
        %parallel_loop3A_300 = vector.broadcast %parallel_loop3A_299 : f32 to vector<16xf32>
        %parallel_loop3A_301 = arith.mulf %parallel_loop3A_298, %parallel_loop3A_300 : vector<16xf32>
        %parallel_loop3A_302 = arith.index_cast %parallel_loop3A_162 : i32 to index
        %parallel_loop3A_303 = arith.constant 176 : index
        %parallel_loop3A_304 = tpu.vector_load %arg11[%parallel_loop3A_302, %parallel_loop3A_303] {strides = array<i32>} : memref<16x1024xf32, #tpu.memory_space<vmem>>, vector<1x16xf32>,
        %parallel_loop3A_305 = vector.shape_cast %parallel_loop3A_304 : vector<1x16xf32> to vector<16xf32>
        %parallel_loop3A_306 = vector.shape_cast %parallel_loop3A_301 : vector<16xf32> to vector<1x16xf32>
        tpu.vector_store %arg11[%parallel_loop3A_302, %parallel_loop3A_303], %parallel_loop3A_306 {strides = array<i32>} : memref<16x1024xf32, #tpu.memory_space<vmem>>, vector<1x16xf32>,
        %parallel_loop3A_307 = arith.index_cast %parallel_loop3A_162 : i32 to index
        %parallel_loop3A_308 = arith.constant 192 : index
        %parallel_loop3A_309 = tpu.vector_load %arg7[%parallel_loop3A_307, %parallel_loop3A_308] {strides = array<i32>} : memref<16x1024xf32, #tpu.memory_space<vmem>>, vector<1x16xf32>,
        %parallel_loop3A_310 = vector.shape_cast %parallel_loop3A_309 : vector<1x16xf32> to vector<16xf32>
        %parallel_loop3A_311 = arith.constant 3.200000e+01 : f32
        %parallel_loop3A_312 = vector.broadcast %parallel_loop3A_311 : f32 to vector<16xf32>
        %parallel_loop3A_313 = arith.mulf %parallel_loop3A_310, %parallel_loop3A_312 : vector<16xf32>
        %parallel_loop3A_314 = arith.index_cast %parallel_loop3A_162 : i32 to index
        %parallel_loop3A_315 = arith.constant 192 : index
        %parallel_loop3A_316 = tpu.vector_load %arg11[%parallel_loop3A_314, %parallel_loop3A_315] {strides = array<i32>} : memref<16x1024xf32, #tpu.memory_space<vmem>>, vector<1x16xf32>,
        %parallel_loop3A_317 = vector.shape_cast %parallel_loop3A_316 : vector<1x16xf32> to vector<16xf32>
        %parallel_loop3A_318 = vector.shape_cast %parallel_loop3A_313 : vector<16xf32> to vector<1x16xf32>
        tpu.vector_store %arg11[%parallel_loop3A_314, %parallel_loop3A_315], %parallel_loop3A_318 {strides = array<i32>} : memref<16x1024xf32, #tpu.memory_space<vmem>>, vector<1x16xf32>,
        %parallel_loop3A_319 = arith.index_cast %parallel_loop3A_162 : i32 to index
        %parallel_loop3A_320 = arith.constant 208 : index
        %parallel_loop3A_321 = tpu.vector_load %arg7[%parallel_loop3A_319, %parallel_loop3A_320] {strides = array<i32>} : memref<16x1024xf32, #tpu.memory_space<vmem>>, vector<1x16xf32>,
        %parallel_loop3A_322 = vector.shape_cast %parallel_loop3A_321 : vector<1x16xf32> to vector<16xf32>
        %parallel_loop3A_323 = arith.constant 3.200000e+01 : f32
        %parallel_loop3A_324 = vector.broadcast %parallel_loop3A_323 : f32 to vector<16xf32>
        %parallel_loop3A_325 = arith.mulf %parallel_loop3A_322, %parallel_loop3A_324 : vector<16xf32>
        %parallel_loop3A_326 = arith.index_cast %parallel_loop3A_162 : i32 to index
        %parallel_loop3A_327 = arith.constant 208 : index
        %parallel_loop3A_328 = tpu.vector_load %arg11[%parallel_loop3A_326, %parallel_loop3A_327] {strides = array<i32>} : memref<16x1024xf32, #tpu.memory_space<vmem>>, vector<1x16xf32>,
        %parallel_loop3A_329 = vector.shape_cast %parallel_loop3A_328 : vector<1x16xf32> to vector<16xf32>
        %parallel_loop3A_330 = vector.shape_cast %parallel_loop3A_325 : vector<16xf32> to vector<1x16xf32>
        tpu.vector_store %arg11[%parallel_loop3A_326, %parallel_loop3A_327], %parallel_loop3A_330 {strides = array<i32>} : memref<16x1024xf32, #tpu.memory_space<vmem>>, vector<1x16xf32>,
        %parallel_loop3A_331 = arith.index_cast %parallel_loop3A_162 : i32 to index
        %parallel_loop3A_332 = arith.constant 224 : index
        %parallel_loop3A_333 = tpu.vector_load %arg7[%parallel_loop3A_331, %parallel_loop3A_332] {strides = array<i32>} : memref<16x1024xf32, #tpu.memory_space<vmem>>, vector<1x16xf32>,
        %parallel_loop3A_334 = vector.shape_cast %parallel_loop3A_333 : vector<1x16xf32> to vector<16xf32>
        %parallel_loop3A_335 = arith.constant 3.200000e+01 : f32
        %parallel_loop3A_336 = vector.broadcast %parallel_loop3A_335 : f32 to vector<16xf32>
        %parallel_loop3A_337 = arith.mulf %parallel_loop3A_334, %parallel_loop3A_336 : vector<16xf32>
        %parallel_loop3A_338 = arith.index_cast %parallel_loop3A_162 : i32 to index
        %parallel_loop3A_339 = arith.constant 224 : index
        %parallel_loop3A_340 = tpu.vector_load %arg11[%parallel_loop3A_338, %parallel_loop3A_339] {strides = array<i32>} : memref<16x1024xf32, #tpu.memory_space<vmem>>, vector<1x16xf32>,
        %parallel_loop3A_341 = vector.shape_cast %parallel_loop3A_340 : vector<1x16xf32> to vector<16xf32>
        %parallel_loop3A_342 = vector.shape_cast %parallel_loop3A_337 : vector<16xf32> to vector<1x16xf32>
        tpu.vector_store %arg11[%parallel_loop3A_338, %parallel_loop3A_339], %parallel_loop3A_342 {strides = array<i32>} : memref<16x1024xf32, #tpu.memory_space<vmem>>, vector<1x16xf32>,
        %parallel_loop3A_343 = arith.index_cast %parallel_loop3A_162 : i32 to index
        %parallel_loop3A_344 = arith.constant 240 : index
        %parallel_loop3A_345 = tpu.vector_load %arg7[%parallel_loop3A_343, %parallel_loop3A_344] {strides = array<i32>} : memref<16x1024xf32, #tpu.memory_space<vmem>>, vector<1x16xf32>,
        %parallel_loop3A_346 = vector.shape_cast %parallel_loop3A_345 : vector<1x16xf32> to vector<16xf32>
        %parallel_loop3A_347 = arith.constant 3.200000e+01 : f32
        %parallel_loop3A_348 = vector.broadcast %parallel_loop3A_347 : f32 to vector<16xf32>
        %parallel_loop3A_349 = arith.mulf %parallel_loop3A_346, %parallel_loop3A_348 : vector<16xf32>
        %parallel_loop3A_350 = arith.index_cast %parallel_loop3A_162 : i32 to index
        %parallel_loop3A_351 = arith.constant 240 : index
        %parallel_loop3A_352 = tpu.vector_load %arg11[%parallel_loop3A_350, %parallel_loop3A_351] {strides = array<i32>} : memref<16x1024xf32, #tpu.memory_space<vmem>>, vector<1x16xf32>,
        %parallel_loop3A_353 = vector.shape_cast %parallel_loop3A_352 : vector<1x16xf32> to vector<16xf32>
        %parallel_loop3A_354 = vector.shape_cast %parallel_loop3A_349 : vector<16xf32> to vector<1x16xf32>
        tpu.vector_store %arg11[%parallel_loop3A_350, %parallel_loop3A_351], %parallel_loop3A_354 {strides = array<i32>} : memref<16x1024xf32, #tpu.memory_space<vmem>>, vector<1x16xf32>,
        %parallel_loop3A_355 = arith.index_cast %parallel_loop3A_162 : i32 to index
        %parallel_loop3A_356 = arith.constant 256 : index
        %parallel_loop3A_357 = tpu.vector_load %arg7[%parallel_loop3A_355, %parallel_loop3A_356] {strides = array<i32>} : memref<16x1024xf32, #tpu.memory_space<vmem>>, vector<1x16xf32>,
        %parallel_loop3A_358 = vector.shape_cast %parallel_loop3A_357 : vector<1x16xf32> to vector<16xf32>
        %parallel_loop3A_359 = arith.constant 3.200000e+01 : f32
        %parallel_loop3A_360 = vector.broadcast %parallel_loop3A_359 : f32 to vector<16xf32>
        %parallel_loop3A_361 = arith.mulf %parallel_loop3A_358, %parallel_loop3A_360 : vector<16xf32>
        %parallel_loop3A_362 = arith.index_cast %parallel_loop3A_162 : i32 to index
        %parallel_loop3A_363 = arith.constant 256 : index
        %parallel_loop3A_364 = tpu.vector_load %arg11[%parallel_loop3A_362, %parallel_loop3A_363] {strides = array<i32>} : memref<16x1024xf32, #tpu.memory_space<vmem>>, vector<1x16xf32>,
        %parallel_loop3A_365 = vector.shape_cast %parallel_loop3A_364 : vector<1x16xf32> to vector<16xf32>
        %parallel_loop3A_366 = vector.shape_cast %parallel_loop3A_361 : vector<16xf32> to vector<1x16xf32>
        tpu.vector_store %arg11[%parallel_loop3A_362, %parallel_loop3A_363], %parallel_loop3A_366 {strides = array<i32>} : memref<16x1024xf32, #tpu.memory_space<vmem>>, vector<1x16xf32>,
        %parallel_loop3A_367 = arith.index_cast %parallel_loop3A_162 : i32 to index
        %parallel_loop3A_368 = arith.constant 272 : index
        %parallel_loop3A_369 = tpu.vector_load %arg7[%parallel_loop3A_367, %parallel_loop3A_368] {strides = array<i32>} : memref<16x1024xf32, #tpu.memory_space<vmem>>, vector<1x16xf32>,
        %parallel_loop3A_370 = vector.shape_cast %parallel_loop3A_369 : vector<1x16xf32> to vector<16xf32>
        %parallel_loop3A_371 = arith.constant 3.200000e+01 : f32
        %parallel_loop3A_372 = vector.broadcast %parallel_loop3A_371 : f32 to vector<16xf32>
        %parallel_loop3A_373 = arith.mulf %parallel_loop3A_370, %parallel_loop3A_372 : vector<16xf32>
        %parallel_loop3A_374 = arith.index_cast %parallel_loop3A_162 : i32 to index
        %parallel_loop3A_375 = arith.constant 272 : index
        %parallel_loop3A_376 = tpu.vector_load %arg11[%parallel_loop3A_374, %parallel_loop3A_375] {strides = array<i32>} : memref<16x1024xf32, #tpu.memory_space<vmem>>, vector<1x16xf32>,
        %parallel_loop3A_377 = vector.shape_cast %parallel_loop3A_376 : vector<1x16xf32> to vector<16xf32>
        %parallel_loop3A_378 = vector.shape_cast %parallel_loop3A_373 : vector<16xf32> to vector<1x16xf32>
        tpu.vector_store %arg11[%parallel_loop3A_374, %parallel_loop3A_375], %parallel_loop3A_378 {strides = array<i32>} : memref<16x1024xf32, #tpu.memory_space<vmem>>, vector<1x16xf32>,
        %parallel_loop3A_379 = arith.index_cast %parallel_loop3A_162 : i32 to index
        %parallel_loop3A_380 = arith.constant 288 : index
        %parallel_loop3A_381 = tpu.vector_load %arg7[%parallel_loop3A_379, %parallel_loop3A_380] {strides = array<i32>} : memref<16x1024xf32, #tpu.memory_space<vmem>>, vector<1x16xf32>,
        %parallel_loop3A_382 = vector.shape_cast %parallel_loop3A_381 : vector<1x16xf32> to vector<16xf32>
        %parallel_loop3A_383 = arith.constant 3.200000e+01 : f32
        %parallel_loop3A_384 = vector.broadcast %parallel_loop3A_383 : f32 to vector<16xf32>
        %parallel_loop3A_385 = arith.mulf %parallel_loop3A_382, %parallel_loop3A_384 : vector<16xf32>
        %parallel_loop3A_386 = arith.index_cast %parallel_loop3A_162 : i32 to index
        %parallel_loop3A_387 = arith.constant 288 : index
        %parallel_loop3A_388 = tpu.vector_load %arg11[%parallel_loop3A_386, %parallel_loop3A_387] {strides = array<i32>} : memref<16x1024xf32, #tpu.memory_space<vmem>>, vector<1x16xf32>,
        %parallel_loop3A_389 = vector.shape_cast %parallel_loop3A_388 : vector<1x16xf32> to vector<16xf32>
        %parallel_loop3A_390 = vector.shape_cast %parallel_loop3A_385 : vector<16xf32> to vector<1x16xf32>
        tpu.vector_store %arg11[%parallel_loop3A_386, %parallel_loop3A_387], %parallel_loop3A_390 {strides = array<i32>} : memref<16x1024xf32, #tpu.memory_space<vmem>>, vector<1x16xf32>,
        %parallel_loop3A_391 = arith.index_cast %parallel_loop3A_162 : i32 to index
        %parallel_loop3A_392 = arith.constant 304 : index
        %parallel_loop3A_393 = tpu.vector_load %arg7[%parallel_loop3A_391, %parallel_loop3A_392] {strides = array<i32>} : memref<16x1024xf32, #tpu.memory_space<vmem>>, vector<1x16xf32>,
        %parallel_loop3A_394 = vector.shape_cast %parallel_loop3A_393 : vector<1x16xf32> to vector<16xf32>
        %parallel_loop3A_395 = arith.constant 3.200000e+01 : f32
        %parallel_loop3A_396 = vector.broadcast %parallel_loop3A_395 : f32 to vector<16xf32>
        %parallel_loop3A_397 = arith.mulf %parallel_loop3A_394, %parallel_loop3A_396 : vector<16xf32>
        %parallel_loop3A_398 = arith.index_cast %parallel_loop3A_162 : i32 to index
        %parallel_loop3A_399 = arith.constant 304 : index
        %parallel_loop3A_400 = tpu.vector_load %arg11[%parallel_loop3A_398, %parallel_loop3A_399] {strides = array<i32>} : memref<16x1024xf32, #tpu.memory_space<vmem>>, vector<1x16xf32>,
        %parallel_loop3A_401 = vector.shape_cast %parallel_loop3A_400 : vector<1x16xf32> to vector<16xf32>
        %parallel_loop3A_402 = vector.shape_cast %parallel_loop3A_397 : vector<16xf32> to vector<1x16xf32>
        tpu.vector_store %arg11[%parallel_loop3A_398, %parallel_loop3A_399], %parallel_loop3A_402 {strides = array<i32>} : memref<16x1024xf32, #tpu.memory_space<vmem>>, vector<1x16xf32>,
        %parallel_loop3A_403 = arith.index_cast %parallel_loop3A_162 : i32 to index
        %parallel_loop3A_404 = arith.constant 320 : index
        %parallel_loop3A_405 = tpu.vector_load %arg7[%parallel_loop3A_403, %parallel_loop3A_404] {strides = array<i32>} : memref<16x1024xf32, #tpu.memory_space<vmem>>, vector<1x16xf32>,
        %parallel_loop3A_406 = vector.shape_cast %parallel_loop3A_405 : vector<1x16xf32> to vector<16xf32>
        %parallel_loop3A_407 = arith.constant 3.200000e+01 : f32
        %parallel_loop3A_408 = vector.broadcast %parallel_loop3A_407 : f32 to vector<16xf32>
        %parallel_loop3A_409 = arith.mulf %parallel_loop3A_406, %parallel_loop3A_408 : vector<16xf32>
        %parallel_loop3A_410 = arith.index_cast %parallel_loop3A_162 : i32 to index
        %parallel_loop3A_411 = arith.constant 320 : index
        %parallel_loop3A_412 = tpu.vector_load %arg11[%parallel_loop3A_410, %parallel_loop3A_411] {strides = array<i32>} : memref<16x1024xf32, #tpu.memory_space<vmem>>, vector<1x16xf32>,
        %parallel_loop3A_413 = vector.shape_cast %parallel_loop3A_412 : vector<1x16xf32> to vector<16xf32>
        %parallel_loop3A_414 = vector.shape_cast %parallel_loop3A_409 : vector<16xf32> to vector<1x16xf32>
        tpu.vector_store %arg11[%parallel_loop3A_410, %parallel_loop3A_411], %parallel_loop3A_414 {strides = array<i32>} : memref<16x1024xf32, #tpu.memory_space<vmem>>, vector<1x16xf32>,
        %parallel_loop3A_415 = arith.index_cast %parallel_loop3A_162 : i32 to index
        %parallel_loop3A_416 = arith.constant 336 : index
        %parallel_loop3A_417 = tpu.vector_load %arg7[%parallel_loop3A_415, %parallel_loop3A_416] {strides = array<i32>} : memref<16x1024xf32, #tpu.memory_space<vmem>>, vector<1x16xf32>,
        %parallel_loop3A_418 = vector.shape_cast %parallel_loop3A_417 : vector<1x16xf32> to vector<16xf32>
        %parallel_loop3A_419 = arith.constant 3.200000e+01 : f32
        %parallel_loop3A_420 = vector.broadcast %parallel_loop3A_419 : f32 to vector<16xf32>
        %parallel_loop3A_421 = arith.mulf %parallel_loop3A_418, %parallel_loop3A_420 : vector<16xf32>
        %parallel_loop3A_422 = arith.index_cast %parallel_loop3A_162 : i32 to index
        %parallel_loop3A_423 = arith.constant 336 : index
        %parallel_loop3A_424 = tpu.vector_load %arg11[%parallel_loop3A_422, %parallel_loop3A_423] {strides = array<i32>} : memref<16x1024xf32, #tpu.memory_space<vmem>>, vector<1x16xf32>,
        %parallel_loop3A_425 = vector.shape_cast %parallel_loop3A_424 : vector<1x16xf32> to vector<16xf32>
        %parallel_loop3A_426 = vector.shape_cast %parallel_loop3A_421 : vector<16xf32> to vector<1x16xf32>
        tpu.vector_store %arg11[%parallel_loop3A_422, %parallel_loop3A_423], %parallel_loop3A_426 {strides = array<i32>} : memref<16x1024xf32, #tpu.memory_space<vmem>>, vector<1x16xf32>,
        %parallel_loop3A_427 = arith.index_cast %parallel_loop3A_162 : i32 to index
        %parallel_loop3A_428 = arith.constant 352 : index
        %parallel_loop3A_429 = tpu.vector_load %arg7[%parallel_loop3A_427, %parallel_loop3A_428] {strides = array<i32>} : memref<16x1024xf32, #tpu.memory_space<vmem>>, vector<1x16xf32>,
        %parallel_loop3A_430 = vector.shape_cast %parallel_loop3A_429 : vector<1x16xf32> to vector<16xf32>
        %parallel_loop3A_431 = arith.constant 3.200000e+01 : f32
        %parallel_loop3A_432 = vector.broadcast %parallel_loop3A_431 : f32 to vector<16xf32>
        %parallel_loop3A_433 = arith.mulf %parallel_loop3A_430, %parallel_loop3A_432 : vector<16xf32>
        %parallel_loop3A_434 = arith.index_cast %parallel_loop3A_162 : i32 to index
        %parallel_loop3A_435 = arith.constant 352 : index
        %parallel_loop3A_436 = tpu.vector_load %arg11[%parallel_loop3A_434, %parallel_loop3A_435] {strides = array<i32>} : memref<16x1024xf32, #tpu.memory_space<vmem>>, vector<1x16xf32>,
        %parallel_loop3A_437 = vector.shape_cast %parallel_loop3A_436 : vector<1x16xf32> to vector<16xf32>
        %parallel_loop3A_438 = vector.shape_cast %parallel_loop3A_433 : vector<16xf32> to vector<1x16xf32>
        tpu.vector_store %arg11[%parallel_loop3A_434, %parallel_loop3A_435], %parallel_loop3A_438 {strides = array<i32>} : memref<16x1024xf32, #tpu.memory_space<vmem>>, vector<1x16xf32>,
        %parallel_loop3A_439 = arith.index_cast %parallel_loop3A_162 : i32 to index
        %parallel_loop3A_440 = arith.constant 368 : index
        %parallel_loop3A_441 = tpu.vector_load %arg7[%parallel_loop3A_439, %parallel_loop3A_440] {strides = array<i32>} : memref<16x1024xf32, #tpu.memory_space<vmem>>, vector<1x16xf32>,
        %parallel_loop3A_442 = vector.shape_cast %parallel_loop3A_441 : vector<1x16xf32> to vector<16xf32>
        %parallel_loop3A_443 = arith.constant 3.200000e+01 : f32
        %parallel_loop3A_444 = vector.broadcast %parallel_loop3A_443 : f32 to vector<16xf32>
        %parallel_loop3A_445 = arith.mulf %parallel_loop3A_442, %parallel_loop3A_444 : vector<16xf32>
        %parallel_loop3A_446 = arith.index_cast %parallel_loop3A_162 : i32 to index
        %parallel_loop3A_447 = arith.constant 368 : index
        %parallel_loop3A_448 = tpu.vector_load %arg11[%parallel_loop3A_446, %parallel_loop3A_447] {strides = array<i32>} : memref<16x1024xf32, #tpu.memory_space<vmem>>, vector<1x16xf32>,
        %parallel_loop3A_449 = vector.shape_cast %parallel_loop3A_448 : vector<1x16xf32> to vector<16xf32>
        %parallel_loop3A_450 = vector.shape_cast %parallel_loop3A_445 : vector<16xf32> to vector<1x16xf32>
        tpu.vector_store %arg11[%parallel_loop3A_446, %parallel_loop3A_447], %parallel_loop3A_450 {strides = array<i32>} : memref<16x1024xf32, #tpu.memory_space<vmem>>, vector<1x16xf32>,
        %parallel_loop3A_451 = arith.index_cast %parallel_loop3A_162 : i32 to index
        %parallel_loop3A_452 = arith.constant 384 : index
        %parallel_loop3A_453 = tpu.vector_load %arg7[%parallel_loop3A_451, %parallel_loop3A_452] {strides = array<i32>} : memref<16x1024xf32, #tpu.memory_space<vmem>>, vector<1x16xf32>,
        %parallel_loop3A_454 = vector.shape_cast %parallel_loop3A_453 : vector<1x16xf32> to vector<16xf32>
        %parallel_loop3A_455 = arith.constant 3.200000e+01 : f32
        %parallel_loop3A_456 = vector.broadcast %parallel_loop3A_455 : f32 to vector<16xf32>
        %parallel_loop3A_457 = arith.mulf %parallel_loop3A_454, %parallel_loop3A_456 : vector<16xf32>
        %parallel_loop3A_458 = arith.index_cast %parallel_loop3A_162 : i32 to index
        %parallel_loop3A_459 = arith.constant 384 : index
        %parallel_loop3A_460 = tpu.vector_load %arg11[%parallel_loop3A_458, %parallel_loop3A_459] {strides = array<i32>} : memref<16x1024xf32, #tpu.memory_space<vmem>>, vector<1x16xf32>,
        %parallel_loop3A_461 = vector.shape_cast %parallel_loop3A_460 : vector<1x16xf32> to vector<16xf32>
        %parallel_loop3A_462 = vector.shape_cast %parallel_loop3A_457 : vector<16xf32> to vector<1x16xf32>
        tpu.vector_store %arg11[%parallel_loop3A_458, %parallel_loop3A_459], %parallel_loop3A_462 {strides = array<i32>} : memref<16x1024xf32, #tpu.memory_space<vmem>>, vector<1x16xf32>,
        %parallel_loop3A_463 = arith.index_cast %parallel_loop3A_162 : i32 to index
        %parallel_loop3A_464 = arith.constant 400 : index
        %parallel_loop3A_465 = tpu.vector_load %arg7[%parallel_loop3A_463, %parallel_loop3A_464] {strides = array<i32>} : memref<16x1024xf32, #tpu.memory_space<vmem>>, vector<1x16xf32>,
        %parallel_loop3A_466 = vector.shape_cast %parallel_loop3A_465 : vector<1x16xf32> to vector<16xf32>
        %parallel_loop3A_467 = arith.constant 3.200000e+01 : f32
        %parallel_loop3A_468 = vector.broadcast %parallel_loop3A_467 : f32 to vector<16xf32>
        %parallel_loop3A_469 = arith.mulf %parallel_loop3A_466, %parallel_loop3A_468 : vector<16xf32>
        %parallel_loop3A_470 = arith.index_cast %parallel_loop3A_162 : i32 to index
        %parallel_loop3A_471 = arith.constant 400 : index
        %parallel_loop3A_472 = tpu.vector_load %arg11[%parallel_loop3A_470, %parallel_loop3A_471] {strides = array<i32>} : memref<16x1024xf32, #tpu.memory_space<vmem>>, vector<1x16xf32>,
        %parallel_loop3A_473 = vector.shape_cast %parallel_loop3A_472 : vector<1x16xf32> to vector<16xf32>
        %parallel_loop3A_474 = vector.shape_cast %parallel_loop3A_469 : vector<16xf32> to vector<1x16xf32>
        tpu.vector_store %arg11[%parallel_loop3A_470, %parallel_loop3A_471], %parallel_loop3A_474 {strides = array<i32>} : memref<16x1024xf32, #tpu.memory_space<vmem>>, vector<1x16xf32>,
        %parallel_loop3A_475 = arith.index_cast %parallel_loop3A_162 : i32 to index
        %parallel_loop3A_476 = arith.constant 416 : index
        %parallel_loop3A_477 = tpu.vector_load %arg7[%parallel_loop3A_475, %parallel_loop3A_476] {strides = array<i32>} : memref<16x1024xf32, #tpu.memory_space<vmem>>, vector<1x16xf32>,
        %parallel_loop3A_478 = vector.shape_cast %parallel_loop3A_477 : vector<1x16xf32> to vector<16xf32>
        %parallel_loop3A_479 = arith.constant 3.200000e+01 : f32
        %parallel_loop3A_480 = vector.broadcast %parallel_loop3A_479 : f32 to vector<16xf32>
        %parallel_loop3A_481 = arith.mulf %parallel_loop3A_478, %parallel_loop3A_480 : vector<16xf32>
        %parallel_loop3A_482 = arith.index_cast %parallel_loop3A_162 : i32 to index
        %parallel_loop3A_483 = arith.constant 416 : index
        %parallel_loop3A_484 = tpu.vector_load %arg11[%parallel_loop3A_482, %parallel_loop3A_483] {strides = array<i32>} : memref<16x1024xf32, #tpu.memory_space<vmem>>, vector<1x16xf32>,
        %parallel_loop3A_485 = vector.shape_cast %parallel_loop3A_484 : vector<1x16xf32> to vector<16xf32>
        %parallel_loop3A_486 = vector.shape_cast %parallel_loop3A_481 : vector<16xf32> to vector<1x16xf32>
        tpu.vector_store %arg11[%parallel_loop3A_482, %parallel_loop3A_483], %parallel_loop3A_486 {strides = array<i32>} : memref<16x1024xf32, #tpu.memory_space<vmem>>, vector<1x16xf32>,
        %parallel_loop3A_487 = arith.index_cast %parallel_loop3A_162 : i32 to index
        %parallel_loop3A_488 = arith.constant 432 : index
        %parallel_loop3A_489 = tpu.vector_load %arg7[%parallel_loop3A_487, %parallel_loop3A_488] {strides = array<i32>} : memref<16x1024xf32, #tpu.memory_space<vmem>>, vector<1x16xf32>,
        %parallel_loop3A_490 = vector.shape_cast %parallel_loop3A_489 : vector<1x16xf32> to vector<16xf32>
        %parallel_loop3A_491 = arith.constant 3.200000e+01 : f32
        %parallel_loop3A_492 = vector.broadcast %parallel_loop3A_491 : f32 to vector<16xf32>
        %parallel_loop3A_493 = arith.mulf %parallel_loop3A_490, %parallel_loop3A_492 : vector<16xf32>
        %parallel_loop3A_494 = arith.index_cast %parallel_loop3A_162 : i32 to index
        %parallel_loop3A_495 = arith.constant 432 : index
        %parallel_loop3A_496 = tpu.vector_load %arg11[%parallel_loop3A_494, %parallel_loop3A_495] {strides = array<i32>} : memref<16x1024xf32, #tpu.memory_space<vmem>>, vector<1x16xf32>,
        %parallel_loop3A_497 = vector.shape_cast %parallel_loop3A_496 : vector<1x16xf32> to vector<16xf32>
        %parallel_loop3A_498 = vector.shape_cast %parallel_loop3A_493 : vector<16xf32> to vector<1x16xf32>
        tpu.vector_store %arg11[%parallel_loop3A_494, %parallel_loop3A_495], %parallel_loop3A_498 {strides = array<i32>} : memref<16x1024xf32, #tpu.memory_space<vmem>>, vector<1x16xf32>,
        %parallel_loop3A_499 = arith.index_cast %parallel_loop3A_162 : i32 to index
        %parallel_loop3A_500 = arith.constant 448 : index
        %parallel_loop3A_501 = tpu.vector_load %arg7[%parallel_loop3A_499, %parallel_loop3A_500] {strides = array<i32>} : memref<16x1024xf32, #tpu.memory_space<vmem>>, vector<1x16xf32>,
        %parallel_loop3A_502 = vector.shape_cast %parallel_loop3A_501 : vector<1x16xf32> to vector<16xf32>
        %parallel_loop3A_503 = arith.constant 3.200000e+01 : f32
        %parallel_loop3A_504 = vector.broadcast %parallel_loop3A_503 : f32 to vector<16xf32>
        %parallel_loop3A_505 = arith.mulf %parallel_loop3A_502, %parallel_loop3A_504 : vector<16xf32>
        %parallel_loop3A_506 = arith.index_cast %parallel_loop3A_162 : i32 to index
        %parallel_loop3A_507 = arith.constant 448 : index
        %parallel_loop3A_508 = tpu.vector_load %arg11[%parallel_loop3A_506, %parallel_loop3A_507] {strides = array<i32>} : memref<16x1024xf32, #tpu.memory_space<vmem>>, vector<1x16xf32>,
        %parallel_loop3A_509 = vector.shape_cast %parallel_loop3A_508 : vector<1x16xf32> to vector<16xf32>
        %parallel_loop3A_510 = vector.shape_cast %parallel_loop3A_505 : vector<16xf32> to vector<1x16xf32>
        tpu.vector_store %arg11[%parallel_loop3A_506, %parallel_loop3A_507], %parallel_loop3A_510 {strides = array<i32>} : memref<16x1024xf32, #tpu.memory_space<vmem>>, vector<1x16xf32>,
        %parallel_loop3A_511 = arith.index_cast %parallel_loop3A_162 : i32 to index
        %parallel_loop3A_512 = arith.constant 464 : index
        %parallel_loop3A_513 = tpu.vector_load %arg7[%parallel_loop3A_511, %parallel_loop3A_512] {strides = array<i32>} : memref<16x1024xf32, #tpu.memory_space<vmem>>, vector<1x16xf32>,
        %parallel_loop3A_514 = vector.shape_cast %parallel_loop3A_513 : vector<1x16xf32> to vector<16xf32>
        %parallel_loop3A_515 = arith.constant 3.200000e+01 : f32
        %parallel_loop3A_516 = vector.broadcast %parallel_loop3A_515 : f32 to vector<16xf32>
        %parallel_loop3A_517 = arith.mulf %parallel_loop3A_514, %parallel_loop3A_516 : vector<16xf32>
        %parallel_loop3A_518 = arith.index_cast %parallel_loop3A_162 : i32 to index
        %parallel_loop3A_519 = arith.constant 464 : index
        %parallel_loop3A_520 = tpu.vector_load %arg11[%parallel_loop3A_518, %parallel_loop3A_519] {strides = array<i32>} : memref<16x1024xf32, #tpu.memory_space<vmem>>, vector<1x16xf32>,
        %parallel_loop3A_521 = vector.shape_cast %parallel_loop3A_520 : vector<1x16xf32> to vector<16xf32>
        %parallel_loop3A_522 = vector.shape_cast %parallel_loop3A_517 : vector<16xf32> to vector<1x16xf32>
        tpu.vector_store %arg11[%parallel_loop3A_518, %parallel_loop3A_519], %parallel_loop3A_522 {strides = array<i32>} : memref<16x1024xf32, #tpu.memory_space<vmem>>, vector<1x16xf32>,
        %parallel_loop3A_523 = arith.index_cast %parallel_loop3A_162 : i32 to index
        %parallel_loop3A_524 = arith.constant 480 : index
        %parallel_loop3A_525 = tpu.vector_load %arg7[%parallel_loop3A_523, %parallel_loop3A_524] {strides = array<i32>} : memref<16x1024xf32, #tpu.memory_space<vmem>>, vector<1x16xf32>,
        %parallel_loop3A_526 = vector.shape_cast %parallel_loop3A_525 : vector<1x16xf32> to vector<16xf32>
        %parallel_loop3A_527 = arith.constant 3.200000e+01 : f32
        %parallel_loop3A_528 = vector.broadcast %parallel_loop3A_527 : f32 to vector<16xf32>
        %parallel_loop3A_529 = arith.mulf %parallel_loop3A_526, %parallel_loop3A_528 : vector<16xf32>
        %parallel_loop3A_530 = arith.index_cast %parallel_loop3A_162 : i32 to index
        %parallel_loop3A_531 = arith.constant 480 : index
        %parallel_loop3A_532 = tpu.vector_load %arg11[%parallel_loop3A_530, %parallel_loop3A_531] {strides = array<i32>} : memref<16x1024xf32, #tpu.memory_space<vmem>>, vector<1x16xf32>,
        %parallel_loop3A_533 = vector.shape_cast %parallel_loop3A_532 : vector<1x16xf32> to vector<16xf32>
        %parallel_loop3A_534 = vector.shape_cast %parallel_loop3A_529 : vector<16xf32> to vector<1x16xf32>
        tpu.vector_store %arg11[%parallel_loop3A_530, %parallel_loop3A_531], %parallel_loop3A_534 {strides = array<i32>} : memref<16x1024xf32, #tpu.memory_space<vmem>>, vector<1x16xf32>,
        %parallel_loop3A_535 = arith.index_cast %parallel_loop3A_162 : i32 to index
        %parallel_loop3A_536 = arith.constant 496 : index
        %parallel_loop3A_537 = tpu.vector_load %arg7[%parallel_loop3A_535, %parallel_loop3A_536] {strides = array<i32>} : memref<16x1024xf32, #tpu.memory_space<vmem>>, vector<1x16xf32>,
        %parallel_loop3A_538 = vector.shape_cast %parallel_loop3A_537 : vector<1x16xf32> to vector<16xf32>
        %parallel_loop3A_539 = arith.constant 3.200000e+01 : f32
        %parallel_loop3A_540 = vector.broadcast %parallel_loop3A_539 : f32 to vector<16xf32>
        %parallel_loop3A_541 = arith.mulf %parallel_loop3A_538, %parallel_loop3A_540 : vector<16xf32>
        %parallel_loop3A_542 = arith.index_cast %parallel_loop3A_162 : i32 to index
        %parallel_loop3A_543 = arith.constant 496 : index
        %parallel_loop3A_544 = tpu.vector_load %arg11[%parallel_loop3A_542, %parallel_loop3A_543] {strides = array<i32>} : memref<16x1024xf32, #tpu.memory_space<vmem>>, vector<1x16xf32>,
        %parallel_loop3A_545 = vector.shape_cast %parallel_loop3A_544 : vector<1x16xf32> to vector<16xf32>
        %parallel_loop3A_546 = vector.shape_cast %parallel_loop3A_541 : vector<16xf32> to vector<1x16xf32>
        tpu.vector_store %arg11[%parallel_loop3A_542, %parallel_loop3A_543], %parallel_loop3A_546 {strides = array<i32>} : memref<16x1024xf32, #tpu.memory_space<vmem>>, vector<1x16xf32>,
        %parallel_loop3A_547 = arith.index_cast %parallel_loop3A_162 : i32 to index
        %parallel_loop3A_548 = arith.constant 512 : index
        %parallel_loop3A_549 = tpu.vector_load %arg7[%parallel_loop3A_547, %parallel_loop3A_548] {strides = array<i32>} : memref<16x1024xf32, #tpu.memory_space<vmem>>, vector<1x16xf32>,
        %parallel_loop3A_550 = vector.shape_cast %parallel_loop3A_549 : vector<1x16xf32> to vector<16xf32>
        %parallel_loop3A_551 = arith.constant 3.200000e+01 : f32
        %parallel_loop3A_552 = vector.broadcast %parallel_loop3A_551 : f32 to vector<16xf32>
        %parallel_loop3A_553 = arith.mulf %parallel_loop3A_550, %parallel_loop3A_552 : vector<16xf32>
        %parallel_loop3A_554 = arith.index_cast %parallel_loop3A_162 : i32 to index
        %parallel_loop3A_555 = arith.constant 512 : index
        %parallel_loop3A_556 = tpu.vector_load %arg11[%parallel_loop3A_554, %parallel_loop3A_555] {strides = array<i32>} : memref<16x1024xf32, #tpu.memory_space<vmem>>, vector<1x16xf32>,
        %parallel_loop3A_557 = vector.shape_cast %parallel_loop3A_556 : vector<1x16xf32> to vector<16xf32>
        %parallel_loop3A_558 = vector.shape_cast %parallel_loop3A_553 : vector<16xf32> to vector<1x16xf32>
        tpu.vector_store %arg11[%parallel_loop3A_554, %parallel_loop3A_555], %parallel_loop3A_558 {strides = array<i32>} : memref<16x1024xf32, #tpu.memory_space<vmem>>, vector<1x16xf32>,
        %parallel_loop3A_559 = arith.index_cast %parallel_loop3A_162 : i32 to index
        %parallel_loop3A_560 = arith.constant 528 : index
        %parallel_loop3A_561 = tpu.vector_load %arg7[%parallel_loop3A_559, %parallel_loop3A_560] {strides = array<i32>} : memref<16x1024xf32, #tpu.memory_space<vmem>>, vector<1x16xf32>,
        %parallel_loop3A_562 = vector.shape_cast %parallel_loop3A_561 : vector<1x16xf32> to vector<16xf32>
        %parallel_loop3A_563 = arith.constant 3.200000e+01 : f32
        %parallel_loop3A_564 = vector.broadcast %parallel_loop3A_563 : f32 to vector<16xf32>
        %parallel_loop3A_565 = arith.mulf %parallel_loop3A_562, %parallel_loop3A_564 : vector<16xf32>
        %parallel_loop3A_566 = arith.index_cast %parallel_loop3A_162 : i32 to index
        %parallel_loop3A_567 = arith.constant 528 : index
        %parallel_loop3A_568 = tpu.vector_load %arg11[%parallel_loop3A_566, %parallel_loop3A_567] {strides = array<i32>} : memref<16x1024xf32, #tpu.memory_space<vmem>>, vector<1x16xf32>,
        %parallel_loop3A_569 = vector.shape_cast %parallel_loop3A_568 : vector<1x16xf32> to vector<16xf32>
        %parallel_loop3A_570 = vector.shape_cast %parallel_loop3A_565 : vector<16xf32> to vector<1x16xf32>
        tpu.vector_store %arg11[%parallel_loop3A_566, %parallel_loop3A_567], %parallel_loop3A_570 {strides = array<i32>} : memref<16x1024xf32, #tpu.memory_space<vmem>>, vector<1x16xf32>,
        %parallel_loop3A_571 = arith.index_cast %parallel_loop3A_162 : i32 to index
        %parallel_loop3A_572 = arith.constant 544 : index
        %parallel_loop3A_573 = tpu.vector_load %arg7[%parallel_loop3A_571, %parallel_loop3A_572] {strides = array<i32>} : memref<16x1024xf32, #tpu.memory_space<vmem>>, vector<1x16xf32>,
        %parallel_loop3A_574 = vector.shape_cast %parallel_loop3A_573 : vector<1x16xf32> to vector<16xf32>
        %parallel_loop3A_575 = arith.constant 3.200000e+01 : f32
        %parallel_loop3A_576 = vector.broadcast %parallel_loop3A_575 : f32 to vector<16xf32>
        %parallel_loop3A_577 = arith.mulf %parallel_loop3A_574, %parallel_loop3A_576 : vector<16xf32>
        %parallel_loop3A_578 = arith.index_cast %parallel_loop3A_162 : i32 to index
        %parallel_loop3A_579 = arith.constant 544 : index
        %parallel_loop3A_580 = tpu.vector_load %arg11[%parallel_loop3A_578, %parallel_loop3A_579] {strides = array<i32>} : memref<16x1024xf32, #tpu.memory_space<vmem>>, vector<1x16xf32>,
        %parallel_loop3A_581 = vector.shape_cast %parallel_loop3A_580 : vector<1x16xf32> to vector<16xf32>
        %parallel_loop3A_582 = vector.shape_cast %parallel_loop3A_577 : vector<16xf32> to vector<1x16xf32>
        tpu.vector_store %arg11[%parallel_loop3A_578, %parallel_loop3A_579], %parallel_loop3A_582 {strides = array<i32>} : memref<16x1024xf32, #tpu.memory_space<vmem>>, vector<1x16xf32>,
        %parallel_loop3A_583 = arith.index_cast %parallel_loop3A_162 : i32 to index
        %parallel_loop3A_584 = arith.constant 560 : index
        %parallel_loop3A_585 = tpu.vector_load %arg7[%parallel_loop3A_583, %parallel_loop3A_584] {strides = array<i32>} : memref<16x1024xf32, #tpu.memory_space<vmem>>, vector<1x16xf32>,
        %parallel_loop3A_586 = vector.shape_cast %parallel_loop3A_585 : vector<1x16xf32> to vector<16xf32>
        %parallel_loop3A_587 = arith.constant 3.200000e+01 : f32
        %parallel_loop3A_588 = vector.broadcast %parallel_loop3A_587 : f32 to vector<16xf32>
        %parallel_loop3A_589 = arith.mulf %parallel_loop3A_586, %parallel_loop3A_588 : vector<16xf32>
        %parallel_loop3A_590 = arith.index_cast %parallel_loop3A_162 : i32 to index
        %parallel_loop3A_591 = arith.constant 560 : index
        %parallel_loop3A_592 = tpu.vector_load %arg11[%parallel_loop3A_590, %parallel_loop3A_591] {strides = array<i32>} : memref<16x1024xf32, #tpu.memory_space<vmem>>, vector<1x16xf32>,
        %parallel_loop3A_593 = vector.shape_cast %parallel_loop3A_592 : vector<1x16xf32> to vector<16xf32>
        %parallel_loop3A_594 = vector.shape_cast %parallel_loop3A_589 : vector<16xf32> to vector<1x16xf32>
        tpu.vector_store %arg11[%parallel_loop3A_590, %parallel_loop3A_591], %parallel_loop3A_594 {strides = array<i32>} : memref<16x1024xf32, #tpu.memory_space<vmem>>, vector<1x16xf32>,
        %parallel_loop3A_595 = arith.index_cast %parallel_loop3A_162 : i32 to index
        %parallel_loop3A_596 = arith.constant 576 : index
        %parallel_loop3A_597 = tpu.vector_load %arg7[%parallel_loop3A_595, %parallel_loop3A_596] {strides = array<i32>} : memref<16x1024xf32, #tpu.memory_space<vmem>>, vector<1x16xf32>,
        %parallel_loop3A_598 = vector.shape_cast %parallel_loop3A_597 : vector<1x16xf32> to vector<16xf32>
        %parallel_loop3A_599 = arith.constant 3.200000e+01 : f32
        %parallel_loop3A_600 = vector.broadcast %parallel_loop3A_599 : f32 to vector<16xf32>
        %parallel_loop3A_601 = arith.mulf %parallel_loop3A_598, %parallel_loop3A_600 : vector<16xf32>
        %parallel_loop3A_602 = arith.index_cast %parallel_loop3A_162 : i32 to index
        %parallel_loop3A_603 = arith.constant 576 : index
        %parallel_loop3A_604 = tpu.vector_load %arg11[%parallel_loop3A_602, %parallel_loop3A_603] {strides = array<i32>} : memref<16x1024xf32, #tpu.memory_space<vmem>>, vector<1x16xf32>,
        %parallel_loop3A_605 = vector.shape_cast %parallel_loop3A_604 : vector<1x16xf32> to vector<16xf32>
        %parallel_loop3A_606 = vector.shape_cast %parallel_loop3A_601 : vector<16xf32> to vector<1x16xf32>
        tpu.vector_store %arg11[%parallel_loop3A_602, %parallel_loop3A_603], %parallel_loop3A_606 {strides = array<i32>} : memref<16x1024xf32, #tpu.memory_space<vmem>>, vector<1x16xf32>,
        %parallel_loop3A_607 = arith.index_cast %parallel_loop3A_162 : i32 to index
        %parallel_loop3A_608 = arith.constant 592 : index
        %parallel_loop3A_609 = tpu.vector_load %arg7[%parallel_loop3A_607, %parallel_loop3A_608] {strides = array<i32>} : memref<16x1024xf32, #tpu.memory_space<vmem>>, vector<1x16xf32>,
        %parallel_loop3A_610 = vector.shape_cast %parallel_loop3A_609 : vector<1x16xf32> to vector<16xf32>
        %parallel_loop3A_611 = arith.constant 3.200000e+01 : f32
        %parallel_loop3A_612 = vector.broadcast %parallel_loop3A_611 : f32 to vector<16xf32>
        %parallel_loop3A_613 = arith.mulf %parallel_loop3A_610, %parallel_loop3A_612 : vector<16xf32>
        %parallel_loop3A_614 = arith.index_cast %parallel_loop3A_162 : i32 to index
        %parallel_loop3A_615 = arith.constant 592 : index
        %parallel_loop3A_616 = tpu.vector_load %arg11[%parallel_loop3A_614, %parallel_loop3A_615] {strides = array<i32>} : memref<16x1024xf32, #tpu.memory_space<vmem>>, vector<1x16xf32>,
        %parallel_loop3A_617 = vector.shape_cast %parallel_loop3A_616 : vector<1x16xf32> to vector<16xf32>
        %parallel_loop3A_618 = vector.shape_cast %parallel_loop3A_613 : vector<16xf32> to vector<1x16xf32>
        tpu.vector_store %arg11[%parallel_loop3A_614, %parallel_loop3A_615], %parallel_loop3A_618 {strides = array<i32>} : memref<16x1024xf32, #tpu.memory_space<vmem>>, vector<1x16xf32>,
        %parallel_loop3A_619 = arith.index_cast %parallel_loop3A_162 : i32 to index
        %parallel_loop3A_620 = arith.constant 608 : index
        %parallel_loop3A_621 = tpu.vector_load %arg7[%parallel_loop3A_619, %parallel_loop3A_620] {strides = array<i32>} : memref<16x1024xf32, #tpu.memory_space<vmem>>, vector<1x16xf32>,
        %parallel_loop3A_622 = vector.shape_cast %parallel_loop3A_621 : vector<1x16xf32> to vector<16xf32>
        %parallel_loop3A_623 = arith.constant 3.200000e+01 : f32
        %parallel_loop3A_624 = vector.broadcast %parallel_loop3A_623 : f32 to vector<16xf32>
        %parallel_loop3A_625 = arith.mulf %parallel_loop3A_622, %parallel_loop3A_624 : vector<16xf32>
        %parallel_loop3A_626 = arith.index_cast %parallel_loop3A_162 : i32 to index
        %parallel_loop3A_627 = arith.constant 608 : index
        %parallel_loop3A_628 = tpu.vector_load %arg11[%parallel_loop3A_626, %parallel_loop3A_627] {strides = array<i32>} : memref<16x1024xf32, #tpu.memory_space<vmem>>, vector<1x16xf32>,
        %parallel_loop3A_629 = vector.shape_cast %parallel_loop3A_628 : vector<1x16xf32> to vector<16xf32>
        %parallel_loop3A_630 = vector.shape_cast %parallel_loop3A_625 : vector<16xf32> to vector<1x16xf32>
        tpu.vector_store %arg11[%parallel_loop3A_626, %parallel_loop3A_627], %parallel_loop3A_630 {strides = array<i32>} : memref<16x1024xf32, #tpu.memory_space<vmem>>, vector<1x16xf32>,
        %parallel_loop3A_631 = arith.index_cast %parallel_loop3A_162 : i32 to index
        %parallel_loop3A_632 = arith.constant 624 : index
        %parallel_loop3A_633 = tpu.vector_load %arg7[%parallel_loop3A_631, %parallel_loop3A_632] {strides = array<i32>} : memref<16x1024xf32, #tpu.memory_space<vmem>>, vector<1x16xf32>,
        %parallel_loop3A_634 = vector.shape_cast %parallel_loop3A_633 : vector<1x16xf32> to vector<16xf32>
        %parallel_loop3A_635 = arith.constant 3.200000e+01 : f32
        %parallel_loop3A_636 = vector.broadcast %parallel_loop3A_635 : f32 to vector<16xf32>
        %parallel_loop3A_637 = arith.mulf %parallel_loop3A_634, %parallel_loop3A_636 : vector<16xf32>
        %parallel_loop3A_638 = arith.index_cast %parallel_loop3A_162 : i32 to index
        %parallel_loop3A_639 = arith.constant 624 : index
        %parallel_loop3A_640 = tpu.vector_load %arg11[%parallel_loop3A_638, %parallel_loop3A_639] {strides = array<i32>} : memref<16x1024xf32, #tpu.memory_space<vmem>>, vector<1x16xf32>,
        %parallel_loop3A_641 = vector.shape_cast %parallel_loop3A_640 : vector<1x16xf32> to vector<16xf32>
        %parallel_loop3A_642 = vector.shape_cast %parallel_loop3A_637 : vector<16xf32> to vector<1x16xf32>
        tpu.vector_store %arg11[%parallel_loop3A_638, %parallel_loop3A_639], %parallel_loop3A_642 {strides = array<i32>} : memref<16x1024xf32, #tpu.memory_space<vmem>>, vector<1x16xf32>,
        %parallel_loop3A_643 = arith.index_cast %parallel_loop3A_162 : i32 to index
        %parallel_loop3A_644 = arith.constant 640 : index
        %parallel_loop3A_645 = tpu.vector_load %arg7[%parallel_loop3A_643, %parallel_loop3A_644] {strides = array<i32>} : memref<16x1024xf32, #tpu.memory_space<vmem>>, vector<1x16xf32>,
        %parallel_loop3A_646 = vector.shape_cast %parallel_loop3A_645 : vector<1x16xf32> to vector<16xf32>
        %parallel_loop3A_647 = arith.constant 3.200000e+01 : f32
        %parallel_loop3A_648 = vector.broadcast %parallel_loop3A_647 : f32 to vector<16xf32>
        %parallel_loop3A_649 = arith.mulf %parallel_loop3A_646, %parallel_loop3A_648 : vector<16xf32>
        %parallel_loop3A_650 = arith.index_cast %parallel_loop3A_162 : i32 to index
        %parallel_loop3A_651 = arith.constant 640 : index
        %parallel_loop3A_652 = tpu.vector_load %arg11[%parallel_loop3A_650, %parallel_loop3A_651] {strides = array<i32>} : memref<16x1024xf32, #tpu.memory_space<vmem>>, vector<1x16xf32>,
        %parallel_loop3A_653 = vector.shape_cast %parallel_loop3A_652 : vector<1x16xf32> to vector<16xf32>
        %parallel_loop3A_654 = vector.shape_cast %parallel_loop3A_649 : vector<16xf32> to vector<1x16xf32>
        tpu.vector_store %arg11[%parallel_loop3A_650, %parallel_loop3A_651], %parallel_loop3A_654 {strides = array<i32>} : memref<16x1024xf32, #tpu.memory_space<vmem>>, vector<1x16xf32>,
        %parallel_loop3A_655 = arith.index_cast %parallel_loop3A_162 : i32 to index
        %parallel_loop3A_656 = arith.constant 656 : index
        %parallel_loop3A_657 = tpu.vector_load %arg7[%parallel_loop3A_655, %parallel_loop3A_656] {strides = array<i32>} : memref<16x1024xf32, #tpu.memory_space<vmem>>, vector<1x16xf32>,
        %parallel_loop3A_658 = vector.shape_cast %parallel_loop3A_657 : vector<1x16xf32> to vector<16xf32>
        %parallel_loop3A_659 = arith.constant 3.200000e+01 : f32
        %parallel_loop3A_660 = vector.broadcast %parallel_loop3A_659 : f32 to vector<16xf32>
        %parallel_loop3A_661 = arith.mulf %parallel_loop3A_658, %parallel_loop3A_660 : vector<16xf32>
        %parallel_loop3A_662 = arith.index_cast %parallel_loop3A_162 : i32 to index
        %parallel_loop3A_663 = arith.constant 656 : index
        %parallel_loop3A_664 = tpu.vector_load %arg11[%parallel_loop3A_662, %parallel_loop3A_663] {strides = array<i32>} : memref<16x1024xf32, #tpu.memory_space<vmem>>, vector<1x16xf32>,
        %parallel_loop3A_665 = vector.shape_cast %parallel_loop3A_664 : vector<1x16xf32> to vector<16xf32>
        %parallel_loop3A_666 = vector.shape_cast %parallel_loop3A_661 : vector<16xf32> to vector<1x16xf32>
        tpu.vector_store %arg11[%parallel_loop3A_662, %parallel_loop3A_663], %parallel_loop3A_666 {strides = array<i32>} : memref<16x1024xf32, #tpu.memory_space<vmem>>, vector<1x16xf32>,
        %parallel_loop3A_667 = arith.index_cast %parallel_loop3A_162 : i32 to index
        %parallel_loop3A_668 = arith.constant 672 : index
        %parallel_loop3A_669 = tpu.vector_load %arg7[%parallel_loop3A_667, %parallel_loop3A_668] {strides = array<i32>} : memref<16x1024xf32, #tpu.memory_space<vmem>>, vector<1x16xf32>,
        %parallel_loop3A_670 = vector.shape_cast %parallel_loop3A_669 : vector<1x16xf32> to vector<16xf32>
        %parallel_loop3A_671 = arith.constant 3.200000e+01 : f32
        %parallel_loop3A_672 = vector.broadcast %parallel_loop3A_671 : f32 to vector<16xf32>
        %parallel_loop3A_673 = arith.mulf %parallel_loop3A_670, %parallel_loop3A_672 : vector<16xf32>
        %parallel_loop3A_674 = arith.index_cast %parallel_loop3A_162 : i32 to index
        %parallel_loop3A_675 = arith.constant 672 : index
        %parallel_loop3A_676 = tpu.vector_load %arg11[%parallel_loop3A_674, %parallel_loop3A_675] {strides = array<i32>} : memref<16x1024xf32, #tpu.memory_space<vmem>>, vector<1x16xf32>,
        %parallel_loop3A_677 = vector.shape_cast %parallel_loop3A_676 : vector<1x16xf32> to vector<16xf32>
        %parallel_loop3A_678 = vector.shape_cast %parallel_loop3A_673 : vector<16xf32> to vector<1x16xf32>
        tpu.vector_store %arg11[%parallel_loop3A_674, %parallel_loop3A_675], %parallel_loop3A_678 {strides = array<i32>} : memref<16x1024xf32, #tpu.memory_space<vmem>>, vector<1x16xf32>,
        %parallel_loop3A_679 = arith.index_cast %parallel_loop3A_162 : i32 to index
        %parallel_loop3A_680 = arith.constant 688 : index
        %parallel_loop3A_681 = tpu.vector_load %arg7[%parallel_loop3A_679, %parallel_loop3A_680] {strides = array<i32>} : memref<16x1024xf32, #tpu.memory_space<vmem>>, vector<1x16xf32>,
        %parallel_loop3A_682 = vector.shape_cast %parallel_loop3A_681 : vector<1x16xf32> to vector<16xf32>
        %parallel_loop3A_683 = arith.constant 3.200000e+01 : f32
        %parallel_loop3A_684 = vector.broadcast %parallel_loop3A_683 : f32 to vector<16xf32>
        %parallel_loop3A_685 = arith.mulf %parallel_loop3A_682, %parallel_loop3A_684 : vector<16xf32>
        %parallel_loop3A_686 = arith.index_cast %parallel_loop3A_162 : i32 to index
        %parallel_loop3A_687 = arith.constant 688 : index
        %parallel_loop3A_688 = tpu.vector_load %arg11[%parallel_loop3A_686, %parallel_loop3A_687] {strides = array<i32>} : memref<16x1024xf32, #tpu.memory_space<vmem>>, vector<1x16xf32>,
        %parallel_loop3A_689 = vector.shape_cast %parallel_loop3A_688 : vector<1x16xf32> to vector<16xf32>
        %parallel_loop3A_690 = vector.shape_cast %parallel_loop3A_685 : vector<16xf32> to vector<1x16xf32>
        tpu.vector_store %arg11[%parallel_loop3A_686, %parallel_loop3A_687], %parallel_loop3A_690 {strides = array<i32>} : memref<16x1024xf32, #tpu.memory_space<vmem>>, vector<1x16xf32>,
        %parallel_loop3A_691 = arith.index_cast %parallel_loop3A_162 : i32 to index
        %parallel_loop3A_692 = arith.constant 704 : index
        %parallel_loop3A_693 = tpu.vector_load %arg7[%parallel_loop3A_691, %parallel_loop3A_692] {strides = array<i32>} : memref<16x1024xf32, #tpu.memory_space<vmem>>, vector<1x16xf32>,
        %parallel_loop3A_694 = vector.shape_cast %parallel_loop3A_693 : vector<1x16xf32> to vector<16xf32>
        %parallel_loop3A_695 = arith.constant 3.200000e+01 : f32
        %parallel_loop3A_696 = vector.broadcast %parallel_loop3A_695 : f32 to vector<16xf32>
        %parallel_loop3A_697 = arith.mulf %parallel_loop3A_694, %parallel_loop3A_696 : vector<16xf32>
        %parallel_loop3A_698 = arith.index_cast %parallel_loop3A_162 : i32 to index
        %parallel_loop3A_699 = arith.constant 704 : index
        %parallel_loop3A_700 = tpu.vector_load %arg11[%parallel_loop3A_698, %parallel_loop3A_699] {strides = array<i32>} : memref<16x1024xf32, #tpu.memory_space<vmem>>, vector<1x16xf32>,
        %parallel_loop3A_701 = vector.shape_cast %parallel_loop3A_700 : vector<1x16xf32> to vector<16xf32>
        %parallel_loop3A_702 = vector.shape_cast %parallel_loop3A_697 : vector<16xf32> to vector<1x16xf32>
        tpu.vector_store %arg11[%parallel_loop3A_698, %parallel_loop3A_699], %parallel_loop3A_702 {strides = array<i32>} : memref<16x1024xf32, #tpu.memory_space<vmem>>, vector<1x16xf32>,
        %parallel_loop3A_703 = arith.index_cast %parallel_loop3A_162 : i32 to index
        %parallel_loop3A_704 = arith.constant 720 : index
        %parallel_loop3A_705 = tpu.vector_load %arg7[%parallel_loop3A_703, %parallel_loop3A_704] {strides = array<i32>} : memref<16x1024xf32, #tpu.memory_space<vmem>>, vector<1x16xf32>,
        %parallel_loop3A_706 = vector.shape_cast %parallel_loop3A_705 : vector<1x16xf32> to vector<16xf32>
        %parallel_loop3A_707 = arith.constant 3.200000e+01 : f32
        %parallel_loop3A_708 = vector.broadcast %parallel_loop3A_707 : f32 to vector<16xf32>
        %parallel_loop3A_709 = arith.mulf %parallel_loop3A_706, %parallel_loop3A_708 : vector<16xf32>
        %parallel_loop3A_710 = arith.index_cast %parallel_loop3A_162 : i32 to index
        %parallel_loop3A_711 = arith.constant 720 : index
        %parallel_loop3A_712 = tpu.vector_load %arg11[%parallel_loop3A_710, %parallel_loop3A_711] {strides = array<i32>} : memref<16x1024xf32, #tpu.memory_space<vmem>>, vector<1x16xf32>,
        %parallel_loop3A_713 = vector.shape_cast %parallel_loop3A_712 : vector<1x16xf32> to vector<16xf32>
        %parallel_loop3A_714 = vector.shape_cast %parallel_loop3A_709 : vector<16xf32> to vector<1x16xf32>
        tpu.vector_store %arg11[%parallel_loop3A_710, %parallel_loop3A_711], %parallel_loop3A_714 {strides = array<i32>} : memref<16x1024xf32, #tpu.memory_space<vmem>>, vector<1x16xf32>,
        %parallel_loop3A_715 = arith.index_cast %parallel_loop3A_162 : i32 to index
        %parallel_loop3A_716 = arith.constant 736 : index
        %parallel_loop3A_717 = tpu.vector_load %arg7[%parallel_loop3A_715, %parallel_loop3A_716] {strides = array<i32>} : memref<16x1024xf32, #tpu.memory_space<vmem>>, vector<1x16xf32>,
        %parallel_loop3A_718 = vector.shape_cast %parallel_loop3A_717 : vector<1x16xf32> to vector<16xf32>
        %parallel_loop3A_719 = arith.constant 3.200000e+01 : f32
        %parallel_loop3A_720 = vector.broadcast %parallel_loop3A_719 : f32 to vector<16xf32>
        %parallel_loop3A_721 = arith.mulf %parallel_loop3A_718, %parallel_loop3A_720 : vector<16xf32>
        %parallel_loop3A_722 = arith.index_cast %parallel_loop3A_162 : i32 to index
        %parallel_loop3A_723 = arith.constant 736 : index
        %parallel_loop3A_724 = tpu.vector_load %arg11[%parallel_loop3A_722, %parallel_loop3A_723] {strides = array<i32>} : memref<16x1024xf32, #tpu.memory_space<vmem>>, vector<1x16xf32>,
        %parallel_loop3A_725 = vector.shape_cast %parallel_loop3A_724 : vector<1x16xf32> to vector<16xf32>
        %parallel_loop3A_726 = vector.shape_cast %parallel_loop3A_721 : vector<16xf32> to vector<1x16xf32>
        tpu.vector_store %arg11[%parallel_loop3A_722, %parallel_loop3A_723], %parallel_loop3A_726 {strides = array<i32>} : memref<16x1024xf32, #tpu.memory_space<vmem>>, vector<1x16xf32>,
        %parallel_loop3A_727 = arith.index_cast %parallel_loop3A_162 : i32 to index
        %parallel_loop3A_728 = arith.constant 752 : index
        %parallel_loop3A_729 = tpu.vector_load %arg7[%parallel_loop3A_727, %parallel_loop3A_728] {strides = array<i32>} : memref<16x1024xf32, #tpu.memory_space<vmem>>, vector<1x16xf32>,
        %parallel_loop3A_730 = vector.shape_cast %parallel_loop3A_729 : vector<1x16xf32> to vector<16xf32>
        %parallel_loop3A_731 = arith.constant 3.200000e+01 : f32
        %parallel_loop3A_732 = vector.broadcast %parallel_loop3A_731 : f32 to vector<16xf32>
        %parallel_loop3A_733 = arith.mulf %parallel_loop3A_730, %parallel_loop3A_732 : vector<16xf32>
        %parallel_loop3A_734 = arith.index_cast %parallel_loop3A_162 : i32 to index
        %parallel_loop3A_735 = arith.constant 752 : index
        %parallel_loop3A_736 = tpu.vector_load %arg11[%parallel_loop3A_734, %parallel_loop3A_735] {strides = array<i32>} : memref<16x1024xf32, #tpu.memory_space<vmem>>, vector<1x16xf32>,
        %parallel_loop3A_737 = vector.shape_cast %parallel_loop3A_736 : vector<1x16xf32> to vector<16xf32>
        %parallel_loop3A_738 = vector.shape_cast %parallel_loop3A_733 : vector<16xf32> to vector<1x16xf32>
        tpu.vector_store %arg11[%parallel_loop3A_734, %parallel_loop3A_735], %parallel_loop3A_738 {strides = array<i32>} : memref<16x1024xf32, #tpu.memory_space<vmem>>, vector<1x16xf32>,
        %parallel_loop3A_739 = arith.index_cast %parallel_loop3A_162 : i32 to index
        %parallel_loop3A_740 = arith.constant 768 : index
        %parallel_loop3A_741 = tpu.vector_load %arg7[%parallel_loop3A_739, %parallel_loop3A_740] {strides = array<i32>} : memref<16x1024xf32, #tpu.memory_space<vmem>>, vector<1x16xf32>,
        %parallel_loop3A_742 = vector.shape_cast %parallel_loop3A_741 : vector<1x16xf32> to vector<16xf32>
        %parallel_loop3A_743 = arith.constant 3.200000e+01 : f32
        %parallel_loop3A_744 = vector.broadcast %parallel_loop3A_743 : f32 to vector<16xf32>
        %parallel_loop3A_745 = arith.mulf %parallel_loop3A_742, %parallel_loop3A_744 : vector<16xf32>
        %parallel_loop3A_746 = arith.index_cast %parallel_loop3A_162 : i32 to index
        %parallel_loop3A_747 = arith.constant 768 : index
        %parallel_loop3A_748 = tpu.vector_load %arg11[%parallel_loop3A_746, %parallel_loop3A_747] {strides = array<i32>} : memref<16x1024xf32, #tpu.memory_space<vmem>>, vector<1x16xf32>,
        %parallel_loop3A_749 = vector.shape_cast %parallel_loop3A_748 : vector<1x16xf32> to vector<16xf32>
        %parallel_loop3A_750 = vector.shape_cast %parallel_loop3A_745 : vector<16xf32> to vector<1x16xf32>
        tpu.vector_store %arg11[%parallel_loop3A_746, %parallel_loop3A_747], %parallel_loop3A_750 {strides = array<i32>} : memref<16x1024xf32, #tpu.memory_space<vmem>>, vector<1x16xf32>,
        %parallel_loop3A_751 = arith.index_cast %parallel_loop3A_162 : i32 to index
        %parallel_loop3A_752 = arith.constant 784 : index
        %parallel_loop3A_753 = tpu.vector_load %arg7[%parallel_loop3A_751, %parallel_loop3A_752] {strides = array<i32>} : memref<16x1024xf32, #tpu.memory_space<vmem>>, vector<1x16xf32>,
        %parallel_loop3A_754 = vector.shape_cast %parallel_loop3A_753 : vector<1x16xf32> to vector<16xf32>
        %parallel_loop3A_755 = arith.constant 3.200000e+01 : f32
        %parallel_loop3A_756 = vector.broadcast %parallel_loop3A_755 : f32 to vector<16xf32>
        %parallel_loop3A_757 = arith.mulf %parallel_loop3A_754, %parallel_loop3A_756 : vector<16xf32>
        %parallel_loop3A_758 = arith.index_cast %parallel_loop3A_162 : i32 to index
        %parallel_loop3A_759 = arith.constant 784 : index
        %parallel_loop3A_760 = tpu.vector_load %arg11[%parallel_loop3A_758, %parallel_loop3A_759] {strides = array<i32>} : memref<16x1024xf32, #tpu.memory_space<vmem>>, vector<1x16xf32>,
        %parallel_loop3A_761 = vector.shape_cast %parallel_loop3A_760 : vector<1x16xf32> to vector<16xf32>
        %parallel_loop3A_762 = vector.shape_cast %parallel_loop3A_757 : vector<16xf32> to vector<1x16xf32>
        tpu.vector_store %arg11[%parallel_loop3A_758, %parallel_loop3A_759], %parallel_loop3A_762 {strides = array<i32>} : memref<16x1024xf32, #tpu.memory_space<vmem>>, vector<1x16xf32>,
        %parallel_loop3A_763 = arith.index_cast %parallel_loop3A_162 : i32 to index
        %parallel_loop3A_764 = arith.constant 800 : index
        %parallel_loop3A_765 = tpu.vector_load %arg7[%parallel_loop3A_763, %parallel_loop3A_764] {strides = array<i32>} : memref<16x1024xf32, #tpu.memory_space<vmem>>, vector<1x16xf32>,
        %parallel_loop3A_766 = vector.shape_cast %parallel_loop3A_765 : vector<1x16xf32> to vector<16xf32>
        %parallel_loop3A_767 = arith.constant 3.200000e+01 : f32
        %parallel_loop3A_768 = vector.broadcast %parallel_loop3A_767 : f32 to vector<16xf32>
        %parallel_loop3A_769 = arith.mulf %parallel_loop3A_766, %parallel_loop3A_768 : vector<16xf32>
        %parallel_loop3A_770 = arith.index_cast %parallel_loop3A_162 : i32 to index
        %parallel_loop3A_771 = arith.constant 800 : index
        %parallel_loop3A_772 = tpu.vector_load %arg11[%parallel_loop3A_770, %parallel_loop3A_771] {strides = array<i32>} : memref<16x1024xf32, #tpu.memory_space<vmem>>, vector<1x16xf32>,
        %parallel_loop3A_773 = vector.shape_cast %parallel_loop3A_772 : vector<1x16xf32> to vector<16xf32>
        %parallel_loop3A_774 = vector.shape_cast %parallel_loop3A_769 : vector<16xf32> to vector<1x16xf32>
        tpu.vector_store %arg11[%parallel_loop3A_770, %parallel_loop3A_771], %parallel_loop3A_774 {strides = array<i32>} : memref<16x1024xf32, #tpu.memory_space<vmem>>, vector<1x16xf32>,
        %parallel_loop3A_775 = arith.index_cast %parallel_loop3A_162 : i32 to index
        %parallel_loop3A_776 = arith.constant 816 : index
        %parallel_loop3A_777 = tpu.vector_load %arg7[%parallel_loop3A_775, %parallel_loop3A_776] {strides = array<i32>} : memref<16x1024xf32, #tpu.memory_space<vmem>>, vector<1x16xf32>,
        %parallel_loop3A_778 = vector.shape_cast %parallel_loop3A_777 : vector<1x16xf32> to vector<16xf32>
        %parallel_loop3A_779 = arith.constant 3.200000e+01 : f32
        %parallel_loop3A_780 = vector.broadcast %parallel_loop3A_779 : f32 to vector<16xf32>
        %parallel_loop3A_781 = arith.mulf %parallel_loop3A_778, %parallel_loop3A_780 : vector<16xf32>
        %parallel_loop3A_782 = arith.index_cast %parallel_loop3A_162 : i32 to index
        %parallel_loop3A_783 = arith.constant 816 : index
        %parallel_loop3A_784 = tpu.vector_load %arg11[%parallel_loop3A_782, %parallel_loop3A_783] {strides = array<i32>} : memref<16x1024xf32, #tpu.memory_space<vmem>>, vector<1x16xf32>,
        %parallel_loop3A_785 = vector.shape_cast %parallel_loop3A_784 : vector<1x16xf32> to vector<16xf32>
        %parallel_loop3A_786 = vector.shape_cast %parallel_loop3A_781 : vector<16xf32> to vector<1x16xf32>
        tpu.vector_store %arg11[%parallel_loop3A_782, %parallel_loop3A_783], %parallel_loop3A_786 {strides = array<i32>} : memref<16x1024xf32, #tpu.memory_space<vmem>>, vector<1x16xf32>,
        %parallel_loop3A_787 = arith.index_cast %parallel_loop3A_162 : i32 to index
        %parallel_loop3A_788 = arith.constant 832 : index
        %parallel_loop3A_789 = tpu.vector_load %arg7[%parallel_loop3A_787, %parallel_loop3A_788] {strides = array<i32>} : memref<16x1024xf32, #tpu.memory_space<vmem>>, vector<1x16xf32>,
        %parallel_loop3A_790 = vector.shape_cast %parallel_loop3A_789 : vector<1x16xf32> to vector<16xf32>
        %parallel_loop3A_791 = arith.constant 3.200000e+01 : f32
        %parallel_loop3A_792 = vector.broadcast %parallel_loop3A_791 : f32 to vector<16xf32>
        %parallel_loop3A_793 = arith.mulf %parallel_loop3A_790, %parallel_loop3A_792 : vector<16xf32>
        %parallel_loop3A_794 = arith.index_cast %parallel_loop3A_162 : i32 to index
        %parallel_loop3A_795 = arith.constant 832 : index
        %parallel_loop3A_796 = tpu.vector_load %arg11[%parallel_loop3A_794, %parallel_loop3A_795] {strides = array<i32>} : memref<16x1024xf32, #tpu.memory_space<vmem>>, vector<1x16xf32>,
        %parallel_loop3A_797 = vector.shape_cast %parallel_loop3A_796 : vector<1x16xf32> to vector<16xf32>
        %parallel_loop3A_798 = vector.shape_cast %parallel_loop3A_793 : vector<16xf32> to vector<1x16xf32>
        tpu.vector_store %arg11[%parallel_loop3A_794, %parallel_loop3A_795], %parallel_loop3A_798 {strides = array<i32>} : memref<16x1024xf32, #tpu.memory_space<vmem>>, vector<1x16xf32>,
        %parallel_loop3A_799 = arith.index_cast %parallel_loop3A_162 : i32 to index
        %parallel_loop3A_800 = arith.constant 848 : index
        %parallel_loop3A_801 = tpu.vector_load %arg7[%parallel_loop3A_799, %parallel_loop3A_800] {strides = array<i32>} : memref<16x1024xf32, #tpu.memory_space<vmem>>, vector<1x16xf32>,
        %parallel_loop3A_802 = vector.shape_cast %parallel_loop3A_801 : vector<1x16xf32> to vector<16xf32>
        %parallel_loop3A_803 = arith.constant 3.200000e+01 : f32
        %parallel_loop3A_804 = vector.broadcast %parallel_loop3A_803 : f32 to vector<16xf32>
        %parallel_loop3A_805 = arith.mulf %parallel_loop3A_802, %parallel_loop3A_804 : vector<16xf32>
        %parallel_loop3A_806 = arith.index_cast %parallel_loop3A_162 : i32 to index
        %parallel_loop3A_807 = arith.constant 848 : index
        %parallel_loop3A_808 = tpu.vector_load %arg11[%parallel_loop3A_806, %parallel_loop3A_807] {strides = array<i32>} : memref<16x1024xf32, #tpu.memory_space<vmem>>, vector<1x16xf32>,
        %parallel_loop3A_809 = vector.shape_cast %parallel_loop3A_808 : vector<1x16xf32> to vector<16xf32>
        %parallel_loop3A_810 = vector.shape_cast %parallel_loop3A_805 : vector<16xf32> to vector<1x16xf32>
        tpu.vector_store %arg11[%parallel_loop3A_806, %parallel_loop3A_807], %parallel_loop3A_810 {strides = array<i32>} : memref<16x1024xf32, #tpu.memory_space<vmem>>, vector<1x16xf32>,
        %parallel_loop3A_811 = arith.index_cast %parallel_loop3A_162 : i32 to index
        %parallel_loop3A_812 = arith.constant 864 : index
        %parallel_loop3A_813 = tpu.vector_load %arg7[%parallel_loop3A_811, %parallel_loop3A_812] {strides = array<i32>} : memref<16x1024xf32, #tpu.memory_space<vmem>>, vector<1x16xf32>,
        %parallel_loop3A_814 = vector.shape_cast %parallel_loop3A_813 : vector<1x16xf32> to vector<16xf32>
        %parallel_loop3A_815 = arith.constant 3.200000e+01 : f32
        %parallel_loop3A_816 = vector.broadcast %parallel_loop3A_815 : f32 to vector<16xf32>
        %parallel_loop3A_817 = arith.mulf %parallel_loop3A_814, %parallel_loop3A_816 : vector<16xf32>
        %parallel_loop3A_818 = arith.index_cast %parallel_loop3A_162 : i32 to index
        %parallel_loop3A_819 = arith.constant 864 : index
        %parallel_loop3A_820 = tpu.vector_load %arg11[%parallel_loop3A_818, %parallel_loop3A_819] {strides = array<i32>} : memref<16x1024xf32, #tpu.memory_space<vmem>>, vector<1x16xf32>,
        %parallel_loop3A_821 = vector.shape_cast %parallel_loop3A_820 : vector<1x16xf32> to vector<16xf32>
        %parallel_loop3A_822 = vector.shape_cast %parallel_loop3A_817 : vector<16xf32> to vector<1x16xf32>
        tpu.vector_store %arg11[%parallel_loop3A_818, %parallel_loop3A_819], %parallel_loop3A_822 {strides = array<i32>} : memref<16x1024xf32, #tpu.memory_space<vmem>>, vector<1x16xf32>,
        %parallel_loop3A_823 = arith.index_cast %parallel_loop3A_162 : i32 to index
        %parallel_loop3A_824 = arith.constant 880 : index
        %parallel_loop3A_825 = tpu.vector_load %arg7[%parallel_loop3A_823, %parallel_loop3A_824] {strides = array<i32>} : memref<16x1024xf32, #tpu.memory_space<vmem>>, vector<1x16xf32>,
        %parallel_loop3A_826 = vector.shape_cast %parallel_loop3A_825 : vector<1x16xf32> to vector<16xf32>
        %parallel_loop3A_827 = arith.constant 3.200000e+01 : f32
        %parallel_loop3A_828 = vector.broadcast %parallel_loop3A_827 : f32 to vector<16xf32>
        %parallel_loop3A_829 = arith.mulf %parallel_loop3A_826, %parallel_loop3A_828 : vector<16xf32>
        %parallel_loop3A_830 = arith.index_cast %parallel_loop3A_162 : i32 to index
        %parallel_loop3A_831 = arith.constant 880 : index
        %parallel_loop3A_832 = tpu.vector_load %arg11[%parallel_loop3A_830, %parallel_loop3A_831] {strides = array<i32>} : memref<16x1024xf32, #tpu.memory_space<vmem>>, vector<1x16xf32>,
        %parallel_loop3A_833 = vector.shape_cast %parallel_loop3A_832 : vector<1x16xf32> to vector<16xf32>
        %parallel_loop3A_834 = vector.shape_cast %parallel_loop3A_829 : vector<16xf32> to vector<1x16xf32>
        tpu.vector_store %arg11[%parallel_loop3A_830, %parallel_loop3A_831], %parallel_loop3A_834 {strides = array<i32>} : memref<16x1024xf32, #tpu.memory_space<vmem>>, vector<1x16xf32>,
        %parallel_loop3A_835 = arith.index_cast %parallel_loop3A_162 : i32 to index
        %parallel_loop3A_836 = arith.constant 896 : index
        %parallel_loop3A_837 = tpu.vector_load %arg7[%parallel_loop3A_835, %parallel_loop3A_836] {strides = array<i32>} : memref<16x1024xf32, #tpu.memory_space<vmem>>, vector<1x16xf32>,
        %parallel_loop3A_838 = vector.shape_cast %parallel_loop3A_837 : vector<1x16xf32> to vector<16xf32>
        %parallel_loop3A_839 = arith.constant 3.200000e+01 : f32
        %parallel_loop3A_840 = vector.broadcast %parallel_loop3A_839 : f32 to vector<16xf32>
        %parallel_loop3A_841 = arith.mulf %parallel_loop3A_838, %parallel_loop3A_840 : vector<16xf32>
        %parallel_loop3A_842 = arith.index_cast %parallel_loop3A_162 : i32 to index
        %parallel_loop3A_843 = arith.constant 896 : index
        %parallel_loop3A_844 = tpu.vector_load %arg11[%parallel_loop3A_842, %parallel_loop3A_843] {strides = array<i32>} : memref<16x1024xf32, #tpu.memory_space<vmem>>, vector<1x16xf32>,
        %parallel_loop3A_845 = vector.shape_cast %parallel_loop3A_844 : vector<1x16xf32> to vector<16xf32>
        %parallel_loop3A_846 = vector.shape_cast %parallel_loop3A_841 : vector<16xf32> to vector<1x16xf32>
        tpu.vector_store %arg11[%parallel_loop3A_842, %parallel_loop3A_843], %parallel_loop3A_846 {strides = array<i32>} : memref<16x1024xf32, #tpu.memory_space<vmem>>, vector<1x16xf32>,
        %parallel_loop3A_847 = arith.index_cast %parallel_loop3A_162 : i32 to index
        %parallel_loop3A_848 = arith.constant 912 : index
        %parallel_loop3A_849 = tpu.vector_load %arg7[%parallel_loop3A_847, %parallel_loop3A_848] {strides = array<i32>} : memref<16x1024xf32, #tpu.memory_space<vmem>>, vector<1x16xf32>,
        %parallel_loop3A_850 = vector.shape_cast %parallel_loop3A_849 : vector<1x16xf32> to vector<16xf32>
        %parallel_loop3A_851 = arith.constant 3.200000e+01 : f32
        %parallel_loop3A_852 = vector.broadcast %parallel_loop3A_851 : f32 to vector<16xf32>
        %parallel_loop3A_853 = arith.mulf %parallel_loop3A_850, %parallel_loop3A_852 : vector<16xf32>
        %parallel_loop3A_854 = arith.index_cast %parallel_loop3A_162 : i32 to index
        %parallel_loop3A_855 = arith.constant 912 : index
        %parallel_loop3A_856 = tpu.vector_load %arg11[%parallel_loop3A_854, %parallel_loop3A_855] {strides = array<i32>} : memref<16x1024xf32, #tpu.memory_space<vmem>>, vector<1x16xf32>,
        %parallel_loop3A_857 = vector.shape_cast %parallel_loop3A_856 : vector<1x16xf32> to vector<16xf32>
        %parallel_loop3A_858 = vector.shape_cast %parallel_loop3A_853 : vector<16xf32> to vector<1x16xf32>
        tpu.vector_store %arg11[%parallel_loop3A_854, %parallel_loop3A_855], %parallel_loop3A_858 {strides = array<i32>} : memref<16x1024xf32, #tpu.memory_space<vmem>>, vector<1x16xf32>,
        %parallel_loop3A_859 = arith.index_cast %parallel_loop3A_162 : i32 to index
        %parallel_loop3A_860 = arith.constant 928 : index
        %parallel_loop3A_861 = tpu.vector_load %arg7[%parallel_loop3A_859, %parallel_loop3A_860] {strides = array<i32>} : memref<16x1024xf32, #tpu.memory_space<vmem>>, vector<1x16xf32>,
        %parallel_loop3A_862 = vector.shape_cast %parallel_loop3A_861 : vector<1x16xf32> to vector<16xf32>
        %parallel_loop3A_863 = arith.constant 3.200000e+01 : f32
        %parallel_loop3A_864 = vector.broadcast %parallel_loop3A_863 : f32 to vector<16xf32>
        %parallel_loop3A_865 = arith.mulf %parallel_loop3A_862, %parallel_loop3A_864 : vector<16xf32>
        %parallel_loop3A_866 = arith.index_cast %parallel_loop3A_162 : i32 to index
        %parallel_loop3A_867 = arith.constant 928 : index
        %parallel_loop3A_868 = tpu.vector_load %arg11[%parallel_loop3A_866, %parallel_loop3A_867] {strides = array<i32>} : memref<16x1024xf32, #tpu.memory_space<vmem>>, vector<1x16xf32>,
        %parallel_loop3A_869 = vector.shape_cast %parallel_loop3A_868 : vector<1x16xf32> to vector<16xf32>
        %parallel_loop3A_870 = vector.shape_cast %parallel_loop3A_865 : vector<16xf32> to vector<1x16xf32>
        tpu.vector_store %arg11[%parallel_loop3A_866, %parallel_loop3A_867], %parallel_loop3A_870 {strides = array<i32>} : memref<16x1024xf32, #tpu.memory_space<vmem>>, vector<1x16xf32>,
        %parallel_loop3A_871 = arith.index_cast %parallel_loop3A_162 : i32 to index
        %parallel_loop3A_872 = arith.constant 944 : index
        %parallel_loop3A_873 = tpu.vector_load %arg7[%parallel_loop3A_871, %parallel_loop3A_872] {strides = array<i32>} : memref<16x1024xf32, #tpu.memory_space<vmem>>, vector<1x16xf32>,
        %parallel_loop3A_874 = vector.shape_cast %parallel_loop3A_873 : vector<1x16xf32> to vector<16xf32>
        %parallel_loop3A_875 = arith.constant 3.200000e+01 : f32
        %parallel_loop3A_876 = vector.broadcast %parallel_loop3A_875 : f32 to vector<16xf32>
        %parallel_loop3A_877 = arith.mulf %parallel_loop3A_874, %parallel_loop3A_876 : vector<16xf32>
        %parallel_loop3A_878 = arith.index_cast %parallel_loop3A_162 : i32 to index
        %parallel_loop3A_879 = arith.constant 944 : index
        %parallel_loop3A_880 = tpu.vector_load %arg11[%parallel_loop3A_878, %parallel_loop3A_879] {strides = array<i32>} : memref<16x1024xf32, #tpu.memory_space<vmem>>, vector<1x16xf32>,
        %parallel_loop3A_881 = vector.shape_cast %parallel_loop3A_880 : vector<1x16xf32> to vector<16xf32>
        %parallel_loop3A_882 = vector.shape_cast %parallel_loop3A_877 : vector<16xf32> to vector<1x16xf32>
        tpu.vector_store %arg11[%parallel_loop3A_878, %parallel_loop3A_879], %parallel_loop3A_882 {strides = array<i32>} : memref<16x1024xf32, #tpu.memory_space<vmem>>, vector<1x16xf32>,
        %parallel_loop3A_883 = arith.index_cast %parallel_loop3A_162 : i32 to index
        %parallel_loop3A_884 = arith.constant 960 : index
        %parallel_loop3A_885 = tpu.vector_load %arg7[%parallel_loop3A_883, %parallel_loop3A_884] {strides = array<i32>} : memref<16x1024xf32, #tpu.memory_space<vmem>>, vector<1x16xf32>,
        %parallel_loop3A_886 = vector.shape_cast %parallel_loop3A_885 : vector<1x16xf32> to vector<16xf32>
        %parallel_loop3A_887 = arith.constant 3.200000e+01 : f32
        %parallel_loop3A_888 = vector.broadcast %parallel_loop3A_887 : f32 to vector<16xf32>
        %parallel_loop3A_889 = arith.mulf %parallel_loop3A_886, %parallel_loop3A_888 : vector<16xf32>
        %parallel_loop3A_890 = arith.index_cast %parallel_loop3A_162 : i32 to index
        %parallel_loop3A_891 = arith.constant 960 : index
        %parallel_loop3A_892 = tpu.vector_load %arg11[%parallel_loop3A_890, %parallel_loop3A_891] {strides = array<i32>} : memref<16x1024xf32, #tpu.memory_space<vmem>>, vector<1x16xf32>,
        %parallel_loop3A_893 = vector.shape_cast %parallel_loop3A_892 : vector<1x16xf32> to vector<16xf32>
        %parallel_loop3A_894 = vector.shape_cast %parallel_loop3A_889 : vector<16xf32> to vector<1x16xf32>
        tpu.vector_store %arg11[%parallel_loop3A_890, %parallel_loop3A_891], %parallel_loop3A_894 {strides = array<i32>} : memref<16x1024xf32, #tpu.memory_space<vmem>>, vector<1x16xf32>,
        %parallel_loop3A_895 = arith.index_cast %parallel_loop3A_162 : i32 to index
        %parallel_loop3A_896 = arith.constant 976 : index
        %parallel_loop3A_897 = tpu.vector_load %arg7[%parallel_loop3A_895, %parallel_loop3A_896] {strides = array<i32>} : memref<16x1024xf32, #tpu.memory_space<vmem>>, vector<1x16xf32>,
        %parallel_loop3A_898 = vector.shape_cast %parallel_loop3A_897 : vector<1x16xf32> to vector<16xf32>
        %parallel_loop3A_899 = arith.constant 3.200000e+01 : f32
        %parallel_loop3A_900 = vector.broadcast %parallel_loop3A_899 : f32 to vector<16xf32>
        %parallel_loop3A_901 = arith.mulf %parallel_loop3A_898, %parallel_loop3A_900 : vector<16xf32>
        %parallel_loop3A_902 = arith.index_cast %parallel_loop3A_162 : i32 to index
        %parallel_loop3A_903 = arith.constant 976 : index
        %parallel_loop3A_904 = tpu.vector_load %arg11[%parallel_loop3A_902, %parallel_loop3A_903] {strides = array<i32>} : memref<16x1024xf32, #tpu.memory_space<vmem>>, vector<1x16xf32>,
        %parallel_loop3A_905 = vector.shape_cast %parallel_loop3A_904 : vector<1x16xf32> to vector<16xf32>
        %parallel_loop3A_906 = vector.shape_cast %parallel_loop3A_901 : vector<16xf32> to vector<1x16xf32>
        tpu.vector_store %arg11[%parallel_loop3A_902, %parallel_loop3A_903], %parallel_loop3A_906 {strides = array<i32>} : memref<16x1024xf32, #tpu.memory_space<vmem>>, vector<1x16xf32>,
        %parallel_loop3A_907 = arith.index_cast %parallel_loop3A_162 : i32 to index
        %parallel_loop3A_908 = arith.constant 992 : index
        %parallel_loop3A_909 = tpu.vector_load %arg7[%parallel_loop3A_907, %parallel_loop3A_908] {strides = array<i32>} : memref<16x1024xf32, #tpu.memory_space<vmem>>, vector<1x16xf32>,
        %parallel_loop3A_910 = vector.shape_cast %parallel_loop3A_909 : vector<1x16xf32> to vector<16xf32>
        %parallel_loop3A_911 = arith.constant 3.200000e+01 : f32
        %parallel_loop3A_912 = vector.broadcast %parallel_loop3A_911 : f32 to vector<16xf32>
        %parallel_loop3A_913 = arith.mulf %parallel_loop3A_910, %parallel_loop3A_912 : vector<16xf32>
        %parallel_loop3A_914 = arith.index_cast %parallel_loop3A_162 : i32 to index
        %parallel_loop3A_915 = arith.constant 992 : index
        %parallel_loop3A_916 = tpu.vector_load %arg11[%parallel_loop3A_914, %parallel_loop3A_915] {strides = array<i32>} : memref<16x1024xf32, #tpu.memory_space<vmem>>, vector<1x16xf32>,
        %parallel_loop3A_917 = vector.shape_cast %parallel_loop3A_916 : vector<1x16xf32> to vector<16xf32>
        %parallel_loop3A_918 = vector.shape_cast %parallel_loop3A_913 : vector<16xf32> to vector<1x16xf32>
        tpu.vector_store %arg11[%parallel_loop3A_914, %parallel_loop3A_915], %parallel_loop3A_918 {strides = array<i32>} : memref<16x1024xf32, #tpu.memory_space<vmem>>, vector<1x16xf32>,
        %parallel_loop3A_919 = arith.index_cast %parallel_loop3A_162 : i32 to index
        %parallel_loop3A_920 = arith.constant 1008 : index
        %parallel_loop3A_921 = tpu.vector_load %arg7[%parallel_loop3A_919, %parallel_loop3A_920] {strides = array<i32>} : memref<16x1024xf32, #tpu.memory_space<vmem>>, vector<1x16xf32>,
        %parallel_loop3A_922 = vector.shape_cast %parallel_loop3A_921 : vector<1x16xf32> to vector<16xf32>
        %parallel_loop3A_923 = arith.constant 3.200000e+01 : f32
        %parallel_loop3A_924 = vector.broadcast %parallel_loop3A_923 : f32 to vector<16xf32>
        %parallel_loop3A_925 = arith.mulf %parallel_loop3A_922, %parallel_loop3A_924 : vector<16xf32>
        %parallel_loop3A_926 = arith.index_cast %parallel_loop3A_162 : i32 to index
        %parallel_loop3A_927 = arith.constant 1008 : index
        %parallel_loop3A_928 = tpu.vector_load %arg11[%parallel_loop3A_926, %parallel_loop3A_927] {strides = array<i32>} : memref<16x1024xf32, #tpu.memory_space<vmem>>, vector<1x16xf32>,
        %parallel_loop3A_929 = vector.shape_cast %parallel_loop3A_928 : vector<1x16xf32> to vector<16xf32>
        %parallel_loop3A_930 = vector.shape_cast %parallel_loop3A_925 : vector<16xf32> to vector<1x16xf32>
        tpu.vector_store %arg11[%parallel_loop3A_926, %parallel_loop3A_927], %parallel_loop3A_930 {strides = array<i32>} : memref<16x1024xf32, #tpu.memory_space<vmem>>, vector<1x16xf32>,
      } {sc.loop_unroll_factor = 1 : i64, sc.parallel_access}
      %lt3A_90 = arith.constant 60 : i32
      %lt3A_91 = arith.cmpi slt, %add3A_75, %lt3A_90 : i32
      %convert_element_type3A_92 = arith.extui %lt3A_91 : i1 to i32
      %cond3A_93 = arith.constant 0 : i32
      %cond3A_94 = arith.cmpi ne, %convert_element_type3A_92, %cond3A_93 : i32
      scf.if %cond3A_94 {
        %add3A_162 = arith.constant 4 : i32
        %add3A_163 = arith.addi %add3A_75, %add3A_162 : i32
        %dma_start3A_164 = arith.constant 0 : i32
        %dma_start3A_165 = tpu.memref_slice %arg5[%add3A_163, %dma_start3A_164] : memref<64x16xi32, #tpu.memory_space<vmem>> -> memref<1x16xi32, #tpu.memory_space<vmem>>
        %dma_start3A_166 = tpu.memref_squeeze %dma_start3A_165 : memref<1x16xi32, #tpu.memory_space<vmem>> -> memref<16xi32, #tpu.memory_space<vmem>>
        %dma_start3A_167 = arith.constant 0 : i32
        %dma_start3A_168 = arith.constant 0 : i32
        %dma_start3A_169 = tpu.memref_slice %arg3[%dma_start3A_167, %dma_start3A_168] : memref<100000x1024xf32, #tpu.memory_space<hbm>> -> memref<100000x1024xf32, #tpu.memory_space<hbm>>
        tpu.enqueue_indirect_dma source(%dma_start3A_169 : memref<100000x1024xf32, #tpu.memory_space<hbm>>) target(%arg7 : memref<16x1024xf32, #tpu.memory_space<vmem>>) offsets(%dma_start3A_166 : memref<16xi32, #tpu.memory_space<vmem>>) semaphore(%arg13 : memref<!tpu.dma_semaphore, #tpu.memory_space<semaphore_mem>>)
      } else {
      }
      %mul3A_95 = arith.constant 16 : i32
      %mul3A_96 = arith.muli %add3A_75, %mul3A_95 : i32
      %add3A_97 = arith.addi %mul3A_2, %mul3A_96 : i32
      %dma_start3A_98 = arith.constant 0 : i32
      %dma_start3A_99 = tpu.memref_slice %arg4[%add3A_97, %dma_start3A_98] : memref<32768x1024xf32, #tpu.memory_space<hbm>> -> memref<16x1024xf32, #tpu.memory_space<hbm>>
      %dma_start3A_100 = arith.constant 0 : i32
      %dma_start3A_101 = tpu.memref_slice %arg4[%add3A_97, %dma_start3A_100] : memref<32768x1024xf32, #tpu.memory_space<hbm>> -> memref<16x1024xf32, #tpu.memory_space<hbm>>
      tpu.enqueue_dma source(%arg11 : memref<16x1024xf32, #tpu.memory_space<vmem>>) target(%dma_start3A_101 : memref<16x1024xf32, #tpu.memory_space<hbm>>) target_semaphore(%arg17 : memref<!tpu.dma_semaphore, #tpu.memory_space<semaphore_mem>>)
      %mul3A_102 = arith.constant 4 : i32
      %mul3A_103 = arith.muli %mul3A_102, %scan3A_46 : i32
      %add3A_104 = arith.constant 2 : i32
      %add3A_105 = arith.addi %mul3A_103, %add3A_104 : i32
      %dma_wait3A_106 = arith.constant 0 : i32
      %dma_wait3A_107 = tpu.memref_slice %arg5[%add3A_105, %dma_wait3A_106] : memref<64x16xi32, #tpu.memory_space<vmem>> -> memref<1x16xi32, #tpu.memory_space<vmem>>
      %dma_wait3A_108 = tpu.memref_squeeze %dma_wait3A_107 : memref<1x16xi32, #tpu.memory_space<vmem>> -> memref<16xi32, #tpu.memory_space<vmem>>
      %dma_wait3A_109 = arith.constant 0 : i32
      %dma_wait3A_110 = arith.constant 0 : i32
      %dma_wait3A_111 = tpu.memref_slice %arg3[%dma_wait3A_109, %dma_wait3A_110] : memref<100000x1024xf32, #tpu.memory_space<hbm>> -> memref<100000x1024xf32, #tpu.memory_space<hbm>>
      tpu.wait_indirect_dma semaphore(%arg14 : memref<!tpu.dma_semaphore, #tpu.memory_space<semaphore_mem>>) src(%dma_wait3A_111 : memref<100000x1024xf32, #tpu.memory_space<hbm>>) dst(%arg8 : memref<16x1024xf32, #tpu.memory_space<vmem>>)
      %ge3A_112 = arith.constant 2 : i32
      %ge3A_113 = arith.cmpi sge, %add3A_105, %ge3A_112 : i32
      %convert_element_type3A_114 = arith.extui %ge3A_113 : i1 to i32
      %cond3A_115 = arith.constant 0 : i32
      %cond3A_116 = arith.cmpi ne, %convert_element_type3A_114, %cond3A_115 : i32
      scf.if %cond3A_116 {
        %dma_wait3A_162 = arith.constant 0 : i32
        %dma_wait3A_163 = tpu.memref_slice %arg4[%mul3A_2, %dma_wait3A_162] : memref<32768x1024xf32, #tpu.memory_space<hbm>> -> memref<16x1024xf32, #tpu.memory_space<hbm>>
        %dma_wait3A_164 = arith.constant 0 : i32
        %dma_wait3A_165 = tpu.memref_slice %arg4[%mul3A_2, %dma_wait3A_164] : memref<32768x1024xf32, #tpu.memory_space<hbm>> -> memref<16x1024xf32, #tpu.memory_space<hbm>>
        tpu.wait_dma2 semaphore(%arg16 : memref<!tpu.dma_semaphore, #tpu.memory_space<semaphore_mem>>) src(%arg10 : memref<16x1024xf32, #tpu.memory_space<vmem>>) dst(%dma_wait3A_165 : memref<16x1024xf32, #tpu.memory_space<hbm>>)
      } else {
      }
      %parallel_loop3A_117 = arith.constant 0 : i32
      %parallel_loop3A_118 = arith.constant 16 : i32
      %parallel_loop3A_119 = arith.constant 1 : i32
      scf.for %parallel_loop3A_162 = %parallel_loop3A_117 to %parallel_loop3A_118 step %parallel_loop3A_119  : i32 {
        %parallel_loop3A_163 = arith.index_cast %parallel_loop3A_162 : i32 to index
        %parallel_loop3A_164 = arith.constant 0 : index
        %parallel_loop3A_165 = tpu.vector_load %arg8[%parallel_loop3A_163, %parallel_loop3A_164] {strides = array<i32>} : memref<16x1024xf32, #tpu.memory_space<vmem>>, vector<1x16xf32>,
        %parallel_loop3A_166 = vector.shape_cast %parallel_loop3A_165 : vector<1x16xf32> to vector<16xf32>
        %parallel_loop3A_167 = arith.constant 3.200000e+01 : f32
        %parallel_loop3A_168 = vector.broadcast %parallel_loop3A_167 : f32 to vector<16xf32>
        %parallel_loop3A_169 = arith.mulf %parallel_loop3A_166, %parallel_loop3A_168 : vector<16xf32>
        %parallel_loop3A_170 = arith.index_cast %parallel_loop3A_162 : i32 to index
        %parallel_loop3A_171 = arith.constant 0 : index
        %parallel_loop3A_172 = tpu.vector_load %arg10[%parallel_loop3A_170, %parallel_loop3A_171] {strides = array<i32>} : memref<16x1024xf32, #tpu.memory_space<vmem>>, vector<1x16xf32>,
        %parallel_loop3A_173 = vector.shape_cast %parallel_loop3A_172 : vector<1x16xf32> to vector<16xf32>
        %parallel_loop3A_174 = vector.shape_cast %parallel_loop3A_169 : vector<16xf32> to vector<1x16xf32>
        tpu.vector_store %arg10[%parallel_loop3A_170, %parallel_loop3A_171], %parallel_loop3A_174 {strides = array<i32>} : memref<16x1024xf32, #tpu.memory_space<vmem>>, vector<1x16xf32>,
        %parallel_loop3A_175 = arith.index_cast %parallel_loop3A_162 : i32 to index
        %parallel_loop3A_176 = arith.constant 16 : index
        %parallel_loop3A_177 = tpu.vector_load %arg8[%parallel_loop3A_175, %parallel_loop3A_176] {strides = array<i32>} : memref<16x1024xf32, #tpu.memory_space<vmem>>, vector<1x16xf32>,
        %parallel_loop3A_178 = vector.shape_cast %parallel_loop3A_177 : vector<1x16xf32> to vector<16xf32>
        %parallel_loop3A_179 = arith.constant 3.200000e+01 : f32
        %parallel_loop3A_180 = vector.broadcast %parallel_loop3A_179 : f32 to vector<16xf32>
        %parallel_loop3A_181 = arith.mulf %parallel_loop3A_178, %parallel_loop3A_180 : vector<16xf32>
        %parallel_loop3A_182 = arith.index_cast %parallel_loop3A_162 : i32 to index
        %parallel_loop3A_183 = arith.constant 16 : index
        %parallel_loop3A_184 = tpu.vector_load %arg10[%parallel_loop3A_182, %parallel_loop3A_183] {strides = array<i32>} : memref<16x1024xf32, #tpu.memory_space<vmem>>, vector<1x16xf32>,
        %parallel_loop3A_185 = vector.shape_cast %parallel_loop3A_184 : vector<1x16xf32> to vector<16xf32>
        %parallel_loop3A_186 = vector.shape_cast %parallel_loop3A_181 : vector<16xf32> to vector<1x16xf32>
        tpu.vector_store %arg10[%parallel_loop3A_182, %parallel_loop3A_183], %parallel_loop3A_186 {strides = array<i32>} : memref<16x1024xf32, #tpu.memory_space<vmem>>, vector<1x16xf32>,
        %parallel_loop3A_187 = arith.index_cast %parallel_loop3A_162 : i32 to index
        %parallel_loop3A_188 = arith.constant 32 : index
        %parallel_loop3A_189 = tpu.vector_load %arg8[%parallel_loop3A_187, %parallel_loop3A_188] {strides = array<i32>} : memref<16x1024xf32, #tpu.memory_space<vmem>>, vector<1x16xf32>,
        %parallel_loop3A_190 = vector.shape_cast %parallel_loop3A_189 : vector<1x16xf32> to vector<16xf32>
        %parallel_loop3A_191 = arith.constant 3.200000e+01 : f32
        %parallel_loop3A_192 = vector.broadcast %parallel_loop3A_191 : f32 to vector<16xf32>
        %parallel_loop3A_193 = arith.mulf %parallel_loop3A_190, %parallel_loop3A_192 : vector<16xf32>
        %parallel_loop3A_194 = arith.index_cast %parallel_loop3A_162 : i32 to index
        %parallel_loop3A_195 = arith.constant 32 : index
        %parallel_loop3A_196 = tpu.vector_load %arg10[%parallel_loop3A_194, %parallel_loop3A_195] {strides = array<i32>} : memref<16x1024xf32, #tpu.memory_space<vmem>>, vector<1x16xf32>,
        %parallel_loop3A_197 = vector.shape_cast %parallel_loop3A_196 : vector<1x16xf32> to vector<16xf32>
        %parallel_loop3A_198 = vector.shape_cast %parallel_loop3A_193 : vector<16xf32> to vector<1x16xf32>
        tpu.vector_store %arg10[%parallel_loop3A_194, %parallel_loop3A_195], %parallel_loop3A_198 {strides = array<i32>} : memref<16x1024xf32, #tpu.memory_space<vmem>>, vector<1x16xf32>,
        %parallel_loop3A_199 = arith.index_cast %parallel_loop3A_162 : i32 to index
        %parallel_loop3A_200 = arith.constant 48 : index
        %parallel_loop3A_201 = tpu.vector_load %arg8[%parallel_loop3A_199, %parallel_loop3A_200] {strides = array<i32>} : memref<16x1024xf32, #tpu.memory_space<vmem>>, vector<1x16xf32>,
        %parallel_loop3A_202 = vector.shape_cast %parallel_loop3A_201 : vector<1x16xf32> to vector<16xf32>
        %parallel_loop3A_203 = arith.constant 3.200000e+01 : f32
        %parallel_loop3A_204 = vector.broadcast %parallel_loop3A_203 : f32 to vector<16xf32>
        %parallel_loop3A_205 = arith.mulf %parallel_loop3A_202, %parallel_loop3A_204 : vector<16xf32>
        %parallel_loop3A_206 = arith.index_cast %parallel_loop3A_162 : i32 to index
        %parallel_loop3A_207 = arith.constant 48 : index
        %parallel_loop3A_208 = tpu.vector_load %arg10[%parallel_loop3A_206, %parallel_loop3A_207] {strides = array<i32>} : memref<16x1024xf32, #tpu.memory_space<vmem>>, vector<1x16xf32>,
        %parallel_loop3A_209 = vector.shape_cast %parallel_loop3A_208 : vector<1x16xf32> to vector<16xf32>
        %parallel_loop3A_210 = vector.shape_cast %parallel_loop3A_205 : vector<16xf32> to vector<1x16xf32>
        tpu.vector_store %arg10[%parallel_loop3A_206, %parallel_loop3A_207], %parallel_loop3A_210 {strides = array<i32>} : memref<16x1024xf32, #tpu.memory_space<vmem>>, vector<1x16xf32>,
        %parallel_loop3A_211 = arith.index_cast %parallel_loop3A_162 : i32 to index
        %parallel_loop3A_212 = arith.constant 64 : index
        %parallel_loop3A_213 = tpu.vector_load %arg8[%parallel_loop3A_211, %parallel_loop3A_212] {strides = array<i32>} : memref<16x1024xf32, #tpu.memory_space<vmem>>, vector<1x16xf32>,
        %parallel_loop3A_214 = vector.shape_cast %parallel_loop3A_213 : vector<1x16xf32> to vector<16xf32>
        %parallel_loop3A_215 = arith.constant 3.200000e+01 : f32
        %parallel_loop3A_216 = vector.broadcast %parallel_loop3A_215 : f32 to vector<16xf32>
        %parallel_loop3A_217 = arith.mulf %parallel_loop3A_214, %parallel_loop3A_216 : vector<16xf32>
        %parallel_loop3A_218 = arith.index_cast %parallel_loop3A_162 : i32 to index
        %parallel_loop3A_219 = arith.constant 64 : index
        %parallel_loop3A_220 = tpu.vector_load %arg10[%parallel_loop3A_218, %parallel_loop3A_219] {strides = array<i32>} : memref<16x1024xf32, #tpu.memory_space<vmem>>, vector<1x16xf32>,
        %parallel_loop3A_221 = vector.shape_cast %parallel_loop3A_220 : vector<1x16xf32> to vector<16xf32>
        %parallel_loop3A_222 = vector.shape_cast %parallel_loop3A_217 : vector<16xf32> to vector<1x16xf32>
        tpu.vector_store %arg10[%parallel_loop3A_218, %parallel_loop3A_219], %parallel_loop3A_222 {strides = array<i32>} : memref<16x1024xf32, #tpu.memory_space<vmem>>, vector<1x16xf32>,
        %parallel_loop3A_223 = arith.index_cast %parallel_loop3A_162 : i32 to index
        %parallel_loop3A_224 = arith.constant 80 : index
        %parallel_loop3A_225 = tpu.vector_load %arg8[%parallel_loop3A_223, %parallel_loop3A_224] {strides = array<i32>} : memref<16x1024xf32, #tpu.memory_space<vmem>>, vector<1x16xf32>,
        %parallel_loop3A_226 = vector.shape_cast %parallel_loop3A_225 : vector<1x16xf32> to vector<16xf32>
        %parallel_loop3A_227 = arith.constant 3.200000e+01 : f32
        %parallel_loop3A_228 = vector.broadcast %parallel_loop3A_227 : f32 to vector<16xf32>
        %parallel_loop3A_229 = arith.mulf %parallel_loop3A_226, %parallel_loop3A_228 : vector<16xf32>
        %parallel_loop3A_230 = arith.index_cast %parallel_loop3A_162 : i32 to index
        %parallel_loop3A_231 = arith.constant 80 : index
        %parallel_loop3A_232 = tpu.vector_load %arg10[%parallel_loop3A_230, %parallel_loop3A_231] {strides = array<i32>} : memref<16x1024xf32, #tpu.memory_space<vmem>>, vector<1x16xf32>,
        %parallel_loop3A_233 = vector.shape_cast %parallel_loop3A_232 : vector<1x16xf32> to vector<16xf32>
        %parallel_loop3A_234 = vector.shape_cast %parallel_loop3A_229 : vector<16xf32> to vector<1x16xf32>
        tpu.vector_store %arg10[%parallel_loop3A_230, %parallel_loop3A_231], %parallel_loop3A_234 {strides = array<i32>} : memref<16x1024xf32, #tpu.memory_space<vmem>>, vector<1x16xf32>,
        %parallel_loop3A_235 = arith.index_cast %parallel_loop3A_162 : i32 to index
        %parallel_loop3A_236 = arith.constant 96 : index
        %parallel_loop3A_237 = tpu.vector_load %arg8[%parallel_loop3A_235, %parallel_loop3A_236] {strides = array<i32>} : memref<16x1024xf32, #tpu.memory_space<vmem>>, vector<1x16xf32>,
        %parallel_loop3A_238 = vector.shape_cast %parallel_loop3A_237 : vector<1x16xf32> to vector<16xf32>
        %parallel_loop3A_239 = arith.constant 3.200000e+01 : f32
        %parallel_loop3A_240 = vector.broadcast %parallel_loop3A_239 : f32 to vector<16xf32>
        %parallel_loop3A_241 = arith.mulf %parallel_loop3A_238, %parallel_loop3A_240 : vector<16xf32>
        %parallel_loop3A_242 = arith.index_cast %parallel_loop3A_162 : i32 to index
        %parallel_loop3A_243 = arith.constant 96 : index
        %parallel_loop3A_244 = tpu.vector_load %arg10[%parallel_loop3A_242, %parallel_loop3A_243] {strides = array<i32>} : memref<16x1024xf32, #tpu.memory_space<vmem>>, vector<1x16xf32>,
        %parallel_loop3A_245 = vector.shape_cast %parallel_loop3A_244 : vector<1x16xf32> to vector<16xf32>
        %parallel_loop3A_246 = vector.shape_cast %parallel_loop3A_241 : vector<16xf32> to vector<1x16xf32>
        tpu.vector_store %arg10[%parallel_loop3A_242, %parallel_loop3A_243], %parallel_loop3A_246 {strides = array<i32>} : memref<16x1024xf32, #tpu.memory_space<vmem>>, vector<1x16xf32>,
        %parallel_loop3A_247 = arith.index_cast %parallel_loop3A_162 : i32 to index
        %parallel_loop3A_248 = arith.constant 112 : index
        %parallel_loop3A_249 = tpu.vector_load %arg8[%parallel_loop3A_247, %parallel_loop3A_248] {strides = array<i32>} : memref<16x1024xf32, #tpu.memory_space<vmem>>, vector<1x16xf32>,
        %parallel_loop3A_250 = vector.shape_cast %parallel_loop3A_249 : vector<1x16xf32> to vector<16xf32>
        %parallel_loop3A_251 = arith.constant 3.200000e+01 : f32
        %parallel_loop3A_252 = vector.broadcast %parallel_loop3A_251 : f32 to vector<16xf32>
        %parallel_loop3A_253 = arith.mulf %parallel_loop3A_250, %parallel_loop3A_252 : vector<16xf32>
        %parallel_loop3A_254 = arith.index_cast %parallel_loop3A_162 : i32 to index
        %parallel_loop3A_255 = arith.constant 112 : index
        %parallel_loop3A_256 = tpu.vector_load %arg10[%parallel_loop3A_254, %parallel_loop3A_255] {strides = array<i32>} : memref<16x1024xf32, #tpu.memory_space<vmem>>, vector<1x16xf32>,
        %parallel_loop3A_257 = vector.shape_cast %parallel_loop3A_256 : vector<1x16xf32> to vector<16xf32>
        %parallel_loop3A_258 = vector.shape_cast %parallel_loop3A_253 : vector<16xf32> to vector<1x16xf32>
        tpu.vector_store %arg10[%parallel_loop3A_254, %parallel_loop3A_255], %parallel_loop3A_258 {strides = array<i32>} : memref<16x1024xf32, #tpu.memory_space<vmem>>, vector<1x16xf32>,
        %parallel_loop3A_259 = arith.index_cast %parallel_loop3A_162 : i32 to index
        %parallel_loop3A_260 = arith.constant 128 : index
        %parallel_loop3A_261 = tpu.vector_load %arg8[%parallel_loop3A_259, %parallel_loop3A_260] {strides = array<i32>} : memref<16x1024xf32, #tpu.memory_space<vmem>>, vector<1x16xf32>,
        %parallel_loop3A_262 = vector.shape_cast %parallel_loop3A_261 : vector<1x16xf32> to vector<16xf32>
        %parallel_loop3A_263 = arith.constant 3.200000e+01 : f32
        %parallel_loop3A_264 = vector.broadcast %parallel_loop3A_263 : f32 to vector<16xf32>
        %parallel_loop3A_265 = arith.mulf %parallel_loop3A_262, %parallel_loop3A_264 : vector<16xf32>
        %parallel_loop3A_266 = arith.index_cast %parallel_loop3A_162 : i32 to index
        %parallel_loop3A_267 = arith.constant 128 : index
        %parallel_loop3A_268 = tpu.vector_load %arg10[%parallel_loop3A_266, %parallel_loop3A_267] {strides = array<i32>} : memref<16x1024xf32, #tpu.memory_space<vmem>>, vector<1x16xf32>,
        %parallel_loop3A_269 = vector.shape_cast %parallel_loop3A_268 : vector<1x16xf32> to vector<16xf32>
        %parallel_loop3A_270 = vector.shape_cast %parallel_loop3A_265 : vector<16xf32> to vector<1x16xf32>
        tpu.vector_store %arg10[%parallel_loop3A_266, %parallel_loop3A_267], %parallel_loop3A_270 {strides = array<i32>} : memref<16x1024xf32, #tpu.memory_space<vmem>>, vector<1x16xf32>,
        %parallel_loop3A_271 = arith.index_cast %parallel_loop3A_162 : i32 to index
        %parallel_loop3A_272 = arith.constant 144 : index
        %parallel_loop3A_273 = tpu.vector_load %arg8[%parallel_loop3A_271, %parallel_loop3A_272] {strides = array<i32>} : memref<16x1024xf32, #tpu.memory_space<vmem>>, vector<1x16xf32>,
        %parallel_loop3A_274 = vector.shape_cast %parallel_loop3A_273 : vector<1x16xf32> to vector<16xf32>
        %parallel_loop3A_275 = arith.constant 3.200000e+01 : f32
        %parallel_loop3A_276 = vector.broadcast %parallel_loop3A_275 : f32 to vector<16xf32>
        %parallel_loop3A_277 = arith.mulf %parallel_loop3A_274, %parallel_loop3A_276 : vector<16xf32>
        %parallel_loop3A_278 = arith.index_cast %parallel_loop3A_162 : i32 to index
        %parallel_loop3A_279 = arith.constant 144 : index
        %parallel_loop3A_280 = tpu.vector_load %arg10[%parallel_loop3A_278, %parallel_loop3A_279] {strides = array<i32>} : memref<16x1024xf32, #tpu.memory_space<vmem>>, vector<1x16xf32>,
        %parallel_loop3A_281 = vector.shape_cast %parallel_loop3A_280 : vector<1x16xf32> to vector<16xf32>
        %parallel_loop3A_282 = vector.shape_cast %parallel_loop3A_277 : vector<16xf32> to vector<1x16xf32>
        tpu.vector_store %arg10[%parallel_loop3A_278, %parallel_loop3A_279], %parallel_loop3A_282 {strides = array<i32>} : memref<16x1024xf32, #tpu.memory_space<vmem>>, vector<1x16xf32>,
        %parallel_loop3A_283 = arith.index_cast %parallel_loop3A_162 : i32 to index
        %parallel_loop3A_284 = arith.constant 160 : index
        %parallel_loop3A_285 = tpu.vector_load %arg8[%parallel_loop3A_283, %parallel_loop3A_284] {strides = array<i32>} : memref<16x1024xf32, #tpu.memory_space<vmem>>, vector<1x16xf32>,
        %parallel_loop3A_286 = vector.shape_cast %parallel_loop3A_285 : vector<1x16xf32> to vector<16xf32>
        %parallel_loop3A_287 = arith.constant 3.200000e+01 : f32
        %parallel_loop3A_288 = vector.broadcast %parallel_loop3A_287 : f32 to vector<16xf32>
        %parallel_loop3A_289 = arith.mulf %parallel_loop3A_286, %parallel_loop3A_288 : vector<16xf32>
        %parallel_loop3A_290 = arith.index_cast %parallel_loop3A_162 : i32 to index
        %parallel_loop3A_291 = arith.constant 160 : index
        %parallel_loop3A_292 = tpu.vector_load %arg10[%parallel_loop3A_290, %parallel_loop3A_291] {strides = array<i32>} : memref<16x1024xf32, #tpu.memory_space<vmem>>, vector<1x16xf32>,
        %parallel_loop3A_293 = vector.shape_cast %parallel_loop3A_292 : vector<1x16xf32> to vector<16xf32>
        %parallel_loop3A_294 = vector.shape_cast %parallel_loop3A_289 : vector<16xf32> to vector<1x16xf32>
        tpu.vector_store %arg10[%parallel_loop3A_290, %parallel_loop3A_291], %parallel_loop3A_294 {strides = array<i32>} : memref<16x1024xf32, #tpu.memory_space<vmem>>, vector<1x16xf32>,
        %parallel_loop3A_295 = arith.index_cast %parallel_loop3A_162 : i32 to index
        %parallel_loop3A_296 = arith.constant 176 : index
        %parallel_loop3A_297 = tpu.vector_load %arg8[%parallel_loop3A_295, %parallel_loop3A_296] {strides = array<i32>} : memref<16x1024xf32, #tpu.memory_space<vmem>>, vector<1x16xf32>,
        %parallel_loop3A_298 = vector.shape_cast %parallel_loop3A_297 : vector<1x16xf32> to vector<16xf32>
        %parallel_loop3A_299 = arith.constant 3.200000e+01 : f32
        %parallel_loop3A_300 = vector.broadcast %parallel_loop3A_299 : f32 to vector<16xf32>
        %parallel_loop3A_301 = arith.mulf %parallel_loop3A_298, %parallel_loop3A_300 : vector<16xf32>
        %parallel_loop3A_302 = arith.index_cast %parallel_loop3A_162 : i32 to index
        %parallel_loop3A_303 = arith.constant 176 : index
        %parallel_loop3A_304 = tpu.vector_load %arg10[%parallel_loop3A_302, %parallel_loop3A_303] {strides = array<i32>} : memref<16x1024xf32, #tpu.memory_space<vmem>>, vector<1x16xf32>,
        %parallel_loop3A_305 = vector.shape_cast %parallel_loop3A_304 : vector<1x16xf32> to vector<16xf32>
        %parallel_loop3A_306 = vector.shape_cast %parallel_loop3A_301 : vector<16xf32> to vector<1x16xf32>
        tpu.vector_store %arg10[%parallel_loop3A_302, %parallel_loop3A_303], %parallel_loop3A_306 {strides = array<i32>} : memref<16x1024xf32, #tpu.memory_space<vmem>>, vector<1x16xf32>,
        %parallel_loop3A_307 = arith.index_cast %parallel_loop3A_162 : i32 to index
        %parallel_loop3A_308 = arith.constant 192 : index
        %parallel_loop3A_309 = tpu.vector_load %arg8[%parallel_loop3A_307, %parallel_loop3A_308] {strides = array<i32>} : memref<16x1024xf32, #tpu.memory_space<vmem>>, vector<1x16xf32>,
        %parallel_loop3A_310 = vector.shape_cast %parallel_loop3A_309 : vector<1x16xf32> to vector<16xf32>
        %parallel_loop3A_311 = arith.constant 3.200000e+01 : f32
        %parallel_loop3A_312 = vector.broadcast %parallel_loop3A_311 : f32 to vector<16xf32>
        %parallel_loop3A_313 = arith.mulf %parallel_loop3A_310, %parallel_loop3A_312 : vector<16xf32>
        %parallel_loop3A_314 = arith.index_cast %parallel_loop3A_162 : i32 to index
        %parallel_loop3A_315 = arith.constant 192 : index
        %parallel_loop3A_316 = tpu.vector_load %arg10[%parallel_loop3A_314, %parallel_loop3A_315] {strides = array<i32>} : memref<16x1024xf32, #tpu.memory_space<vmem>>, vector<1x16xf32>,
        %parallel_loop3A_317 = vector.shape_cast %parallel_loop3A_316 : vector<1x16xf32> to vector<16xf32>
        %parallel_loop3A_318 = vector.shape_cast %parallel_loop3A_313 : vector<16xf32> to vector<1x16xf32>
        tpu.vector_store %arg10[%parallel_loop3A_314, %parallel_loop3A_315], %parallel_loop3A_318 {strides = array<i32>} : memref<16x1024xf32, #tpu.memory_space<vmem>>, vector<1x16xf32>,
        %parallel_loop3A_319 = arith.index_cast %parallel_loop3A_162 : i32 to index
        %parallel_loop3A_320 = arith.constant 208 : index
        %parallel_loop3A_321 = tpu.vector_load %arg8[%parallel_loop3A_319, %parallel_loop3A_320] {strides = array<i32>} : memref<16x1024xf32, #tpu.memory_space<vmem>>, vector<1x16xf32>,
        %parallel_loop3A_322 = vector.shape_cast %parallel_loop3A_321 : vector<1x16xf32> to vector<16xf32>
        %parallel_loop3A_323 = arith.constant 3.200000e+01 : f32
        %parallel_loop3A_324 = vector.broadcast %parallel_loop3A_323 : f32 to vector<16xf32>
        %parallel_loop3A_325 = arith.mulf %parallel_loop3A_322, %parallel_loop3A_324 : vector<16xf32>
        %parallel_loop3A_326 = arith.index_cast %parallel_loop3A_162 : i32 to index
        %parallel_loop3A_327 = arith.constant 208 : index
        %parallel_loop3A_328 = tpu.vector_load %arg10[%parallel_loop3A_326, %parallel_loop3A_327] {strides = array<i32>} : memref<16x1024xf32, #tpu.memory_space<vmem>>, vector<1x16xf32>,
        %parallel_loop3A_329 = vector.shape_cast %parallel_loop3A_328 : vector<1x16xf32> to vector<16xf32>
        %parallel_loop3A_330 = vector.shape_cast %parallel_loop3A_325 : vector<16xf32> to vector<1x16xf32>
        tpu.vector_store %arg10[%parallel_loop3A_326, %parallel_loop3A_327], %parallel_loop3A_330 {strides = array<i32>} : memref<16x1024xf32, #tpu.memory_space<vmem>>, vector<1x16xf32>,
        %parallel_loop3A_331 = arith.index_cast %parallel_loop3A_162 : i32 to index
        %parallel_loop3A_332 = arith.constant 224 : index
        %parallel_loop3A_333 = tpu.vector_load %arg8[%parallel_loop3A_331, %parallel_loop3A_332] {strides = array<i32>} : memref<16x1024xf32, #tpu.memory_space<vmem>>, vector<1x16xf32>,
        %parallel_loop3A_334 = vector.shape_cast %parallel_loop3A_333 : vector<1x16xf32> to vector<16xf32>
        %parallel_loop3A_335 = arith.constant 3.200000e+01 : f32
        %parallel_loop3A_336 = vector.broadcast %parallel_loop3A_335 : f32 to vector<16xf32>
        %parallel_loop3A_337 = arith.mulf %parallel_loop3A_334, %parallel_loop3A_336 : vector<16xf32>
        %parallel_loop3A_338 = arith.index_cast %parallel_loop3A_162 : i32 to index
        %parallel_loop3A_339 = arith.constant 224 : index
        %parallel_loop3A_340 = tpu.vector_load %arg10[%parallel_loop3A_338, %parallel_loop3A_339] {strides = array<i32>} : memref<16x1024xf32, #tpu.memory_space<vmem>>, vector<1x16xf32>,
        %parallel_loop3A_341 = vector.shape_cast %parallel_loop3A_340 : vector<1x16xf32> to vector<16xf32>
        %parallel_loop3A_342 = vector.shape_cast %parallel_loop3A_337 : vector<16xf32> to vector<1x16xf32>
        tpu.vector_store %arg10[%parallel_loop3A_338, %parallel_loop3A_339], %parallel_loop3A_342 {strides = array<i32>} : memref<16x1024xf32, #tpu.memory_space<vmem>>, vector<1x16xf32>,
        %parallel_loop3A_343 = arith.index_cast %parallel_loop3A_162 : i32 to index
        %parallel_loop3A_344 = arith.constant 240 : index
        %parallel_loop3A_345 = tpu.vector_load %arg8[%parallel_loop3A_343, %parallel_loop3A_344] {strides = array<i32>} : memref<16x1024xf32, #tpu.memory_space<vmem>>, vector<1x16xf32>,
        %parallel_loop3A_346 = vector.shape_cast %parallel_loop3A_345 : vector<1x16xf32> to vector<16xf32>
        %parallel_loop3A_347 = arith.constant 3.200000e+01 : f32
        %parallel_loop3A_348 = vector.broadcast %parallel_loop3A_347 : f32 to vector<16xf32>
        %parallel_loop3A_349 = arith.mulf %parallel_loop3A_346, %parallel_loop3A_348 : vector<16xf32>
        %parallel_loop3A_350 = arith.index_cast %parallel_loop3A_162 : i32 to index
        %parallel_loop3A_351 = arith.constant 240 : index
        %parallel_loop3A_352 = tpu.vector_load %arg10[%parallel_loop3A_350, %parallel_loop3A_351] {strides = array<i32>} : memref<16x1024xf32, #tpu.memory_space<vmem>>, vector<1x16xf32>,
        %parallel_loop3A_353 = vector.shape_cast %parallel_loop3A_352 : vector<1x16xf32> to vector<16xf32>
        %parallel_loop3A_354 = vector.shape_cast %parallel_loop3A_349 : vector<16xf32> to vector<1x16xf32>
        tpu.vector_store %arg10[%parallel_loop3A_350, %parallel_loop3A_351], %parallel_loop3A_354 {strides = array<i32>} : memref<16x1024xf32, #tpu.memory_space<vmem>>, vector<1x16xf32>,
        %parallel_loop3A_355 = arith.index_cast %parallel_loop3A_162 : i32 to index
        %parallel_loop3A_356 = arith.constant 256 : index
        %parallel_loop3A_357 = tpu.vector_load %arg8[%parallel_loop3A_355, %parallel_loop3A_356] {strides = array<i32>} : memref<16x1024xf32, #tpu.memory_space<vmem>>, vector<1x16xf32>,
        %parallel_loop3A_358 = vector.shape_cast %parallel_loop3A_357 : vector<1x16xf32> to vector<16xf32>
        %parallel_loop3A_359 = arith.constant 3.200000e+01 : f32
        %parallel_loop3A_360 = vector.broadcast %parallel_loop3A_359 : f32 to vector<16xf32>
        %parallel_loop3A_361 = arith.mulf %parallel_loop3A_358, %parallel_loop3A_360 : vector<16xf32>
        %parallel_loop3A_362 = arith.index_cast %parallel_loop3A_162 : i32 to index
        %parallel_loop3A_363 = arith.constant 256 : index
        %parallel_loop3A_364 = tpu.vector_load %arg10[%parallel_loop3A_362, %parallel_loop3A_363] {strides = array<i32>} : memref<16x1024xf32, #tpu.memory_space<vmem>>, vector<1x16xf32>,
        %parallel_loop3A_365 = vector.shape_cast %parallel_loop3A_364 : vector<1x16xf32> to vector<16xf32>
        %parallel_loop3A_366 = vector.shape_cast %parallel_loop3A_361 : vector<16xf32> to vector<1x16xf32>
        tpu.vector_store %arg10[%parallel_loop3A_362, %parallel_loop3A_363], %parallel_loop3A_366 {strides = array<i32>} : memref<16x1024xf32, #tpu.memory_space<vmem>>, vector<1x16xf32>,
        %parallel_loop3A_367 = arith.index_cast %parallel_loop3A_162 : i32 to index
        %parallel_loop3A_368 = arith.constant 272 : index
        %parallel_loop3A_369 = tpu.vector_load %arg8[%parallel_loop3A_367, %parallel_loop3A_368] {strides = array<i32>} : memref<16x1024xf32, #tpu.memory_space<vmem>>, vector<1x16xf32>,
        %parallel_loop3A_370 = vector.shape_cast %parallel_loop3A_369 : vector<1x16xf32> to vector<16xf32>
        %parallel_loop3A_371 = arith.constant 3.200000e+01 : f32
        %parallel_loop3A_372 = vector.broadcast %parallel_loop3A_371 : f32 to vector<16xf32>
        %parallel_loop3A_373 = arith.mulf %parallel_loop3A_370, %parallel_loop3A_372 : vector<16xf32>
        %parallel_loop3A_374 = arith.index_cast %parallel_loop3A_162 : i32 to index
        %parallel_loop3A_375 = arith.constant 272 : index
        %parallel_loop3A_376 = tpu.vector_load %arg10[%parallel_loop3A_374, %parallel_loop3A_375] {strides = array<i32>} : memref<16x1024xf32, #tpu.memory_space<vmem>>, vector<1x16xf32>,
        %parallel_loop3A_377 = vector.shape_cast %parallel_loop3A_376 : vector<1x16xf32> to vector<16xf32>
        %parallel_loop3A_378 = vector.shape_cast %parallel_loop3A_373 : vector<16xf32> to vector<1x16xf32>
        tpu.vector_store %arg10[%parallel_loop3A_374, %parallel_loop3A_375], %parallel_loop3A_378 {strides = array<i32>} : memref<16x1024xf32, #tpu.memory_space<vmem>>, vector<1x16xf32>,
        %parallel_loop3A_379 = arith.index_cast %parallel_loop3A_162 : i32 to index
        %parallel_loop3A_380 = arith.constant 288 : index
        %parallel_loop3A_381 = tpu.vector_load %arg8[%parallel_loop3A_379, %parallel_loop3A_380] {strides = array<i32>} : memref<16x1024xf32, #tpu.memory_space<vmem>>, vector<1x16xf32>,
        %parallel_loop3A_382 = vector.shape_cast %parallel_loop3A_381 : vector<1x16xf32> to vector<16xf32>
        %parallel_loop3A_383 = arith.constant 3.200000e+01 : f32
        %parallel_loop3A_384 = vector.broadcast %parallel_loop3A_383 : f32 to vector<16xf32>
        %parallel_loop3A_385 = arith.mulf %parallel_loop3A_382, %parallel_loop3A_384 : vector<16xf32>
        %parallel_loop3A_386 = arith.index_cast %parallel_loop3A_162 : i32 to index
        %parallel_loop3A_387 = arith.constant 288 : index
        %parallel_loop3A_388 = tpu.vector_load %arg10[%parallel_loop3A_386, %parallel_loop3A_387] {strides = array<i32>} : memref<16x1024xf32, #tpu.memory_space<vmem>>, vector<1x16xf32>,
        %parallel_loop3A_389 = vector.shape_cast %parallel_loop3A_388 : vector<1x16xf32> to vector<16xf32>
        %parallel_loop3A_390 = vector.shape_cast %parallel_loop3A_385 : vector<16xf32> to vector<1x16xf32>
        tpu.vector_store %arg10[%parallel_loop3A_386, %parallel_loop3A_387], %parallel_loop3A_390 {strides = array<i32>} : memref<16x1024xf32, #tpu.memory_space<vmem>>, vector<1x16xf32>,
        %parallel_loop3A_391 = arith.index_cast %parallel_loop3A_162 : i32 to index
        %parallel_loop3A_392 = arith.constant 304 : index
        %parallel_loop3A_393 = tpu.vector_load %arg8[%parallel_loop3A_391, %parallel_loop3A_392] {strides = array<i32>} : memref<16x1024xf32, #tpu.memory_space<vmem>>, vector<1x16xf32>,
        %parallel_loop3A_394 = vector.shape_cast %parallel_loop3A_393 : vector<1x16xf32> to vector<16xf32>
        %parallel_loop3A_395 = arith.constant 3.200000e+01 : f32
        %parallel_loop3A_396 = vector.broadcast %parallel_loop3A_395 : f32 to vector<16xf32>
        %parallel_loop3A_397 = arith.mulf %parallel_loop3A_394, %parallel_loop3A_396 : vector<16xf32>
        %parallel_loop3A_398 = arith.index_cast %parallel_loop3A_162 : i32 to index
        %parallel_loop3A_399 = arith.constant 304 : index
        %parallel_loop3A_400 = tpu.vector_load %arg10[%parallel_loop3A_398, %parallel_loop3A_399] {strides = array<i32>} : memref<16x1024xf32, #tpu.memory_space<vmem>>, vector<1x16xf32>,
        %parallel_loop3A_401 = vector.shape_cast %parallel_loop3A_400 : vector<1x16xf32> to vector<16xf32>
        %parallel_loop3A_402 = vector.shape_cast %parallel_loop3A_397 : vector<16xf32> to vector<1x16xf32>
        tpu.vector_store %arg10[%parallel_loop3A_398, %parallel_loop3A_399], %parallel_loop3A_402 {strides = array<i32>} : memref<16x1024xf32, #tpu.memory_space<vmem>>, vector<1x16xf32>,
        %parallel_loop3A_403 = arith.index_cast %parallel_loop3A_162 : i32 to index
        %parallel_loop3A_404 = arith.constant 320 : index
        %parallel_loop3A_405 = tpu.vector_load %arg8[%parallel_loop3A_403, %parallel_loop3A_404] {strides = array<i32>} : memref<16x1024xf32, #tpu.memory_space<vmem>>, vector<1x16xf32>,
        %parallel_loop3A_406 = vector.shape_cast %parallel_loop3A_405 : vector<1x16xf32> to vector<16xf32>
        %parallel_loop3A_407 = arith.constant 3.200000e+01 : f32
        %parallel_loop3A_408 = vector.broadcast %parallel_loop3A_407 : f32 to vector<16xf32>
        %parallel_loop3A_409 = arith.mulf %parallel_loop3A_406, %parallel_loop3A_408 : vector<16xf32>
        %parallel_loop3A_410 = arith.index_cast %parallel_loop3A_162 : i32 to index
        %parallel_loop3A_411 = arith.constant 320 : index
        %parallel_loop3A_412 = tpu.vector_load %arg10[%parallel_loop3A_410, %parallel_loop3A_411] {strides = array<i32>} : memref<16x1024xf32, #tpu.memory_space<vmem>>, vector<1x16xf32>,
        %parallel_loop3A_413 = vector.shape_cast %parallel_loop3A_412 : vector<1x16xf32> to vector<16xf32>
        %parallel_loop3A_414 = vector.shape_cast %parallel_loop3A_409 : vector<16xf32> to vector<1x16xf32>
        tpu.vector_store %arg10[%parallel_loop3A_410, %parallel_loop3A_411], %parallel_loop3A_414 {strides = array<i32>} : memref<16x1024xf32, #tpu.memory_space<vmem>>, vector<1x16xf32>,
        %parallel_loop3A_415 = arith.index_cast %parallel_loop3A_162 : i32 to index
        %parallel_loop3A_416 = arith.constant 336 : index
        %parallel_loop3A_417 = tpu.vector_load %arg8[%parallel_loop3A_415, %parallel_loop3A_416] {strides = array<i32>} : memref<16x1024xf32, #tpu.memory_space<vmem>>, vector<1x16xf32>,
        %parallel_loop3A_418 = vector.shape_cast %parallel_loop3A_417 : vector<1x16xf32> to vector<16xf32>
        %parallel_loop3A_419 = arith.constant 3.200000e+01 : f32
        %parallel_loop3A_420 = vector.broadcast %parallel_loop3A_419 : f32 to vector<16xf32>
        %parallel_loop3A_421 = arith.mulf %parallel_loop3A_418, %parallel_loop3A_420 : vector<16xf32>
        %parallel_loop3A_422 = arith.index_cast %parallel_loop3A_162 : i32 to index
        %parallel_loop3A_423 = arith.constant 336 : index
        %parallel_loop3A_424 = tpu.vector_load %arg10[%parallel_loop3A_422, %parallel_loop3A_423] {strides = array<i32>} : memref<16x1024xf32, #tpu.memory_space<vmem>>, vector<1x16xf32>,
        %parallel_loop3A_425 = vector.shape_cast %parallel_loop3A_424 : vector<1x16xf32> to vector<16xf32>
        %parallel_loop3A_426 = vector.shape_cast %parallel_loop3A_421 : vector<16xf32> to vector<1x16xf32>
        tpu.vector_store %arg10[%parallel_loop3A_422, %parallel_loop3A_423], %parallel_loop3A_426 {strides = array<i32>} : memref<16x1024xf32, #tpu.memory_space<vmem>>, vector<1x16xf32>,
        %parallel_loop3A_427 = arith.index_cast %parallel_loop3A_162 : i32 to index
        %parallel_loop3A_428 = arith.constant 352 : index
        %parallel_loop3A_429 = tpu.vector_load %arg8[%parallel_loop3A_427, %parallel_loop3A_428] {strides = array<i32>} : memref<16x1024xf32, #tpu.memory_space<vmem>>, vector<1x16xf32>,
        %parallel_loop3A_430 = vector.shape_cast %parallel_loop3A_429 : vector<1x16xf32> to vector<16xf32>
        %parallel_loop3A_431 = arith.constant 3.200000e+01 : f32
        %parallel_loop3A_432 = vector.broadcast %parallel_loop3A_431 : f32 to vector<16xf32>
        %parallel_loop3A_433 = arith.mulf %parallel_loop3A_430, %parallel_loop3A_432 : vector<16xf32>
        %parallel_loop3A_434 = arith.index_cast %parallel_loop3A_162 : i32 to index
        %parallel_loop3A_435 = arith.constant 352 : index
        %parallel_loop3A_436 = tpu.vector_load %arg10[%parallel_loop3A_434, %parallel_loop3A_435] {strides = array<i32>} : memref<16x1024xf32, #tpu.memory_space<vmem>>, vector<1x16xf32>,
        %parallel_loop3A_437 = vector.shape_cast %parallel_loop3A_436 : vector<1x16xf32> to vector<16xf32>
        %parallel_loop3A_438 = vector.shape_cast %parallel_loop3A_433 : vector<16xf32> to vector<1x16xf32>
        tpu.vector_store %arg10[%parallel_loop3A_434, %parallel_loop3A_435], %parallel_loop3A_438 {strides = array<i32>} : memref<16x1024xf32, #tpu.memory_space<vmem>>, vector<1x16xf32>,
        %parallel_loop3A_439 = arith.index_cast %parallel_loop3A_162 : i32 to index
        %parallel_loop3A_440 = arith.constant 368 : index
        %parallel_loop3A_441 = tpu.vector_load %arg8[%parallel_loop3A_439, %parallel_loop3A_440] {strides = array<i32>} : memref<16x1024xf32, #tpu.memory_space<vmem>>, vector<1x16xf32>,
        %parallel_loop3A_442 = vector.shape_cast %parallel_loop3A_441 : vector<1x16xf32> to vector<16xf32>
        %parallel_loop3A_443 = arith.constant 3.200000e+01 : f32
        %parallel_loop3A_444 = vector.broadcast %parallel_loop3A_443 : f32 to vector<16xf32>
        %parallel_loop3A_445 = arith.mulf %parallel_loop3A_442, %parallel_loop3A_444 : vector<16xf32>
        %parallel_loop3A_446 = arith.index_cast %parallel_loop3A_162 : i32 to index
        %parallel_loop3A_447 = arith.constant 368 : index
        %parallel_loop3A_448 = tpu.vector_load %arg10[%parallel_loop3A_446, %parallel_loop3A_447] {strides = array<i32>} : memref<16x1024xf32, #tpu.memory_space<vmem>>, vector<1x16xf32>,
        %parallel_loop3A_449 = vector.shape_cast %parallel_loop3A_448 : vector<1x16xf32> to vector<16xf32>
        %parallel_loop3A_450 = vector.shape_cast %parallel_loop3A_445 : vector<16xf32> to vector<1x16xf32>
        tpu.vector_store %arg10[%parallel_loop3A_446, %parallel_loop3A_447], %parallel_loop3A_450 {strides = array<i32>} : memref<16x1024xf32, #tpu.memory_space<vmem>>, vector<1x16xf32>,
        %parallel_loop3A_451 = arith.index_cast %parallel_loop3A_162 : i32 to index
        %parallel_loop3A_452 = arith.constant 384 : index
        %parallel_loop3A_453 = tpu.vector_load %arg8[%parallel_loop3A_451, %parallel_loop3A_452] {strides = array<i32>} : memref<16x1024xf32, #tpu.memory_space<vmem>>, vector<1x16xf32>,
        %parallel_loop3A_454 = vector.shape_cast %parallel_loop3A_453 : vector<1x16xf32> to vector<16xf32>
        %parallel_loop3A_455 = arith.constant 3.200000e+01 : f32
        %parallel_loop3A_456 = vector.broadcast %parallel_loop3A_455 : f32 to vector<16xf32>
        %parallel_loop3A_457 = arith.mulf %parallel_loop3A_454, %parallel_loop3A_456 : vector<16xf32>
        %parallel_loop3A_458 = arith.index_cast %parallel_loop3A_162 : i32 to index
        %parallel_loop3A_459 = arith.constant 384 : index
        %parallel_loop3A_460 = tpu.vector_load %arg10[%parallel_loop3A_458, %parallel_loop3A_459] {strides = array<i32>} : memref<16x1024xf32, #tpu.memory_space<vmem>>, vector<1x16xf32>,
        %parallel_loop3A_461 = vector.shape_cast %parallel_loop3A_460 : vector<1x16xf32> to vector<16xf32>
        %parallel_loop3A_462 = vector.shape_cast %parallel_loop3A_457 : vector<16xf32> to vector<1x16xf32>
        tpu.vector_store %arg10[%parallel_loop3A_458, %parallel_loop3A_459], %parallel_loop3A_462 {strides = array<i32>} : memref<16x1024xf32, #tpu.memory_space<vmem>>, vector<1x16xf32>,
        %parallel_loop3A_463 = arith.index_cast %parallel_loop3A_162 : i32 to index
        %parallel_loop3A_464 = arith.constant 400 : index
        %parallel_loop3A_465 = tpu.vector_load %arg8[%parallel_loop3A_463, %parallel_loop3A_464] {strides = array<i32>} : memref<16x1024xf32, #tpu.memory_space<vmem>>, vector<1x16xf32>,
        %parallel_loop3A_466 = vector.shape_cast %parallel_loop3A_465 : vector<1x16xf32> to vector<16xf32>
        %parallel_loop3A_467 = arith.constant 3.200000e+01 : f32
        %parallel_loop3A_468 = vector.broadcast %parallel_loop3A_467 : f32 to vector<16xf32>
        %parallel_loop3A_469 = arith.mulf %parallel_loop3A_466, %parallel_loop3A_468 : vector<16xf32>
        %parallel_loop3A_470 = arith.index_cast %parallel_loop3A_162 : i32 to index
        %parallel_loop3A_471 = arith.constant 400 : index
        %parallel_loop3A_472 = tpu.vector_load %arg10[%parallel_loop3A_470, %parallel_loop3A_471] {strides = array<i32>} : memref<16x1024xf32, #tpu.memory_space<vmem>>, vector<1x16xf32>,
        %parallel_loop3A_473 = vector.shape_cast %parallel_loop3A_472 : vector<1x16xf32> to vector<16xf32>
        %parallel_loop3A_474 = vector.shape_cast %parallel_loop3A_469 : vector<16xf32> to vector<1x16xf32>
        tpu.vector_store %arg10[%parallel_loop3A_470, %parallel_loop3A_471], %parallel_loop3A_474 {strides = array<i32>} : memref<16x1024xf32, #tpu.memory_space<vmem>>, vector<1x16xf32>,
        %parallel_loop3A_475 = arith.index_cast %parallel_loop3A_162 : i32 to index
        %parallel_loop3A_476 = arith.constant 416 : index
        %parallel_loop3A_477 = tpu.vector_load %arg8[%parallel_loop3A_475, %parallel_loop3A_476] {strides = array<i32>} : memref<16x1024xf32, #tpu.memory_space<vmem>>, vector<1x16xf32>,
        %parallel_loop3A_478 = vector.shape_cast %parallel_loop3A_477 : vector<1x16xf32> to vector<16xf32>
        %parallel_loop3A_479 = arith.constant 3.200000e+01 : f32
        %parallel_loop3A_480 = vector.broadcast %parallel_loop3A_479 : f32 to vector<16xf32>
        %parallel_loop3A_481 = arith.mulf %parallel_loop3A_478, %parallel_loop3A_480 : vector<16xf32>
        %parallel_loop3A_482 = arith.index_cast %parallel_loop3A_162 : i32 to index
        %parallel_loop3A_483 = arith.constant 416 : index
        %parallel_loop3A_484 = tpu.vector_load %arg10[%parallel_loop3A_482, %parallel_loop3A_483] {strides = array<i32>} : memref<16x1024xf32, #tpu.memory_space<vmem>>, vector<1x16xf32>,
        %parallel_loop3A_485 = vector.shape_cast %parallel_loop3A_484 : vector<1x16xf32> to vector<16xf32>
        %parallel_loop3A_486 = vector.shape_cast %parallel_loop3A_481 : vector<16xf32> to vector<1x16xf32>
        tpu.vector_store %arg10[%parallel_loop3A_482, %parallel_loop3A_483], %parallel_loop3A_486 {strides = array<i32>} : memref<16x1024xf32, #tpu.memory_space<vmem>>, vector<1x16xf32>,
        %parallel_loop3A_487 = arith.index_cast %parallel_loop3A_162 : i32 to index
        %parallel_loop3A_488 = arith.constant 432 : index
        %parallel_loop3A_489 = tpu.vector_load %arg8[%parallel_loop3A_487, %parallel_loop3A_488] {strides = array<i32>} : memref<16x1024xf32, #tpu.memory_space<vmem>>, vector<1x16xf32>,
        %parallel_loop3A_490 = vector.shape_cast %parallel_loop3A_489 : vector<1x16xf32> to vector<16xf32>
        %parallel_loop3A_491 = arith.constant 3.200000e+01 : f32
        %parallel_loop3A_492 = vector.broadcast %parallel_loop3A_491 : f32 to vector<16xf32>
        %parallel_loop3A_493 = arith.mulf %parallel_loop3A_490, %parallel_loop3A_492 : vector<16xf32>
        %parallel_loop3A_494 = arith.index_cast %parallel_loop3A_162 : i32 to index
        %parallel_loop3A_495 = arith.constant 432 : index
        %parallel_loop3A_496 = tpu.vector_load %arg10[%parallel_loop3A_494, %parallel_loop3A_495] {strides = array<i32>} : memref<16x1024xf32, #tpu.memory_space<vmem>>, vector<1x16xf32>,
        %parallel_loop3A_497 = vector.shape_cast %parallel_loop3A_496 : vector<1x16xf32> to vector<16xf32>
        %parallel_loop3A_498 = vector.shape_cast %parallel_loop3A_493 : vector<16xf32> to vector<1x16xf32>
        tpu.vector_store %arg10[%parallel_loop3A_494, %parallel_loop3A_495], %parallel_loop3A_498 {strides = array<i32>} : memref<16x1024xf32, #tpu.memory_space<vmem>>, vector<1x16xf32>,
        %parallel_loop3A_499 = arith.index_cast %parallel_loop3A_162 : i32 to index
        %parallel_loop3A_500 = arith.constant 448 : index
        %parallel_loop3A_501 = tpu.vector_load %arg8[%parallel_loop3A_499, %parallel_loop3A_500] {strides = array<i32>} : memref<16x1024xf32, #tpu.memory_space<vmem>>, vector<1x16xf32>,
        %parallel_loop3A_502 = vector.shape_cast %parallel_loop3A_501 : vector<1x16xf32> to vector<16xf32>
        %parallel_loop3A_503 = arith.constant 3.200000e+01 : f32
        %parallel_loop3A_504 = vector.broadcast %parallel_loop3A_503 : f32 to vector<16xf32>
        %parallel_loop3A_505 = arith.mulf %parallel_loop3A_502, %parallel_loop3A_504 : vector<16xf32>
        %parallel_loop3A_506 = arith.index_cast %parallel_loop3A_162 : i32 to index
        %parallel_loop3A_507 = arith.constant 448 : index
        %parallel_loop3A_508 = tpu.vector_load %arg10[%parallel_loop3A_506, %parallel_loop3A_507] {strides = array<i32>} : memref<16x1024xf32, #tpu.memory_space<vmem>>, vector<1x16xf32>,
        %parallel_loop3A_509 = vector.shape_cast %parallel_loop3A_508 : vector<1x16xf32> to vector<16xf32>
        %parallel_loop3A_510 = vector.shape_cast %parallel_loop3A_505 : vector<16xf32> to vector<1x16xf32>
        tpu.vector_store %arg10[%parallel_loop3A_506, %parallel_loop3A_507], %parallel_loop3A_510 {strides = array<i32>} : memref<16x1024xf32, #tpu.memory_space<vmem>>, vector<1x16xf32>,
        %parallel_loop3A_511 = arith.index_cast %parallel_loop3A_162 : i32 to index
        %parallel_loop3A_512 = arith.constant 464 : index
        %parallel_loop3A_513 = tpu.vector_load %arg8[%parallel_loop3A_511, %parallel_loop3A_512] {strides = array<i32>} : memref<16x1024xf32, #tpu.memory_space<vmem>>, vector<1x16xf32>,
        %parallel_loop3A_514 = vector.shape_cast %parallel_loop3A_513 : vector<1x16xf32> to vector<16xf32>
        %parallel_loop3A_515 = arith.constant 3.200000e+01 : f32
        %parallel_loop3A_516 = vector.broadcast %parallel_loop3A_515 : f32 to vector<16xf32>
        %parallel_loop3A_517 = arith.mulf %parallel_loop3A_514, %parallel_loop3A_516 : vector<16xf32>
        %parallel_loop3A_518 = arith.index_cast %parallel_loop3A_162 : i32 to index
        %parallel_loop3A_519 = arith.constant 464 : index
        %parallel_loop3A_520 = tpu.vector_load %arg10[%parallel_loop3A_518, %parallel_loop3A_519] {strides = array<i32>} : memref<16x1024xf32, #tpu.memory_space<vmem>>, vector<1x16xf32>,
        %parallel_loop3A_521 = vector.shape_cast %parallel_loop3A_520 : vector<1x16xf32> to vector<16xf32>
        %parallel_loop3A_522 = vector.shape_cast %parallel_loop3A_517 : vector<16xf32> to vector<1x16xf32>
        tpu.vector_store %arg10[%parallel_loop3A_518, %parallel_loop3A_519], %parallel_loop3A_522 {strides = array<i32>} : memref<16x1024xf32, #tpu.memory_space<vmem>>, vector<1x16xf32>,
        %parallel_loop3A_523 = arith.index_cast %parallel_loop3A_162 : i32 to index
        %parallel_loop3A_524 = arith.constant 480 : index
        %parallel_loop3A_525 = tpu.vector_load %arg8[%parallel_loop3A_523, %parallel_loop3A_524] {strides = array<i32>} : memref<16x1024xf32, #tpu.memory_space<vmem>>, vector<1x16xf32>,
        %parallel_loop3A_526 = vector.shape_cast %parallel_loop3A_525 : vector<1x16xf32> to vector<16xf32>
        %parallel_loop3A_527 = arith.constant 3.200000e+01 : f32
        %parallel_loop3A_528 = vector.broadcast %parallel_loop3A_527 : f32 to vector<16xf32>
        %parallel_loop3A_529 = arith.mulf %parallel_loop3A_526, %parallel_loop3A_528 : vector<16xf32>
        %parallel_loop3A_530 = arith.index_cast %parallel_loop3A_162 : i32 to index
        %parallel_loop3A_531 = arith.constant 480 : index
        %parallel_loop3A_532 = tpu.vector_load %arg10[%parallel_loop3A_530, %parallel_loop3A_531] {strides = array<i32>} : memref<16x1024xf32, #tpu.memory_space<vmem>>, vector<1x16xf32>,
        %parallel_loop3A_533 = vector.shape_cast %parallel_loop3A_532 : vector<1x16xf32> to vector<16xf32>
        %parallel_loop3A_534 = vector.shape_cast %parallel_loop3A_529 : vector<16xf32> to vector<1x16xf32>
        tpu.vector_store %arg10[%parallel_loop3A_530, %parallel_loop3A_531], %parallel_loop3A_534 {strides = array<i32>} : memref<16x1024xf32, #tpu.memory_space<vmem>>, vector<1x16xf32>,
        %parallel_loop3A_535 = arith.index_cast %parallel_loop3A_162 : i32 to index
        %parallel_loop3A_536 = arith.constant 496 : index
        %parallel_loop3A_537 = tpu.vector_load %arg8[%parallel_loop3A_535, %parallel_loop3A_536] {strides = array<i32>} : memref<16x1024xf32, #tpu.memory_space<vmem>>, vector<1x16xf32>,
        %parallel_loop3A_538 = vector.shape_cast %parallel_loop3A_537 : vector<1x16xf32> to vector<16xf32>
        %parallel_loop3A_539 = arith.constant 3.200000e+01 : f32
        %parallel_loop3A_540 = vector.broadcast %parallel_loop3A_539 : f32 to vector<16xf32>
        %parallel_loop3A_541 = arith.mulf %parallel_loop3A_538, %parallel_loop3A_540 : vector<16xf32>
        %parallel_loop3A_542 = arith.index_cast %parallel_loop3A_162 : i32 to index
        %parallel_loop3A_543 = arith.constant 496 : index
        %parallel_loop3A_544 = tpu.vector_load %arg10[%parallel_loop3A_542, %parallel_loop3A_543] {strides = array<i32>} : memref<16x1024xf32, #tpu.memory_space<vmem>>, vector<1x16xf32>,
        %parallel_loop3A_545 = vector.shape_cast %parallel_loop3A_544 : vector<1x16xf32> to vector<16xf32>
        %parallel_loop3A_546 = vector.shape_cast %parallel_loop3A_541 : vector<16xf32> to vector<1x16xf32>
        tpu.vector_store %arg10[%parallel_loop3A_542, %parallel_loop3A_543], %parallel_loop3A_546 {strides = array<i32>} : memref<16x1024xf32, #tpu.memory_space<vmem>>, vector<1x16xf32>,
        %parallel_loop3A_547 = arith.index_cast %parallel_loop3A_162 : i32 to index
        %parallel_loop3A_548 = arith.constant 512 : index
        %parallel_loop3A_549 = tpu.vector_load %arg8[%parallel_loop3A_547, %parallel_loop3A_548] {strides = array<i32>} : memref<16x1024xf32, #tpu.memory_space<vmem>>, vector<1x16xf32>,
        %parallel_loop3A_550 = vector.shape_cast %parallel_loop3A_549 : vector<1x16xf32> to vector<16xf32>
        %parallel_loop3A_551 = arith.constant 3.200000e+01 : f32
        %parallel_loop3A_552 = vector.broadcast %parallel_loop3A_551 : f32 to vector<16xf32>
        %parallel_loop3A_553 = arith.mulf %parallel_loop3A_550, %parallel_loop3A_552 : vector<16xf32>
        %parallel_loop3A_554 = arith.index_cast %parallel_loop3A_162 : i32 to index
        %parallel_loop3A_555 = arith.constant 512 : index
        %parallel_loop3A_556 = tpu.vector_load %arg10[%parallel_loop3A_554, %parallel_loop3A_555] {strides = array<i32>} : memref<16x1024xf32, #tpu.memory_space<vmem>>, vector<1x16xf32>,
        %parallel_loop3A_557 = vector.shape_cast %parallel_loop3A_556 : vector<1x16xf32> to vector<16xf32>
        %parallel_loop3A_558 = vector.shape_cast %parallel_loop3A_553 : vector<16xf32> to vector<1x16xf32>
        tpu.vector_store %arg10[%parallel_loop3A_554, %parallel_loop3A_555], %parallel_loop3A_558 {strides = array<i32>} : memref<16x1024xf32, #tpu.memory_space<vmem>>, vector<1x16xf32>,
        %parallel_loop3A_559 = arith.index_cast %parallel_loop3A_162 : i32 to index
        %parallel_loop3A_560 = arith.constant 528 : index
        %parallel_loop3A_561 = tpu.vector_load %arg8[%parallel_loop3A_559, %parallel_loop3A_560] {strides = array<i32>} : memref<16x1024xf32, #tpu.memory_space<vmem>>, vector<1x16xf32>,
        %parallel_loop3A_562 = vector.shape_cast %parallel_loop3A_561 : vector<1x16xf32> to vector<16xf32>
        %parallel_loop3A_563 = arith.constant 3.200000e+01 : f32
        %parallel_loop3A_564 = vector.broadcast %parallel_loop3A_563 : f32 to vector<16xf32>
        %parallel_loop3A_565 = arith.mulf %parallel_loop3A_562, %parallel_loop3A_564 : vector<16xf32>
        %parallel_loop3A_566 = arith.index_cast %parallel_loop3A_162 : i32 to index
        %parallel_loop3A_567 = arith.constant 528 : index
        %parallel_loop3A_568 = tpu.vector_load %arg10[%parallel_loop3A_566, %parallel_loop3A_567] {strides = array<i32>} : memref<16x1024xf32, #tpu.memory_space<vmem>>, vector<1x16xf32>,
        %parallel_loop3A_569 = vector.shape_cast %parallel_loop3A_568 : vector<1x16xf32> to vector<16xf32>
        %parallel_loop3A_570 = vector.shape_cast %parallel_loop3A_565 : vector<16xf32> to vector<1x16xf32>
        tpu.vector_store %arg10[%parallel_loop3A_566, %parallel_loop3A_567], %parallel_loop3A_570 {strides = array<i32>} : memref<16x1024xf32, #tpu.memory_space<vmem>>, vector<1x16xf32>,
        %parallel_loop3A_571 = arith.index_cast %parallel_loop3A_162 : i32 to index
        %parallel_loop3A_572 = arith.constant 544 : index
        %parallel_loop3A_573 = tpu.vector_load %arg8[%parallel_loop3A_571, %parallel_loop3A_572] {strides = array<i32>} : memref<16x1024xf32, #tpu.memory_space<vmem>>, vector<1x16xf32>,
        %parallel_loop3A_574 = vector.shape_cast %parallel_loop3A_573 : vector<1x16xf32> to vector<16xf32>
        %parallel_loop3A_575 = arith.constant 3.200000e+01 : f32
        %parallel_loop3A_576 = vector.broadcast %parallel_loop3A_575 : f32 to vector<16xf32>
        %parallel_loop3A_577 = arith.mulf %parallel_loop3A_574, %parallel_loop3A_576 : vector<16xf32>
        %parallel_loop3A_578 = arith.index_cast %parallel_loop3A_162 : i32 to index
        %parallel_loop3A_579 = arith.constant 544 : index
        %parallel_loop3A_580 = tpu.vector_load %arg10[%parallel_loop3A_578, %parallel_loop3A_579] {strides = array<i32>} : memref<16x1024xf32, #tpu.memory_space<vmem>>, vector<1x16xf32>,
        %parallel_loop3A_581 = vector.shape_cast %parallel_loop3A_580 : vector<1x16xf32> to vector<16xf32>
        %parallel_loop3A_582 = vector.shape_cast %parallel_loop3A_577 : vector<16xf32> to vector<1x16xf32>
        tpu.vector_store %arg10[%parallel_loop3A_578, %parallel_loop3A_579], %parallel_loop3A_582 {strides = array<i32>} : memref<16x1024xf32, #tpu.memory_space<vmem>>, vector<1x16xf32>,
        %parallel_loop3A_583 = arith.index_cast %parallel_loop3A_162 : i32 to index
        %parallel_loop3A_584 = arith.constant 560 : index
        %parallel_loop3A_585 = tpu.vector_load %arg8[%parallel_loop3A_583, %parallel_loop3A_584] {strides = array<i32>} : memref<16x1024xf32, #tpu.memory_space<vmem>>, vector<1x16xf32>,
        %parallel_loop3A_586 = vector.shape_cast %parallel_loop3A_585 : vector<1x16xf32> to vector<16xf32>
        %parallel_loop3A_587 = arith.constant 3.200000e+01 : f32
        %parallel_loop3A_588 = vector.broadcast %parallel_loop3A_587 : f32 to vector<16xf32>
        %parallel_loop3A_589 = arith.mulf %parallel_loop3A_586, %parallel_loop3A_588 : vector<16xf32>
        %parallel_loop3A_590 = arith.index_cast %parallel_loop3A_162 : i32 to index
        %parallel_loop3A_591 = arith.constant 560 : index
        %parallel_loop3A_592 = tpu.vector_load %arg10[%parallel_loop3A_590, %parallel_loop3A_591] {strides = array<i32>} : memref<16x1024xf32, #tpu.memory_space<vmem>>, vector<1x16xf32>,
        %parallel_loop3A_593 = vector.shape_cast %parallel_loop3A_592 : vector<1x16xf32> to vector<16xf32>
        %parallel_loop3A_594 = vector.shape_cast %parallel_loop3A_589 : vector<16xf32> to vector<1x16xf32>
        tpu.vector_store %arg10[%parallel_loop3A_590, %parallel_loop3A_591], %parallel_loop3A_594 {strides = array<i32>} : memref<16x1024xf32, #tpu.memory_space<vmem>>, vector<1x16xf32>,
        %parallel_loop3A_595 = arith.index_cast %parallel_loop3A_162 : i32 to index
        %parallel_loop3A_596 = arith.constant 576 : index
        %parallel_loop3A_597 = tpu.vector_load %arg8[%parallel_loop3A_595, %parallel_loop3A_596] {strides = array<i32>} : memref<16x1024xf32, #tpu.memory_space<vmem>>, vector<1x16xf32>,
        %parallel_loop3A_598 = vector.shape_cast %parallel_loop3A_597 : vector<1x16xf32> to vector<16xf32>
        %parallel_loop3A_599 = arith.constant 3.200000e+01 : f32
        %parallel_loop3A_600 = vector.broadcast %parallel_loop3A_599 : f32 to vector<16xf32>
        %parallel_loop3A_601 = arith.mulf %parallel_loop3A_598, %parallel_loop3A_600 : vector<16xf32>
        %parallel_loop3A_602 = arith.index_cast %parallel_loop3A_162 : i32 to index
        %parallel_loop3A_603 = arith.constant 576 : index
        %parallel_loop3A_604 = tpu.vector_load %arg10[%parallel_loop3A_602, %parallel_loop3A_603] {strides = array<i32>} : memref<16x1024xf32, #tpu.memory_space<vmem>>, vector<1x16xf32>,
        %parallel_loop3A_605 = vector.shape_cast %parallel_loop3A_604 : vector<1x16xf32> to vector<16xf32>
        %parallel_loop3A_606 = vector.shape_cast %parallel_loop3A_601 : vector<16xf32> to vector<1x16xf32>
        tpu.vector_store %arg10[%parallel_loop3A_602, %parallel_loop3A_603], %parallel_loop3A_606 {strides = array<i32>} : memref<16x1024xf32, #tpu.memory_space<vmem>>, vector<1x16xf32>,
        %parallel_loop3A_607 = arith.index_cast %parallel_loop3A_162 : i32 to index
        %parallel_loop3A_608 = arith.constant 592 : index
        %parallel_loop3A_609 = tpu.vector_load %arg8[%parallel_loop3A_607, %parallel_loop3A_608] {strides = array<i32>} : memref<16x1024xf32, #tpu.memory_space<vmem>>, vector<1x16xf32>,
        %parallel_loop3A_610 = vector.shape_cast %parallel_loop3A_609 : vector<1x16xf32> to vector<16xf32>
        %parallel_loop3A_611 = arith.constant 3.200000e+01 : f32
        %parallel_loop3A_612 = vector.broadcast %parallel_loop3A_611 : f32 to vector<16xf32>
        %parallel_loop3A_613 = arith.mulf %parallel_loop3A_610, %parallel_loop3A_612 : vector<16xf32>
        %parallel_loop3A_614 = arith.index_cast %parallel_loop3A_162 : i32 to index
        %parallel_loop3A_615 = arith.constant 592 : index
        %parallel_loop3A_616 = tpu.vector_load %arg10[%parallel_loop3A_614, %parallel_loop3A_615] {strides = array<i32>} : memref<16x1024xf32, #tpu.memory_space<vmem>>, vector<1x16xf32>,
        %parallel_loop3A_617 = vector.shape_cast %parallel_loop3A_616 : vector<1x16xf32> to vector<16xf32>
        %parallel_loop3A_618 = vector.shape_cast %parallel_loop3A_613 : vector<16xf32> to vector<1x16xf32>
        tpu.vector_store %arg10[%parallel_loop3A_614, %parallel_loop3A_615], %parallel_loop3A_618 {strides = array<i32>} : memref<16x1024xf32, #tpu.memory_space<vmem>>, vector<1x16xf32>,
        %parallel_loop3A_619 = arith.index_cast %parallel_loop3A_162 : i32 to index
        %parallel_loop3A_620 = arith.constant 608 : index
        %parallel_loop3A_621 = tpu.vector_load %arg8[%parallel_loop3A_619, %parallel_loop3A_620] {strides = array<i32>} : memref<16x1024xf32, #tpu.memory_space<vmem>>, vector<1x16xf32>,
        %parallel_loop3A_622 = vector.shape_cast %parallel_loop3A_621 : vector<1x16xf32> to vector<16xf32>
        %parallel_loop3A_623 = arith.constant 3.200000e+01 : f32
        %parallel_loop3A_624 = vector.broadcast %parallel_loop3A_623 : f32 to vector<16xf32>
        %parallel_loop3A_625 = arith.mulf %parallel_loop3A_622, %parallel_loop3A_624 : vector<16xf32>
        %parallel_loop3A_626 = arith.index_cast %parallel_loop3A_162 : i32 to index
        %parallel_loop3A_627 = arith.constant 608 : index
        %parallel_loop3A_628 = tpu.vector_load %arg10[%parallel_loop3A_626, %parallel_loop3A_627] {strides = array<i32>} : memref<16x1024xf32, #tpu.memory_space<vmem>>, vector<1x16xf32>,
        %parallel_loop3A_629 = vector.shape_cast %parallel_loop3A_628 : vector<1x16xf32> to vector<16xf32>
        %parallel_loop3A_630 = vector.shape_cast %parallel_loop3A_625 : vector<16xf32> to vector<1x16xf32>
        tpu.vector_store %arg10[%parallel_loop3A_626, %parallel_loop3A_627], %parallel_loop3A_630 {strides = array<i32>} : memref<16x1024xf32, #tpu.memory_space<vmem>>, vector<1x16xf32>,
        %parallel_loop3A_631 = arith.index_cast %parallel_loop3A_162 : i32 to index
        %parallel_loop3A_632 = arith.constant 624 : index
        %parallel_loop3A_633 = tpu.vector_load %arg8[%parallel_loop3A_631, %parallel_loop3A_632] {strides = array<i32>} : memref<16x1024xf32, #tpu.memory_space<vmem>>, vector<1x16xf32>,
        %parallel_loop3A_634 = vector.shape_cast %parallel_loop3A_633 : vector<1x16xf32> to vector<16xf32>
        %parallel_loop3A_635 = arith.constant 3.200000e+01 : f32
        %parallel_loop3A_636 = vector.broadcast %parallel_loop3A_635 : f32 to vector<16xf32>
        %parallel_loop3A_637 = arith.mulf %parallel_loop3A_634, %parallel_loop3A_636 : vector<16xf32>
        %parallel_loop3A_638 = arith.index_cast %parallel_loop3A_162 : i32 to index
        %parallel_loop3A_639 = arith.constant 624 : index
        %parallel_loop3A_640 = tpu.vector_load %arg10[%parallel_loop3A_638, %parallel_loop3A_639] {strides = array<i32>} : memref<16x1024xf32, #tpu.memory_space<vmem>>, vector<1x16xf32>,
        %parallel_loop3A_641 = vector.shape_cast %parallel_loop3A_640 : vector<1x16xf32> to vector<16xf32>
        %parallel_loop3A_642 = vector.shape_cast %parallel_loop3A_637 : vector<16xf32> to vector<1x16xf32>
        tpu.vector_store %arg10[%parallel_loop3A_638, %parallel_loop3A_639], %parallel_loop3A_642 {strides = array<i32>} : memref<16x1024xf32, #tpu.memory_space<vmem>>, vector<1x16xf32>,
        %parallel_loop3A_643 = arith.index_cast %parallel_loop3A_162 : i32 to index
        %parallel_loop3A_644 = arith.constant 640 : index
        %parallel_loop3A_645 = tpu.vector_load %arg8[%parallel_loop3A_643, %parallel_loop3A_644] {strides = array<i32>} : memref<16x1024xf32, #tpu.memory_space<vmem>>, vector<1x16xf32>,
        %parallel_loop3A_646 = vector.shape_cast %parallel_loop3A_645 : vector<1x16xf32> to vector<16xf32>
        %parallel_loop3A_647 = arith.constant 3.200000e+01 : f32
        %parallel_loop3A_648 = vector.broadcast %parallel_loop3A_647 : f32 to vector<16xf32>
        %parallel_loop3A_649 = arith.mulf %parallel_loop3A_646, %parallel_loop3A_648 : vector<16xf32>
        %parallel_loop3A_650 = arith.index_cast %parallel_loop3A_162 : i32 to index
        %parallel_loop3A_651 = arith.constant 640 : index
        %parallel_loop3A_652 = tpu.vector_load %arg10[%parallel_loop3A_650, %parallel_loop3A_651] {strides = array<i32>} : memref<16x1024xf32, #tpu.memory_space<vmem>>, vector<1x16xf32>,
        %parallel_loop3A_653 = vector.shape_cast %parallel_loop3A_652 : vector<1x16xf32> to vector<16xf32>
        %parallel_loop3A_654 = vector.shape_cast %parallel_loop3A_649 : vector<16xf32> to vector<1x16xf32>
        tpu.vector_store %arg10[%parallel_loop3A_650, %parallel_loop3A_651], %parallel_loop3A_654 {strides = array<i32>} : memref<16x1024xf32, #tpu.memory_space<vmem>>, vector<1x16xf32>,
        %parallel_loop3A_655 = arith.index_cast %parallel_loop3A_162 : i32 to index
        %parallel_loop3A_656 = arith.constant 656 : index
        %parallel_loop3A_657 = tpu.vector_load %arg8[%parallel_loop3A_655, %parallel_loop3A_656] {strides = array<i32>} : memref<16x1024xf32, #tpu.memory_space<vmem>>, vector<1x16xf32>,
        %parallel_loop3A_658 = vector.shape_cast %parallel_loop3A_657 : vector<1x16xf32> to vector<16xf32>
        %parallel_loop3A_659 = arith.constant 3.200000e+01 : f32
        %parallel_loop3A_660 = vector.broadcast %parallel_loop3A_659 : f32 to vector<16xf32>
        %parallel_loop3A_661 = arith.mulf %parallel_loop3A_658, %parallel_loop3A_660 : vector<16xf32>
        %parallel_loop3A_662 = arith.index_cast %parallel_loop3A_162 : i32 to index
        %parallel_loop3A_663 = arith.constant 656 : index
        %parallel_loop3A_664 = tpu.vector_load %arg10[%parallel_loop3A_662, %parallel_loop3A_663] {strides = array<i32>} : memref<16x1024xf32, #tpu.memory_space<vmem>>, vector<1x16xf32>,
        %parallel_loop3A_665 = vector.shape_cast %parallel_loop3A_664 : vector<1x16xf32> to vector<16xf32>
        %parallel_loop3A_666 = vector.shape_cast %parallel_loop3A_661 : vector<16xf32> to vector<1x16xf32>
        tpu.vector_store %arg10[%parallel_loop3A_662, %parallel_loop3A_663], %parallel_loop3A_666 {strides = array<i32>} : memref<16x1024xf32, #tpu.memory_space<vmem>>, vector<1x16xf32>,
        %parallel_loop3A_667 = arith.index_cast %parallel_loop3A_162 : i32 to index
        %parallel_loop3A_668 = arith.constant 672 : index
        %parallel_loop3A_669 = tpu.vector_load %arg8[%parallel_loop3A_667, %parallel_loop3A_668] {strides = array<i32>} : memref<16x1024xf32, #tpu.memory_space<vmem>>, vector<1x16xf32>,
        %parallel_loop3A_670 = vector.shape_cast %parallel_loop3A_669 : vector<1x16xf32> to vector<16xf32>
        %parallel_loop3A_671 = arith.constant 3.200000e+01 : f32
        %parallel_loop3A_672 = vector.broadcast %parallel_loop3A_671 : f32 to vector<16xf32>
        %parallel_loop3A_673 = arith.mulf %parallel_loop3A_670, %parallel_loop3A_672 : vector<16xf32>
        %parallel_loop3A_674 = arith.index_cast %parallel_loop3A_162 : i32 to index
        %parallel_loop3A_675 = arith.constant 672 : index
        %parallel_loop3A_676 = tpu.vector_load %arg10[%parallel_loop3A_674, %parallel_loop3A_675] {strides = array<i32>} : memref<16x1024xf32, #tpu.memory_space<vmem>>, vector<1x16xf32>,
        %parallel_loop3A_677 = vector.shape_cast %parallel_loop3A_676 : vector<1x16xf32> to vector<16xf32>
        %parallel_loop3A_678 = vector.shape_cast %parallel_loop3A_673 : vector<16xf32> to vector<1x16xf32>
        tpu.vector_store %arg10[%parallel_loop3A_674, %parallel_loop3A_675], %parallel_loop3A_678 {strides = array<i32>} : memref<16x1024xf32, #tpu.memory_space<vmem>>, vector<1x16xf32>,
        %parallel_loop3A_679 = arith.index_cast %parallel_loop3A_162 : i32 to index
        %parallel_loop3A_680 = arith.constant 688 : index
        %parallel_loop3A_681 = tpu.vector_load %arg8[%parallel_loop3A_679, %parallel_loop3A_680] {strides = array<i32>} : memref<16x1024xf32, #tpu.memory_space<vmem>>, vector<1x16xf32>,
        %parallel_loop3A_682 = vector.shape_cast %parallel_loop3A_681 : vector<1x16xf32> to vector<16xf32>
        %parallel_loop3A_683 = arith.constant 3.200000e+01 : f32
        %parallel_loop3A_684 = vector.broadcast %parallel_loop3A_683 : f32 to vector<16xf32>
        %parallel_loop3A_685 = arith.mulf %parallel_loop3A_682, %parallel_loop3A_684 : vector<16xf32>
        %parallel_loop3A_686 = arith.index_cast %parallel_loop3A_162 : i32 to index
        %parallel_loop3A_687 = arith.constant 688 : index
        %parallel_loop3A_688 = tpu.vector_load %arg10[%parallel_loop3A_686, %parallel_loop3A_687] {strides = array<i32>} : memref<16x1024xf32, #tpu.memory_space<vmem>>, vector<1x16xf32>,
        %parallel_loop3A_689 = vector.shape_cast %parallel_loop3A_688 : vector<1x16xf32> to vector<16xf32>
        %parallel_loop3A_690 = vector.shape_cast %parallel_loop3A_685 : vector<16xf32> to vector<1x16xf32>
        tpu.vector_store %arg10[%parallel_loop3A_686, %parallel_loop3A_687], %parallel_loop3A_690 {strides = array<i32>} : memref<16x1024xf32, #tpu.memory_space<vmem>>, vector<1x16xf32>,
        %parallel_loop3A_691 = arith.index_cast %parallel_loop3A_162 : i32 to index
        %parallel_loop3A_692 = arith.constant 704 : index
        %parallel_loop3A_693 = tpu.vector_load %arg8[%parallel_loop3A_691, %parallel_loop3A_692] {strides = array<i32>} : memref<16x1024xf32, #tpu.memory_space<vmem>>, vector<1x16xf32>,
        %parallel_loop3A_694 = vector.shape_cast %parallel_loop3A_693 : vector<1x16xf32> to vector<16xf32>
        %parallel_loop3A_695 = arith.constant 3.200000e+01 : f32
        %parallel_loop3A_696 = vector.broadcast %parallel_loop3A_695 : f32 to vector<16xf32>
        %parallel_loop3A_697 = arith.mulf %parallel_loop3A_694, %parallel_loop3A_696 : vector<16xf32>
        %parallel_loop3A_698 = arith.index_cast %parallel_loop3A_162 : i32 to index
        %parallel_loop3A_699 = arith.constant 704 : index
        %parallel_loop3A_700 = tpu.vector_load %arg10[%parallel_loop3A_698, %parallel_loop3A_699] {strides = array<i32>} : memref<16x1024xf32, #tpu.memory_space<vmem>>, vector<1x16xf32>,
        %parallel_loop3A_701 = vector.shape_cast %parallel_loop3A_700 : vector<1x16xf32> to vector<16xf32>
        %parallel_loop3A_702 = vector.shape_cast %parallel_loop3A_697 : vector<16xf32> to vector<1x16xf32>
        tpu.vector_store %arg10[%parallel_loop3A_698, %parallel_loop3A_699], %parallel_loop3A_702 {strides = array<i32>} : memref<16x1024xf32, #tpu.memory_space<vmem>>, vector<1x16xf32>,
        %parallel_loop3A_703 = arith.index_cast %parallel_loop3A_162 : i32 to index
        %parallel_loop3A_704 = arith.constant 720 : index
        %parallel_loop3A_705 = tpu.vector_load %arg8[%parallel_loop3A_703, %parallel_loop3A_704] {strides = array<i32>} : memref<16x1024xf32, #tpu.memory_space<vmem>>, vector<1x16xf32>,
        %parallel_loop3A_706 = vector.shape_cast %parallel_loop3A_705 : vector<1x16xf32> to vector<16xf32>
        %parallel_loop3A_707 = arith.constant 3.200000e+01 : f32
        %parallel_loop3A_708 = vector.broadcast %parallel_loop3A_707 : f32 to vector<16xf32>
        %parallel_loop3A_709 = arith.mulf %parallel_loop3A_706, %parallel_loop3A_708 : vector<16xf32>
        %parallel_loop3A_710 = arith.index_cast %parallel_loop3A_162 : i32 to index
        %parallel_loop3A_711 = arith.constant 720 : index
        %parallel_loop3A_712 = tpu.vector_load %arg10[%parallel_loop3A_710, %parallel_loop3A_711] {strides = array<i32>} : memref<16x1024xf32, #tpu.memory_space<vmem>>, vector<1x16xf32>,
        %parallel_loop3A_713 = vector.shape_cast %parallel_loop3A_712 : vector<1x16xf32> to vector<16xf32>
        %parallel_loop3A_714 = vector.shape_cast %parallel_loop3A_709 : vector<16xf32> to vector<1x16xf32>
        tpu.vector_store %arg10[%parallel_loop3A_710, %parallel_loop3A_711], %parallel_loop3A_714 {strides = array<i32>} : memref<16x1024xf32, #tpu.memory_space<vmem>>, vector<1x16xf32>,
        %parallel_loop3A_715 = arith.index_cast %parallel_loop3A_162 : i32 to index
        %parallel_loop3A_716 = arith.constant 736 : index
        %parallel_loop3A_717 = tpu.vector_load %arg8[%parallel_loop3A_715, %parallel_loop3A_716] {strides = array<i32>} : memref<16x1024xf32, #tpu.memory_space<vmem>>, vector<1x16xf32>,
        %parallel_loop3A_718 = vector.shape_cast %parallel_loop3A_717 : vector<1x16xf32> to vector<16xf32>
        %parallel_loop3A_719 = arith.constant 3.200000e+01 : f32
        %parallel_loop3A_720 = vector.broadcast %parallel_loop3A_719 : f32 to vector<16xf32>
        %parallel_loop3A_721 = arith.mulf %parallel_loop3A_718, %parallel_loop3A_720 : vector<16xf32>
        %parallel_loop3A_722 = arith.index_cast %parallel_loop3A_162 : i32 to index
        %parallel_loop3A_723 = arith.constant 736 : index
        %parallel_loop3A_724 = tpu.vector_load %arg10[%parallel_loop3A_722, %parallel_loop3A_723] {strides = array<i32>} : memref<16x1024xf32, #tpu.memory_space<vmem>>, vector<1x16xf32>,
        %parallel_loop3A_725 = vector.shape_cast %parallel_loop3A_724 : vector<1x16xf32> to vector<16xf32>
        %parallel_loop3A_726 = vector.shape_cast %parallel_loop3A_721 : vector<16xf32> to vector<1x16xf32>
        tpu.vector_store %arg10[%parallel_loop3A_722, %parallel_loop3A_723], %parallel_loop3A_726 {strides = array<i32>} : memref<16x1024xf32, #tpu.memory_space<vmem>>, vector<1x16xf32>,
        %parallel_loop3A_727 = arith.index_cast %parallel_loop3A_162 : i32 to index
        %parallel_loop3A_728 = arith.constant 752 : index
        %parallel_loop3A_729 = tpu.vector_load %arg8[%parallel_loop3A_727, %parallel_loop3A_728] {strides = array<i32>} : memref<16x1024xf32, #tpu.memory_space<vmem>>, vector<1x16xf32>,
        %parallel_loop3A_730 = vector.shape_cast %parallel_loop3A_729 : vector<1x16xf32> to vector<16xf32>
        %parallel_loop3A_731 = arith.constant 3.200000e+01 : f32
        %parallel_loop3A_732 = vector.broadcast %parallel_loop3A_731 : f32 to vector<16xf32>
        %parallel_loop3A_733 = arith.mulf %parallel_loop3A_730, %parallel_loop3A_732 : vector<16xf32>
        %parallel_loop3A_734 = arith.index_cast %parallel_loop3A_162 : i32 to index
        %parallel_loop3A_735 = arith.constant 752 : index
        %parallel_loop3A_736 = tpu.vector_load %arg10[%parallel_loop3A_734, %parallel_loop3A_735] {strides = array<i32>} : memref<16x1024xf32, #tpu.memory_space<vmem>>, vector<1x16xf32>,
        %parallel_loop3A_737 = vector.shape_cast %parallel_loop3A_736 : vector<1x16xf32> to vector<16xf32>
        %parallel_loop3A_738 = vector.shape_cast %parallel_loop3A_733 : vector<16xf32> to vector<1x16xf32>
        tpu.vector_store %arg10[%parallel_loop3A_734, %parallel_loop3A_735], %parallel_loop3A_738 {strides = array<i32>} : memref<16x1024xf32, #tpu.memory_space<vmem>>, vector<1x16xf32>,
        %parallel_loop3A_739 = arith.index_cast %parallel_loop3A_162 : i32 to index
        %parallel_loop3A_740 = arith.constant 768 : index
        %parallel_loop3A_741 = tpu.vector_load %arg8[%parallel_loop3A_739, %parallel_loop3A_740] {strides = array<i32>} : memref<16x1024xf32, #tpu.memory_space<vmem>>, vector<1x16xf32>,
        %parallel_loop3A_742 = vector.shape_cast %parallel_loop3A_741 : vector<1x16xf32> to vector<16xf32>
        %parallel_loop3A_743 = arith.constant 3.200000e+01 : f32
        %parallel_loop3A_744 = vector.broadcast %parallel_loop3A_743 : f32 to vector<16xf32>
        %parallel_loop3A_745 = arith.mulf %parallel_loop3A_742, %parallel_loop3A_744 : vector<16xf32>
        %parallel_loop3A_746 = arith.index_cast %parallel_loop3A_162 : i32 to index
        %parallel_loop3A_747 = arith.constant 768 : index
        %parallel_loop3A_748 = tpu.vector_load %arg10[%parallel_loop3A_746, %parallel_loop3A_747] {strides = array<i32>} : memref<16x1024xf32, #tpu.memory_space<vmem>>, vector<1x16xf32>,
        %parallel_loop3A_749 = vector.shape_cast %parallel_loop3A_748 : vector<1x16xf32> to vector<16xf32>
        %parallel_loop3A_750 = vector.shape_cast %parallel_loop3A_745 : vector<16xf32> to vector<1x16xf32>
        tpu.vector_store %arg10[%parallel_loop3A_746, %parallel_loop3A_747], %parallel_loop3A_750 {strides = array<i32>} : memref<16x1024xf32, #tpu.memory_space<vmem>>, vector<1x16xf32>,
        %parallel_loop3A_751 = arith.index_cast %parallel_loop3A_162 : i32 to index
        %parallel_loop3A_752 = arith.constant 784 : index
        %parallel_loop3A_753 = tpu.vector_load %arg8[%parallel_loop3A_751, %parallel_loop3A_752] {strides = array<i32>} : memref<16x1024xf32, #tpu.memory_space<vmem>>, vector<1x16xf32>,
        %parallel_loop3A_754 = vector.shape_cast %parallel_loop3A_753 : vector<1x16xf32> to vector<16xf32>
        %parallel_loop3A_755 = arith.constant 3.200000e+01 : f32
        %parallel_loop3A_756 = vector.broadcast %parallel_loop3A_755 : f32 to vector<16xf32>
        %parallel_loop3A_757 = arith.mulf %parallel_loop3A_754, %parallel_loop3A_756 : vector<16xf32>
        %parallel_loop3A_758 = arith.index_cast %parallel_loop3A_162 : i32 to index
        %parallel_loop3A_759 = arith.constant 784 : index
        %parallel_loop3A_760 = tpu.vector_load %arg10[%parallel_loop3A_758, %parallel_loop3A_759] {strides = array<i32>} : memref<16x1024xf32, #tpu.memory_space<vmem>>, vector<1x16xf32>,
        %parallel_loop3A_761 = vector.shape_cast %parallel_loop3A_760 : vector<1x16xf32> to vector<16xf32>
        %parallel_loop3A_762 = vector.shape_cast %parallel_loop3A_757 : vector<16xf32> to vector<1x16xf32>
        tpu.vector_store %arg10[%parallel_loop3A_758, %parallel_loop3A_759], %parallel_loop3A_762 {strides = array<i32>} : memref<16x1024xf32, #tpu.memory_space<vmem>>, vector<1x16xf32>,
        %parallel_loop3A_763 = arith.index_cast %parallel_loop3A_162 : i32 to index
        %parallel_loop3A_764 = arith.constant 800 : index
        %parallel_loop3A_765 = tpu.vector_load %arg8[%parallel_loop3A_763, %parallel_loop3A_764] {strides = array<i32>} : memref<16x1024xf32, #tpu.memory_space<vmem>>, vector<1x16xf32>,
        %parallel_loop3A_766 = vector.shape_cast %parallel_loop3A_765 : vector<1x16xf32> to vector<16xf32>
        %parallel_loop3A_767 = arith.constant 3.200000e+01 : f32
        %parallel_loop3A_768 = vector.broadcast %parallel_loop3A_767 : f32 to vector<16xf32>
        %parallel_loop3A_769 = arith.mulf %parallel_loop3A_766, %parallel_loop3A_768 : vector<16xf32>
        %parallel_loop3A_770 = arith.index_cast %parallel_loop3A_162 : i32 to index
        %parallel_loop3A_771 = arith.constant 800 : index
        %parallel_loop3A_772 = tpu.vector_load %arg10[%parallel_loop3A_770, %parallel_loop3A_771] {strides = array<i32>} : memref<16x1024xf32, #tpu.memory_space<vmem>>, vector<1x16xf32>,
        %parallel_loop3A_773 = vector.shape_cast %parallel_loop3A_772 : vector<1x16xf32> to vector<16xf32>
        %parallel_loop3A_774 = vector.shape_cast %parallel_loop3A_769 : vector<16xf32> to vector<1x16xf32>
        tpu.vector_store %arg10[%parallel_loop3A_770, %parallel_loop3A_771], %parallel_loop3A_774 {strides = array<i32>} : memref<16x1024xf32, #tpu.memory_space<vmem>>, vector<1x16xf32>,
        %parallel_loop3A_775 = arith.index_cast %parallel_loop3A_162 : i32 to index
        %parallel_loop3A_776 = arith.constant 816 : index
        %parallel_loop3A_777 = tpu.vector_load %arg8[%parallel_loop3A_775, %parallel_loop3A_776] {strides = array<i32>} : memref<16x1024xf32, #tpu.memory_space<vmem>>, vector<1x16xf32>,
        %parallel_loop3A_778 = vector.shape_cast %parallel_loop3A_777 : vector<1x16xf32> to vector<16xf32>
        %parallel_loop3A_779 = arith.constant 3.200000e+01 : f32
        %parallel_loop3A_780 = vector.broadcast %parallel_loop3A_779 : f32 to vector<16xf32>
        %parallel_loop3A_781 = arith.mulf %parallel_loop3A_778, %parallel_loop3A_780 : vector<16xf32>
        %parallel_loop3A_782 = arith.index_cast %parallel_loop3A_162 : i32 to index
        %parallel_loop3A_783 = arith.constant 816 : index
        %parallel_loop3A_784 = tpu.vector_load %arg10[%parallel_loop3A_782, %parallel_loop3A_783] {strides = array<i32>} : memref<16x1024xf32, #tpu.memory_space<vmem>>, vector<1x16xf32>,
        %parallel_loop3A_785 = vector.shape_cast %parallel_loop3A_784 : vector<1x16xf32> to vector<16xf32>
        %parallel_loop3A_786 = vector.shape_cast %parallel_loop3A_781 : vector<16xf32> to vector<1x16xf32>
        tpu.vector_store %arg10[%parallel_loop3A_782, %parallel_loop3A_783], %parallel_loop3A_786 {strides = array<i32>} : memref<16x1024xf32, #tpu.memory_space<vmem>>, vector<1x16xf32>,
        %parallel_loop3A_787 = arith.index_cast %parallel_loop3A_162 : i32 to index
        %parallel_loop3A_788 = arith.constant 832 : index
        %parallel_loop3A_789 = tpu.vector_load %arg8[%parallel_loop3A_787, %parallel_loop3A_788] {strides = array<i32>} : memref<16x1024xf32, #tpu.memory_space<vmem>>, vector<1x16xf32>,
        %parallel_loop3A_790 = vector.shape_cast %parallel_loop3A_789 : vector<1x16xf32> to vector<16xf32>
        %parallel_loop3A_791 = arith.constant 3.200000e+01 : f32
        %parallel_loop3A_792 = vector.broadcast %parallel_loop3A_791 : f32 to vector<16xf32>
        %parallel_loop3A_793 = arith.mulf %parallel_loop3A_790, %parallel_loop3A_792 : vector<16xf32>
        %parallel_loop3A_794 = arith.index_cast %parallel_loop3A_162 : i32 to index
        %parallel_loop3A_795 = arith.constant 832 : index
        %parallel_loop3A_796 = tpu.vector_load %arg10[%parallel_loop3A_794, %parallel_loop3A_795] {strides = array<i32>} : memref<16x1024xf32, #tpu.memory_space<vmem>>, vector<1x16xf32>,
        %parallel_loop3A_797 = vector.shape_cast %parallel_loop3A_796 : vector<1x16xf32> to vector<16xf32>
        %parallel_loop3A_798 = vector.shape_cast %parallel_loop3A_793 : vector<16xf32> to vector<1x16xf32>
        tpu.vector_store %arg10[%parallel_loop3A_794, %parallel_loop3A_795], %parallel_loop3A_798 {strides = array<i32>} : memref<16x1024xf32, #tpu.memory_space<vmem>>, vector<1x16xf32>,
        %parallel_loop3A_799 = arith.index_cast %parallel_loop3A_162 : i32 to index
        %parallel_loop3A_800 = arith.constant 848 : index
        %parallel_loop3A_801 = tpu.vector_load %arg8[%parallel_loop3A_799, %parallel_loop3A_800] {strides = array<i32>} : memref<16x1024xf32, #tpu.memory_space<vmem>>, vector<1x16xf32>,
        %parallel_loop3A_802 = vector.shape_cast %parallel_loop3A_801 : vector<1x16xf32> to vector<16xf32>
        %parallel_loop3A_803 = arith.constant 3.200000e+01 : f32
        %parallel_loop3A_804 = vector.broadcast %parallel_loop3A_803 : f32 to vector<16xf32>
        %parallel_loop3A_805 = arith.mulf %parallel_loop3A_802, %parallel_loop3A_804 : vector<16xf32>
        %parallel_loop3A_806 = arith.index_cast %parallel_loop3A_162 : i32 to index
        %parallel_loop3A_807 = arith.constant 848 : index
        %parallel_loop3A_808 = tpu.vector_load %arg10[%parallel_loop3A_806, %parallel_loop3A_807] {strides = array<i32>} : memref<16x1024xf32, #tpu.memory_space<vmem>>, vector<1x16xf32>,
        %parallel_loop3A_809 = vector.shape_cast %parallel_loop3A_808 : vector<1x16xf32> to vector<16xf32>
        %parallel_loop3A_810 = vector.shape_cast %parallel_loop3A_805 : vector<16xf32> to vector<1x16xf32>
        tpu.vector_store %arg10[%parallel_loop3A_806, %parallel_loop3A_807], %parallel_loop3A_810 {strides = array<i32>} : memref<16x1024xf32, #tpu.memory_space<vmem>>, vector<1x16xf32>,
        %parallel_loop3A_811 = arith.index_cast %parallel_loop3A_162 : i32 to index
        %parallel_loop3A_812 = arith.constant 864 : index
        %parallel_loop3A_813 = tpu.vector_load %arg8[%parallel_loop3A_811, %parallel_loop3A_812] {strides = array<i32>} : memref<16x1024xf32, #tpu.memory_space<vmem>>, vector<1x16xf32>,
        %parallel_loop3A_814 = vector.shape_cast %parallel_loop3A_813 : vector<1x16xf32> to vector<16xf32>
        %parallel_loop3A_815 = arith.constant 3.200000e+01 : f32
        %parallel_loop3A_816 = vector.broadcast %parallel_loop3A_815 : f32 to vector<16xf32>
        %parallel_loop3A_817 = arith.mulf %parallel_loop3A_814, %parallel_loop3A_816 : vector<16xf32>
        %parallel_loop3A_818 = arith.index_cast %parallel_loop3A_162 : i32 to index
        %parallel_loop3A_819 = arith.constant 864 : index
        %parallel_loop3A_820 = tpu.vector_load %arg10[%parallel_loop3A_818, %parallel_loop3A_819] {strides = array<i32>} : memref<16x1024xf32, #tpu.memory_space<vmem>>, vector<1x16xf32>,
        %parallel_loop3A_821 = vector.shape_cast %parallel_loop3A_820 : vector<1x16xf32> to vector<16xf32>
        %parallel_loop3A_822 = vector.shape_cast %parallel_loop3A_817 : vector<16xf32> to vector<1x16xf32>
        tpu.vector_store %arg10[%parallel_loop3A_818, %parallel_loop3A_819], %parallel_loop3A_822 {strides = array<i32>} : memref<16x1024xf32, #tpu.memory_space<vmem>>, vector<1x16xf32>,
        %parallel_loop3A_823 = arith.index_cast %parallel_loop3A_162 : i32 to index
        %parallel_loop3A_824 = arith.constant 880 : index
        %parallel_loop3A_825 = tpu.vector_load %arg8[%parallel_loop3A_823, %parallel_loop3A_824] {strides = array<i32>} : memref<16x1024xf32, #tpu.memory_space<vmem>>, vector<1x16xf32>,
        %parallel_loop3A_826 = vector.shape_cast %parallel_loop3A_825 : vector<1x16xf32> to vector<16xf32>
        %parallel_loop3A_827 = arith.constant 3.200000e+01 : f32
        %parallel_loop3A_828 = vector.broadcast %parallel_loop3A_827 : f32 to vector<16xf32>
        %parallel_loop3A_829 = arith.mulf %parallel_loop3A_826, %parallel_loop3A_828 : vector<16xf32>
        %parallel_loop3A_830 = arith.index_cast %parallel_loop3A_162 : i32 to index
        %parallel_loop3A_831 = arith.constant 880 : index
        %parallel_loop3A_832 = tpu.vector_load %arg10[%parallel_loop3A_830, %parallel_loop3A_831] {strides = array<i32>} : memref<16x1024xf32, #tpu.memory_space<vmem>>, vector<1x16xf32>,
        %parallel_loop3A_833 = vector.shape_cast %parallel_loop3A_832 : vector<1x16xf32> to vector<16xf32>
        %parallel_loop3A_834 = vector.shape_cast %parallel_loop3A_829 : vector<16xf32> to vector<1x16xf32>
        tpu.vector_store %arg10[%parallel_loop3A_830, %parallel_loop3A_831], %parallel_loop3A_834 {strides = array<i32>} : memref<16x1024xf32, #tpu.memory_space<vmem>>, vector<1x16xf32>,
        %parallel_loop3A_835 = arith.index_cast %parallel_loop3A_162 : i32 to index
        %parallel_loop3A_836 = arith.constant 896 : index
        %parallel_loop3A_837 = tpu.vector_load %arg8[%parallel_loop3A_835, %parallel_loop3A_836] {strides = array<i32>} : memref<16x1024xf32, #tpu.memory_space<vmem>>, vector<1x16xf32>,
        %parallel_loop3A_838 = vector.shape_cast %parallel_loop3A_837 : vector<1x16xf32> to vector<16xf32>
        %parallel_loop3A_839 = arith.constant 3.200000e+01 : f32
        %parallel_loop3A_840 = vector.broadcast %parallel_loop3A_839 : f32 to vector<16xf32>
        %parallel_loop3A_841 = arith.mulf %parallel_loop3A_838, %parallel_loop3A_840 : vector<16xf32>
        %parallel_loop3A_842 = arith.index_cast %parallel_loop3A_162 : i32 to index
        %parallel_loop3A_843 = arith.constant 896 : index
        %parallel_loop3A_844 = tpu.vector_load %arg10[%parallel_loop3A_842, %parallel_loop3A_843] {strides = array<i32>} : memref<16x1024xf32, #tpu.memory_space<vmem>>, vector<1x16xf32>,
        %parallel_loop3A_845 = vector.shape_cast %parallel_loop3A_844 : vector<1x16xf32> to vector<16xf32>
        %parallel_loop3A_846 = vector.shape_cast %parallel_loop3A_841 : vector<16xf32> to vector<1x16xf32>
        tpu.vector_store %arg10[%parallel_loop3A_842, %parallel_loop3A_843], %parallel_loop3A_846 {strides = array<i32>} : memref<16x1024xf32, #tpu.memory_space<vmem>>, vector<1x16xf32>,
        %parallel_loop3A_847 = arith.index_cast %parallel_loop3A_162 : i32 to index
        %parallel_loop3A_848 = arith.constant 912 : index
        %parallel_loop3A_849 = tpu.vector_load %arg8[%parallel_loop3A_847, %parallel_loop3A_848] {strides = array<i32>} : memref<16x1024xf32, #tpu.memory_space<vmem>>, vector<1x16xf32>,
        %parallel_loop3A_850 = vector.shape_cast %parallel_loop3A_849 : vector<1x16xf32> to vector<16xf32>
        %parallel_loop3A_851 = arith.constant 3.200000e+01 : f32
        %parallel_loop3A_852 = vector.broadcast %parallel_loop3A_851 : f32 to vector<16xf32>
        %parallel_loop3A_853 = arith.mulf %parallel_loop3A_850, %parallel_loop3A_852 : vector<16xf32>
        %parallel_loop3A_854 = arith.index_cast %parallel_loop3A_162 : i32 to index
        %parallel_loop3A_855 = arith.constant 912 : index
        %parallel_loop3A_856 = tpu.vector_load %arg10[%parallel_loop3A_854, %parallel_loop3A_855] {strides = array<i32>} : memref<16x1024xf32, #tpu.memory_space<vmem>>, vector<1x16xf32>,
        %parallel_loop3A_857 = vector.shape_cast %parallel_loop3A_856 : vector<1x16xf32> to vector<16xf32>
        %parallel_loop3A_858 = vector.shape_cast %parallel_loop3A_853 : vector<16xf32> to vector<1x16xf32>
        tpu.vector_store %arg10[%parallel_loop3A_854, %parallel_loop3A_855], %parallel_loop3A_858 {strides = array<i32>} : memref<16x1024xf32, #tpu.memory_space<vmem>>, vector<1x16xf32>,
        %parallel_loop3A_859 = arith.index_cast %parallel_loop3A_162 : i32 to index
        %parallel_loop3A_860 = arith.constant 928 : index
        %parallel_loop3A_861 = tpu.vector_load %arg8[%parallel_loop3A_859, %parallel_loop3A_860] {strides = array<i32>} : memref<16x1024xf32, #tpu.memory_space<vmem>>, vector<1x16xf32>,
        %parallel_loop3A_862 = vector.shape_cast %parallel_loop3A_861 : vector<1x16xf32> to vector<16xf32>
        %parallel_loop3A_863 = arith.constant 3.200000e+01 : f32
        %parallel_loop3A_864 = vector.broadcast %parallel_loop3A_863 : f32 to vector<16xf32>
        %parallel_loop3A_865 = arith.mulf %parallel_loop3A_862, %parallel_loop3A_864 : vector<16xf32>
        %parallel_loop3A_866 = arith.index_cast %parallel_loop3A_162 : i32 to index
        %parallel_loop3A_867 = arith.constant 928 : index
        %parallel_loop3A_868 = tpu.vector_load %arg10[%parallel_loop3A_866, %parallel_loop3A_867] {strides = array<i32>} : memref<16x1024xf32, #tpu.memory_space<vmem>>, vector<1x16xf32>,
        %parallel_loop3A_869 = vector.shape_cast %parallel_loop3A_868 : vector<1x16xf32> to vector<16xf32>
        %parallel_loop3A_870 = vector.shape_cast %parallel_loop3A_865 : vector<16xf32> to vector<1x16xf32>
        tpu.vector_store %arg10[%parallel_loop3A_866, %parallel_loop3A_867], %parallel_loop3A_870 {strides = array<i32>} : memref<16x1024xf32, #tpu.memory_space<vmem>>, vector<1x16xf32>,
        %parallel_loop3A_871 = arith.index_cast %parallel_loop3A_162 : i32 to index
        %parallel_loop3A_872 = arith.constant 944 : index
        %parallel_loop3A_873 = tpu.vector_load %arg8[%parallel_loop3A_871, %parallel_loop3A_872] {strides = array<i32>} : memref<16x1024xf32, #tpu.memory_space<vmem>>, vector<1x16xf32>,
        %parallel_loop3A_874 = vector.shape_cast %parallel_loop3A_873 : vector<1x16xf32> to vector<16xf32>
        %parallel_loop3A_875 = arith.constant 3.200000e+01 : f32
        %parallel_loop3A_876 = vector.broadcast %parallel_loop3A_875 : f32 to vector<16xf32>
        %parallel_loop3A_877 = arith.mulf %parallel_loop3A_874, %parallel_loop3A_876 : vector<16xf32>
        %parallel_loop3A_878 = arith.index_cast %parallel_loop3A_162 : i32 to index
        %parallel_loop3A_879 = arith.constant 944 : index
        %parallel_loop3A_880 = tpu.vector_load %arg10[%parallel_loop3A_878, %parallel_loop3A_879] {strides = array<i32>} : memref<16x1024xf32, #tpu.memory_space<vmem>>, vector<1x16xf32>,
        %parallel_loop3A_881 = vector.shape_cast %parallel_loop3A_880 : vector<1x16xf32> to vector<16xf32>
        %parallel_loop3A_882 = vector.shape_cast %parallel_loop3A_877 : vector<16xf32> to vector<1x16xf32>
        tpu.vector_store %arg10[%parallel_loop3A_878, %parallel_loop3A_879], %parallel_loop3A_882 {strides = array<i32>} : memref<16x1024xf32, #tpu.memory_space<vmem>>, vector<1x16xf32>,
        %parallel_loop3A_883 = arith.index_cast %parallel_loop3A_162 : i32 to index
        %parallel_loop3A_884 = arith.constant 960 : index
        %parallel_loop3A_885 = tpu.vector_load %arg8[%parallel_loop3A_883, %parallel_loop3A_884] {strides = array<i32>} : memref<16x1024xf32, #tpu.memory_space<vmem>>, vector<1x16xf32>,
        %parallel_loop3A_886 = vector.shape_cast %parallel_loop3A_885 : vector<1x16xf32> to vector<16xf32>
        %parallel_loop3A_887 = arith.constant 3.200000e+01 : f32
        %parallel_loop3A_888 = vector.broadcast %parallel_loop3A_887 : f32 to vector<16xf32>
        %parallel_loop3A_889 = arith.mulf %parallel_loop3A_886, %parallel_loop3A_888 : vector<16xf32>
        %parallel_loop3A_890 = arith.index_cast %parallel_loop3A_162 : i32 to index
        %parallel_loop3A_891 = arith.constant 960 : index
        %parallel_loop3A_892 = tpu.vector_load %arg10[%parallel_loop3A_890, %parallel_loop3A_891] {strides = array<i32>} : memref<16x1024xf32, #tpu.memory_space<vmem>>, vector<1x16xf32>,
        %parallel_loop3A_893 = vector.shape_cast %parallel_loop3A_892 : vector<1x16xf32> to vector<16xf32>
        %parallel_loop3A_894 = vector.shape_cast %parallel_loop3A_889 : vector<16xf32> to vector<1x16xf32>
        tpu.vector_store %arg10[%parallel_loop3A_890, %parallel_loop3A_891], %parallel_loop3A_894 {strides = array<i32>} : memref<16x1024xf32, #tpu.memory_space<vmem>>, vector<1x16xf32>,
        %parallel_loop3A_895 = arith.index_cast %parallel_loop3A_162 : i32 to index
        %parallel_loop3A_896 = arith.constant 976 : index
        %parallel_loop3A_897 = tpu.vector_load %arg8[%parallel_loop3A_895, %parallel_loop3A_896] {strides = array<i32>} : memref<16x1024xf32, #tpu.memory_space<vmem>>, vector<1x16xf32>,
        %parallel_loop3A_898 = vector.shape_cast %parallel_loop3A_897 : vector<1x16xf32> to vector<16xf32>
        %parallel_loop3A_899 = arith.constant 3.200000e+01 : f32
        %parallel_loop3A_900 = vector.broadcast %parallel_loop3A_899 : f32 to vector<16xf32>
        %parallel_loop3A_901 = arith.mulf %parallel_loop3A_898, %parallel_loop3A_900 : vector<16xf32>
        %parallel_loop3A_902 = arith.index_cast %parallel_loop3A_162 : i32 to index
        %parallel_loop3A_903 = arith.constant 976 : index
        %parallel_loop3A_904 = tpu.vector_load %arg10[%parallel_loop3A_902, %parallel_loop3A_903] {strides = array<i32>} : memref<16x1024xf32, #tpu.memory_space<vmem>>, vector<1x16xf32>,
        %parallel_loop3A_905 = vector.shape_cast %parallel_loop3A_904 : vector<1x16xf32> to vector<16xf32>
        %parallel_loop3A_906 = vector.shape_cast %parallel_loop3A_901 : vector<16xf32> to vector<1x16xf32>
        tpu.vector_store %arg10[%parallel_loop3A_902, %parallel_loop3A_903], %parallel_loop3A_906 {strides = array<i32>} : memref<16x1024xf32, #tpu.memory_space<vmem>>, vector<1x16xf32>,
        %parallel_loop3A_907 = arith.index_cast %parallel_loop3A_162 : i32 to index
        %parallel_loop3A_908 = arith.constant 992 : index
        %parallel_loop3A_909 = tpu.vector_load %arg8[%parallel_loop3A_907, %parallel_loop3A_908] {strides = array<i32>} : memref<16x1024xf32, #tpu.memory_space<vmem>>, vector<1x16xf32>,
        %parallel_loop3A_910 = vector.shape_cast %parallel_loop3A_909 : vector<1x16xf32> to vector<16xf32>
        %parallel_loop3A_911 = arith.constant 3.200000e+01 : f32
        %parallel_loop3A_912 = vector.broadcast %parallel_loop3A_911 : f32 to vector<16xf32>
        %parallel_loop3A_913 = arith.mulf %parallel_loop3A_910, %parallel_loop3A_912 : vector<16xf32>
        %parallel_loop3A_914 = arith.index_cast %parallel_loop3A_162 : i32 to index
        %parallel_loop3A_915 = arith.constant 992 : index
        %parallel_loop3A_916 = tpu.vector_load %arg10[%parallel_loop3A_914, %parallel_loop3A_915] {strides = array<i32>} : memref<16x1024xf32, #tpu.memory_space<vmem>>, vector<1x16xf32>,
        %parallel_loop3A_917 = vector.shape_cast %parallel_loop3A_916 : vector<1x16xf32> to vector<16xf32>
        %parallel_loop3A_918 = vector.shape_cast %parallel_loop3A_913 : vector<16xf32> to vector<1x16xf32>
        tpu.vector_store %arg10[%parallel_loop3A_914, %parallel_loop3A_915], %parallel_loop3A_918 {strides = array<i32>} : memref<16x1024xf32, #tpu.memory_space<vmem>>, vector<1x16xf32>,
        %parallel_loop3A_919 = arith.index_cast %parallel_loop3A_162 : i32 to index
        %parallel_loop3A_920 = arith.constant 1008 : index
        %parallel_loop3A_921 = tpu.vector_load %arg8[%parallel_loop3A_919, %parallel_loop3A_920] {strides = array<i32>} : memref<16x1024xf32, #tpu.memory_space<vmem>>, vector<1x16xf32>,
        %parallel_loop3A_922 = vector.shape_cast %parallel_loop3A_921 : vector<1x16xf32> to vector<16xf32>
        %parallel_loop3A_923 = arith.constant 3.200000e+01 : f32
        %parallel_loop3A_924 = vector.broadcast %parallel_loop3A_923 : f32 to vector<16xf32>
        %parallel_loop3A_925 = arith.mulf %parallel_loop3A_922, %parallel_loop3A_924 : vector<16xf32>
        %parallel_loop3A_926 = arith.index_cast %parallel_loop3A_162 : i32 to index
        %parallel_loop3A_927 = arith.constant 1008 : index
        %parallel_loop3A_928 = tpu.vector_load %arg10[%parallel_loop3A_926, %parallel_loop3A_927] {strides = array<i32>} : memref<16x1024xf32, #tpu.memory_space<vmem>>, vector<1x16xf32>,
        %parallel_loop3A_929 = vector.shape_cast %parallel_loop3A_928 : vector<1x16xf32> to vector<16xf32>
        %parallel_loop3A_930 = vector.shape_cast %parallel_loop3A_925 : vector<16xf32> to vector<1x16xf32>
        tpu.vector_store %arg10[%parallel_loop3A_926, %parallel_loop3A_927], %parallel_loop3A_930 {strides = array<i32>} : memref<16x1024xf32, #tpu.memory_space<vmem>>, vector<1x16xf32>,
      } {sc.loop_unroll_factor = 1 : i64, sc.parallel_access}
      %lt3A_120 = arith.constant 60 : i32
      %lt3A_121 = arith.cmpi slt, %add3A_105, %lt3A_120 : i32
      %convert_element_type3A_122 = arith.extui %lt3A_121 : i1 to i32
      %cond3A_123 = arith.constant 0 : i32
      %cond3A_124 = arith.cmpi ne, %convert_element_type3A_122, %cond3A_123 : i32
      scf.if %cond3A_124 {
        %add3A_162 = arith.constant 4 : i32
        %add3A_163 = arith.addi %add3A_105, %add3A_162 : i32
        %dma_start3A_164 = arith.constant 0 : i32
        %dma_start3A_165 = tpu.memref_slice %arg5[%add3A_163, %dma_start3A_164] : memref<64x16xi32, #tpu.memory_space<vmem>> -> memref<1x16xi32, #tpu.memory_space<vmem>>
        %dma_start3A_166 = tpu.memref_squeeze %dma_start3A_165 : memref<1x16xi32, #tpu.memory_space<vmem>> -> memref<16xi32, #tpu.memory_space<vmem>>
        %dma_start3A_167 = arith.constant 0 : i32
        %dma_start3A_168 = arith.constant 0 : i32
        %dma_start3A_169 = tpu.memref_slice %arg3[%dma_start3A_167, %dma_start3A_168] : memref<100000x1024xf32, #tpu.memory_space<hbm>> -> memref<100000x1024xf32, #tpu.memory_space<hbm>>
        tpu.enqueue_indirect_dma source(%dma_start3A_169 : memref<100000x1024xf32, #tpu.memory_space<hbm>>) target(%arg8 : memref<16x1024xf32, #tpu.memory_space<vmem>>) offsets(%dma_start3A_166 : memref<16xi32, #tpu.memory_space<vmem>>) semaphore(%arg14 : memref<!tpu.dma_semaphore, #tpu.memory_space<semaphore_mem>>)
      } else {
      }
      %mul3A_125 = arith.constant 16 : i32
      %mul3A_126 = arith.muli %add3A_105, %mul3A_125 : i32
      %add3A_127 = arith.addi %mul3A_2, %mul3A_126 : i32
      %dma_start3A_128 = arith.constant 0 : i32
      %dma_start3A_129 = tpu.memref_slice %arg4[%add3A_127, %dma_start3A_128] : memref<32768x1024xf32, #tpu.memory_space<hbm>> -> memref<16x1024xf32, #tpu.memory_space<hbm>>
      %dma_start3A_130 = arith.constant 0 : i32
      %dma_start3A_131 = tpu.memref_slice %arg4[%add3A_127, %dma_start3A_130] : memref<32768x1024xf32, #tpu.memory_space<hbm>> -> memref<16x1024xf32, #tpu.memory_space<hbm>>
      tpu.enqueue_dma source(%arg10 : memref<16x1024xf32, #tpu.memory_space<vmem>>) target(%dma_start3A_131 : memref<16x1024xf32, #tpu.memory_space<hbm>>) target_semaphore(%arg16 : memref<!tpu.dma_semaphore, #tpu.memory_space<semaphore_mem>>)
      %mul3A_132 = arith.constant 4 : i32
      %mul3A_133 = arith.muli %mul3A_132, %scan3A_46 : i32
      %add3A_134 = arith.constant 3 : i32
      %add3A_135 = arith.addi %mul3A_133, %add3A_134 : i32
      %dma_wait3A_136 = arith.constant 0 : i32
      %dma_wait3A_137 = tpu.memref_slice %arg5[%add3A_135, %dma_wait3A_136] : memref<64x16xi32, #tpu.memory_space<vmem>> -> memref<1x16xi32, #tpu.memory_space<vmem>>
      %dma_wait3A_138 = tpu.memref_squeeze %dma_wait3A_137 : memref<1x16xi32, #tpu.memory_space<vmem>> -> memref<16xi32, #tpu.memory_space<vmem>>
      %dma_wait3A_139 = arith.constant 0 : i32
      %dma_wait3A_140 = arith.constant 0 : i32
      %dma_wait3A_141 = tpu.memref_slice %arg3[%dma_wait3A_139, %dma_wait3A_140] : memref<100000x1024xf32, #tpu.memory_space<hbm>> -> memref<100000x1024xf32, #tpu.memory_space<hbm>>
      tpu.wait_indirect_dma semaphore(%arg15 : memref<!tpu.dma_semaphore, #tpu.memory_space<semaphore_mem>>) src(%dma_wait3A_141 : memref<100000x1024xf32, #tpu.memory_space<hbm>>) dst(%arg9 : memref<16x1024xf32, #tpu.memory_space<vmem>>)
      %ge3A_142 = arith.constant 2 : i32
      %ge3A_143 = arith.cmpi sge, %add3A_135, %ge3A_142 : i32
      %convert_element_type3A_144 = arith.extui %ge3A_143 : i1 to i32
      %cond3A_145 = arith.constant 0 : i32
      %cond3A_146 = arith.cmpi ne, %convert_element_type3A_144, %cond3A_145 : i32
      scf.if %cond3A_146 {
        %dma_wait3A_162 = arith.constant 0 : i32
        %dma_wait3A_163 = tpu.memref_slice %arg4[%mul3A_2, %dma_wait3A_162] : memref<32768x1024xf32, #tpu.memory_space<hbm>> -> memref<16x1024xf32, #tpu.memory_space<hbm>>
        %dma_wait3A_164 = arith.constant 0 : i32
        %dma_wait3A_165 = tpu.memref_slice %arg4[%mul3A_2, %dma_wait3A_164] : memref<32768x1024xf32, #tpu.memory_space<hbm>> -> memref<16x1024xf32, #tpu.memory_space<hbm>>
        tpu.wait_dma2 semaphore(%arg17 : memref<!tpu.dma_semaphore, #tpu.memory_space<semaphore_mem>>) src(%arg11 : memref<16x1024xf32, #tpu.memory_space<vmem>>) dst(%dma_wait3A_165 : memref<16x1024xf32, #tpu.memory_space<hbm>>)
      } else {
      }
      %parallel_loop3A_147 = arith.constant 0 : i32
      %parallel_loop3A_148 = arith.constant 16 : i32
      %parallel_loop3A_149 = arith.constant 1 : i32
      scf.for %parallel_loop3A_162 = %parallel_loop3A_147 to %parallel_loop3A_148 step %parallel_loop3A_149  : i32 {
        %parallel_loop3A_163 = arith.index_cast %parallel_loop3A_162 : i32 to index
        %parallel_loop3A_164 = arith.constant 0 : index
        %parallel_loop3A_165 = tpu.vector_load %arg9[%parallel_loop3A_163, %parallel_loop3A_164] {strides = array<i32>} : memref<16x1024xf32, #tpu.memory_space<vmem>>, vector<1x16xf32>,
        %parallel_loop3A_166 = vector.shape_cast %parallel_loop3A_165 : vector<1x16xf32> to vector<16xf32>
        %parallel_loop3A_167 = arith.constant 3.200000e+01 : f32
        %parallel_loop3A_168 = vector.broadcast %parallel_loop3A_167 : f32 to vector<16xf32>
        %parallel_loop3A_169 = arith.mulf %parallel_loop3A_166, %parallel_loop3A_168 : vector<16xf32>
        %parallel_loop3A_170 = arith.index_cast %parallel_loop3A_162 : i32 to index
        %parallel_loop3A_171 = arith.constant 0 : index
        %parallel_loop3A_172 = tpu.vector_load %arg11[%parallel_loop3A_170, %parallel_loop3A_171] {strides = array<i32>} : memref<16x1024xf32, #tpu.memory_space<vmem>>, vector<1x16xf32>,
        %parallel_loop3A_173 = vector.shape_cast %parallel_loop3A_172 : vector<1x16xf32> to vector<16xf32>
        %parallel_loop3A_174 = vector.shape_cast %parallel_loop3A_169 : vector<16xf32> to vector<1x16xf32>
        tpu.vector_store %arg11[%parallel_loop3A_170, %parallel_loop3A_171], %parallel_loop3A_174 {strides = array<i32>} : memref<16x1024xf32, #tpu.memory_space<vmem>>, vector<1x16xf32>,
        %parallel_loop3A_175 = arith.index_cast %parallel_loop3A_162 : i32 to index
        %parallel_loop3A_176 = arith.constant 16 : index
        %parallel_loop3A_177 = tpu.vector_load %arg9[%parallel_loop3A_175, %parallel_loop3A_176] {strides = array<i32>} : memref<16x1024xf32, #tpu.memory_space<vmem>>, vector<1x16xf32>,
        %parallel_loop3A_178 = vector.shape_cast %parallel_loop3A_177 : vector<1x16xf32> to vector<16xf32>
        %parallel_loop3A_179 = arith.constant 3.200000e+01 : f32
        %parallel_loop3A_180 = vector.broadcast %parallel_loop3A_179 : f32 to vector<16xf32>
        %parallel_loop3A_181 = arith.mulf %parallel_loop3A_178, %parallel_loop3A_180 : vector<16xf32>
        %parallel_loop3A_182 = arith.index_cast %parallel_loop3A_162 : i32 to index
        %parallel_loop3A_183 = arith.constant 16 : index
        %parallel_loop3A_184 = tpu.vector_load %arg11[%parallel_loop3A_182, %parallel_loop3A_183] {strides = array<i32>} : memref<16x1024xf32, #tpu.memory_space<vmem>>, vector<1x16xf32>,
        %parallel_loop3A_185 = vector.shape_cast %parallel_loop3A_184 : vector<1x16xf32> to vector<16xf32>
        %parallel_loop3A_186 = vector.shape_cast %parallel_loop3A_181 : vector<16xf32> to vector<1x16xf32>
        tpu.vector_store %arg11[%parallel_loop3A_182, %parallel_loop3A_183], %parallel_loop3A_186 {strides = array<i32>} : memref<16x1024xf32, #tpu.memory_space<vmem>>, vector<1x16xf32>,
        %parallel_loop3A_187 = arith.index_cast %parallel_loop3A_162 : i32 to index
        %parallel_loop3A_188 = arith.constant 32 : index
        %parallel_loop3A_189 = tpu.vector_load %arg9[%parallel_loop3A_187, %parallel_loop3A_188] {strides = array<i32>} : memref<16x1024xf32, #tpu.memory_space<vmem>>, vector<1x16xf32>,
        %parallel_loop3A_190 = vector.shape_cast %parallel_loop3A_189 : vector<1x16xf32> to vector<16xf32>
        %parallel_loop3A_191 = arith.constant 3.200000e+01 : f32
        %parallel_loop3A_192 = vector.broadcast %parallel_loop3A_191 : f32 to vector<16xf32>
        %parallel_loop3A_193 = arith.mulf %parallel_loop3A_190, %parallel_loop3A_192 : vector<16xf32>
        %parallel_loop3A_194 = arith.index_cast %parallel_loop3A_162 : i32 to index
        %parallel_loop3A_195 = arith.constant 32 : index
        %parallel_loop3A_196 = tpu.vector_load %arg11[%parallel_loop3A_194, %parallel_loop3A_195] {strides = array<i32>} : memref<16x1024xf32, #tpu.memory_space<vmem>>, vector<1x16xf32>,
        %parallel_loop3A_197 = vector.shape_cast %parallel_loop3A_196 : vector<1x16xf32> to vector<16xf32>
        %parallel_loop3A_198 = vector.shape_cast %parallel_loop3A_193 : vector<16xf32> to vector<1x16xf32>
        tpu.vector_store %arg11[%parallel_loop3A_194, %parallel_loop3A_195], %parallel_loop3A_198 {strides = array<i32>} : memref<16x1024xf32, #tpu.memory_space<vmem>>, vector<1x16xf32>,
        %parallel_loop3A_199 = arith.index_cast %parallel_loop3A_162 : i32 to index
        %parallel_loop3A_200 = arith.constant 48 : index
        %parallel_loop3A_201 = tpu.vector_load %arg9[%parallel_loop3A_199, %parallel_loop3A_200] {strides = array<i32>} : memref<16x1024xf32, #tpu.memory_space<vmem>>, vector<1x16xf32>,
        %parallel_loop3A_202 = vector.shape_cast %parallel_loop3A_201 : vector<1x16xf32> to vector<16xf32>
        %parallel_loop3A_203 = arith.constant 3.200000e+01 : f32
        %parallel_loop3A_204 = vector.broadcast %parallel_loop3A_203 : f32 to vector<16xf32>
        %parallel_loop3A_205 = arith.mulf %parallel_loop3A_202, %parallel_loop3A_204 : vector<16xf32>
        %parallel_loop3A_206 = arith.index_cast %parallel_loop3A_162 : i32 to index
        %parallel_loop3A_207 = arith.constant 48 : index
        %parallel_loop3A_208 = tpu.vector_load %arg11[%parallel_loop3A_206, %parallel_loop3A_207] {strides = array<i32>} : memref<16x1024xf32, #tpu.memory_space<vmem>>, vector<1x16xf32>,
        %parallel_loop3A_209 = vector.shape_cast %parallel_loop3A_208 : vector<1x16xf32> to vector<16xf32>
        %parallel_loop3A_210 = vector.shape_cast %parallel_loop3A_205 : vector<16xf32> to vector<1x16xf32>
        tpu.vector_store %arg11[%parallel_loop3A_206, %parallel_loop3A_207], %parallel_loop3A_210 {strides = array<i32>} : memref<16x1024xf32, #tpu.memory_space<vmem>>, vector<1x16xf32>,
        %parallel_loop3A_211 = arith.index_cast %parallel_loop3A_162 : i32 to index
        %parallel_loop3A_212 = arith.constant 64 : index
        %parallel_loop3A_213 = tpu.vector_load %arg9[%parallel_loop3A_211, %parallel_loop3A_212] {strides = array<i32>} : memref<16x1024xf32, #tpu.memory_space<vmem>>, vector<1x16xf32>,
        %parallel_loop3A_214 = vector.shape_cast %parallel_loop3A_213 : vector<1x16xf32> to vector<16xf32>
        %parallel_loop3A_215 = arith.constant 3.200000e+01 : f32
        %parallel_loop3A_216 = vector.broadcast %parallel_loop3A_215 : f32 to vector<16xf32>
        %parallel_loop3A_217 = arith.mulf %parallel_loop3A_214, %parallel_loop3A_216 : vector<16xf32>
        %parallel_loop3A_218 = arith.index_cast %parallel_loop3A_162 : i32 to index
        %parallel_loop3A_219 = arith.constant 64 : index
        %parallel_loop3A_220 = tpu.vector_load %arg11[%parallel_loop3A_218, %parallel_loop3A_219] {strides = array<i32>} : memref<16x1024xf32, #tpu.memory_space<vmem>>, vector<1x16xf32>,
        %parallel_loop3A_221 = vector.shape_cast %parallel_loop3A_220 : vector<1x16xf32> to vector<16xf32>
        %parallel_loop3A_222 = vector.shape_cast %parallel_loop3A_217 : vector<16xf32> to vector<1x16xf32>
        tpu.vector_store %arg11[%parallel_loop3A_218, %parallel_loop3A_219], %parallel_loop3A_222 {strides = array<i32>} : memref<16x1024xf32, #tpu.memory_space<vmem>>, vector<1x16xf32>,
        %parallel_loop3A_223 = arith.index_cast %parallel_loop3A_162 : i32 to index
        %parallel_loop3A_224 = arith.constant 80 : index
        %parallel_loop3A_225 = tpu.vector_load %arg9[%parallel_loop3A_223, %parallel_loop3A_224] {strides = array<i32>} : memref<16x1024xf32, #tpu.memory_space<vmem>>, vector<1x16xf32>,
        %parallel_loop3A_226 = vector.shape_cast %parallel_loop3A_225 : vector<1x16xf32> to vector<16xf32>
        %parallel_loop3A_227 = arith.constant 3.200000e+01 : f32
        %parallel_loop3A_228 = vector.broadcast %parallel_loop3A_227 : f32 to vector<16xf32>
        %parallel_loop3A_229 = arith.mulf %parallel_loop3A_226, %parallel_loop3A_228 : vector<16xf32>
        %parallel_loop3A_230 = arith.index_cast %parallel_loop3A_162 : i32 to index
        %parallel_loop3A_231 = arith.constant 80 : index
        %parallel_loop3A_232 = tpu.vector_load %arg11[%parallel_loop3A_230, %parallel_loop3A_231] {strides = array<i32>} : memref<16x1024xf32, #tpu.memory_space<vmem>>, vector<1x16xf32>,
        %parallel_loop3A_233 = vector.shape_cast %parallel_loop3A_232 : vector<1x16xf32> to vector<16xf32>
        %parallel_loop3A_234 = vector.shape_cast %parallel_loop3A_229 : vector<16xf32> to vector<1x16xf32>
        tpu.vector_store %arg11[%parallel_loop3A_230, %parallel_loop3A_231], %parallel_loop3A_234 {strides = array<i32>} : memref<16x1024xf32, #tpu.memory_space<vmem>>, vector<1x16xf32>,
        %parallel_loop3A_235 = arith.index_cast %parallel_loop3A_162 : i32 to index
        %parallel_loop3A_236 = arith.constant 96 : index
        %parallel_loop3A_237 = tpu.vector_load %arg9[%parallel_loop3A_235, %parallel_loop3A_236] {strides = array<i32>} : memref<16x1024xf32, #tpu.memory_space<vmem>>, vector<1x16xf32>,
        %parallel_loop3A_238 = vector.shape_cast %parallel_loop3A_237 : vector<1x16xf32> to vector<16xf32>
        %parallel_loop3A_239 = arith.constant 3.200000e+01 : f32
        %parallel_loop3A_240 = vector.broadcast %parallel_loop3A_239 : f32 to vector<16xf32>
        %parallel_loop3A_241 = arith.mulf %parallel_loop3A_238, %parallel_loop3A_240 : vector<16xf32>
        %parallel_loop3A_242 = arith.index_cast %parallel_loop3A_162 : i32 to index
        %parallel_loop3A_243 = arith.constant 96 : index
        %parallel_loop3A_244 = tpu.vector_load %arg11[%parallel_loop3A_242, %parallel_loop3A_243] {strides = array<i32>} : memref<16x1024xf32, #tpu.memory_space<vmem>>, vector<1x16xf32>,
        %parallel_loop3A_245 = vector.shape_cast %parallel_loop3A_244 : vector<1x16xf32> to vector<16xf32>
        %parallel_loop3A_246 = vector.shape_cast %parallel_loop3A_241 : vector<16xf32> to vector<1x16xf32>
        tpu.vector_store %arg11[%parallel_loop3A_242, %parallel_loop3A_243], %parallel_loop3A_246 {strides = array<i32>} : memref<16x1024xf32, #tpu.memory_space<vmem>>, vector<1x16xf32>,
        %parallel_loop3A_247 = arith.index_cast %parallel_loop3A_162 : i32 to index
        %parallel_loop3A_248 = arith.constant 112 : index
        %parallel_loop3A_249 = tpu.vector_load %arg9[%parallel_loop3A_247, %parallel_loop3A_248] {strides = array<i32>} : memref<16x1024xf32, #tpu.memory_space<vmem>>, vector<1x16xf32>,
        %parallel_loop3A_250 = vector.shape_cast %parallel_loop3A_249 : vector<1x16xf32> to vector<16xf32>
        %parallel_loop3A_251 = arith.constant 3.200000e+01 : f32
        %parallel_loop3A_252 = vector.broadcast %parallel_loop3A_251 : f32 to vector<16xf32>
        %parallel_loop3A_253 = arith.mulf %parallel_loop3A_250, %parallel_loop3A_252 : vector<16xf32>
        %parallel_loop3A_254 = arith.index_cast %parallel_loop3A_162 : i32 to index
        %parallel_loop3A_255 = arith.constant 112 : index
        %parallel_loop3A_256 = tpu.vector_load %arg11[%parallel_loop3A_254, %parallel_loop3A_255] {strides = array<i32>} : memref<16x1024xf32, #tpu.memory_space<vmem>>, vector<1x16xf32>,
        %parallel_loop3A_257 = vector.shape_cast %parallel_loop3A_256 : vector<1x16xf32> to vector<16xf32>
        %parallel_loop3A_258 = vector.shape_cast %parallel_loop3A_253 : vector<16xf32> to vector<1x16xf32>
        tpu.vector_store %arg11[%parallel_loop3A_254, %parallel_loop3A_255], %parallel_loop3A_258 {strides = array<i32>} : memref<16x1024xf32, #tpu.memory_space<vmem>>, vector<1x16xf32>,
        %parallel_loop3A_259 = arith.index_cast %parallel_loop3A_162 : i32 to index
        %parallel_loop3A_260 = arith.constant 128 : index
        %parallel_loop3A_261 = tpu.vector_load %arg9[%parallel_loop3A_259, %parallel_loop3A_260] {strides = array<i32>} : memref<16x1024xf32, #tpu.memory_space<vmem>>, vector<1x16xf32>,
        %parallel_loop3A_262 = vector.shape_cast %parallel_loop3A_261 : vector<1x16xf32> to vector<16xf32>
        %parallel_loop3A_263 = arith.constant 3.200000e+01 : f32
        %parallel_loop3A_264 = vector.broadcast %parallel_loop3A_263 : f32 to vector<16xf32>
        %parallel_loop3A_265 = arith.mulf %parallel_loop3A_262, %parallel_loop3A_264 : vector<16xf32>
        %parallel_loop3A_266 = arith.index_cast %parallel_loop3A_162 : i32 to index
        %parallel_loop3A_267 = arith.constant 128 : index
        %parallel_loop3A_268 = tpu.vector_load %arg11[%parallel_loop3A_266, %parallel_loop3A_267] {strides = array<i32>} : memref<16x1024xf32, #tpu.memory_space<vmem>>, vector<1x16xf32>,
        %parallel_loop3A_269 = vector.shape_cast %parallel_loop3A_268 : vector<1x16xf32> to vector<16xf32>
        %parallel_loop3A_270 = vector.shape_cast %parallel_loop3A_265 : vector<16xf32> to vector<1x16xf32>
        tpu.vector_store %arg11[%parallel_loop3A_266, %parallel_loop3A_267], %parallel_loop3A_270 {strides = array<i32>} : memref<16x1024xf32, #tpu.memory_space<vmem>>, vector<1x16xf32>,
        %parallel_loop3A_271 = arith.index_cast %parallel_loop3A_162 : i32 to index
        %parallel_loop3A_272 = arith.constant 144 : index
        %parallel_loop3A_273 = tpu.vector_load %arg9[%parallel_loop3A_271, %parallel_loop3A_272] {strides = array<i32>} : memref<16x1024xf32, #tpu.memory_space<vmem>>, vector<1x16xf32>,
        %parallel_loop3A_274 = vector.shape_cast %parallel_loop3A_273 : vector<1x16xf32> to vector<16xf32>
        %parallel_loop3A_275 = arith.constant 3.200000e+01 : f32
        %parallel_loop3A_276 = vector.broadcast %parallel_loop3A_275 : f32 to vector<16xf32>
        %parallel_loop3A_277 = arith.mulf %parallel_loop3A_274, %parallel_loop3A_276 : vector<16xf32>
        %parallel_loop3A_278 = arith.index_cast %parallel_loop3A_162 : i32 to index
        %parallel_loop3A_279 = arith.constant 144 : index
        %parallel_loop3A_280 = tpu.vector_load %arg11[%parallel_loop3A_278, %parallel_loop3A_279] {strides = array<i32>} : memref<16x1024xf32, #tpu.memory_space<vmem>>, vector<1x16xf32>,
        %parallel_loop3A_281 = vector.shape_cast %parallel_loop3A_280 : vector<1x16xf32> to vector<16xf32>
        %parallel_loop3A_282 = vector.shape_cast %parallel_loop3A_277 : vector<16xf32> to vector<1x16xf32>
        tpu.vector_store %arg11[%parallel_loop3A_278, %parallel_loop3A_279], %parallel_loop3A_282 {strides = array<i32>} : memref<16x1024xf32, #tpu.memory_space<vmem>>, vector<1x16xf32>,
        %parallel_loop3A_283 = arith.index_cast %parallel_loop3A_162 : i32 to index
        %parallel_loop3A_284 = arith.constant 160 : index
        %parallel_loop3A_285 = tpu.vector_load %arg9[%parallel_loop3A_283, %parallel_loop3A_284] {strides = array<i32>} : memref<16x1024xf32, #tpu.memory_space<vmem>>, vector<1x16xf32>,
        %parallel_loop3A_286 = vector.shape_cast %parallel_loop3A_285 : vector<1x16xf32> to vector<16xf32>
        %parallel_loop3A_287 = arith.constant 3.200000e+01 : f32
        %parallel_loop3A_288 = vector.broadcast %parallel_loop3A_287 : f32 to vector<16xf32>
        %parallel_loop3A_289 = arith.mulf %parallel_loop3A_286, %parallel_loop3A_288 : vector<16xf32>
        %parallel_loop3A_290 = arith.index_cast %parallel_loop3A_162 : i32 to index
        %parallel_loop3A_291 = arith.constant 160 : index
        %parallel_loop3A_292 = tpu.vector_load %arg11[%parallel_loop3A_290, %parallel_loop3A_291] {strides = array<i32>} : memref<16x1024xf32, #tpu.memory_space<vmem>>, vector<1x16xf32>,
        %parallel_loop3A_293 = vector.shape_cast %parallel_loop3A_292 : vector<1x16xf32> to vector<16xf32>
        %parallel_loop3A_294 = vector.shape_cast %parallel_loop3A_289 : vector<16xf32> to vector<1x16xf32>
        tpu.vector_store %arg11[%parallel_loop3A_290, %parallel_loop3A_291], %parallel_loop3A_294 {strides = array<i32>} : memref<16x1024xf32, #tpu.memory_space<vmem>>, vector<1x16xf32>,
        %parallel_loop3A_295 = arith.index_cast %parallel_loop3A_162 : i32 to index
        %parallel_loop3A_296 = arith.constant 176 : index
        %parallel_loop3A_297 = tpu.vector_load %arg9[%parallel_loop3A_295, %parallel_loop3A_296] {strides = array<i32>} : memref<16x1024xf32, #tpu.memory_space<vmem>>, vector<1x16xf32>,
        %parallel_loop3A_298 = vector.shape_cast %parallel_loop3A_297 : vector<1x16xf32> to vector<16xf32>
        %parallel_loop3A_299 = arith.constant 3.200000e+01 : f32
        %parallel_loop3A_300 = vector.broadcast %parallel_loop3A_299 : f32 to vector<16xf32>
        %parallel_loop3A_301 = arith.mulf %parallel_loop3A_298, %parallel_loop3A_300 : vector<16xf32>
        %parallel_loop3A_302 = arith.index_cast %parallel_loop3A_162 : i32 to index
        %parallel_loop3A_303 = arith.constant 176 : index
        %parallel_loop3A_304 = tpu.vector_load %arg11[%parallel_loop3A_302, %parallel_loop3A_303] {strides = array<i32>} : memref<16x1024xf32, #tpu.memory_space<vmem>>, vector<1x16xf32>,
        %parallel_loop3A_305 = vector.shape_cast %parallel_loop3A_304 : vector<1x16xf32> to vector<16xf32>
        %parallel_loop3A_306 = vector.shape_cast %parallel_loop3A_301 : vector<16xf32> to vector<1x16xf32>
        tpu.vector_store %arg11[%parallel_loop3A_302, %parallel_loop3A_303], %parallel_loop3A_306 {strides = array<i32>} : memref<16x1024xf32, #tpu.memory_space<vmem>>, vector<1x16xf32>,
        %parallel_loop3A_307 = arith.index_cast %parallel_loop3A_162 : i32 to index
        %parallel_loop3A_308 = arith.constant 192 : index
        %parallel_loop3A_309 = tpu.vector_load %arg9[%parallel_loop3A_307, %parallel_loop3A_308] {strides = array<i32>} : memref<16x1024xf32, #tpu.memory_space<vmem>>, vector<1x16xf32>,
        %parallel_loop3A_310 = vector.shape_cast %parallel_loop3A_309 : vector<1x16xf32> to vector<16xf32>
        %parallel_loop3A_311 = arith.constant 3.200000e+01 : f32
        %parallel_loop3A_312 = vector.broadcast %parallel_loop3A_311 : f32 to vector<16xf32>
        %parallel_loop3A_313 = arith.mulf %parallel_loop3A_310, %parallel_loop3A_312 : vector<16xf32>
        %parallel_loop3A_314 = arith.index_cast %parallel_loop3A_162 : i32 to index
        %parallel_loop3A_315 = arith.constant 192 : index
        %parallel_loop3A_316 = tpu.vector_load %arg11[%parallel_loop3A_314, %parallel_loop3A_315] {strides = array<i32>} : memref<16x1024xf32, #tpu.memory_space<vmem>>, vector<1x16xf32>,
        %parallel_loop3A_317 = vector.shape_cast %parallel_loop3A_316 : vector<1x16xf32> to vector<16xf32>
        %parallel_loop3A_318 = vector.shape_cast %parallel_loop3A_313 : vector<16xf32> to vector<1x16xf32>
        tpu.vector_store %arg11[%parallel_loop3A_314, %parallel_loop3A_315], %parallel_loop3A_318 {strides = array<i32>} : memref<16x1024xf32, #tpu.memory_space<vmem>>, vector<1x16xf32>,
        %parallel_loop3A_319 = arith.index_cast %parallel_loop3A_162 : i32 to index
        %parallel_loop3A_320 = arith.constant 208 : index
        %parallel_loop3A_321 = tpu.vector_load %arg9[%parallel_loop3A_319, %parallel_loop3A_320] {strides = array<i32>} : memref<16x1024xf32, #tpu.memory_space<vmem>>, vector<1x16xf32>,
        %parallel_loop3A_322 = vector.shape_cast %parallel_loop3A_321 : vector<1x16xf32> to vector<16xf32>
        %parallel_loop3A_323 = arith.constant 3.200000e+01 : f32
        %parallel_loop3A_324 = vector.broadcast %parallel_loop3A_323 : f32 to vector<16xf32>
        %parallel_loop3A_325 = arith.mulf %parallel_loop3A_322, %parallel_loop3A_324 : vector<16xf32>
        %parallel_loop3A_326 = arith.index_cast %parallel_loop3A_162 : i32 to index
        %parallel_loop3A_327 = arith.constant 208 : index
        %parallel_loop3A_328 = tpu.vector_load %arg11[%parallel_loop3A_326, %parallel_loop3A_327] {strides = array<i32>} : memref<16x1024xf32, #tpu.memory_space<vmem>>, vector<1x16xf32>,
        %parallel_loop3A_329 = vector.shape_cast %parallel_loop3A_328 : vector<1x16xf32> to vector<16xf32>
        %parallel_loop3A_330 = vector.shape_cast %parallel_loop3A_325 : vector<16xf32> to vector<1x16xf32>
        tpu.vector_store %arg11[%parallel_loop3A_326, %parallel_loop3A_327], %parallel_loop3A_330 {strides = array<i32>} : memref<16x1024xf32, #tpu.memory_space<vmem>>, vector<1x16xf32>,
        %parallel_loop3A_331 = arith.index_cast %parallel_loop3A_162 : i32 to index
        %parallel_loop3A_332 = arith.constant 224 : index
        %parallel_loop3A_333 = tpu.vector_load %arg9[%parallel_loop3A_331, %parallel_loop3A_332] {strides = array<i32>} : memref<16x1024xf32, #tpu.memory_space<vmem>>, vector<1x16xf32>,
        %parallel_loop3A_334 = vector.shape_cast %parallel_loop3A_333 : vector<1x16xf32> to vector<16xf32>
        %parallel_loop3A_335 = arith.constant 3.200000e+01 : f32
        %parallel_loop3A_336 = vector.broadcast %parallel_loop3A_335 : f32 to vector<16xf32>
        %parallel_loop3A_337 = arith.mulf %parallel_loop3A_334, %parallel_loop3A_336 : vector<16xf32>
        %parallel_loop3A_338 = arith.index_cast %parallel_loop3A_162 : i32 to index
        %parallel_loop3A_339 = arith.constant 224 : index
        %parallel_loop3A_340 = tpu.vector_load %arg11[%parallel_loop3A_338, %parallel_loop3A_339] {strides = array<i32>} : memref<16x1024xf32, #tpu.memory_space<vmem>>, vector<1x16xf32>,
        %parallel_loop3A_341 = vector.shape_cast %parallel_loop3A_340 : vector<1x16xf32> to vector<16xf32>
        %parallel_loop3A_342 = vector.shape_cast %parallel_loop3A_337 : vector<16xf32> to vector<1x16xf32>
        tpu.vector_store %arg11[%parallel_loop3A_338, %parallel_loop3A_339], %parallel_loop3A_342 {strides = array<i32>} : memref<16x1024xf32, #tpu.memory_space<vmem>>, vector<1x16xf32>,
        %parallel_loop3A_343 = arith.index_cast %parallel_loop3A_162 : i32 to index
        %parallel_loop3A_344 = arith.constant 240 : index
        %parallel_loop3A_345 = tpu.vector_load %arg9[%parallel_loop3A_343, %parallel_loop3A_344] {strides = array<i32>} : memref<16x1024xf32, #tpu.memory_space<vmem>>, vector<1x16xf32>,
        %parallel_loop3A_346 = vector.shape_cast %parallel_loop3A_345 : vector<1x16xf32> to vector<16xf32>
        %parallel_loop3A_347 = arith.constant 3.200000e+01 : f32
        %parallel_loop3A_348 = vector.broadcast %parallel_loop3A_347 : f32 to vector<16xf32>
        %parallel_loop3A_349 = arith.mulf %parallel_loop3A_346, %parallel_loop3A_348 : vector<16xf32>
        %parallel_loop3A_350 = arith.index_cast %parallel_loop3A_162 : i32 to index
        %parallel_loop3A_351 = arith.constant 240 : index
        %parallel_loop3A_352 = tpu.vector_load %arg11[%parallel_loop3A_350, %parallel_loop3A_351] {strides = array<i32>} : memref<16x1024xf32, #tpu.memory_space<vmem>>, vector<1x16xf32>,
        %parallel_loop3A_353 = vector.shape_cast %parallel_loop3A_352 : vector<1x16xf32> to vector<16xf32>
        %parallel_loop3A_354 = vector.shape_cast %parallel_loop3A_349 : vector<16xf32> to vector<1x16xf32>
        tpu.vector_store %arg11[%parallel_loop3A_350, %parallel_loop3A_351], %parallel_loop3A_354 {strides = array<i32>} : memref<16x1024xf32, #tpu.memory_space<vmem>>, vector<1x16xf32>,
        %parallel_loop3A_355 = arith.index_cast %parallel_loop3A_162 : i32 to index
        %parallel_loop3A_356 = arith.constant 256 : index
        %parallel_loop3A_357 = tpu.vector_load %arg9[%parallel_loop3A_355, %parallel_loop3A_356] {strides = array<i32>} : memref<16x1024xf32, #tpu.memory_space<vmem>>, vector<1x16xf32>,
        %parallel_loop3A_358 = vector.shape_cast %parallel_loop3A_357 : vector<1x16xf32> to vector<16xf32>
        %parallel_loop3A_359 = arith.constant 3.200000e+01 : f32
        %parallel_loop3A_360 = vector.broadcast %parallel_loop3A_359 : f32 to vector<16xf32>
        %parallel_loop3A_361 = arith.mulf %parallel_loop3A_358, %parallel_loop3A_360 : vector<16xf32>
        %parallel_loop3A_362 = arith.index_cast %parallel_loop3A_162 : i32 to index
        %parallel_loop3A_363 = arith.constant 256 : index
        %parallel_loop3A_364 = tpu.vector_load %arg11[%parallel_loop3A_362, %parallel_loop3A_363] {strides = array<i32>} : memref<16x1024xf32, #tpu.memory_space<vmem>>, vector<1x16xf32>,
        %parallel_loop3A_365 = vector.shape_cast %parallel_loop3A_364 : vector<1x16xf32> to vector<16xf32>
        %parallel_loop3A_366 = vector.shape_cast %parallel_loop3A_361 : vector<16xf32> to vector<1x16xf32>
        tpu.vector_store %arg11[%parallel_loop3A_362, %parallel_loop3A_363], %parallel_loop3A_366 {strides = array<i32>} : memref<16x1024xf32, #tpu.memory_space<vmem>>, vector<1x16xf32>,
        %parallel_loop3A_367 = arith.index_cast %parallel_loop3A_162 : i32 to index
        %parallel_loop3A_368 = arith.constant 272 : index
        %parallel_loop3A_369 = tpu.vector_load %arg9[%parallel_loop3A_367, %parallel_loop3A_368] {strides = array<i32>} : memref<16x1024xf32, #tpu.memory_space<vmem>>, vector<1x16xf32>,
        %parallel_loop3A_370 = vector.shape_cast %parallel_loop3A_369 : vector<1x16xf32> to vector<16xf32>
        %parallel_loop3A_371 = arith.constant 3.200000e+01 : f32
        %parallel_loop3A_372 = vector.broadcast %parallel_loop3A_371 : f32 to vector<16xf32>
        %parallel_loop3A_373 = arith.mulf %parallel_loop3A_370, %parallel_loop3A_372 : vector<16xf32>
        %parallel_loop3A_374 = arith.index_cast %parallel_loop3A_162 : i32 to index
        %parallel_loop3A_375 = arith.constant 272 : index
        %parallel_loop3A_376 = tpu.vector_load %arg11[%parallel_loop3A_374, %parallel_loop3A_375] {strides = array<i32>} : memref<16x1024xf32, #tpu.memory_space<vmem>>, vector<1x16xf32>,
        %parallel_loop3A_377 = vector.shape_cast %parallel_loop3A_376 : vector<1x16xf32> to vector<16xf32>
        %parallel_loop3A_378 = vector.shape_cast %parallel_loop3A_373 : vector<16xf32> to vector<1x16xf32>
        tpu.vector_store %arg11[%parallel_loop3A_374, %parallel_loop3A_375], %parallel_loop3A_378 {strides = array<i32>} : memref<16x1024xf32, #tpu.memory_space<vmem>>, vector<1x16xf32>,
        %parallel_loop3A_379 = arith.index_cast %parallel_loop3A_162 : i32 to index
        %parallel_loop3A_380 = arith.constant 288 : index
        %parallel_loop3A_381 = tpu.vector_load %arg9[%parallel_loop3A_379, %parallel_loop3A_380] {strides = array<i32>} : memref<16x1024xf32, #tpu.memory_space<vmem>>, vector<1x16xf32>,
        %parallel_loop3A_382 = vector.shape_cast %parallel_loop3A_381 : vector<1x16xf32> to vector<16xf32>
        %parallel_loop3A_383 = arith.constant 3.200000e+01 : f32
        %parallel_loop3A_384 = vector.broadcast %parallel_loop3A_383 : f32 to vector<16xf32>
        %parallel_loop3A_385 = arith.mulf %parallel_loop3A_382, %parallel_loop3A_384 : vector<16xf32>
        %parallel_loop3A_386 = arith.index_cast %parallel_loop3A_162 : i32 to index
        %parallel_loop3A_387 = arith.constant 288 : index
        %parallel_loop3A_388 = tpu.vector_load %arg11[%parallel_loop3A_386, %parallel_loop3A_387] {strides = array<i32>} : memref<16x1024xf32, #tpu.memory_space<vmem>>, vector<1x16xf32>,
        %parallel_loop3A_389 = vector.shape_cast %parallel_loop3A_388 : vector<1x16xf32> to vector<16xf32>
        %parallel_loop3A_390 = vector.shape_cast %parallel_loop3A_385 : vector<16xf32> to vector<1x16xf32>
        tpu.vector_store %arg11[%parallel_loop3A_386, %parallel_loop3A_387], %parallel_loop3A_390 {strides = array<i32>} : memref<16x1024xf32, #tpu.memory_space<vmem>>, vector<1x16xf32>,
        %parallel_loop3A_391 = arith.index_cast %parallel_loop3A_162 : i32 to index
        %parallel_loop3A_392 = arith.constant 304 : index
        %parallel_loop3A_393 = tpu.vector_load %arg9[%parallel_loop3A_391, %parallel_loop3A_392] {strides = array<i32>} : memref<16x1024xf32, #tpu.memory_space<vmem>>, vector<1x16xf32>,
        %parallel_loop3A_394 = vector.shape_cast %parallel_loop3A_393 : vector<1x16xf32> to vector<16xf32>
        %parallel_loop3A_395 = arith.constant 3.200000e+01 : f32
        %parallel_loop3A_396 = vector.broadcast %parallel_loop3A_395 : f32 to vector<16xf32>
        %parallel_loop3A_397 = arith.mulf %parallel_loop3A_394, %parallel_loop3A_396 : vector<16xf32>
        %parallel_loop3A_398 = arith.index_cast %parallel_loop3A_162 : i32 to index
        %parallel_loop3A_399 = arith.constant 304 : index
        %parallel_loop3A_400 = tpu.vector_load %arg11[%parallel_loop3A_398, %parallel_loop3A_399] {strides = array<i32>} : memref<16x1024xf32, #tpu.memory_space<vmem>>, vector<1x16xf32>,
        %parallel_loop3A_401 = vector.shape_cast %parallel_loop3A_400 : vector<1x16xf32> to vector<16xf32>
        %parallel_loop3A_402 = vector.shape_cast %parallel_loop3A_397 : vector<16xf32> to vector<1x16xf32>
        tpu.vector_store %arg11[%parallel_loop3A_398, %parallel_loop3A_399], %parallel_loop3A_402 {strides = array<i32>} : memref<16x1024xf32, #tpu.memory_space<vmem>>, vector<1x16xf32>,
        %parallel_loop3A_403 = arith.index_cast %parallel_loop3A_162 : i32 to index
        %parallel_loop3A_404 = arith.constant 320 : index
        %parallel_loop3A_405 = tpu.vector_load %arg9[%parallel_loop3A_403, %parallel_loop3A_404] {strides = array<i32>} : memref<16x1024xf32, #tpu.memory_space<vmem>>, vector<1x16xf32>,
        %parallel_loop3A_406 = vector.shape_cast %parallel_loop3A_405 : vector<1x16xf32> to vector<16xf32>
        %parallel_loop3A_407 = arith.constant 3.200000e+01 : f32
        %parallel_loop3A_408 = vector.broadcast %parallel_loop3A_407 : f32 to vector<16xf32>
        %parallel_loop3A_409 = arith.mulf %parallel_loop3A_406, %parallel_loop3A_408 : vector<16xf32>
        %parallel_loop3A_410 = arith.index_cast %parallel_loop3A_162 : i32 to index
        %parallel_loop3A_411 = arith.constant 320 : index
        %parallel_loop3A_412 = tpu.vector_load %arg11[%parallel_loop3A_410, %parallel_loop3A_411] {strides = array<i32>} : memref<16x1024xf32, #tpu.memory_space<vmem>>, vector<1x16xf32>,
        %parallel_loop3A_413 = vector.shape_cast %parallel_loop3A_412 : vector<1x16xf32> to vector<16xf32>
        %parallel_loop3A_414 = vector.shape_cast %parallel_loop3A_409 : vector<16xf32> to vector<1x16xf32>
        tpu.vector_store %arg11[%parallel_loop3A_410, %parallel_loop3A_411], %parallel_loop3A_414 {strides = array<i32>} : memref<16x1024xf32, #tpu.memory_space<vmem>>, vector<1x16xf32>,
        %parallel_loop3A_415 = arith.index_cast %parallel_loop3A_162 : i32 to index
        %parallel_loop3A_416 = arith.constant 336 : index
        %parallel_loop3A_417 = tpu.vector_load %arg9[%parallel_loop3A_415, %parallel_loop3A_416] {strides = array<i32>} : memref<16x1024xf32, #tpu.memory_space<vmem>>, vector<1x16xf32>,
        %parallel_loop3A_418 = vector.shape_cast %parallel_loop3A_417 : vector<1x16xf32> to vector<16xf32>
        %parallel_loop3A_419 = arith.constant 3.200000e+01 : f32
        %parallel_loop3A_420 = vector.broadcast %parallel_loop3A_419 : f32 to vector<16xf32>
        %parallel_loop3A_421 = arith.mulf %parallel_loop3A_418, %parallel_loop3A_420 : vector<16xf32>
        %parallel_loop3A_422 = arith.index_cast %parallel_loop3A_162 : i32 to index
        %parallel_loop3A_423 = arith.constant 336 : index
        %parallel_loop3A_424 = tpu.vector_load %arg11[%parallel_loop3A_422, %parallel_loop3A_423] {strides = array<i32>} : memref<16x1024xf32, #tpu.memory_space<vmem>>, vector<1x16xf32>,
        %parallel_loop3A_425 = vector.shape_cast %parallel_loop3A_424 : vector<1x16xf32> to vector<16xf32>
        %parallel_loop3A_426 = vector.shape_cast %parallel_loop3A_421 : vector<16xf32> to vector<1x16xf32>
        tpu.vector_store %arg11[%parallel_loop3A_422, %parallel_loop3A_423], %parallel_loop3A_426 {strides = array<i32>} : memref<16x1024xf32, #tpu.memory_space<vmem>>, vector<1x16xf32>,
        %parallel_loop3A_427 = arith.index_cast %parallel_loop3A_162 : i32 to index
        %parallel_loop3A_428 = arith.constant 352 : index
        %parallel_loop3A_429 = tpu.vector_load %arg9[%parallel_loop3A_427, %parallel_loop3A_428] {strides = array<i32>} : memref<16x1024xf32, #tpu.memory_space<vmem>>, vector<1x16xf32>,
        %parallel_loop3A_430 = vector.shape_cast %parallel_loop3A_429 : vector<1x16xf32> to vector<16xf32>
        %parallel_loop3A_431 = arith.constant 3.200000e+01 : f32
        %parallel_loop3A_432 = vector.broadcast %parallel_loop3A_431 : f32 to vector<16xf32>
        %parallel_loop3A_433 = arith.mulf %parallel_loop3A_430, %parallel_loop3A_432 : vector<16xf32>
        %parallel_loop3A_434 = arith.index_cast %parallel_loop3A_162 : i32 to index
        %parallel_loop3A_435 = arith.constant 352 : index
        %parallel_loop3A_436 = tpu.vector_load %arg11[%parallel_loop3A_434, %parallel_loop3A_435] {strides = array<i32>} : memref<16x1024xf32, #tpu.memory_space<vmem>>, vector<1x16xf32>,
        %parallel_loop3A_437 = vector.shape_cast %parallel_loop3A_436 : vector<1x16xf32> to vector<16xf32>
        %parallel_loop3A_438 = vector.shape_cast %parallel_loop3A_433 : vector<16xf32> to vector<1x16xf32>
        tpu.vector_store %arg11[%parallel_loop3A_434, %parallel_loop3A_435], %parallel_loop3A_438 {strides = array<i32>} : memref<16x1024xf32, #tpu.memory_space<vmem>>, vector<1x16xf32>,
        %parallel_loop3A_439 = arith.index_cast %parallel_loop3A_162 : i32 to index
        %parallel_loop3A_440 = arith.constant 368 : index
        %parallel_loop3A_441 = tpu.vector_load %arg9[%parallel_loop3A_439, %parallel_loop3A_440] {strides = array<i32>} : memref<16x1024xf32, #tpu.memory_space<vmem>>, vector<1x16xf32>,
        %parallel_loop3A_442 = vector.shape_cast %parallel_loop3A_441 : vector<1x16xf32> to vector<16xf32>
        %parallel_loop3A_443 = arith.constant 3.200000e+01 : f32
        %parallel_loop3A_444 = vector.broadcast %parallel_loop3A_443 : f32 to vector<16xf32>
        %parallel_loop3A_445 = arith.mulf %parallel_loop3A_442, %parallel_loop3A_444 : vector<16xf32>
        %parallel_loop3A_446 = arith.index_cast %parallel_loop3A_162 : i32 to index
        %parallel_loop3A_447 = arith.constant 368 : index
        %parallel_loop3A_448 = tpu.vector_load %arg11[%parallel_loop3A_446, %parallel_loop3A_447] {strides = array<i32>} : memref<16x1024xf32, #tpu.memory_space<vmem>>, vector<1x16xf32>,
        %parallel_loop3A_449 = vector.shape_cast %parallel_loop3A_448 : vector<1x16xf32> to vector<16xf32>
        %parallel_loop3A_450 = vector.shape_cast %parallel_loop3A_445 : vector<16xf32> to vector<1x16xf32>
        tpu.vector_store %arg11[%parallel_loop3A_446, %parallel_loop3A_447], %parallel_loop3A_450 {strides = array<i32>} : memref<16x1024xf32, #tpu.memory_space<vmem>>, vector<1x16xf32>,
        %parallel_loop3A_451 = arith.index_cast %parallel_loop3A_162 : i32 to index
        %parallel_loop3A_452 = arith.constant 384 : index
        %parallel_loop3A_453 = tpu.vector_load %arg9[%parallel_loop3A_451, %parallel_loop3A_452] {strides = array<i32>} : memref<16x1024xf32, #tpu.memory_space<vmem>>, vector<1x16xf32>,
        %parallel_loop3A_454 = vector.shape_cast %parallel_loop3A_453 : vector<1x16xf32> to vector<16xf32>
        %parallel_loop3A_455 = arith.constant 3.200000e+01 : f32
        %parallel_loop3A_456 = vector.broadcast %parallel_loop3A_455 : f32 to vector<16xf32>
        %parallel_loop3A_457 = arith.mulf %parallel_loop3A_454, %parallel_loop3A_456 : vector<16xf32>
        %parallel_loop3A_458 = arith.index_cast %parallel_loop3A_162 : i32 to index
        %parallel_loop3A_459 = arith.constant 384 : index
        %parallel_loop3A_460 = tpu.vector_load %arg11[%parallel_loop3A_458, %parallel_loop3A_459] {strides = array<i32>} : memref<16x1024xf32, #tpu.memory_space<vmem>>, vector<1x16xf32>,
        %parallel_loop3A_461 = vector.shape_cast %parallel_loop3A_460 : vector<1x16xf32> to vector<16xf32>
        %parallel_loop3A_462 = vector.shape_cast %parallel_loop3A_457 : vector<16xf32> to vector<1x16xf32>
        tpu.vector_store %arg11[%parallel_loop3A_458, %parallel_loop3A_459], %parallel_loop3A_462 {strides = array<i32>} : memref<16x1024xf32, #tpu.memory_space<vmem>>, vector<1x16xf32>,
        %parallel_loop3A_463 = arith.index_cast %parallel_loop3A_162 : i32 to index
        %parallel_loop3A_464 = arith.constant 400 : index
        %parallel_loop3A_465 = tpu.vector_load %arg9[%parallel_loop3A_463, %parallel_loop3A_464] {strides = array<i32>} : memref<16x1024xf32, #tpu.memory_space<vmem>>, vector<1x16xf32>,
        %parallel_loop3A_466 = vector.shape_cast %parallel_loop3A_465 : vector<1x16xf32> to vector<16xf32>
        %parallel_loop3A_467 = arith.constant 3.200000e+01 : f32
        %parallel_loop3A_468 = vector.broadcast %parallel_loop3A_467 : f32 to vector<16xf32>
        %parallel_loop3A_469 = arith.mulf %parallel_loop3A_466, %parallel_loop3A_468 : vector<16xf32>
        %parallel_loop3A_470 = arith.index_cast %parallel_loop3A_162 : i32 to index
        %parallel_loop3A_471 = arith.constant 400 : index
        %parallel_loop3A_472 = tpu.vector_load %arg11[%parallel_loop3A_470, %parallel_loop3A_471] {strides = array<i32>} : memref<16x1024xf32, #tpu.memory_space<vmem>>, vector<1x16xf32>,
        %parallel_loop3A_473 = vector.shape_cast %parallel_loop3A_472 : vector<1x16xf32> to vector<16xf32>
        %parallel_loop3A_474 = vector.shape_cast %parallel_loop3A_469 : vector<16xf32> to vector<1x16xf32>
        tpu.vector_store %arg11[%parallel_loop3A_470, %parallel_loop3A_471], %parallel_loop3A_474 {strides = array<i32>} : memref<16x1024xf32, #tpu.memory_space<vmem>>, vector<1x16xf32>,
        %parallel_loop3A_475 = arith.index_cast %parallel_loop3A_162 : i32 to index
        %parallel_loop3A_476 = arith.constant 416 : index
        %parallel_loop3A_477 = tpu.vector_load %arg9[%parallel_loop3A_475, %parallel_loop3A_476] {strides = array<i32>} : memref<16x1024xf32, #tpu.memory_space<vmem>>, vector<1x16xf32>,
        %parallel_loop3A_478 = vector.shape_cast %parallel_loop3A_477 : vector<1x16xf32> to vector<16xf32>
        %parallel_loop3A_479 = arith.constant 3.200000e+01 : f32
        %parallel_loop3A_480 = vector.broadcast %parallel_loop3A_479 : f32 to vector<16xf32>
        %parallel_loop3A_481 = arith.mulf %parallel_loop3A_478, %parallel_loop3A_480 : vector<16xf32>
        %parallel_loop3A_482 = arith.index_cast %parallel_loop3A_162 : i32 to index
        %parallel_loop3A_483 = arith.constant 416 : index
        %parallel_loop3A_484 = tpu.vector_load %arg11[%parallel_loop3A_482, %parallel_loop3A_483] {strides = array<i32>} : memref<16x1024xf32, #tpu.memory_space<vmem>>, vector<1x16xf32>,
        %parallel_loop3A_485 = vector.shape_cast %parallel_loop3A_484 : vector<1x16xf32> to vector<16xf32>
        %parallel_loop3A_486 = vector.shape_cast %parallel_loop3A_481 : vector<16xf32> to vector<1x16xf32>
        tpu.vector_store %arg11[%parallel_loop3A_482, %parallel_loop3A_483], %parallel_loop3A_486 {strides = array<i32>} : memref<16x1024xf32, #tpu.memory_space<vmem>>, vector<1x16xf32>,
        %parallel_loop3A_487 = arith.index_cast %parallel_loop3A_162 : i32 to index
        %parallel_loop3A_488 = arith.constant 432 : index
        %parallel_loop3A_489 = tpu.vector_load %arg9[%parallel_loop3A_487, %parallel_loop3A_488] {strides = array<i32>} : memref<16x1024xf32, #tpu.memory_space<vmem>>, vector<1x16xf32>,
        %parallel_loop3A_490 = vector.shape_cast %parallel_loop3A_489 : vector<1x16xf32> to vector<16xf32>
        %parallel_loop3A_491 = arith.constant 3.200000e+01 : f32
        %parallel_loop3A_492 = vector.broadcast %parallel_loop3A_491 : f32 to vector<16xf32>
        %parallel_loop3A_493 = arith.mulf %parallel_loop3A_490, %parallel_loop3A_492 : vector<16xf32>
        %parallel_loop3A_494 = arith.index_cast %parallel_loop3A_162 : i32 to index
        %parallel_loop3A_495 = arith.constant 432 : index
        %parallel_loop3A_496 = tpu.vector_load %arg11[%parallel_loop3A_494, %parallel_loop3A_495] {strides = array<i32>} : memref<16x1024xf32, #tpu.memory_space<vmem>>, vector<1x16xf32>,
        %parallel_loop3A_497 = vector.shape_cast %parallel_loop3A_496 : vector<1x16xf32> to vector<16xf32>
        %parallel_loop3A_498 = vector.shape_cast %parallel_loop3A_493 : vector<16xf32> to vector<1x16xf32>
        tpu.vector_store %arg11[%parallel_loop3A_494, %parallel_loop3A_495], %parallel_loop3A_498 {strides = array<i32>} : memref<16x1024xf32, #tpu.memory_space<vmem>>, vector<1x16xf32>,
        %parallel_loop3A_499 = arith.index_cast %parallel_loop3A_162 : i32 to index
        %parallel_loop3A_500 = arith.constant 448 : index
        %parallel_loop3A_501 = tpu.vector_load %arg9[%parallel_loop3A_499, %parallel_loop3A_500] {strides = array<i32>} : memref<16x1024xf32, #tpu.memory_space<vmem>>, vector<1x16xf32>,
        %parallel_loop3A_502 = vector.shape_cast %parallel_loop3A_501 : vector<1x16xf32> to vector<16xf32>
        %parallel_loop3A_503 = arith.constant 3.200000e+01 : f32
        %parallel_loop3A_504 = vector.broadcast %parallel_loop3A_503 : f32 to vector<16xf32>
        %parallel_loop3A_505 = arith.mulf %parallel_loop3A_502, %parallel_loop3A_504 : vector<16xf32>
        %parallel_loop3A_506 = arith.index_cast %parallel_loop3A_162 : i32 to index
        %parallel_loop3A_507 = arith.constant 448 : index
        %parallel_loop3A_508 = tpu.vector_load %arg11[%parallel_loop3A_506, %parallel_loop3A_507] {strides = array<i32>} : memref<16x1024xf32, #tpu.memory_space<vmem>>, vector<1x16xf32>,
        %parallel_loop3A_509 = vector.shape_cast %parallel_loop3A_508 : vector<1x16xf32> to vector<16xf32>
        %parallel_loop3A_510 = vector.shape_cast %parallel_loop3A_505 : vector<16xf32> to vector<1x16xf32>
        tpu.vector_store %arg11[%parallel_loop3A_506, %parallel_loop3A_507], %parallel_loop3A_510 {strides = array<i32>} : memref<16x1024xf32, #tpu.memory_space<vmem>>, vector<1x16xf32>,
        %parallel_loop3A_511 = arith.index_cast %parallel_loop3A_162 : i32 to index
        %parallel_loop3A_512 = arith.constant 464 : index
        %parallel_loop3A_513 = tpu.vector_load %arg9[%parallel_loop3A_511, %parallel_loop3A_512] {strides = array<i32>} : memref<16x1024xf32, #tpu.memory_space<vmem>>, vector<1x16xf32>,
        %parallel_loop3A_514 = vector.shape_cast %parallel_loop3A_513 : vector<1x16xf32> to vector<16xf32>
        %parallel_loop3A_515 = arith.constant 3.200000e+01 : f32
        %parallel_loop3A_516 = vector.broadcast %parallel_loop3A_515 : f32 to vector<16xf32>
        %parallel_loop3A_517 = arith.mulf %parallel_loop3A_514, %parallel_loop3A_516 : vector<16xf32>
        %parallel_loop3A_518 = arith.index_cast %parallel_loop3A_162 : i32 to index
        %parallel_loop3A_519 = arith.constant 464 : index
        %parallel_loop3A_520 = tpu.vector_load %arg11[%parallel_loop3A_518, %parallel_loop3A_519] {strides = array<i32>} : memref<16x1024xf32, #tpu.memory_space<vmem>>, vector<1x16xf32>,
        %parallel_loop3A_521 = vector.shape_cast %parallel_loop3A_520 : vector<1x16xf32> to vector<16xf32>
        %parallel_loop3A_522 = vector.shape_cast %parallel_loop3A_517 : vector<16xf32> to vector<1x16xf32>
        tpu.vector_store %arg11[%parallel_loop3A_518, %parallel_loop3A_519], %parallel_loop3A_522 {strides = array<i32>} : memref<16x1024xf32, #tpu.memory_space<vmem>>, vector<1x16xf32>,
        %parallel_loop3A_523 = arith.index_cast %parallel_loop3A_162 : i32 to index
        %parallel_loop3A_524 = arith.constant 480 : index
        %parallel_loop3A_525 = tpu.vector_load %arg9[%parallel_loop3A_523, %parallel_loop3A_524] {strides = array<i32>} : memref<16x1024xf32, #tpu.memory_space<vmem>>, vector<1x16xf32>,
        %parallel_loop3A_526 = vector.shape_cast %parallel_loop3A_525 : vector<1x16xf32> to vector<16xf32>
        %parallel_loop3A_527 = arith.constant 3.200000e+01 : f32
        %parallel_loop3A_528 = vector.broadcast %parallel_loop3A_527 : f32 to vector<16xf32>
        %parallel_loop3A_529 = arith.mulf %parallel_loop3A_526, %parallel_loop3A_528 : vector<16xf32>
        %parallel_loop3A_530 = arith.index_cast %parallel_loop3A_162 : i32 to index
        %parallel_loop3A_531 = arith.constant 480 : index
        %parallel_loop3A_532 = tpu.vector_load %arg11[%parallel_loop3A_530, %parallel_loop3A_531] {strides = array<i32>} : memref<16x1024xf32, #tpu.memory_space<vmem>>, vector<1x16xf32>,
        %parallel_loop3A_533 = vector.shape_cast %parallel_loop3A_532 : vector<1x16xf32> to vector<16xf32>
        %parallel_loop3A_534 = vector.shape_cast %parallel_loop3A_529 : vector<16xf32> to vector<1x16xf32>
        tpu.vector_store %arg11[%parallel_loop3A_530, %parallel_loop3A_531], %parallel_loop3A_534 {strides = array<i32>} : memref<16x1024xf32, #tpu.memory_space<vmem>>, vector<1x16xf32>,
        %parallel_loop3A_535 = arith.index_cast %parallel_loop3A_162 : i32 to index
        %parallel_loop3A_536 = arith.constant 496 : index
        %parallel_loop3A_537 = tpu.vector_load %arg9[%parallel_loop3A_535, %parallel_loop3A_536] {strides = array<i32>} : memref<16x1024xf32, #tpu.memory_space<vmem>>, vector<1x16xf32>,
        %parallel_loop3A_538 = vector.shape_cast %parallel_loop3A_537 : vector<1x16xf32> to vector<16xf32>
        %parallel_loop3A_539 = arith.constant 3.200000e+01 : f32
        %parallel_loop3A_540 = vector.broadcast %parallel_loop3A_539 : f32 to vector<16xf32>
        %parallel_loop3A_541 = arith.mulf %parallel_loop3A_538, %parallel_loop3A_540 : vector<16xf32>
        %parallel_loop3A_542 = arith.index_cast %parallel_loop3A_162 : i32 to index
        %parallel_loop3A_543 = arith.constant 496 : index
        %parallel_loop3A_544 = tpu.vector_load %arg11[%parallel_loop3A_542, %parallel_loop3A_543] {strides = array<i32>} : memref<16x1024xf32, #tpu.memory_space<vmem>>, vector<1x16xf32>,
        %parallel_loop3A_545 = vector.shape_cast %parallel_loop3A_544 : vector<1x16xf32> to vector<16xf32>
        %parallel_loop3A_546 = vector.shape_cast %parallel_loop3A_541 : vector<16xf32> to vector<1x16xf32>
        tpu.vector_store %arg11[%parallel_loop3A_542, %parallel_loop3A_543], %parallel_loop3A_546 {strides = array<i32>} : memref<16x1024xf32, #tpu.memory_space<vmem>>, vector<1x16xf32>,
        %parallel_loop3A_547 = arith.index_cast %parallel_loop3A_162 : i32 to index
        %parallel_loop3A_548 = arith.constant 512 : index
        %parallel_loop3A_549 = tpu.vector_load %arg9[%parallel_loop3A_547, %parallel_loop3A_548] {strides = array<i32>} : memref<16x1024xf32, #tpu.memory_space<vmem>>, vector<1x16xf32>,
        %parallel_loop3A_550 = vector.shape_cast %parallel_loop3A_549 : vector<1x16xf32> to vector<16xf32>
        %parallel_loop3A_551 = arith.constant 3.200000e+01 : f32
        %parallel_loop3A_552 = vector.broadcast %parallel_loop3A_551 : f32 to vector<16xf32>
        %parallel_loop3A_553 = arith.mulf %parallel_loop3A_550, %parallel_loop3A_552 : vector<16xf32>
        %parallel_loop3A_554 = arith.index_cast %parallel_loop3A_162 : i32 to index
        %parallel_loop3A_555 = arith.constant 512 : index
        %parallel_loop3A_556 = tpu.vector_load %arg11[%parallel_loop3A_554, %parallel_loop3A_555] {strides = array<i32>} : memref<16x1024xf32, #tpu.memory_space<vmem>>, vector<1x16xf32>,
        %parallel_loop3A_557 = vector.shape_cast %parallel_loop3A_556 : vector<1x16xf32> to vector<16xf32>
        %parallel_loop3A_558 = vector.shape_cast %parallel_loop3A_553 : vector<16xf32> to vector<1x16xf32>
        tpu.vector_store %arg11[%parallel_loop3A_554, %parallel_loop3A_555], %parallel_loop3A_558 {strides = array<i32>} : memref<16x1024xf32, #tpu.memory_space<vmem>>, vector<1x16xf32>,
        %parallel_loop3A_559 = arith.index_cast %parallel_loop3A_162 : i32 to index
        %parallel_loop3A_560 = arith.constant 528 : index
        %parallel_loop3A_561 = tpu.vector_load %arg9[%parallel_loop3A_559, %parallel_loop3A_560] {strides = array<i32>} : memref<16x1024xf32, #tpu.memory_space<vmem>>, vector<1x16xf32>,
        %parallel_loop3A_562 = vector.shape_cast %parallel_loop3A_561 : vector<1x16xf32> to vector<16xf32>
        %parallel_loop3A_563 = arith.constant 3.200000e+01 : f32
        %parallel_loop3A_564 = vector.broadcast %parallel_loop3A_563 : f32 to vector<16xf32>
        %parallel_loop3A_565 = arith.mulf %parallel_loop3A_562, %parallel_loop3A_564 : vector<16xf32>
        %parallel_loop3A_566 = arith.index_cast %parallel_loop3A_162 : i32 to index
        %parallel_loop3A_567 = arith.constant 528 : index
        %parallel_loop3A_568 = tpu.vector_load %arg11[%parallel_loop3A_566, %parallel_loop3A_567] {strides = array<i32>} : memref<16x1024xf32, #tpu.memory_space<vmem>>, vector<1x16xf32>,
        %parallel_loop3A_569 = vector.shape_cast %parallel_loop3A_568 : vector<1x16xf32> to vector<16xf32>
        %parallel_loop3A_570 = vector.shape_cast %parallel_loop3A_565 : vector<16xf32> to vector<1x16xf32>
        tpu.vector_store %arg11[%parallel_loop3A_566, %parallel_loop3A_567], %parallel_loop3A_570 {strides = array<i32>} : memref<16x1024xf32, #tpu.memory_space<vmem>>, vector<1x16xf32>,
        %parallel_loop3A_571 = arith.index_cast %parallel_loop3A_162 : i32 to index
        %parallel_loop3A_572 = arith.constant 544 : index
        %parallel_loop3A_573 = tpu.vector_load %arg9[%parallel_loop3A_571, %parallel_loop3A_572] {strides = array<i32>} : memref<16x1024xf32, #tpu.memory_space<vmem>>, vector<1x16xf32>,
        %parallel_loop3A_574 = vector.shape_cast %parallel_loop3A_573 : vector<1x16xf32> to vector<16xf32>
        %parallel_loop3A_575 = arith.constant 3.200000e+01 : f32
        %parallel_loop3A_576 = vector.broadcast %parallel_loop3A_575 : f32 to vector<16xf32>
        %parallel_loop3A_577 = arith.mulf %parallel_loop3A_574, %parallel_loop3A_576 : vector<16xf32>
        %parallel_loop3A_578 = arith.index_cast %parallel_loop3A_162 : i32 to index
        %parallel_loop3A_579 = arith.constant 544 : index
        %parallel_loop3A_580 = tpu.vector_load %arg11[%parallel_loop3A_578, %parallel_loop3A_579] {strides = array<i32>} : memref<16x1024xf32, #tpu.memory_space<vmem>>, vector<1x16xf32>,
        %parallel_loop3A_581 = vector.shape_cast %parallel_loop3A_580 : vector<1x16xf32> to vector<16xf32>
        %parallel_loop3A_582 = vector.shape_cast %parallel_loop3A_577 : vector<16xf32> to vector<1x16xf32>
        tpu.vector_store %arg11[%parallel_loop3A_578, %parallel_loop3A_579], %parallel_loop3A_582 {strides = array<i32>} : memref<16x1024xf32, #tpu.memory_space<vmem>>, vector<1x16xf32>,
        %parallel_loop3A_583 = arith.index_cast %parallel_loop3A_162 : i32 to index
        %parallel_loop3A_584 = arith.constant 560 : index
        %parallel_loop3A_585 = tpu.vector_load %arg9[%parallel_loop3A_583, %parallel_loop3A_584] {strides = array<i32>} : memref<16x1024xf32, #tpu.memory_space<vmem>>, vector<1x16xf32>,
        %parallel_loop3A_586 = vector.shape_cast %parallel_loop3A_585 : vector<1x16xf32> to vector<16xf32>
        %parallel_loop3A_587 = arith.constant 3.200000e+01 : f32
        %parallel_loop3A_588 = vector.broadcast %parallel_loop3A_587 : f32 to vector<16xf32>
        %parallel_loop3A_589 = arith.mulf %parallel_loop3A_586, %parallel_loop3A_588 : vector<16xf32>
        %parallel_loop3A_590 = arith.index_cast %parallel_loop3A_162 : i32 to index
        %parallel_loop3A_591 = arith.constant 560 : index
        %parallel_loop3A_592 = tpu.vector_load %arg11[%parallel_loop3A_590, %parallel_loop3A_591] {strides = array<i32>} : memref<16x1024xf32, #tpu.memory_space<vmem>>, vector<1x16xf32>,
        %parallel_loop3A_593 = vector.shape_cast %parallel_loop3A_592 : vector<1x16xf32> to vector<16xf32>
        %parallel_loop3A_594 = vector.shape_cast %parallel_loop3A_589 : vector<16xf32> to vector<1x16xf32>
        tpu.vector_store %arg11[%parallel_loop3A_590, %parallel_loop3A_591], %parallel_loop3A_594 {strides = array<i32>} : memref<16x1024xf32, #tpu.memory_space<vmem>>, vector<1x16xf32>,
        %parallel_loop3A_595 = arith.index_cast %parallel_loop3A_162 : i32 to index
        %parallel_loop3A_596 = arith.constant 576 : index
        %parallel_loop3A_597 = tpu.vector_load %arg9[%parallel_loop3A_595, %parallel_loop3A_596] {strides = array<i32>} : memref<16x1024xf32, #tpu.memory_space<vmem>>, vector<1x16xf32>,
        %parallel_loop3A_598 = vector.shape_cast %parallel_loop3A_597 : vector<1x16xf32> to vector<16xf32>
        %parallel_loop3A_599 = arith.constant 3.200000e+01 : f32
        %parallel_loop3A_600 = vector.broadcast %parallel_loop3A_599 : f32 to vector<16xf32>
        %parallel_loop3A_601 = arith.mulf %parallel_loop3A_598, %parallel_loop3A_600 : vector<16xf32>
        %parallel_loop3A_602 = arith.index_cast %parallel_loop3A_162 : i32 to index
        %parallel_loop3A_603 = arith.constant 576 : index
        %parallel_loop3A_604 = tpu.vector_load %arg11[%parallel_loop3A_602, %parallel_loop3A_603] {strides = array<i32>} : memref<16x1024xf32, #tpu.memory_space<vmem>>, vector<1x16xf32>,
        %parallel_loop3A_605 = vector.shape_cast %parallel_loop3A_604 : vector<1x16xf32> to vector<16xf32>
        %parallel_loop3A_606 = vector.shape_cast %parallel_loop3A_601 : vector<16xf32> to vector<1x16xf32>
        tpu.vector_store %arg11[%parallel_loop3A_602, %parallel_loop3A_603], %parallel_loop3A_606 {strides = array<i32>} : memref<16x1024xf32, #tpu.memory_space<vmem>>, vector<1x16xf32>,
        %parallel_loop3A_607 = arith.index_cast %parallel_loop3A_162 : i32 to index
        %parallel_loop3A_608 = arith.constant 592 : index
        %parallel_loop3A_609 = tpu.vector_load %arg9[%parallel_loop3A_607, %parallel_loop3A_608] {strides = array<i32>} : memref<16x1024xf32, #tpu.memory_space<vmem>>, vector<1x16xf32>,
        %parallel_loop3A_610 = vector.shape_cast %parallel_loop3A_609 : vector<1x16xf32> to vector<16xf32>
        %parallel_loop3A_611 = arith.constant 3.200000e+01 : f32
        %parallel_loop3A_612 = vector.broadcast %parallel_loop3A_611 : f32 to vector<16xf32>
        %parallel_loop3A_613 = arith.mulf %parallel_loop3A_610, %parallel_loop3A_612 : vector<16xf32>
        %parallel_loop3A_614 = arith.index_cast %parallel_loop3A_162 : i32 to index
        %parallel_loop3A_615 = arith.constant 592 : index
        %parallel_loop3A_616 = tpu.vector_load %arg11[%parallel_loop3A_614, %parallel_loop3A_615] {strides = array<i32>} : memref<16x1024xf32, #tpu.memory_space<vmem>>, vector<1x16xf32>,
        %parallel_loop3A_617 = vector.shape_cast %parallel_loop3A_616 : vector<1x16xf32> to vector<16xf32>
        %parallel_loop3A_618 = vector.shape_cast %parallel_loop3A_613 : vector<16xf32> to vector<1x16xf32>
        tpu.vector_store %arg11[%parallel_loop3A_614, %parallel_loop3A_615], %parallel_loop3A_618 {strides = array<i32>} : memref<16x1024xf32, #tpu.memory_space<vmem>>, vector<1x16xf32>,
        %parallel_loop3A_619 = arith.index_cast %parallel_loop3A_162 : i32 to index
        %parallel_loop3A_620 = arith.constant 608 : index
        %parallel_loop3A_621 = tpu.vector_load %arg9[%parallel_loop3A_619, %parallel_loop3A_620] {strides = array<i32>} : memref<16x1024xf32, #tpu.memory_space<vmem>>, vector<1x16xf32>,
        %parallel_loop3A_622 = vector.shape_cast %parallel_loop3A_621 : vector<1x16xf32> to vector<16xf32>
        %parallel_loop3A_623 = arith.constant 3.200000e+01 : f32
        %parallel_loop3A_624 = vector.broadcast %parallel_loop3A_623 : f32 to vector<16xf32>
        %parallel_loop3A_625 = arith.mulf %parallel_loop3A_622, %parallel_loop3A_624 : vector<16xf32>
        %parallel_loop3A_626 = arith.index_cast %parallel_loop3A_162 : i32 to index
        %parallel_loop3A_627 = arith.constant 608 : index
        %parallel_loop3A_628 = tpu.vector_load %arg11[%parallel_loop3A_626, %parallel_loop3A_627] {strides = array<i32>} : memref<16x1024xf32, #tpu.memory_space<vmem>>, vector<1x16xf32>,
        %parallel_loop3A_629 = vector.shape_cast %parallel_loop3A_628 : vector<1x16xf32> to vector<16xf32>
        %parallel_loop3A_630 = vector.shape_cast %parallel_loop3A_625 : vector<16xf32> to vector<1x16xf32>
        tpu.vector_store %arg11[%parallel_loop3A_626, %parallel_loop3A_627], %parallel_loop3A_630 {strides = array<i32>} : memref<16x1024xf32, #tpu.memory_space<vmem>>, vector<1x16xf32>,
        %parallel_loop3A_631 = arith.index_cast %parallel_loop3A_162 : i32 to index
        %parallel_loop3A_632 = arith.constant 624 : index
        %parallel_loop3A_633 = tpu.vector_load %arg9[%parallel_loop3A_631, %parallel_loop3A_632] {strides = array<i32>} : memref<16x1024xf32, #tpu.memory_space<vmem>>, vector<1x16xf32>,
        %parallel_loop3A_634 = vector.shape_cast %parallel_loop3A_633 : vector<1x16xf32> to vector<16xf32>
        %parallel_loop3A_635 = arith.constant 3.200000e+01 : f32
        %parallel_loop3A_636 = vector.broadcast %parallel_loop3A_635 : f32 to vector<16xf32>
        %parallel_loop3A_637 = arith.mulf %parallel_loop3A_634, %parallel_loop3A_636 : vector<16xf32>
        %parallel_loop3A_638 = arith.index_cast %parallel_loop3A_162 : i32 to index
        %parallel_loop3A_639 = arith.constant 624 : index
        %parallel_loop3A_640 = tpu.vector_load %arg11[%parallel_loop3A_638, %parallel_loop3A_639] {strides = array<i32>} : memref<16x1024xf32, #tpu.memory_space<vmem>>, vector<1x16xf32>,
        %parallel_loop3A_641 = vector.shape_cast %parallel_loop3A_640 : vector<1x16xf32> to vector<16xf32>
        %parallel_loop3A_642 = vector.shape_cast %parallel_loop3A_637 : vector<16xf32> to vector<1x16xf32>
        tpu.vector_store %arg11[%parallel_loop3A_638, %parallel_loop3A_639], %parallel_loop3A_642 {strides = array<i32>} : memref<16x1024xf32, #tpu.memory_space<vmem>>, vector<1x16xf32>,
        %parallel_loop3A_643 = arith.index_cast %parallel_loop3A_162 : i32 to index
        %parallel_loop3A_644 = arith.constant 640 : index
        %parallel_loop3A_645 = tpu.vector_load %arg9[%parallel_loop3A_643, %parallel_loop3A_644] {strides = array<i32>} : memref<16x1024xf32, #tpu.memory_space<vmem>>, vector<1x16xf32>,
        %parallel_loop3A_646 = vector.shape_cast %parallel_loop3A_645 : vector<1x16xf32> to vector<16xf32>
        %parallel_loop3A_647 = arith.constant 3.200000e+01 : f32
        %parallel_loop3A_648 = vector.broadcast %parallel_loop3A_647 : f32 to vector<16xf32>
        %parallel_loop3A_649 = arith.mulf %parallel_loop3A_646, %parallel_loop3A_648 : vector<16xf32>
        %parallel_loop3A_650 = arith.index_cast %parallel_loop3A_162 : i32 to index
        %parallel_loop3A_651 = arith.constant 640 : index
        %parallel_loop3A_652 = tpu.vector_load %arg11[%parallel_loop3A_650, %parallel_loop3A_651] {strides = array<i32>} : memref<16x1024xf32, #tpu.memory_space<vmem>>, vector<1x16xf32>,
        %parallel_loop3A_653 = vector.shape_cast %parallel_loop3A_652 : vector<1x16xf32> to vector<16xf32>
        %parallel_loop3A_654 = vector.shape_cast %parallel_loop3A_649 : vector<16xf32> to vector<1x16xf32>
        tpu.vector_store %arg11[%parallel_loop3A_650, %parallel_loop3A_651], %parallel_loop3A_654 {strides = array<i32>} : memref<16x1024xf32, #tpu.memory_space<vmem>>, vector<1x16xf32>,
        %parallel_loop3A_655 = arith.index_cast %parallel_loop3A_162 : i32 to index
        %parallel_loop3A_656 = arith.constant 656 : index
        %parallel_loop3A_657 = tpu.vector_load %arg9[%parallel_loop3A_655, %parallel_loop3A_656] {strides = array<i32>} : memref<16x1024xf32, #tpu.memory_space<vmem>>, vector<1x16xf32>,
        %parallel_loop3A_658 = vector.shape_cast %parallel_loop3A_657 : vector<1x16xf32> to vector<16xf32>
        %parallel_loop3A_659 = arith.constant 3.200000e+01 : f32
        %parallel_loop3A_660 = vector.broadcast %parallel_loop3A_659 : f32 to vector<16xf32>
        %parallel_loop3A_661 = arith.mulf %parallel_loop3A_658, %parallel_loop3A_660 : vector<16xf32>
        %parallel_loop3A_662 = arith.index_cast %parallel_loop3A_162 : i32 to index
        %parallel_loop3A_663 = arith.constant 656 : index
        %parallel_loop3A_664 = tpu.vector_load %arg11[%parallel_loop3A_662, %parallel_loop3A_663] {strides = array<i32>} : memref<16x1024xf32, #tpu.memory_space<vmem>>, vector<1x16xf32>,
        %parallel_loop3A_665 = vector.shape_cast %parallel_loop3A_664 : vector<1x16xf32> to vector<16xf32>
        %parallel_loop3A_666 = vector.shape_cast %parallel_loop3A_661 : vector<16xf32> to vector<1x16xf32>
        tpu.vector_store %arg11[%parallel_loop3A_662, %parallel_loop3A_663], %parallel_loop3A_666 {strides = array<i32>} : memref<16x1024xf32, #tpu.memory_space<vmem>>, vector<1x16xf32>,
        %parallel_loop3A_667 = arith.index_cast %parallel_loop3A_162 : i32 to index
        %parallel_loop3A_668 = arith.constant 672 : index
        %parallel_loop3A_669 = tpu.vector_load %arg9[%parallel_loop3A_667, %parallel_loop3A_668] {strides = array<i32>} : memref<16x1024xf32, #tpu.memory_space<vmem>>, vector<1x16xf32>,
        %parallel_loop3A_670 = vector.shape_cast %parallel_loop3A_669 : vector<1x16xf32> to vector<16xf32>
        %parallel_loop3A_671 = arith.constant 3.200000e+01 : f32
        %parallel_loop3A_672 = vector.broadcast %parallel_loop3A_671 : f32 to vector<16xf32>
        %parallel_loop3A_673 = arith.mulf %parallel_loop3A_670, %parallel_loop3A_672 : vector<16xf32>
        %parallel_loop3A_674 = arith.index_cast %parallel_loop3A_162 : i32 to index
        %parallel_loop3A_675 = arith.constant 672 : index
        %parallel_loop3A_676 = tpu.vector_load %arg11[%parallel_loop3A_674, %parallel_loop3A_675] {strides = array<i32>} : memref<16x1024xf32, #tpu.memory_space<vmem>>, vector<1x16xf32>,
        %parallel_loop3A_677 = vector.shape_cast %parallel_loop3A_676 : vector<1x16xf32> to vector<16xf32>
        %parallel_loop3A_678 = vector.shape_cast %parallel_loop3A_673 : vector<16xf32> to vector<1x16xf32>
        tpu.vector_store %arg11[%parallel_loop3A_674, %parallel_loop3A_675], %parallel_loop3A_678 {strides = array<i32>} : memref<16x1024xf32, #tpu.memory_space<vmem>>, vector<1x16xf32>,
        %parallel_loop3A_679 = arith.index_cast %parallel_loop3A_162 : i32 to index
        %parallel_loop3A_680 = arith.constant 688 : index
        %parallel_loop3A_681 = tpu.vector_load %arg9[%parallel_loop3A_679, %parallel_loop3A_680] {strides = array<i32>} : memref<16x1024xf32, #tpu.memory_space<vmem>>, vector<1x16xf32>,
        %parallel_loop3A_682 = vector.shape_cast %parallel_loop3A_681 : vector<1x16xf32> to vector<16xf32>
        %parallel_loop3A_683 = arith.constant 3.200000e+01 : f32
        %parallel_loop3A_684 = vector.broadcast %parallel_loop3A_683 : f32 to vector<16xf32>
        %parallel_loop3A_685 = arith.mulf %parallel_loop3A_682, %parallel_loop3A_684 : vector<16xf32>
        %parallel_loop3A_686 = arith.index_cast %parallel_loop3A_162 : i32 to index
        %parallel_loop3A_687 = arith.constant 688 : index
        %parallel_loop3A_688 = tpu.vector_load %arg11[%parallel_loop3A_686, %parallel_loop3A_687] {strides = array<i32>} : memref<16x1024xf32, #tpu.memory_space<vmem>>, vector<1x16xf32>,
        %parallel_loop3A_689 = vector.shape_cast %parallel_loop3A_688 : vector<1x16xf32> to vector<16xf32>
        %parallel_loop3A_690 = vector.shape_cast %parallel_loop3A_685 : vector<16xf32> to vector<1x16xf32>
        tpu.vector_store %arg11[%parallel_loop3A_686, %parallel_loop3A_687], %parallel_loop3A_690 {strides = array<i32>} : memref<16x1024xf32, #tpu.memory_space<vmem>>, vector<1x16xf32>,
        %parallel_loop3A_691 = arith.index_cast %parallel_loop3A_162 : i32 to index
        %parallel_loop3A_692 = arith.constant 704 : index
        %parallel_loop3A_693 = tpu.vector_load %arg9[%parallel_loop3A_691, %parallel_loop3A_692] {strides = array<i32>} : memref<16x1024xf32, #tpu.memory_space<vmem>>, vector<1x16xf32>,
        %parallel_loop3A_694 = vector.shape_cast %parallel_loop3A_693 : vector<1x16xf32> to vector<16xf32>
        %parallel_loop3A_695 = arith.constant 3.200000e+01 : f32
        %parallel_loop3A_696 = vector.broadcast %parallel_loop3A_695 : f32 to vector<16xf32>
        %parallel_loop3A_697 = arith.mulf %parallel_loop3A_694, %parallel_loop3A_696 : vector<16xf32>
        %parallel_loop3A_698 = arith.index_cast %parallel_loop3A_162 : i32 to index
        %parallel_loop3A_699 = arith.constant 704 : index
        %parallel_loop3A_700 = tpu.vector_load %arg11[%parallel_loop3A_698, %parallel_loop3A_699] {strides = array<i32>} : memref<16x1024xf32, #tpu.memory_space<vmem>>, vector<1x16xf32>,
        %parallel_loop3A_701 = vector.shape_cast %parallel_loop3A_700 : vector<1x16xf32> to vector<16xf32>
        %parallel_loop3A_702 = vector.shape_cast %parallel_loop3A_697 : vector<16xf32> to vector<1x16xf32>
        tpu.vector_store %arg11[%parallel_loop3A_698, %parallel_loop3A_699], %parallel_loop3A_702 {strides = array<i32>} : memref<16x1024xf32, #tpu.memory_space<vmem>>, vector<1x16xf32>,
        %parallel_loop3A_703 = arith.index_cast %parallel_loop3A_162 : i32 to index
        %parallel_loop3A_704 = arith.constant 720 : index
        %parallel_loop3A_705 = tpu.vector_load %arg9[%parallel_loop3A_703, %parallel_loop3A_704] {strides = array<i32>} : memref<16x1024xf32, #tpu.memory_space<vmem>>, vector<1x16xf32>,
        %parallel_loop3A_706 = vector.shape_cast %parallel_loop3A_705 : vector<1x16xf32> to vector<16xf32>
        %parallel_loop3A_707 = arith.constant 3.200000e+01 : f32
        %parallel_loop3A_708 = vector.broadcast %parallel_loop3A_707 : f32 to vector<16xf32>
        %parallel_loop3A_709 = arith.mulf %parallel_loop3A_706, %parallel_loop3A_708 : vector<16xf32>
        %parallel_loop3A_710 = arith.index_cast %parallel_loop3A_162 : i32 to index
        %parallel_loop3A_711 = arith.constant 720 : index
        %parallel_loop3A_712 = tpu.vector_load %arg11[%parallel_loop3A_710, %parallel_loop3A_711] {strides = array<i32>} : memref<16x1024xf32, #tpu.memory_space<vmem>>, vector<1x16xf32>,
        %parallel_loop3A_713 = vector.shape_cast %parallel_loop3A_712 : vector<1x16xf32> to vector<16xf32>
        %parallel_loop3A_714 = vector.shape_cast %parallel_loop3A_709 : vector<16xf32> to vector<1x16xf32>
        tpu.vector_store %arg11[%parallel_loop3A_710, %parallel_loop3A_711], %parallel_loop3A_714 {strides = array<i32>} : memref<16x1024xf32, #tpu.memory_space<vmem>>, vector<1x16xf32>,
        %parallel_loop3A_715 = arith.index_cast %parallel_loop3A_162 : i32 to index
        %parallel_loop3A_716 = arith.constant 736 : index
        %parallel_loop3A_717 = tpu.vector_load %arg9[%parallel_loop3A_715, %parallel_loop3A_716] {strides = array<i32>} : memref<16x1024xf32, #tpu.memory_space<vmem>>, vector<1x16xf32>,
        %parallel_loop3A_718 = vector.shape_cast %parallel_loop3A_717 : vector<1x16xf32> to vector<16xf32>
        %parallel_loop3A_719 = arith.constant 3.200000e+01 : f32
        %parallel_loop3A_720 = vector.broadcast %parallel_loop3A_719 : f32 to vector<16xf32>
        %parallel_loop3A_721 = arith.mulf %parallel_loop3A_718, %parallel_loop3A_720 : vector<16xf32>
        %parallel_loop3A_722 = arith.index_cast %parallel_loop3A_162 : i32 to index
        %parallel_loop3A_723 = arith.constant 736 : index
        %parallel_loop3A_724 = tpu.vector_load %arg11[%parallel_loop3A_722, %parallel_loop3A_723] {strides = array<i32>} : memref<16x1024xf32, #tpu.memory_space<vmem>>, vector<1x16xf32>,
        %parallel_loop3A_725 = vector.shape_cast %parallel_loop3A_724 : vector<1x16xf32> to vector<16xf32>
        %parallel_loop3A_726 = vector.shape_cast %parallel_loop3A_721 : vector<16xf32> to vector<1x16xf32>
        tpu.vector_store %arg11[%parallel_loop3A_722, %parallel_loop3A_723], %parallel_loop3A_726 {strides = array<i32>} : memref<16x1024xf32, #tpu.memory_space<vmem>>, vector<1x16xf32>,
        %parallel_loop3A_727 = arith.index_cast %parallel_loop3A_162 : i32 to index
        %parallel_loop3A_728 = arith.constant 752 : index
        %parallel_loop3A_729 = tpu.vector_load %arg9[%parallel_loop3A_727, %parallel_loop3A_728] {strides = array<i32>} : memref<16x1024xf32, #tpu.memory_space<vmem>>, vector<1x16xf32>,
        %parallel_loop3A_730 = vector.shape_cast %parallel_loop3A_729 : vector<1x16xf32> to vector<16xf32>
        %parallel_loop3A_731 = arith.constant 3.200000e+01 : f32
        %parallel_loop3A_732 = vector.broadcast %parallel_loop3A_731 : f32 to vector<16xf32>
        %parallel_loop3A_733 = arith.mulf %parallel_loop3A_730, %parallel_loop3A_732 : vector<16xf32>
        %parallel_loop3A_734 = arith.index_cast %parallel_loop3A_162 : i32 to index
        %parallel_loop3A_735 = arith.constant 752 : index
        %parallel_loop3A_736 = tpu.vector_load %arg11[%parallel_loop3A_734, %parallel_loop3A_735] {strides = array<i32>} : memref<16x1024xf32, #tpu.memory_space<vmem>>, vector<1x16xf32>,
        %parallel_loop3A_737 = vector.shape_cast %parallel_loop3A_736 : vector<1x16xf32> to vector<16xf32>
        %parallel_loop3A_738 = vector.shape_cast %parallel_loop3A_733 : vector<16xf32> to vector<1x16xf32>
        tpu.vector_store %arg11[%parallel_loop3A_734, %parallel_loop3A_735], %parallel_loop3A_738 {strides = array<i32>} : memref<16x1024xf32, #tpu.memory_space<vmem>>, vector<1x16xf32>,
        %parallel_loop3A_739 = arith.index_cast %parallel_loop3A_162 : i32 to index
        %parallel_loop3A_740 = arith.constant 768 : index
        %parallel_loop3A_741 = tpu.vector_load %arg9[%parallel_loop3A_739, %parallel_loop3A_740] {strides = array<i32>} : memref<16x1024xf32, #tpu.memory_space<vmem>>, vector<1x16xf32>,
        %parallel_loop3A_742 = vector.shape_cast %parallel_loop3A_741 : vector<1x16xf32> to vector<16xf32>
        %parallel_loop3A_743 = arith.constant 3.200000e+01 : f32
        %parallel_loop3A_744 = vector.broadcast %parallel_loop3A_743 : f32 to vector<16xf32>
        %parallel_loop3A_745 = arith.mulf %parallel_loop3A_742, %parallel_loop3A_744 : vector<16xf32>
        %parallel_loop3A_746 = arith.index_cast %parallel_loop3A_162 : i32 to index
        %parallel_loop3A_747 = arith.constant 768 : index
        %parallel_loop3A_748 = tpu.vector_load %arg11[%parallel_loop3A_746, %parallel_loop3A_747] {strides = array<i32>} : memref<16x1024xf32, #tpu.memory_space<vmem>>, vector<1x16xf32>,
        %parallel_loop3A_749 = vector.shape_cast %parallel_loop3A_748 : vector<1x16xf32> to vector<16xf32>
        %parallel_loop3A_750 = vector.shape_cast %parallel_loop3A_745 : vector<16xf32> to vector<1x16xf32>
        tpu.vector_store %arg11[%parallel_loop3A_746, %parallel_loop3A_747], %parallel_loop3A_750 {strides = array<i32>} : memref<16x1024xf32, #tpu.memory_space<vmem>>, vector<1x16xf32>,
        %parallel_loop3A_751 = arith.index_cast %parallel_loop3A_162 : i32 to index
        %parallel_loop3A_752 = arith.constant 784 : index
        %parallel_loop3A_753 = tpu.vector_load %arg9[%parallel_loop3A_751, %parallel_loop3A_752] {strides = array<i32>} : memref<16x1024xf32, #tpu.memory_space<vmem>>, vector<1x16xf32>,
        %parallel_loop3A_754 = vector.shape_cast %parallel_loop3A_753 : vector<1x16xf32> to vector<16xf32>
        %parallel_loop3A_755 = arith.constant 3.200000e+01 : f32
        %parallel_loop3A_756 = vector.broadcast %parallel_loop3A_755 : f32 to vector<16xf32>
        %parallel_loop3A_757 = arith.mulf %parallel_loop3A_754, %parallel_loop3A_756 : vector<16xf32>
        %parallel_loop3A_758 = arith.index_cast %parallel_loop3A_162 : i32 to index
        %parallel_loop3A_759 = arith.constant 784 : index
        %parallel_loop3A_760 = tpu.vector_load %arg11[%parallel_loop3A_758, %parallel_loop3A_759] {strides = array<i32>} : memref<16x1024xf32, #tpu.memory_space<vmem>>, vector<1x16xf32>,
        %parallel_loop3A_761 = vector.shape_cast %parallel_loop3A_760 : vector<1x16xf32> to vector<16xf32>
        %parallel_loop3A_762 = vector.shape_cast %parallel_loop3A_757 : vector<16xf32> to vector<1x16xf32>
        tpu.vector_store %arg11[%parallel_loop3A_758, %parallel_loop3A_759], %parallel_loop3A_762 {strides = array<i32>} : memref<16x1024xf32, #tpu.memory_space<vmem>>, vector<1x16xf32>,
        %parallel_loop3A_763 = arith.index_cast %parallel_loop3A_162 : i32 to index
        %parallel_loop3A_764 = arith.constant 800 : index
        %parallel_loop3A_765 = tpu.vector_load %arg9[%parallel_loop3A_763, %parallel_loop3A_764] {strides = array<i32>} : memref<16x1024xf32, #tpu.memory_space<vmem>>, vector<1x16xf32>,
        %parallel_loop3A_766 = vector.shape_cast %parallel_loop3A_765 : vector<1x16xf32> to vector<16xf32>
        %parallel_loop3A_767 = arith.constant 3.200000e+01 : f32
        %parallel_loop3A_768 = vector.broadcast %parallel_loop3A_767 : f32 to vector<16xf32>
        %parallel_loop3A_769 = arith.mulf %parallel_loop3A_766, %parallel_loop3A_768 : vector<16xf32>
        %parallel_loop3A_770 = arith.index_cast %parallel_loop3A_162 : i32 to index
        %parallel_loop3A_771 = arith.constant 800 : index
        %parallel_loop3A_772 = tpu.vector_load %arg11[%parallel_loop3A_770, %parallel_loop3A_771] {strides = array<i32>} : memref<16x1024xf32, #tpu.memory_space<vmem>>, vector<1x16xf32>,
        %parallel_loop3A_773 = vector.shape_cast %parallel_loop3A_772 : vector<1x16xf32> to vector<16xf32>
        %parallel_loop3A_774 = vector.shape_cast %parallel_loop3A_769 : vector<16xf32> to vector<1x16xf32>
        tpu.vector_store %arg11[%parallel_loop3A_770, %parallel_loop3A_771], %parallel_loop3A_774 {strides = array<i32>} : memref<16x1024xf32, #tpu.memory_space<vmem>>, vector<1x16xf32>,
        %parallel_loop3A_775 = arith.index_cast %parallel_loop3A_162 : i32 to index
        %parallel_loop3A_776 = arith.constant 816 : index
        %parallel_loop3A_777 = tpu.vector_load %arg9[%parallel_loop3A_775, %parallel_loop3A_776] {strides = array<i32>} : memref<16x1024xf32, #tpu.memory_space<vmem>>, vector<1x16xf32>,
        %parallel_loop3A_778 = vector.shape_cast %parallel_loop3A_777 : vector<1x16xf32> to vector<16xf32>
        %parallel_loop3A_779 = arith.constant 3.200000e+01 : f32
        %parallel_loop3A_780 = vector.broadcast %parallel_loop3A_779 : f32 to vector<16xf32>
        %parallel_loop3A_781 = arith.mulf %parallel_loop3A_778, %parallel_loop3A_780 : vector<16xf32>
        %parallel_loop3A_782 = arith.index_cast %parallel_loop3A_162 : i32 to index
        %parallel_loop3A_783 = arith.constant 816 : index
        %parallel_loop3A_784 = tpu.vector_load %arg11[%parallel_loop3A_782, %parallel_loop3A_783] {strides = array<i32>} : memref<16x1024xf32, #tpu.memory_space<vmem>>, vector<1x16xf32>,
        %parallel_loop3A_785 = vector.shape_cast %parallel_loop3A_784 : vector<1x16xf32> to vector<16xf32>
        %parallel_loop3A_786 = vector.shape_cast %parallel_loop3A_781 : vector<16xf32> to vector<1x16xf32>
        tpu.vector_store %arg11[%parallel_loop3A_782, %parallel_loop3A_783], %parallel_loop3A_786 {strides = array<i32>} : memref<16x1024xf32, #tpu.memory_space<vmem>>, vector<1x16xf32>,
        %parallel_loop3A_787 = arith.index_cast %parallel_loop3A_162 : i32 to index
        %parallel_loop3A_788 = arith.constant 832 : index
        %parallel_loop3A_789 = tpu.vector_load %arg9[%parallel_loop3A_787, %parallel_loop3A_788] {strides = array<i32>} : memref<16x1024xf32, #tpu.memory_space<vmem>>, vector<1x16xf32>,
        %parallel_loop3A_790 = vector.shape_cast %parallel_loop3A_789 : vector<1x16xf32> to vector<16xf32>
        %parallel_loop3A_791 = arith.constant 3.200000e+01 : f32
        %parallel_loop3A_792 = vector.broadcast %parallel_loop3A_791 : f32 to vector<16xf32>
        %parallel_loop3A_793 = arith.mulf %parallel_loop3A_790, %parallel_loop3A_792 : vector<16xf32>
        %parallel_loop3A_794 = arith.index_cast %parallel_loop3A_162 : i32 to index
        %parallel_loop3A_795 = arith.constant 832 : index
        %parallel_loop3A_796 = tpu.vector_load %arg11[%parallel_loop3A_794, %parallel_loop3A_795] {strides = array<i32>} : memref<16x1024xf32, #tpu.memory_space<vmem>>, vector<1x16xf32>,
        %parallel_loop3A_797 = vector.shape_cast %parallel_loop3A_796 : vector<1x16xf32> to vector<16xf32>
        %parallel_loop3A_798 = vector.shape_cast %parallel_loop3A_793 : vector<16xf32> to vector<1x16xf32>
        tpu.vector_store %arg11[%parallel_loop3A_794, %parallel_loop3A_795], %parallel_loop3A_798 {strides = array<i32>} : memref<16x1024xf32, #tpu.memory_space<vmem>>, vector<1x16xf32>,
        %parallel_loop3A_799 = arith.index_cast %parallel_loop3A_162 : i32 to index
        %parallel_loop3A_800 = arith.constant 848 : index
        %parallel_loop3A_801 = tpu.vector_load %arg9[%parallel_loop3A_799, %parallel_loop3A_800] {strides = array<i32>} : memref<16x1024xf32, #tpu.memory_space<vmem>>, vector<1x16xf32>,
        %parallel_loop3A_802 = vector.shape_cast %parallel_loop3A_801 : vector<1x16xf32> to vector<16xf32>
        %parallel_loop3A_803 = arith.constant 3.200000e+01 : f32
        %parallel_loop3A_804 = vector.broadcast %parallel_loop3A_803 : f32 to vector<16xf32>
        %parallel_loop3A_805 = arith.mulf %parallel_loop3A_802, %parallel_loop3A_804 : vector<16xf32>
        %parallel_loop3A_806 = arith.index_cast %parallel_loop3A_162 : i32 to index
        %parallel_loop3A_807 = arith.constant 848 : index
        %parallel_loop3A_808 = tpu.vector_load %arg11[%parallel_loop3A_806, %parallel_loop3A_807] {strides = array<i32>} : memref<16x1024xf32, #tpu.memory_space<vmem>>, vector<1x16xf32>,
        %parallel_loop3A_809 = vector.shape_cast %parallel_loop3A_808 : vector<1x16xf32> to vector<16xf32>
        %parallel_loop3A_810 = vector.shape_cast %parallel_loop3A_805 : vector<16xf32> to vector<1x16xf32>
        tpu.vector_store %arg11[%parallel_loop3A_806, %parallel_loop3A_807], %parallel_loop3A_810 {strides = array<i32>} : memref<16x1024xf32, #tpu.memory_space<vmem>>, vector<1x16xf32>,
        %parallel_loop3A_811 = arith.index_cast %parallel_loop3A_162 : i32 to index
        %parallel_loop3A_812 = arith.constant 864 : index
        %parallel_loop3A_813 = tpu.vector_load %arg9[%parallel_loop3A_811, %parallel_loop3A_812] {strides = array<i32>} : memref<16x1024xf32, #tpu.memory_space<vmem>>, vector<1x16xf32>,
        %parallel_loop3A_814 = vector.shape_cast %parallel_loop3A_813 : vector<1x16xf32> to vector<16xf32>
        %parallel_loop3A_815 = arith.constant 3.200000e+01 : f32
        %parallel_loop3A_816 = vector.broadcast %parallel_loop3A_815 : f32 to vector<16xf32>
        %parallel_loop3A_817 = arith.mulf %parallel_loop3A_814, %parallel_loop3A_816 : vector<16xf32>
        %parallel_loop3A_818 = arith.index_cast %parallel_loop3A_162 : i32 to index
        %parallel_loop3A_819 = arith.constant 864 : index
        %parallel_loop3A_820 = tpu.vector_load %arg11[%parallel_loop3A_818, %parallel_loop3A_819] {strides = array<i32>} : memref<16x1024xf32, #tpu.memory_space<vmem>>, vector<1x16xf32>,
        %parallel_loop3A_821 = vector.shape_cast %parallel_loop3A_820 : vector<1x16xf32> to vector<16xf32>
        %parallel_loop3A_822 = vector.shape_cast %parallel_loop3A_817 : vector<16xf32> to vector<1x16xf32>
        tpu.vector_store %arg11[%parallel_loop3A_818, %parallel_loop3A_819], %parallel_loop3A_822 {strides = array<i32>} : memref<16x1024xf32, #tpu.memory_space<vmem>>, vector<1x16xf32>,
        %parallel_loop3A_823 = arith.index_cast %parallel_loop3A_162 : i32 to index
        %parallel_loop3A_824 = arith.constant 880 : index
        %parallel_loop3A_825 = tpu.vector_load %arg9[%parallel_loop3A_823, %parallel_loop3A_824] {strides = array<i32>} : memref<16x1024xf32, #tpu.memory_space<vmem>>, vector<1x16xf32>,
        %parallel_loop3A_826 = vector.shape_cast %parallel_loop3A_825 : vector<1x16xf32> to vector<16xf32>
        %parallel_loop3A_827 = arith.constant 3.200000e+01 : f32
        %parallel_loop3A_828 = vector.broadcast %parallel_loop3A_827 : f32 to vector<16xf32>
        %parallel_loop3A_829 = arith.mulf %parallel_loop3A_826, %parallel_loop3A_828 : vector<16xf32>
        %parallel_loop3A_830 = arith.index_cast %parallel_loop3A_162 : i32 to index
        %parallel_loop3A_831 = arith.constant 880 : index
        %parallel_loop3A_832 = tpu.vector_load %arg11[%parallel_loop3A_830, %parallel_loop3A_831] {strides = array<i32>} : memref<16x1024xf32, #tpu.memory_space<vmem>>, vector<1x16xf32>,
        %parallel_loop3A_833 = vector.shape_cast %parallel_loop3A_832 : vector<1x16xf32> to vector<16xf32>
        %parallel_loop3A_834 = vector.shape_cast %parallel_loop3A_829 : vector<16xf32> to vector<1x16xf32>
        tpu.vector_store %arg11[%parallel_loop3A_830, %parallel_loop3A_831], %parallel_loop3A_834 {strides = array<i32>} : memref<16x1024xf32, #tpu.memory_space<vmem>>, vector<1x16xf32>,
        %parallel_loop3A_835 = arith.index_cast %parallel_loop3A_162 : i32 to index
        %parallel_loop3A_836 = arith.constant 896 : index
        %parallel_loop3A_837 = tpu.vector_load %arg9[%parallel_loop3A_835, %parallel_loop3A_836] {strides = array<i32>} : memref<16x1024xf32, #tpu.memory_space<vmem>>, vector<1x16xf32>,
        %parallel_loop3A_838 = vector.shape_cast %parallel_loop3A_837 : vector<1x16xf32> to vector<16xf32>
        %parallel_loop3A_839 = arith.constant 3.200000e+01 : f32
        %parallel_loop3A_840 = vector.broadcast %parallel_loop3A_839 : f32 to vector<16xf32>
        %parallel_loop3A_841 = arith.mulf %parallel_loop3A_838, %parallel_loop3A_840 : vector<16xf32>
        %parallel_loop3A_842 = arith.index_cast %parallel_loop3A_162 : i32 to index
        %parallel_loop3A_843 = arith.constant 896 : index
        %parallel_loop3A_844 = tpu.vector_load %arg11[%parallel_loop3A_842, %parallel_loop3A_843] {strides = array<i32>} : memref<16x1024xf32, #tpu.memory_space<vmem>>, vector<1x16xf32>,
        %parallel_loop3A_845 = vector.shape_cast %parallel_loop3A_844 : vector<1x16xf32> to vector<16xf32>
        %parallel_loop3A_846 = vector.shape_cast %parallel_loop3A_841 : vector<16xf32> to vector<1x16xf32>
        tpu.vector_store %arg11[%parallel_loop3A_842, %parallel_loop3A_843], %parallel_loop3A_846 {strides = array<i32>} : memref<16x1024xf32, #tpu.memory_space<vmem>>, vector<1x16xf32>,
        %parallel_loop3A_847 = arith.index_cast %parallel_loop3A_162 : i32 to index
        %parallel_loop3A_848 = arith.constant 912 : index
        %parallel_loop3A_849 = tpu.vector_load %arg9[%parallel_loop3A_847, %parallel_loop3A_848] {strides = array<i32>} : memref<16x1024xf32, #tpu.memory_space<vmem>>, vector<1x16xf32>,
        %parallel_loop3A_850 = vector.shape_cast %parallel_loop3A_849 : vector<1x16xf32> to vector<16xf32>
        %parallel_loop3A_851 = arith.constant 3.200000e+01 : f32
        %parallel_loop3A_852 = vector.broadcast %parallel_loop3A_851 : f32 to vector<16xf32>
        %parallel_loop3A_853 = arith.mulf %parallel_loop3A_850, %parallel_loop3A_852 : vector<16xf32>
        %parallel_loop3A_854 = arith.index_cast %parallel_loop3A_162 : i32 to index
        %parallel_loop3A_855 = arith.constant 912 : index
        %parallel_loop3A_856 = tpu.vector_load %arg11[%parallel_loop3A_854, %parallel_loop3A_855] {strides = array<i32>} : memref<16x1024xf32, #tpu.memory_space<vmem>>, vector<1x16xf32>,
        %parallel_loop3A_857 = vector.shape_cast %parallel_loop3A_856 : vector<1x16xf32> to vector<16xf32>
        %parallel_loop3A_858 = vector.shape_cast %parallel_loop3A_853 : vector<16xf32> to vector<1x16xf32>
        tpu.vector_store %arg11[%parallel_loop3A_854, %parallel_loop3A_855], %parallel_loop3A_858 {strides = array<i32>} : memref<16x1024xf32, #tpu.memory_space<vmem>>, vector<1x16xf32>,
        %parallel_loop3A_859 = arith.index_cast %parallel_loop3A_162 : i32 to index
        %parallel_loop3A_860 = arith.constant 928 : index
        %parallel_loop3A_861 = tpu.vector_load %arg9[%parallel_loop3A_859, %parallel_loop3A_860] {strides = array<i32>} : memref<16x1024xf32, #tpu.memory_space<vmem>>, vector<1x16xf32>,
        %parallel_loop3A_862 = vector.shape_cast %parallel_loop3A_861 : vector<1x16xf32> to vector<16xf32>
        %parallel_loop3A_863 = arith.constant 3.200000e+01 : f32
        %parallel_loop3A_864 = vector.broadcast %parallel_loop3A_863 : f32 to vector<16xf32>
        %parallel_loop3A_865 = arith.mulf %parallel_loop3A_862, %parallel_loop3A_864 : vector<16xf32>
        %parallel_loop3A_866 = arith.index_cast %parallel_loop3A_162 : i32 to index
        %parallel_loop3A_867 = arith.constant 928 : index
        %parallel_loop3A_868 = tpu.vector_load %arg11[%parallel_loop3A_866, %parallel_loop3A_867] {strides = array<i32>} : memref<16x1024xf32, #tpu.memory_space<vmem>>, vector<1x16xf32>,
        %parallel_loop3A_869 = vector.shape_cast %parallel_loop3A_868 : vector<1x16xf32> to vector<16xf32>
        %parallel_loop3A_870 = vector.shape_cast %parallel_loop3A_865 : vector<16xf32> to vector<1x16xf32>
        tpu.vector_store %arg11[%parallel_loop3A_866, %parallel_loop3A_867], %parallel_loop3A_870 {strides = array<i32>} : memref<16x1024xf32, #tpu.memory_space<vmem>>, vector<1x16xf32>,
        %parallel_loop3A_871 = arith.index_cast %parallel_loop3A_162 : i32 to index
        %parallel_loop3A_872 = arith.constant 944 : index
        %parallel_loop3A_873 = tpu.vector_load %arg9[%parallel_loop3A_871, %parallel_loop3A_872] {strides = array<i32>} : memref<16x1024xf32, #tpu.memory_space<vmem>>, vector<1x16xf32>,
        %parallel_loop3A_874 = vector.shape_cast %parallel_loop3A_873 : vector<1x16xf32> to vector<16xf32>
        %parallel_loop3A_875 = arith.constant 3.200000e+01 : f32
        %parallel_loop3A_876 = vector.broadcast %parallel_loop3A_875 : f32 to vector<16xf32>
        %parallel_loop3A_877 = arith.mulf %parallel_loop3A_874, %parallel_loop3A_876 : vector<16xf32>
        %parallel_loop3A_878 = arith.index_cast %parallel_loop3A_162 : i32 to index
        %parallel_loop3A_879 = arith.constant 944 : index
        %parallel_loop3A_880 = tpu.vector_load %arg11[%parallel_loop3A_878, %parallel_loop3A_879] {strides = array<i32>} : memref<16x1024xf32, #tpu.memory_space<vmem>>, vector<1x16xf32>,
        %parallel_loop3A_881 = vector.shape_cast %parallel_loop3A_880 : vector<1x16xf32> to vector<16xf32>
        %parallel_loop3A_882 = vector.shape_cast %parallel_loop3A_877 : vector<16xf32> to vector<1x16xf32>
        tpu.vector_store %arg11[%parallel_loop3A_878, %parallel_loop3A_879], %parallel_loop3A_882 {strides = array<i32>} : memref<16x1024xf32, #tpu.memory_space<vmem>>, vector<1x16xf32>,
        %parallel_loop3A_883 = arith.index_cast %parallel_loop3A_162 : i32 to index
        %parallel_loop3A_884 = arith.constant 960 : index
        %parallel_loop3A_885 = tpu.vector_load %arg9[%parallel_loop3A_883, %parallel_loop3A_884] {strides = array<i32>} : memref<16x1024xf32, #tpu.memory_space<vmem>>, vector<1x16xf32>,
        %parallel_loop3A_886 = vector.shape_cast %parallel_loop3A_885 : vector<1x16xf32> to vector<16xf32>
        %parallel_loop3A_887 = arith.constant 3.200000e+01 : f32
        %parallel_loop3A_888 = vector.broadcast %parallel_loop3A_887 : f32 to vector<16xf32>
        %parallel_loop3A_889 = arith.mulf %parallel_loop3A_886, %parallel_loop3A_888 : vector<16xf32>
        %parallel_loop3A_890 = arith.index_cast %parallel_loop3A_162 : i32 to index
        %parallel_loop3A_891 = arith.constant 960 : index
        %parallel_loop3A_892 = tpu.vector_load %arg11[%parallel_loop3A_890, %parallel_loop3A_891] {strides = array<i32>} : memref<16x1024xf32, #tpu.memory_space<vmem>>, vector<1x16xf32>,
        %parallel_loop3A_893 = vector.shape_cast %parallel_loop3A_892 : vector<1x16xf32> to vector<16xf32>
        %parallel_loop3A_894 = vector.shape_cast %parallel_loop3A_889 : vector<16xf32> to vector<1x16xf32>
        tpu.vector_store %arg11[%parallel_loop3A_890, %parallel_loop3A_891], %parallel_loop3A_894 {strides = array<i32>} : memref<16x1024xf32, #tpu.memory_space<vmem>>, vector<1x16xf32>,
        %parallel_loop3A_895 = arith.index_cast %parallel_loop3A_162 : i32 to index
        %parallel_loop3A_896 = arith.constant 976 : index
        %parallel_loop3A_897 = tpu.vector_load %arg9[%parallel_loop3A_895, %parallel_loop3A_896] {strides = array<i32>} : memref<16x1024xf32, #tpu.memory_space<vmem>>, vector<1x16xf32>,
        %parallel_loop3A_898 = vector.shape_cast %parallel_loop3A_897 : vector<1x16xf32> to vector<16xf32>
        %parallel_loop3A_899 = arith.constant 3.200000e+01 : f32
        %parallel_loop3A_900 = vector.broadcast %parallel_loop3A_899 : f32 to vector<16xf32>
        %parallel_loop3A_901 = arith.mulf %parallel_loop3A_898, %parallel_loop3A_900 : vector<16xf32>
        %parallel_loop3A_902 = arith.index_cast %parallel_loop3A_162 : i32 to index
        %parallel_loop3A_903 = arith.constant 976 : index
        %parallel_loop3A_904 = tpu.vector_load %arg11[%parallel_loop3A_902, %parallel_loop3A_903] {strides = array<i32>} : memref<16x1024xf32, #tpu.memory_space<vmem>>, vector<1x16xf32>,
        %parallel_loop3A_905 = vector.shape_cast %parallel_loop3A_904 : vector<1x16xf32> to vector<16xf32>
        %parallel_loop3A_906 = vector.shape_cast %parallel_loop3A_901 : vector<16xf32> to vector<1x16xf32>
        tpu.vector_store %arg11[%parallel_loop3A_902, %parallel_loop3A_903], %parallel_loop3A_906 {strides = array<i32>} : memref<16x1024xf32, #tpu.memory_space<vmem>>, vector<1x16xf32>,
        %parallel_loop3A_907 = arith.index_cast %parallel_loop3A_162 : i32 to index
        %parallel_loop3A_908 = arith.constant 992 : index
        %parallel_loop3A_909 = tpu.vector_load %arg9[%parallel_loop3A_907, %parallel_loop3A_908] {strides = array<i32>} : memref<16x1024xf32, #tpu.memory_space<vmem>>, vector<1x16xf32>,
        %parallel_loop3A_910 = vector.shape_cast %parallel_loop3A_909 : vector<1x16xf32> to vector<16xf32>
        %parallel_loop3A_911 = arith.constant 3.200000e+01 : f32
        %parallel_loop3A_912 = vector.broadcast %parallel_loop3A_911 : f32 to vector<16xf32>
        %parallel_loop3A_913 = arith.mulf %parallel_loop3A_910, %parallel_loop3A_912 : vector<16xf32>
        %parallel_loop3A_914 = arith.index_cast %parallel_loop3A_162 : i32 to index
        %parallel_loop3A_915 = arith.constant 992 : index
        %parallel_loop3A_916 = tpu.vector_load %arg11[%parallel_loop3A_914, %parallel_loop3A_915] {strides = array<i32>} : memref<16x1024xf32, #tpu.memory_space<vmem>>, vector<1x16xf32>,
        %parallel_loop3A_917 = vector.shape_cast %parallel_loop3A_916 : vector<1x16xf32> to vector<16xf32>
        %parallel_loop3A_918 = vector.shape_cast %parallel_loop3A_913 : vector<16xf32> to vector<1x16xf32>
        tpu.vector_store %arg11[%parallel_loop3A_914, %parallel_loop3A_915], %parallel_loop3A_918 {strides = array<i32>} : memref<16x1024xf32, #tpu.memory_space<vmem>>, vector<1x16xf32>,
        %parallel_loop3A_919 = arith.index_cast %parallel_loop3A_162 : i32 to index
        %parallel_loop3A_920 = arith.constant 1008 : index
        %parallel_loop3A_921 = tpu.vector_load %arg9[%parallel_loop3A_919, %parallel_loop3A_920] {strides = array<i32>} : memref<16x1024xf32, #tpu.memory_space<vmem>>, vector<1x16xf32>,
        %parallel_loop3A_922 = vector.shape_cast %parallel_loop3A_921 : vector<1x16xf32> to vector<16xf32>
        %parallel_loop3A_923 = arith.constant 3.200000e+01 : f32
        %parallel_loop3A_924 = vector.broadcast %parallel_loop3A_923 : f32 to vector<16xf32>
        %parallel_loop3A_925 = arith.mulf %parallel_loop3A_922, %parallel_loop3A_924 : vector<16xf32>
        %parallel_loop3A_926 = arith.index_cast %parallel_loop3A_162 : i32 to index
        %parallel_loop3A_927 = arith.constant 1008 : index
        %parallel_loop3A_928 = tpu.vector_load %arg11[%parallel_loop3A_926, %parallel_loop3A_927] {strides = array<i32>} : memref<16x1024xf32, #tpu.memory_space<vmem>>, vector<1x16xf32>,
        %parallel_loop3A_929 = vector.shape_cast %parallel_loop3A_928 : vector<1x16xf32> to vector<16xf32>
        %parallel_loop3A_930 = vector.shape_cast %parallel_loop3A_925 : vector<16xf32> to vector<1x16xf32>
        tpu.vector_store %arg11[%parallel_loop3A_926, %parallel_loop3A_927], %parallel_loop3A_930 {strides = array<i32>} : memref<16x1024xf32, #tpu.memory_space<vmem>>, vector<1x16xf32>,
      } {sc.loop_unroll_factor = 1 : i64, sc.parallel_access}
      %lt3A_150 = arith.constant 60 : i32
      %lt3A_151 = arith.cmpi slt, %add3A_135, %lt3A_150 : i32
      %convert_element_type3A_152 = arith.extui %lt3A_151 : i1 to i32
      %cond3A_153 = arith.constant 0 : i32
      %cond3A_154 = arith.cmpi ne, %convert_element_type3A_152, %cond3A_153 : i32
      scf.if %cond3A_154 {
        %add3A_162 = arith.constant 4 : i32
        %add3A_163 = arith.addi %add3A_135, %add3A_162 : i32
        %dma_start3A_164 = arith.constant 0 : i32
        %dma_start3A_165 = tpu.memref_slice %arg5[%add3A_163, %dma_start3A_164] : memref<64x16xi32, #tpu.memory_space<vmem>> -> memref<1x16xi32, #tpu.memory_space<vmem>>
        %dma_start3A_166 = tpu.memref_squeeze %dma_start3A_165 : memref<1x16xi32, #tpu.memory_space<vmem>> -> memref<16xi32, #tpu.memory_space<vmem>>
        %dma_start3A_167 = arith.constant 0 : i32
        %dma_start3A_168 = arith.constant 0 : i32
        %dma_start3A_169 = tpu.memref_slice %arg3[%dma_start3A_167, %dma_start3A_168] : memref<100000x1024xf32, #tpu.memory_space<hbm>> -> memref<100000x1024xf32, #tpu.memory_space<hbm>>
        tpu.enqueue_indirect_dma source(%dma_start3A_169 : memref<100000x1024xf32, #tpu.memory_space<hbm>>) target(%arg9 : memref<16x1024xf32, #tpu.memory_space<vmem>>) offsets(%dma_start3A_166 : memref<16xi32, #tpu.memory_space<vmem>>) semaphore(%arg15 : memref<!tpu.dma_semaphore, #tpu.memory_space<semaphore_mem>>)
      } else {
      }
      %mul3A_155 = arith.constant 16 : i32
      %mul3A_156 = arith.muli %add3A_135, %mul3A_155 : i32
      %add3A_157 = arith.addi %mul3A_2, %mul3A_156 : i32
      %dma_start3A_158 = arith.constant 0 : i32
      %dma_start3A_159 = tpu.memref_slice %arg4[%add3A_157, %dma_start3A_158] : memref<32768x1024xf32, #tpu.memory_space<hbm>> -> memref<16x1024xf32, #tpu.memory_space<hbm>>
      %dma_start3A_160 = arith.constant 0 : i32
      %dma_start3A_161 = tpu.memref_slice %arg4[%add3A_157, %dma_start3A_160] : memref<32768x1024xf32, #tpu.memory_space<hbm>> -> memref<16x1024xf32, #tpu.memory_space<hbm>>
      tpu.enqueue_dma source(%arg11 : memref<16x1024xf32, #tpu.memory_space<vmem>>) target(%dma_start3A_161 : memref<16x1024xf32, #tpu.memory_space<hbm>>) target_semaphore(%arg17 : memref<!tpu.dma_semaphore, #tpu.memory_space<semaphore_mem>>)
    }
    %scan3A_34 = arith.constant 16 : i32
    %add3A_35 = arith.constant 992 : i32
    %add3A_36 = arith.addi %mul3A_2, %add3A_35 : i32
    %dma_wait3A = arith.constant 0 : i32
    %dma_wait3A_37 = tpu.memref_slice %arg4[%add3A_36, %dma_wait3A] : memref<32768x1024xf32, #tpu.memory_space<hbm>> -> memref<16x1024xf32, #tpu.memory_space<hbm>>
    %dma_wait3A_38 = arith.constant 0 : i32
    %dma_wait3A_39 = tpu.memref_slice %arg4[%add3A_36, %dma_wait3A_38] : memref<32768x1024xf32, #tpu.memory_space<hbm>> -> memref<16x1024xf32, #tpu.memory_space<hbm>>
    tpu.wait_dma2 semaphore(%arg16 : memref<!tpu.dma_semaphore, #tpu.memory_space<semaphore_mem>>) src(%arg10 : memref<16x1024xf32, #tpu.memory_space<vmem>>) dst(%dma_wait3A_39 : memref<16x1024xf32, #tpu.memory_space<hbm>>)
    %add3A_40 = arith.constant 1008 : i32
    %add3A_41 = arith.addi %mul3A_2, %add3A_40 : i32
    %dma_wait3A_42 = arith.constant 0 : i32
    %dma_wait3A_43 = tpu.memref_slice %arg4[%add3A_41, %dma_wait3A_42] : memref<32768x1024xf32, #tpu.memory_space<hbm>> -> memref<16x1024xf32, #tpu.memory_space<hbm>>
    %dma_wait3A_44 = arith.constant 0 : i32
    %dma_wait3A_45 = tpu.memref_slice %arg4[%add3A_41, %dma_wait3A_44] : memref<32768x1024xf32, #tpu.memory_space<hbm>> -> memref<16x1024xf32, #tpu.memory_space<hbm>>
    tpu.wait_dma2 semaphore(%arg17 : memref<!tpu.dma_semaphore, #tpu.memory_space<semaphore_mem>>) src(%arg11 : memref<16x1024xf32, #tpu.memory_space<vmem>>) dst(%dma_wait3A_45 : memref<16x1024xf32, #tpu.memory_space<hbm>>)
    return
  }
}

</mosaic_0001>

<sc_bundles>
// kernel: _emb.3.cloned.1.call-start
scs
__scs_entry_jumppad:
0x0: {  	(pc) =	sbr.rel $0x88, $3  }
0x1: {  	(tag) =	ssettag $0x0;
	lr =	simm.s32 $0x1  }
0x2: {  	[smem:$0x3F9F] =	sst lr;
	_ =	strace $0xD0000000  }
0x3: {  	_ = 	snop  }
0x4: {  	_ = 	snop  }
0x5: {  	_ = 	snop  }
0x6: {  	_ = 	snop  }
0x7: {  	_ = 	snop  }
__scs_overlays_trampoline_lowered:
0x8: {  	[smem:$0x3FAE] =	sst s0  }
0x9: {  	[smem:$0x3FAF] =	sst s1  }
0xa: {  	[smem:$0x3FB0] =	sst s2  }
0xb: {  	[smem:$0x3FB1] =	sst s3  }
0xc: {  	[smem:$0x3FB2] =	sst s4  }
0xd: {  	[smem:$0x3FB3] =	sst s5  }
0xe: {  	[smem:$0x3FB4] =	sst s6  }
0xf: {  	[smem:$0x3FB5] =	sst s7  }
0x10: {  	[smem:$0x3FB6] =	sst s8  }
0x11: {  	[smem:$0x3FB7] =	sst s9;
	s0 =	simm.s32 @!p0 $0x0  }
0x12: {  	s1 =	sld [smem:$0x3F9D];
	s0 =	simm.s32 @p0 $0x1  }
0x13: {  	[smem:$0x3FB8] =	sst s0;
	s0 =	simm.s32 @!p1 $0x0  }
0x14: {  	s2 =	sld [smem:$0x3F9C];
	s0 =	simm.s32 @p1 $0x1  }
0x15: {  	[smem:$0x3FB9] =	sst s0;
	s0 =	simm.s32 @!p2 $0x0  }
0x16: {  	s3 =	sld [smem:$0x3FDB];
	s0 =	simm.s32 @p2 $0x1  }
0x17: {  	s4 =	simm.s32 $0x1BF5;
	[smem:$0x3FBB] =	sst s0  }
0x18: {  	s0 =	sld [smem:$0x3F9E];
	_ =	swait.ge [sflag:s4], $0x0  }
0x19: {  	s7 =	sld [smem:$0x3F9F]  }
0x1a: {  	s8 =	sadd.s32 $0xFFFFE003, lr  }
0x1b: {  	s9 =	sadd.s32 $0xFFFFFEF7, lr;
	s5 =	simm.s32 $0xFFFFFFFF;
	p2 =	slt.u32 s8, $0xFFFFF086  }
0x1c: {  	p1 =	slt.u32 s9, $0xF7A;
	s5 =	simm.s32 @!p2 $0x0  }
0x1d: {  	s5 =	simm.s32 @p1 $0x1;
	p0 =	seq.s32 s7, s2  }
0x1e: {  	s7 =	smul.u32 @!p0 $0xF7A, s2;
	p2 =	seq.s32 @!p0 s5, $0x0  }
0x1f: {  	s9 =	smul.u32 $0xF7A, s1;
	s8 =	simm.s32 @!p0 $0x1BF5;
	p2 =	por !p2, p0  }
0x20: {  	[sflag:s8] =	ssyncset.s32 @!p0 $0xFFFFF086;
	s6 =	sadd.s32 @!p0 s3, s7;
	s7 =	simm.s32 @!p0 $0x108  }
0x21: {  	s3 =	sadd.s32 s3, s9;
	s6 =	sadd.s32 @!p0 $0x88, s6;
	s7 =	simm.s32 @p2 $0x1082  }
0x22: {  	[simem:s7], [sflag:s8] =	dma.local @!p0 [hbm:s6], $0xF7A  }
0x23: {  	s9 =	sor.u32 $0xD0000000, s2;
	s6 =	simm.s32 $0x108;
	_ =	swait.ge @!p0 [sflag:s8], $0x0  }
0x24: {  	s3 =	sadd.s32 $0x88, s3;
	s6 =	simm.s32 @!p1 $0x1082;
	[sflag:s4] =	ssyncset.s32 $0xFFFFF086  }
0x25: {  	[simem:s6], [sflag:s4] =	dma.local [hbm:s3], $0xF7A  }
0x26: {  	[smem:$0x3F9F] =	sst s1;
	(tag) =	ssettag s2;
	_ =	strace s9  }
0x27: {  	s1 =	sld [smem:$0x3FAF]  }
0x28: {  	s2 =	sld [smem:$0x3FB0]  }
0x29: {  	s4 =	sld [smem:$0x3FB2]  }
0x2a: {  	p0 =	seq.s32 s5, $0x0;
	s5 =	sld [smem:$0x3FB3]  }
0x2b: {  	s6 =	sld [smem:$0x3FB4]  }
0x2c: {  	s7 =	sld [smem:$0x3FB5]  }
0x2d: {  	s3 =	simm.s32 $0x108;
	s8 =	sld [smem:$0x3FB6]  }
0x2e: {  	s3 =	simm.s32 @!p0 $0x1082;
	s9 =	sld [smem:$0x3FB7]  }
0x2f: {  	lr =	sadd.s32 s0, s3;
	s0 =	sld [smem:$0x3FAE]  }
0x30: {  	s3 =	sld [smem:$0x3FB1]  }
0x31: {  	[smem:$0x3FBA] =	sst s10  }
0x32: {  	s10 =	sld [smem:$0x3FB8];
	_ =	sdelay $0x3  }
0x33: {  	p0 =	seq.s32 s10, $0x1;
	s10 =	sld [smem:$0x3FBA];
	_ =	sdelay $0x3  }
0x34: {  	[smem:$0x3FBA] =	sst s10  }
0x35: {  	s10 =	sld [smem:$0x3FB9];
	_ =	sdelay $0x3  }
0x36: {  	p1 =	seq.s32 s10, $0x1;
	s10 =	sld [smem:$0x3FBA];
	_ =	sdelay $0x3  }
0x37: {  	[smem:$0x3FBA] =	sst s10  }
0x38: {  	s10 =	sld [smem:$0x3FBB]  }
0x39: {  	_ = 	snop;
	(pc) =	sbr.ind lr, $3  }
0x3a: {  	_ = 	snop  }
0x3b: {  	_ = 	snop  }
0x3c: {  	p2 =	seq.s32 s10, $0x1;
	s10 =	sld [smem:$0x3FBA]  }
0x3d: {  	_ =	shalt  }
0x3e: {  	_ =	shalt  }
0x3f: {  	_ =	shalt  }
0x40: {  	_ =	shalt  }
0x41: {  	_ =	shalt  }
0x42: {  	_ =	shalt  }
0x43: {  	_ =	shalt  }
0x44: {  	_ =	shalt  }
0x45: {  	_ =	shalt  }
0x46: {  	_ =	shalt  }
0x47: {  	_ =	shalt  }
0x48: {  	_ =	shalt  }
0x49: {  	_ =	shalt  }
0x4a: {  	_ =	shalt  }
0x4b: {  	_ =	shalt  }
0x4c: {  	_ =	shalt  }
0x4d: {  	_ =	shalt  }
0x4e: {  	_ =	shalt  }
0x4f: {  	_ =	shalt  }
0x50: {  	_ =	shalt  }
0x51: {  	_ =	shalt  }
0x52: {  	_ =	shalt  }
0x53: {  	_ =	shalt  }
0x54: {  	_ =	shalt  }
0x55: {  	_ =	shalt  }
0x56: {  	_ =	shalt  }
0x57: {  	_ =	shalt  }
0x58: {  	_ =	shalt  }
0x59: {  	_ =	shalt  }
0x5a: {  	_ =	shalt  }
0x5b: {  	_ =	shalt  }
0x5c: {  	_ =	shalt  }
0x5d: {  	_ =	shalt  }
0x5e: {  	_ =	shalt  }
0x5f: {  	_ =	shalt  }
0x60: {  	_ =	shalt  }
0x61: {  	_ =	shalt  }
0x62: {  	_ =	shalt  }
0x63: {  	_ =	shalt  }
0x64: {  	_ =	shalt  }
0x65: {  	_ =	shalt  }
0x66: {  	_ =	shalt  }
0x67: {  	_ =	shalt  }
0x68: {  	_ =	shalt  }
0x69: {  	_ =	shalt  }
0x6a: {  	_ =	shalt  }
0x6b: {  	_ =	shalt  }
0x6c: {  	_ =	shalt  }
0x6d: {  	_ =	shalt  }
0x6e: {  	_ =	shalt  }
0x6f: {  	_ =	shalt  }
0x70: {  	_ =	shalt  }
0x71: {  	_ =	shalt  }
0x72: {  	_ =	shalt  }
0x73: {  	_ =	shalt  }
0x74: {  	_ =	shalt  }
0x75: {  	_ =	shalt  }
0x76: {  	_ =	shalt  }
0x77: {  	_ =	shalt  }
0x78: {  	_ =	shalt  }
0x79: {  	_ =	shalt  }
0x7a: {  	_ =	shalt  }
0x7b: {  	_ =	shalt  }
0x7c: {  	_ =	shalt  }
0x7d: {  	_ =	shalt  }
0x7e: {  	_ =	shalt  }
0x7f: {  	_ =	shalt  }
0x80: {  	_ =	shalt  }
0x81: {  	_ =	shalt  }
0x82: {  	_ =	shalt  }
0x83: {  	_ =	shalt  }
0x84: {  	_ =	shalt  }
0x85: {  	_ =	shalt  }
0x86: {  	_ =	shalt  }
0x87: {  	_ =	shalt  }
.Lfunc_end0:
.L_simem_size_0:
called_computation_lowered:
.L_overlay_start_0:
0x88: {  	s2 =	sld [smem:$0x3FD9]  }
0x89: {  	s3 =	sld [smem:$0x3FFE];
	_ =	sdelay $0x1  }
0x8a: {  	s1 =	srdreg.scid  }
0x8b: {  	s0 =	sand.u32 $0x1, s1  }
0x8c: {  	s17 =	sshll.u32 s0, $0xA;
	s2 =	sadd.s32 s3, s2  }
0x8d: {  	s2 =	sadd.s32 s2, s17  }
0x8e: {  	[smem:$0x3FC6] =	sst s2  }
0x8f: {  	_ = 	snop  }
0x90: {  	s2 =	sld [smem:$0x3FC8]  }
0x91: {  	s18 =	sld [smem:$0x3FD0];
	(tm) =	ssettm $0x1  }
0x92: {  	s4 =	sld [smem:$0x3FFB];
	_ =	sdelay $0x3  }
0x93: {  	_ =	strace s4  }
0x94: {  	s4 =	sld [smem:$0x3FFC];
	_ =	sdelay $0x3  }
0x95: {  	_ =	strace s4  }
0x96: {  	s4 =	sld [smem:$0x3FFD];
	_ =	sdelay $0x3  }
0x97: {  	_ =	strace s4  }
0x98: {  	_ =	strace $0x8FFFFFFF  }
0x99: {  	s19 =	sld [smem:$0x3FDB];
	_ =	sdelay $0x1  }
0x9a: {  	s5 =	simm.s32 $_scs_section_size  }
0x9b: {  	s6 =	simm.s32 $_size__tile_overlayer_lowered;
	s7 =	simm.s32 $_tile_overlayer_lowered  }
0x9c: {  	s22 =	simm.s32 $0x1BFF;
	s21 =	sshll.u32 s7, $0x1;
	s4 =	sadd.s32 s5, s19  }
0x9d: {  	s8 =	simm.s32 $0x0;
	s20 =	sshll.u32 s6, $0x1;
	s6 =	sadd.s32 s21, s4  }
0x9e: {  	[timem:s8], [sflag:s22] =	dma.local [hbm:s6], s20  }
0x9f: {  	_ =	swait.ge [sflag:s22], s20  }
0xa0: {  	s5 =	ssub.s32 $0x0, s20;
	[sflag:s22] =	ssyncset.done $0x0  }
0xa1: {  	[sflag:s22] =	ssyncadd.s32 s5;
	_ =	sdelay $0x1  }
0xa2: {  	s23 =	simm.s32 $0x1B8B  }
0xa3: {  	_ =	swait.ge [sflag:s23], $0x1  }
0xa4: {  	[sflag:s23] =	ssyncset.done $0x0  }
0xa5: {  	s25 =	simm.s32 $0x1B8E;
	s24 =	sld [smem:$0x3FFE];
	[sflag:s23] =	ssyncadd.s32 $0xFFFFFFFF  }
0xa6: {  	s26 =	simm.s32 $execute0_lowered;
	[smem:$0x3FD2] =	sst s25  }
0xa7: {  	s6 =	sshll.u32 s26, $0x1;
	_ =	strace $0x80000046;
	[dreg:$0x1] =	wrdreg $0xFFFFFFFF  }
0xa8: {  	s28 =	simm.s32 $_size_execute0_lowered;
	s4 =	sadd.s32 s4, s6;
	[dreg:$0x0] =	wrdreg $0x0  }
0xa9: {  	s6 =	sshll.u32 s28, $0x1;
	[dreg:$0x2] =	wrdreg s4  }
0xaa: {  	[dreg:$0x3] =	wrdreg s6  }
0xab: {  	[dreg:$0x4] =	wrdreg $0xC0  }
0xac: {  	_ =	task [dreg:s8], $0x5FFFF  }
0xad: {  	[dreg:$0x1] =	wrdreg $0xFFFFFFFF  }
0xae: {  	[dreg:$0x0] =	wrdreg $0x60  }
0xaf: {  	[dreg:$0x2] =	wrdreg s24  }
0xb0: {  	[dreg:$0x3] =	wrdreg s2  }
0xb1: {  	[dreg:$0x4] =	wrdreg s18  }
0xb2: {  	[dreg:$0x5] =	wrdreg $0x9  }
0xb3: {  	_ =	task.clear_ibuf [dreg:s8], $0x6FFFF;
	_ =	strace $0x90000046  }
0xb4: {  	s29 =	simm.s32 $0x9;
	_ =	strace $0x80000048  }
0xb5: {  	_ =	swait.ge [sflag:s29], $0x1  }
0xb6: {  	[sflag:s29] =	ssyncadd.s32 $0xFFFFFFFF  }
0xb7: {  	_ =	strace $0x90000048  }
0xb8: {  	_ =	sfence  }
0xb9: {  	s30 =	sld [smem:$0x0];
	_ =	sdelay $0x2  }
0xba: {  	s31 =	sshll.u32 s1, $0xD;
	s1 =	sshrl.u32 s1, $0x2  }
0xbb: {  	s3 =	sand.u32 $0x4000, s31;
	s1 =	sadd.s32 s1, s30  }
0xbc: {  	s0 =	sor.u32 s3, s0;
	s1 =	sshll.u32 s1, $0x11  }
0xbd: {  	s0 =	sor.u32 s1, s0  }
0xbe: {  	s0 =	sadd.s32 $0x8F2B, s0  }
0xbf: {  	[sflag:s0] =	ssyncadd.remote.s32 $0x1  }
0xc0: {  	_ =	sfence.sel $0xFFFF  }
0xc1: {  	[dreg:$0x0] =	wrdreg $0xFFFFFFFF;
	(pc) =	sbr.abs _section_cstart, $3  }
0xc2: {  	[dreg:$0x1] =	wrdreg $0xFFFFFFFF  }
0xc3: {  	_ =	task.clear_ibuf [dreg:s8], $0x2FFFF;
	_ =	strace $0x9FFFFFFF  }
0xc4: {  	(tm) =	ssettm $0x7FFFFFFF  }
0xc5: {  	_ =	shalt  }
tec
execute0_lowered:
.L_overlay_start_1:
0x0: {  	(tag) =	ssettag $0x1  }
0x1: {  	s0 =	rddreg [dreg:$0x0]  }
0x2: {  	s2 =	rddreg [dreg:$0x1]  }
0x3: {  	s3 =	rddreg [dreg:$0x2]  }
0x4: {  	s1 =	srdreg.scid;
	s4 =	stileid.u32;
	s30 =	simm.s32 $0x1  }
0x5: {  	s31 =	simm.s32 $0x12000;
	s15 =	simm.s32 $0x3;
	s16 =	simm.s32 $0x5  }
0x6: {  	s17 =	simm.s32 $0x4;
	s18 =	simm.s32 $0x6;
	s13 =	simm.s32 $0x0  }
0x7: {  	s1 =	sand.u32 $0x1, s1;
	s5 =	sshll.u32 s4, $0x1;
	s4 =	simm.s32 $0x0  }
0x8: {  	s8 =	sadd.s32 $0x200, s2;
	s9 =	sadd.s32 $0x300, s2;
	s10 =	sadd.s32 $0x800, s3  }
0x9: {  	s11 =	sadd.s32 $0x1000, s3;
	s5 =	sor.u32 s1, s5;
	s1 =	ssub.s32 $0x2, s1  }
0xa: {  	[smem:$0x7FF] =	sst s4;
	s6 =	sshll.u32 s5, $0xA;
	s7 =	sshrl.u32 s1, $0x1  }
0xb: {  	_ =	strace $0x80000047;
	s5 =	sshll.u32 s5, $0x11;
	s0 =	sadd.s32 s6, s0  }
0xc: {  	v2 =	vlaneseq.u32;
	s1 =	ssub.s32 s1, s7;
	s7 =	sadd.s32 $0x100, s2;
	s0 =	sadd.s32 $0x400, s0  }
0xd: {  	vm0 =	vmmov $0xffff;
	v1 =	vshrl.u32 v2, $0x3;
	s12 =	sadd.s32 s3, s5;
	s29 =	smax.u32 s1, $0x1;
	[dreg:$0x4] =	wrdreg s0  }
0xe: {  	v0 =	vand.u32 $0x7, v2;
	v2 =	vor.u32 $0x8, v2;
	v1 =	vmul.u32 $0x8, v1;
	s1 =	simm.s32 $0x16000;
	[dreg:$0x5] =	wrdreg s29;
	s0 =	simm.s32 $0x2  }
.LBB2_1:
0xf: {  	[dreg:$0x6] =	wrdreg s13  }
0x10: {  	s6 =	rddreg [dreg:$0x4];
	s20 =	simm.s32 $0x7  }
0x11: {  	[tilespmem:s4], [sflag:$0x7] =	stream.linear.gather [hbm4b:s6+s4], $0x2000, $0x38;
	[tilespmem:$0x1A000] =	vst v63  }
0x12: {  	_ =	swait.ge [sflag:s20], $0x2000  }
0x13: {  	[sflag:s20] =	ssyncset.done $0x0  }
0x14: {  	[sflag:s20] =	ssyncadd.s32 $0xFFFFE000  }
0x15: {  	v3 =	vld [tilespmem:$0x0];
	_ =	sdelay $0x4  }
0x16: {  	v4 =	vshll.u32 v3, $0x3  }
0x17: {  	v3 =	vand.u32 $0x7, v3;
	v4 =	vand.u32 $0xFFFFFFC0, v4  }
0x18: {  	v3 =	vor.u32 v3, v4  }
0x19: {  	v4 =	vperm.xlane v3, v0;
	_ =	sdelay $0x1  }
0x1a: {  	v4 =	vadd.s32 v1, v4;
	_ =	sdelay $0x3  }
0x1b: {  	s21 =	simm.s32 $0x2000  }
0x1c: {  	[tilespmem:s21], [sflag:$0x1] =	stream.indirect_vreg.gather [hbm4b:s2+s4], $0x80, v4, vm0, $0xb8;
	[tilespmem:$0x1A000] =	vst v63  }
0x1d: {  	s22 =	simm.s32 $0x2800;
	v3 =	vperm.xlane v3, v2  }
0x1e: {  	[tilespmem:s22], [sflag:$0x1] =	stream.indirect_vreg.gather [hbm4b:s7+s4], $0x80, v4, vm0, $0xb8;
	[tilespmem:$0x1A000] =	vst v63  }
0x1f: {  	s23 =	simm.s32 $0x3000;
	v3 =	vadd.s32 v1, v3  }
0x20: {  	[tilespmem:s23], [sflag:$0x1] =	stream.indirect_vreg.gather [hbm4b:s8+s4], $0x80, v4, vm0, $0xb8;
	[tilespmem:$0x1A000] =	vst v63  }
0x21: {  	s24 =	simm.s32 $0x3800  }
0x22: {  	[tilespmem:s24], [sflag:$0x1] =	stream.indirect_vreg.gather [hbm4b:s9+s4], $0x80, v4, vm0, $0xb8;
	[tilespmem:$0x1A000] =	vst v63  }
0x23: {  	s25 =	simm.s32 $0x4000  }
0x24: {  	[tilespmem:s25], [sflag:$0x1] =	stream.indirect_vreg.gather [hbm4b:s2+s4], $0x80, v3, vm0, $0xb8;
	[tilespmem:$0x1A000] =	vst v63  }
0x25: {  	s26 =	simm.s32 $0x4800  }
0x26: {  	[tilespmem:s26], [sflag:$0x1] =	stream.indirect_vreg.gather [hbm4b:s7+s4], $0x80, v3, vm0, $0xb8;
	[tilespmem:$0x1A000] =	vst v63  }
0x27: {  	s28 =	simm.s32 $0x5000  }
0x28: {  	[tilespmem:s28], [sflag:$0x1] =	stream.indirect_vreg.gather [hbm4b:s8+s4], $0x80, v3, vm0, $0xb8;
	[tilespmem:$0x1A000] =	vst v63  }
0x29: {  	s29 =	simm.s32 $0x5800  }
0x2a: {  	[tilespmem:s29], [sflag:$0x1] =	stream.indirect_vreg.gather [hbm4b:s9+s4], $0x80, v3, vm0, $0xb8;
	[tilespmem:$0x1A000] =	vst v63  }
0x2b: {  	v3 =	vld [tilespmem:$0x80];
	_ =	sdelay $0x4  }
0x2c: {  	v61 =	vshll.u32 v3, $0x3  }
0x2d: {  	v3 =	vand.u32 $0x7, v3;
	v4 =	vand.u32 $0xFFFFFFC0, v61  }
0x2e: {  	v3 =	vor.u32 v3, v4  }
0x2f: {  	v4 =	vperm.xlane v3, v0;
	_ =	sdelay $0x1  }
0x30: {  	v4 =	vadd.s32 v1, v4;
	_ =	sdelay $0x3  }
0x31: {  	s13 =	simm.s32 $0x6000  }
0x32: {  	[tilespmem:s13], [sflag:$0x2] =	stream.indirect_vreg.gather [hbm4b:s2+s4], $0x80, v4, vm0, $0xb8;
	[tilespmem:$0x1A000] =	vst v63  }
0x33: {  	s14 =	simm.s32 $0x6800;
	v3 =	vperm.xlane v3, v2  }
0x34: {  	[tilespmem:s14], [sflag:$0x2] =	stream.indirect_vreg.gather [hbm4b:s7+s4], $0x80, v4, vm0, $0xb8;
	[tilespmem:$0x1A000] =	vst v63  }
0x35: {  	s19 =	simm.s32 $0x7000;
	v3 =	vadd.s32 v1, v3  }
0x36: {  	[tilespmem:s19], [sflag:$0x2] =	stream.indirect_vreg.gather [hbm4b:s8+s4], $0x80, v4, vm0, $0xb8;
	[tilespmem:$0x1A000] =	vst v63  }
0x37: {  	s20 =	simm.s32 $0x7800  }
0x38: {  	[tilespmem:s20], [sflag:$0x2] =	stream.indirect_vreg.gather [hbm4b:s9+s4], $0x80, v4, vm0, $0xb8;
	[tilespmem:$0x1A000] =	vst v63  }
0x39: {  	s21 =	simm.s32 $0x8000  }
0x3a: {  	[tilespmem:s21], [sflag:$0x2] =	stream.indirect_vreg.gather [hbm4b:s2+s4], $0x80, v3, vm0, $0xb8;
	[tilespmem:$0x1A000] =	vst v63  }
0x3b: {  	s22 =	simm.s32 $0x8800  }
0x3c: {  	[tilespmem:s22], [sflag:$0x2] =	stream.indirect_vreg.gather [hbm4b:s7+s4], $0x80, v3, vm0, $0xb8;
	[tilespmem:$0x1A000] =	vst v63  }
0x3d: {  	s23 =	simm.s32 $0x9000  }
0x3e: {  	[tilespmem:s23], [sflag:$0x2] =	stream.indirect_vreg.gather [hbm4b:s8+s4], $0x80, v3, vm0, $0xb8;
	[tilespmem:$0x1A000] =	vst v63  }
0x3f: {  	s24 =	simm.s32 $0x9800  }
0x40: {  	[tilespmem:s24], [sflag:$0x2] =	stream.indirect_vreg.gather [hbm4b:s9+s4], $0x80, v3, vm0, $0xb8;
	[tilespmem:$0x1A000] =	vst v63  }
0x41: {  	v3 =	vld [tilespmem:$0x100];
	_ =	sdelay $0x4  }
0x42: {  	v62 =	vshll.u32 v3, $0x3  }
0x43: {  	v3 =	vand.u32 $0x7, v3;
	v4 =	vand.u32 $0xFFFFFFC0, v62  }
0x44: {  	v3 =	vor.u32 v3, v4  }
0x45: {  	v4 =	vperm.xlane v3, v0;
	_ =	sdelay $0x1  }
0x46: {  	v4 =	vadd.s32 v1, v4;
	_ =	sdelay $0x3  }
0x47: {  	s25 =	simm.s32 $0xA000  }
0x48: {  	[tilespmem:s25], [sflag:$0x3] =	stream.indirect_vreg.gather [hbm4b:s2+s4], $0x80, v4, vm0, $0xb8;
	[tilespmem:$0x1A000] =	vst v63  }
0x49: {  	s26 =	simm.s32 $0xA800;
	v3 =	vperm.xlane v3, v2  }
0x4a: {  	[tilespmem:s26], [sflag:$0x3] =	stream.indirect_vreg.gather [hbm4b:s7+s4], $0x80, v4, vm0, $0xb8;
	[tilespmem:$0x1A000] =	vst v63  }
0x4b: {  	s28 =	simm.s32 $0xB000;
	v3 =	vadd.s32 v1, v3  }
0x4c: {  	[tilespmem:s28], [sflag:$0x3] =	stream.indirect_vreg.gather [hbm4b:s8+s4], $0x80, v4, vm0, $0xb8;
	[tilespmem:$0x1A000] =	vst v63  }
0x4d: {  	s29 =	simm.s32 $0xB800  }
0x4e: {  	[tilespmem:s29], [sflag:$0x3] =	stream.indirect_vreg.gather [hbm4b:s9+s4], $0x80, v4, vm0, $0xb8;
	[tilespmem:$0x1A000] =	vst v63  }
0x4f: {  	s13 =	simm.s32 $0xC000  }
0x50: {  	[tilespmem:s13], [sflag:$0x3] =	stream.indirect_vreg.gather [hbm4b:s2+s4], $0x80, v3, vm0, $0xb8;
	[tilespmem:$0x1A000] =	vst v63  }
0x51: {  	s14 =	simm.s32 $0xC800  }
0x52: {  	[tilespmem:s14], [sflag:$0x3] =	stream.indirect_vreg.gather [hbm4b:s7+s4], $0x80, v3, vm0, $0xb8;
	[tilespmem:$0x1A000] =	vst v63  }
0x53: {  	s19 =	simm.s32 $0xD000  }
0x54: {  	[tilespmem:s19], [sflag:$0x3] =	stream.indirect_vreg.gather [hbm4b:s8+s4], $0x80, v3, vm0, $0xb8;
	[tilespmem:$0x1A000] =	vst v63  }
0x55: {  	s20 =	simm.s32 $0xD800  }
0x56: {  	[tilespmem:s20], [sflag:$0x3] =	stream.indirect_vreg.gather [hbm4b:s9+s4], $0x80, v3, vm0, $0xb8;
	[tilespmem:$0x1A000] =	vst v63  }
0x57: {  	v3 =	vld [tilespmem:$0x180];
	_ =	sdelay $0x4  }
0x58: {  	v63 =	vshll.u32 v3, $0x3  }
0x59: {  	v3 =	vand.u32 $0x7, v3;
	v4 =	vand.u32 $0xFFFFFFC0, v63  }
0x5a: {  	v3 =	vor.u32 v3, v4  }
0x5b: {  	v4 =	vperm.xlane v3, v0;
	_ =	sdelay $0x1  }
0x5c: {  	v4 =	vadd.s32 v1, v4;
	_ =	sdelay $0x3  }
0x5d: {  	s21 =	simm.s32 $0xE000  }
0x5e: {  	[tilespmem:s21], [sflag:$0x4] =	stream.indirect_vreg.gather [hbm4b:s2+s4], $0x80, v4, vm0, $0xb8;
	[tilespmem:$0x1A000] =	vst v63  }
0x5f: {  	s22 =	simm.s32 $0xE800;
	v3 =	vperm.xlane v3, v2  }
0x60: {  	[tilespmem:s22], [sflag:$0x4] =	stream.indirect_vreg.gather [hbm4b:s7+s4], $0x80, v4, vm0, $0xb8;
	[tilespmem:$0x1A000] =	vst v63  }
0x61: {  	s23 =	simm.s32 $0xF000;
	v3 =	vadd.s32 v1, v3  }
0x62: {  	[tilespmem:s23], [sflag:$0x4] =	stream.indirect_vreg.gather [hbm4b:s8+s4], $0x80, v4, vm0, $0xb8;
	[tilespmem:$0x1A000] =	vst v63  }
0x63: {  	s24 =	simm.s32 $0xF800  }
0x64: {  	[tilespmem:s24], [sflag:$0x4] =	stream.indirect_vreg.gather [hbm4b:s9+s4], $0x80, v4, vm0, $0xb8;
	[tilespmem:$0x1A000] =	vst v63  }
0x65: {  	s25 =	simm.s32 $0x10000  }
0x66: {  	[tilespmem:s25], [sflag:$0x4] =	stream.indirect_vreg.gather [hbm4b:s2+s4], $0x80, v3, vm0, $0xb8;
	[tilespmem:$0x1A000] =	vst v63  }
0x67: {  	s26 =	simm.s32 $0x10800  }
0x68: {  	[tilespmem:s26], [sflag:$0x4] =	stream.indirect_vreg.gather [hbm4b:s7+s4], $0x80, v3, vm0, $0xb8;
	[tilespmem:$0x1A000] =	vst v63  }
0x69: {  	s28 =	simm.s32 $0x11000  }
0x6a: {  	[tilespmem:s28], [sflag:$0x4] =	stream.indirect_vreg.gather [hbm4b:s8+s4], $0x80, v3, vm0, $0xb8;
	[tilespmem:$0x1A000] =	vst v63  }
0x6b: {  	s29 =	simm.s32 $0x11800;
	s20 =	simm.s32 $0x0  }
0x6c: {  	[tilespmem:s29], [sflag:$0x4] =	stream.indirect_vreg.gather [hbm4b:s9+s4], $0x80, v3, vm0, $0xb8;
	[tilespmem:$0x1A000] =	vst v63  }
.LBB2_2:
0x6d: {  	_ =	swait.ge [sflag:s30], $0x4000  }
0x6e: {  	p1 =	seq.s32 s20, $0x0;
	[sflag:s30] =	ssyncset.done $0x0  }
0x6f: {  	s6 =	simm.s32 @!p1 $0x5;
	[sflag:s30] =	ssyncadd.s32 $0xFFFFC000  }
0x70: {  	s22 =	simm.s32 $0x0;
	s13 =	simm.s32 $0x0;
	_ =	swait.ge @!p1 [sflag:s6], $0x4000  }
0x71: {  	s13 =	sand.u32 $0x2000, s13;
	s21 =	sand.u32 $0x380, s22;
	[sflag:s6] =	ssyncset.done @!p1 $0x0  }
0x72: {  	s19 =	sor.u32 s21, s13;
	[sflag:s6] =	ssyncadd.s32 @!p1 $0xFFFFC000  }
0x73: {  	v3 =	vld [tilespmem:s19+$0x2000]  }
0x74: {  	v4 =	vld [tilespmem:s19+$0x2010]  }
0x75: {  	v5 =	vld [tilespmem:s19+$0x2020]  }
0x76: {  	v6 =	vld [tilespmem:s19+$0x2030]  }
0x77: {  	v7 =	vld [tilespmem:s19+$0x2040]  }
0x78: {  	v8 =	vld [tilespmem:s19+$0x2050];
	v3 =	vmul.f32 $3.200000000e+01, v3  }
0x79: {  	v9 =	vld [tilespmem:s19+$0x2060];
	v4 =	vmul.f32 $3.200000000e+01, v4  }
0x7a: {  	s25 =	simm.s32 $0x80;
	s26 =	simm.s32 $0x400;
	v10 =	vld [tilespmem:s19+$0x2070];
	[tilespmem:s19+$0x12000] =	vst v3;
	v3 =	vmul.f32 $3.200000000e+01, v5  }
0x7b: {  	s21 =	sand.u32 $0x2000, s26;
	s13 =	sand.u32 $0x380, s25;
	v11 =	vld [tilespmem:s19+$0x2400];
	[tilespmem:s19+$0x12010] =	vst v4;
	v4 =	vmul.f32 $3.200000000e+01, v6  }
0x7c: {  	s23 =	sor.u32 s13, s21;
	v12 =	vld [tilespmem:s19+$0x2410];
	[tilespmem:s19+$0x12020] =	vst v3;
	v3 =	vmul.f32 $3.200000000e+01, v7  }
0x7d: {  	v61 =	vld [tilespmem:s23+$0x2060];
	[tilespmem:s19+$0x12030] =	vst v4;
	v4 =	vmul.f32 $3.200000000e+01, v8  }
0x7e: {  	v5 =	vld [tilespmem:s19+$0x2420];
	[tilespmem:s19+$0x12040] =	vst v3;
	v3 =	vmul.f32 $3.200000000e+01, v9  }
0x7f: {  	v6 =	vld [tilespmem:s19+$0x2430];
	[tilespmem:s19+$0x12050] =	vst v4;
	v4 =	vmul.f32 $3.200000000e+01, v10  }
0x80: {  	v62 =	vld [tilespmem:s19+$0x3460];
	[tilespmem:s19+$0x12060] =	vst v3;
	v3 =	vmul.f32 $3.200000000e+01, v11  }
0x81: {  	v7 =	vld [tilespmem:s19+$0x2440];
	[tilespmem:s19+$0x12070] =	vst v4;
	v4 =	vmul.f32 $3.200000000e+01, v12  }
0x82: {  	v8 =	vld [tilespmem:s19+$0x2450];
	v12 =	vmul.f32 $3.200000000e+01, v61;
	[tilespmem:s19+$0x12400] =	vst v3  }
0x83: {  	v9 =	vld [tilespmem:s19+$0x2460];
	v3 =	vmul.f32 $3.200000000e+01, v5;
	[tilespmem:s19+$0x12410] =	vst v4  }
0x84: {  	v10 =	vld [tilespmem:s19+$0x2470];
	v4 =	vmul.f32 $3.200000000e+01, v6;
	[tilespmem:s23+$0x12060] =	vst v12  }
0x85: {  	v11 =	vld [tilespmem:s19+$0x2800];
	v12 =	vmul.f32 $3.200000000e+01, v62;
	[tilespmem:s19+$0x12420] =	vst v3  }
0x86: {  	v57 =	vld [tilespmem:s19+$0x2810];
	v3 =	vmul.f32 $3.200000000e+01, v7;
	[tilespmem:s19+$0x12430] =	vst v4  }
0x87: {  	v5 =	vld [tilespmem:s19+$0x2820];
	v4 =	vmul.f32 $3.200000000e+01, v8;
	[tilespmem:s19+$0x13460] =	vst v12  }
0x88: {  	v6 =	vld [tilespmem:s19+$0x2830];
	[tilespmem:s19+$0x12440] =	vst v3;
	v3 =	vmul.f32 $3.200000000e+01, v9  }
0x89: {  	v7 =	vld [tilespmem:s19+$0x2840];
	[tilespmem:s19+$0x12450] =	vst v4;
	v4 =	vmul.f32 $3.200000000e+01, v10  }
0x8a: {  	v8 =	vld [tilespmem:s19+$0x2850];
	[tilespmem:s19+$0x12460] =	vst v3;
	v3 =	vmul.f32 $3.200000000e+01, v11  }
0x8b: {  	v9 =	vld [tilespmem:s19+$0x2860];
	[tilespmem:s19+$0x12470] =	vst v4;
	v4 =	vmul.f32 $3.200000000e+01, v57  }
0x8c: {  	v10 =	vld [tilespmem:s19+$0x2870];
	[tilespmem:s19+$0x12800] =	vst v3;
	v3 =	vmul.f32 $3.200000000e+01, v5  }
0x8d: {  	v11 =	vld [tilespmem:s19+$0x2C00];
	[tilespmem:s19+$0x12810] =	vst v4;
	v4 =	vmul.f32 $3.200000000e+01, v6  }
0x8e: {  	v58 =	vld [tilespmem:s19+$0x2C10];
	[tilespmem:s19+$0x12820] =	vst v3;
	v3 =	vmul.f32 $3.200000000e+01, v7  }
0x8f: {  	v5 =	vld [tilespmem:s19+$0x2C20];
	[tilespmem:s19+$0x12830] =	vst v4;
	v4 =	vmul.f32 $3.200000000e+01, v8  }
0x90: {  	v6 =	vld [tilespmem:s19+$0x2C30];
	[tilespmem:s19+$0x12840] =	vst v3;
	v3 =	vmul.f32 $3.200000000e+01, v9  }
0x91: {  	v7 =	vld [tilespmem:s19+$0x2C40];
	[tilespmem:s19+$0x12850] =	vst v4;
	v4 =	vmul.f32 $3.200000000e+01, v10  }
0x92: {  	v8 =	vld [tilespmem:s19+$0x2C50];
	[tilespmem:s19+$0x12860] =	vst v3;
	v3 =	vmul.f32 $3.200000000e+01, v11  }
0x93: {  	v9 =	vld [tilespmem:s19+$0x2C60];
	[tilespmem:s19+$0x12870] =	vst v4;
	v4 =	vmul.f32 $3.200000000e+01, v58  }
0x94: {  	v10 =	vld [tilespmem:s19+$0x2C70];
	[tilespmem:s19+$0x12C00] =	vst v3;
	v3 =	vmul.f32 $3.200000000e+01, v5  }
0x95: {  	v11 =	vld [tilespmem:s19+$0x3000];
	[tilespmem:s19+$0x12C10] =	vst v4;
	v4 =	vmul.f32 $3.200000000e+01, v6  }
0x96: {  	v59 =	vld [tilespmem:s19+$0x3010];
	[tilespmem:s19+$0x12C20] =	vst v3;
	v3 =	vmul.f32 $3.200000000e+01, v7  }
0x97: {  	[tilespmem:s19+$0x12C30] =	vst v4;
	v4 =	vmul.f32 $3.200000000e+01, v8;
	v8 =	vld [tilespmem:s19+$0x3050]  }
0x98: {  	v5 =	vld [tilespmem:s19+$0x3020];
	[tilespmem:s19+$0x12C40] =	vst v3;
	v3 =	vmul.f32 $3.200000000e+01, v9  }
0x99: {  	v6 =	vld [tilespmem:s19+$0x3030];
	[tilespmem:s19+$0x12C50] =	vst v4;
	v4 =	vmul.f32 $3.200000000e+01, v10  }
0x9a: {  	v9 =	vld [tilespmem:s19+$0x3060];
	[tilespmem:s19+$0x12C60] =	vst v3;
	v3 =	vmul.f32 $3.200000000e+01, v11  }
0x9b: {  	v10 =	vld [tilespmem:s19+$0x3070];
	[tilespmem:s19+$0x12C70] =	vst v4;
	v4 =	vmul.f32 $3.200000000e+01, v59  }
0x9c: {  	v7 =	vld [tilespmem:s19+$0x3040];
	v8 =	vmul.f32 $3.200000000e+01, v8;
	[tilespmem:s19+$0x13000] =	vst v3  }
0x9d: {  	v11 =	vld [tilespmem:s23+$0x2000];
	v3 =	vmul.f32 $3.200000000e+01, v5;
	[tilespmem:s19+$0x13010] =	vst v4  }
0x9e: {  	v60 =	vld [tilespmem:s23+$0x2010];
	v4 =	vmul.f32 $3.200000000e+01, v6;
	[tilespmem:s19+$0x13050] =	vst v8  }
0x9f: {  	v6 =	vld [tilespmem:s23+$0x2030];
	v9 =	vmul.f32 $3.200000000e+01, v9;
	[tilespmem:s19+$0x13020] =	vst v3  }
0xa0: {  	v5 =	vld [tilespmem:s23+$0x2020];
	v10 =	vmul.f32 $3.200000000e+01, v10;
	[tilespmem:s19+$0x13030] =	vst v4  }
0xa1: {  	v3 =	vmul.f32 $3.200000000e+01, v7;
	v7 =	vld [tilespmem:s23+$0x2040];
	[tilespmem:s19+$0x13060] =	vst v9  }
0xa2: {  	v4 =	vmul.f32 $3.200000000e+01, v11;
	v11 =	vld [tilespmem:s23+$0x2050];
	[tilespmem:s19+$0x13070] =	vst v10  }
0xa3: {  	v10 =	vld [tilespmem:s23+$0x2410];
	[tilespmem:s19+$0x13040] =	vst v3;
	v3 =	vmul.f32 $3.200000000e+01, v60  }
0xa4: {  	[tilespmem:s23+$0x12000] =	vst v4;
	v4 =	vld [tilespmem:s19+$0x3400];
	v6 =	vmul.f32 $3.200000000e+01, v6  }
0xa5: {  	v5 =	vmul.f32 $3.200000000e+01, v5;
	[tilespmem:s23+$0x12010] =	vst v3;
	v3 =	vld [tilespmem:s19+$0x3410]  }
0xa6: {  	[tilespmem:s23+$0x12030] =	vst v6;
	v6 =	vld [tilespmem:s19+$0x3430];
	v7 =	vmul.f32 $3.200000000e+01, v7  }
0xa7: {  	[tilespmem:s23+$0x12020] =	vst v5;
	v5 =	vld [tilespmem:s19+$0x3420];
	v11 =	vmul.f32 $3.200000000e+01, v11  }
0xa8: {  	v9 =	vld [tilespmem:s23+$0x2400];
	v10 =	vmul.f32 $3.200000000e+01, v10;
	[tilespmem:s23+$0x12040] =	vst v7  }
0xa9: {  	v7 =	vld [tilespmem:s19+$0x3440];
	v4 =	vmul.f32 $3.200000000e+01, v4;
	[tilespmem:s23+$0x12050] =	vst v11  }
0xaa: {  	v8 =	vld [tilespmem:s23+$0x2070];
	[tilespmem:s23+$0x12410] =	vst v10;
	v3 =	vmul.f32 $3.200000000e+01, v3  }
0xab: {  	v11 =	vld [tilespmem:s19+$0x3450];
	[tilespmem:s19+$0x13400] =	vst v4;
	v6 =	vmul.f32 $3.200000000e+01, v6  }
0xac: {  	v4 =	vld [tilespmem:s23+$0x2420];
	[tilespmem:s19+$0x13410] =	vst v3;
	v3 =	vmul.f32 $3.200000000e+01, v5  }
0xad: {  	v5 =	vld [tilespmem:s23+$0x2430];
	[tilespmem:s19+$0x13430] =	vst v6;
	v6 =	vmul.f32 $3.200000000e+01, v9  }
0xae: {  	v9 =	vld [tilespmem:s23+$0x2450];
	v7 =	vmul.f32 $3.200000000e+01, v7;
	[tilespmem:s19+$0x13420] =	vst v3  }
0xaf: {  	v3 =	vmul.f32 $3.200000000e+01, v8;
	v8 =	vld [tilespmem:s23+$0x2440];
	[tilespmem:s23+$0x12400] =	vst v6  }
0xb0: {  	v11 =	vmul.f32 $3.200000000e+01, v11;
	v6 =	vld [tilespmem:s19+$0x3800];
	[tilespmem:s19+$0x13440] =	vst v7  }
0xb1: {  	[tilespmem:s23+$0x12070] =	vst v3;
	v3 =	vld [tilespmem:s19+$0x3470];
	v4 =	vmul.f32 $3.200000000e+01, v4  }
0xb2: {  	v10 =	vld [tilespmem:s19+$0x3810];
	[tilespmem:s19+$0x13450] =	vst v11;
	v5 =	vmul.f32 $3.200000000e+01, v5  }
0xb3: {  	[tilespmem:s23+$0x12420] =	vst v4;
	v4 =	vld [tilespmem:s19+$0x3820];
	v9 =	vmul.f32 $3.200000000e+01, v9  }
0xb4: {  	v7 =	vld [tilespmem:s23+$0x2460];
	[tilespmem:s23+$0x12430] =	vst v5;
	v8 =	vmul.f32 $3.200000000e+01, v8  }
0xb5: {  	v11 =	vld [tilespmem:s23+$0x2470];
	v6 =	vmul.f32 $3.200000000e+01, v6;
	[tilespmem:s23+$0x12450] =	vst v9  }
0xb6: {  	v63 =	vld [tilespmem:s23+$0x2800];
	v3 =	vmul.f32 $3.200000000e+01, v3;
	[tilespmem:s23+$0x12440] =	vst v8  }
0xb7: {  	v5 =	vld [tilespmem:s19+$0x3830];
	[tilespmem:s19+$0x13800] =	vst v6;
	v6 =	vmul.f32 $3.200000000e+01, v10  }
0xb8: {  	v9 =	vld [tilespmem:s19+$0x3850];
	[tilespmem:s19+$0x13470] =	vst v3;
	v4 =	vmul.f32 $3.200000000e+01, v4  }
0xb9: {  	v3 =	vld [tilespmem:s23+$0x2810];
	[tilespmem:s19+$0x13810] =	vst v6;
	v6 =	vmul.f32 $3.200000000e+01, v7  }
0xba: {  	v8 =	vld [tilespmem:s19+$0x3840];
	[tilespmem:s19+$0x13820] =	vst v4;
	v4 =	vmul.f32 $3.200000000e+01, v11  }
0xbb: {  	v10 =	vld [tilespmem:s23+$0x2820];
	[tilespmem:s23+$0x12460] =	vst v6;
	v6 =	vmul.f32 $3.200000000e+01, v63  }
0xbc: {  	v5 =	vmul.f32 $3.200000000e+01, v5;
	[tilespmem:s23+$0x12470] =	vst v4;
	v4 =	vld [tilespmem:s19+$0x3860]  }
0xbd: {  	v9 =	vmul.f32 $3.200000000e+01, v9;
	[tilespmem:s23+$0x12800] =	vst v6;
	v6 =	vld [tilespmem:s19+$0x3870]  }
0xbe: {  	v7 =	vld [tilespmem:s23+$0x2830];
	[tilespmem:s19+$0x13830] =	vst v5;
	v3 =	vmul.f32 $3.200000000e+01, v3  }
0xbf: {  	v8 =	vmul.f32 $3.200000000e+01, v8;
	[tilespmem:s19+$0x13850] =	vst v9  }
0xc0: {  	[tilespmem:s23+$0x12810] =	vst v3;
	v3 =	vmul.f32 $3.200000000e+01, v10  }
0xc1: {  	s29 =	sand.u32 $0x7, s22;
	[tilespmem:s19+$0x13840] =	vst v8;
	v4 =	vmul.f32 $3.200000000e+01, v4  }
0xc2: {  	s13 =	sshll.u32 s29, $0x7;
	[tilespmem:s23+$0x12820] =	vst v3;
	v3 =	vmul.f32 $3.200000000e+01, v6  }
0xc3: {  	s24 =	sadd.s32 $0x0, s13;
	v7 =	vmul.f32 $3.200000000e+01, v7;
	[tilespmem:s19+$0x13860] =	vst v4  }
0xc4: {  	s14 =	sor.u32 $0x1C00, s24;
	[tilespmem:s19+$0x13870] =	vst v3  }
0xc5: {  	[tilespmem:s23+$0x12830] =	vst v7;
	v7 =	vld [tilespmem:s14+$0x2000];
	_ =	sdelay $0x1  }
0xc6: {  	v8 =	vld [tilespmem:s23+$0x2860]  }
0xc7: {  	v11 =	vld [tilespmem:s23+$0x2840];
	_ =	sdelay $0x1  }
0xc8: {  	v7 =	vmul.f32 $3.200000000e+01, v7;
	_ =	sdelay $0x1  }
0xc9: {  	v8 =	vmul.f32 $3.200000000e+01, v8;
	v3 =	vld [tilespmem:s23+$0x2C10];
	s19 =	sor.u32 $0x1C10, s24;
	[tilespmem:s14+$0x12000] =	vst v7  }
0xca: {  	v6 =	vmul.f32 $3.200000000e+01, v11;
	v7 =	vld [tilespmem:s19+$0x2000]  }
0xcb: {  	[tilespmem:s23+$0x12860] =	vst v8;
	v8 =	vld [tilespmem:s23+$0x2C40]  }
0xcc: {  	[tilespmem:s23+$0x12840] =	vst v6;
	v6 =	vld [tilespmem:s23+$0x2C20];
	_ =	sdelay $0x1  }
0xcd: {  	v3 =	vmul.f32 $3.200000000e+01, v3  }
0xce: {  	v5 =	vld [tilespmem:s23+$0x2850];
	v7 =	vmul.f32 $3.200000000e+01, v7  }
0xcf: {  	v8 =	vmul.f32 $3.200000000e+01, v8;
	[tilespmem:s23+$0x12C10] =	vst v3;
	v3 =	vld [tilespmem:s23+$0x2C70]  }
0xd0: {  	s21 =	sor.u32 $0x1C20, s24;
	v9 =	vld [tilespmem:s23+$0x2870];
	v6 =	vmul.f32 $3.200000000e+01, v6;
	[tilespmem:s19+$0x12000] =	vst v7  }
0xd1: {  	[tilespmem:s23+$0x12C40] =	vst v8;
	v8 =	vld [tilespmem:s21+$0x2000]  }
0xd2: {  	[tilespmem:s23+$0x12C20] =	vst v6;
	v6 =	vld [tilespmem:s23+$0x3000]  }
0xd3: {  	v5 =	vmul.f32 $3.200000000e+01, v5  }
0xd4: {  	v3 =	vmul.f32 $3.200000000e+01, v3  }
0xd5: {  	[tilespmem:s23+$0x12850] =	vst v5;
	v5 =	vmul.f32 $3.200000000e+01, v9  }
0xd6: {  	v4 =	vld [tilespmem:s23+$0x2C00];
	[tilespmem:s23+$0x12C70] =	vst v3;
	v3 =	vmul.f32 $3.200000000e+01, v8  }
0xd7: {  	[tilespmem:s23+$0x12870] =	vst v5;
	v5 =	vld [tilespmem:s23+$0x2C50];
	v6 =	vmul.f32 $3.200000000e+01, v6  }
0xd8: {  	s25 =	sor.u32 $0x1C30, s24;
	v10 =	vld [tilespmem:s23+$0x2C30];
	[tilespmem:s21+$0x12000] =	vst v3  }
0xd9: {  	[tilespmem:s23+$0x13000] =	vst v6;
	v6 =	vld [tilespmem:s25+$0x2000];
	_ =	sdelay $0x1  }
0xda: {  	v4 =	vmul.f32 $3.200000000e+01, v4;
	v7 =	vld [tilespmem:s23+$0x3020]  }
0xdb: {  	v5 =	vmul.f32 $3.200000000e+01, v5  }
0xdc: {  	v9 =	vmul.f32 $3.200000000e+01, v10;
	[tilespmem:s23+$0x12C00] =	vst v4;
	v4 =	vld [tilespmem:s23+$0x2C60]  }
0xdd: {  	[tilespmem:s23+$0x12C50] =	vst v5;
	v5 =	vld [tilespmem:s23+$0x3030];
	v6 =	vmul.f32 $3.200000000e+01, v6  }
0xde: {  	[tilespmem:s23+$0x12C30] =	vst v9;
	v9 =	vld [tilespmem:s23+$0x3010]  }
0xdf: {  	s26 =	sor.u32 $0x1C40, s24;
	v7 =	vmul.f32 $3.200000000e+01, v7;
	v8 =	vld [tilespmem:s23+$0x3050];
	[tilespmem:s25+$0x12000] =	vst v6  }
0xe0: {  	v6 =	vld [tilespmem:s26+$0x2000]  }
0xe1: {  	v4 =	vmul.f32 $3.200000000e+01, v4;
	[tilespmem:s23+$0x13020] =	vst v7;
	v7 =	vld [tilespmem:s23+$0x3400]  }
0xe2: {  	v5 =	vmul.f32 $3.200000000e+01, v5;
	v3 =	vld [tilespmem:s23+$0x3060]  }
0xe3: {  	v9 =	vmul.f32 $3.200000000e+01, v9;
	[tilespmem:s23+$0x12C60] =	vst v4;
	v4 =	vld [tilespmem:s23+$0x3040]  }
0xe4: {  	[tilespmem:s23+$0x13030] =	vst v5;
	v5 =	vmul.f32 $3.200000000e+01, v8  }
0xe5: {  	[tilespmem:s23+$0x13010] =	vst v9;
	v9 =	vld [tilespmem:s23+$0x3070];
	v6 =	vmul.f32 $3.200000000e+01, v6  }
0xe6: {  	v7 =	vmul.f32 $3.200000000e+01, v7;
	[tilespmem:s23+$0x13050] =	vst v5;
	v5 =	vld [tilespmem:s23+$0x3430]  }
0xe7: {  	s29 =	sor.u32 $0x1C50, s24;
	v10 =	vld [tilespmem:s23+$0x3410];
	v3 =	vmul.f32 $3.200000000e+01, v3;
	[tilespmem:s26+$0x12000] =	vst v6  }
0xe8: {  	v4 =	vmul.f32 $3.200000000e+01, v4;
	[tilespmem:s23+$0x13400] =	vst v7;
	v7 =	vld [tilespmem:s29+$0x2000]  }
0xe9: {  	[tilespmem:s23+$0x13060] =	vst v3;
	v3 =	vld [tilespmem:s23+$0x3440]  }
0xea: {  	[tilespmem:s23+$0x13040] =	vst v4;
	v4 =	vld [tilespmem:s23+$0x3420];
	v8 =	vmul.f32 $3.200000000e+01, v9  }
0xeb: {  	v5 =	vmul.f32 $3.200000000e+01, v5  }
0xec: {  	v9 =	vmul.f32 $3.200000000e+01, v10;
	[tilespmem:s23+$0x13070] =	vst v8;
	v8 =	vld [tilespmem:s23+$0x3450]  }
0xed: {  	[tilespmem:s23+$0x13430] =	vst v5;
	v6 =	vld [tilespmem:s23+$0x3460];
	v5 =	vmul.f32 $3.200000000e+01, v7  }
0xee: {  	[tilespmem:s23+$0x13410] =	vst v9;
	v9 =	vld [tilespmem:s23+$0x3470];
	v3 =	vmul.f32 $3.200000000e+01, v3  }
0xef: {  	s6 =	sor.u32 $0x1C60, s24;
	v4 =	vmul.f32 $3.200000000e+01, v4;
	v10 =	vld [tilespmem:s23+$0x3800];
	[tilespmem:s29+$0x12000] =	vst v5  }
0xf0: {  	[tilespmem:s23+$0x13440] =	vst v3;
	v3 =	vld [tilespmem:s6+$0x2000]  }
0xf1: {  	[tilespmem:s23+$0x13420] =	vst v4;
	v4 =	vld [tilespmem:s23+$0x3810];
	v7 =	vmul.f32 $3.200000000e+01, v8  }
0xf2: {  	v6 =	vmul.f32 $3.200000000e+01, v6;
	v8 =	vld [tilespmem:s23+$0x3820]  }
0xf3: {  	[tilespmem:s23+$0x13450] =	vst v7;
	v5 =	vld [tilespmem:s23+$0x3830];
	v7 =	vmul.f32 $3.200000000e+01, v9  }
0xf4: {  	s28 =	simm.s32 $0x100;
	[tilespmem:s23+$0x13460] =	vst v6;
	v6 =	vld [tilespmem:s23+$0x3840];
	v9 =	vmul.f32 $3.200000000e+01, v10  }
0xf5: {  	s21 =	sshll.u32 s20, $0xD;
	s25 =	simm.s32 $0x0;
	s26 =	simm.s32 $0xFFFFC800;
	[tilespmem:s23+$0x13470] =	vst v7;
	v7 =	vld [tilespmem:s23+$0x3850];
	v3 =	vmul.f32 $3.200000000e+01, v3  }
.LBB2_3:
0xf6: {  	s13 =	sadd.s32 $0x4000, s26;
	p0 =	sne.s32 s28, $0x780;
	[tilespmem:s23+$0x13800] =	vst v9;
	v4 =	vmul.f32 $3.200000000e+01, v4;
	v9 =	vld [tilespmem:s23+$0x3860]  }
0xf7: {  	s29 =	sand.u32 $0x380, s28;
	s13 =	sand.u32 $0x2000, s13;
	v8 =	vmul.f32 $3.200000000e+01, v8;
	v10 =	vld [tilespmem:s23+$0x3870];
	[tilespmem:s6+$0x12000] =	vst v3;
	s6 =	sor.u32 $0x1C70, s24  }
0xf8: {  	s13 =	sor.u32 s29, s13;
	[tilespmem:s23+$0x13810] =	vst v4;
	v3 =	vmul.f32 $3.200000000e+01, v5;
	v4 =	vld [tilespmem:s6+$0x2000]  }
0xf9: {  	v5 =	vld [tilespmem:s13+$0x2000];
	[tilespmem:s23+$0x13820] =	vst v8;
	v6 =	vmul.f32 $3.200000000e+01, v6  }
0xfa: {  	v8 =	vld [tilespmem:s13+$0x2010];
	[tilespmem:s23+$0x13830] =	vst v3;
	v3 =	vmul.f32 $3.200000000e+01, v7  }
0xfb: {  	s22 =	sadd.s32 $0x1, s22;
	v7 =	vld [tilespmem:s13+$0x2020];
	[tilespmem:s23+$0x13840] =	vst v6;
	v6 =	vmul.f32 $3.200000000e+01, v9  }
0xfc: {  	s24 =	sand.u32 $0x7, s22;
	v9 =	vld [tilespmem:s13+$0x2030];
	[tilespmem:s23+$0x13850] =	vst v3;
	v3 =	vmul.f32 $3.200000000e+01, v10  }
0xfd: {  	s25 =	sadd.s32 $0x400, s25;
	s24 =	sshll.u32 s24, $0x7;
	v10 =	vld [tilespmem:s13+$0x2040];
	[tilespmem:s23+$0x13860] =	vst v6;
	v4 =	vmul.f32 $3.200000000e+01, v4  }
0xfe: {  	s24 =	sadd.s32 s24, s25;
	v5 =	vmul.f32 $3.200000000e+01, v5;
	v6 =	vld [tilespmem:s13+$0x2050];
	[tilespmem:s23+$0x13870] =	vst v3;
	s23 =	smov.u32 s13  }
0xff: {  	s13 =	sor.u32 $0x1C00, s24;
	v3 =	vmul.f32 $3.200000000e+01, v8;
	v8 =	vld [tilespmem:s23+$0x2060];
	[tilespmem:s6+$0x12000] =	vst v4  }
0x100: {  	[tilespmem:s23+$0x12000] =	vst v5;
	v4 =	vmul.f32 $3.200000000e+01, v7;
	v5 =	vld [tilespmem:s13+$0x2000]  }
0x101: {  	[tilespmem:s23+$0x12010] =	vst v3;
	v3 =	vmul.f32 $3.200000000e+01, v9;
	v7 =	vld [tilespmem:s23+$0x2070]  }
0x102: {  	[tilespmem:s23+$0x12020] =	vst v4;
	v4 =	vmul.f32 $3.200000000e+01, v10;
	v9 =	vld [tilespmem:s23+$0x2400]  }
0x103: {  	[tilespmem:s23+$0x12030] =	vst v3;
	v3 =	vmul.f32 $3.200000000e+01, v6;
	v6 =	vld [tilespmem:s23+$0x2410]  }
0x104: {  	[tilespmem:s23+$0x12040] =	vst v4;
	v4 =	vmul.f32 $3.200000000e+01, v8;
	v8 =	vld [tilespmem:s23+$0x2420]  }
0x105: {  	[tilespmem:s23+$0x12050] =	vst v3;
	v3 =	vld [tilespmem:s23+$0x2430];
	v5 =	vmul.f32 $3.200000000e+01, v5  }
0x106: {  	[tilespmem:s23+$0x12060] =	vst v4;
	v4 =	vmul.f32 $3.200000000e+01, v7;
	v7 =	vld [tilespmem:s23+$0x2440]  }
0x107: {  	s6 =	sor.u32 $0x1C10, s24;
	v9 =	vmul.f32 $3.200000000e+01, v9;
	v10 =	vld [tilespmem:s23+$0x2450];
	[tilespmem:s13+$0x12000] =	vst v5  }
0x108: {  	[tilespmem:s23+$0x12070] =	vst v4;
	v4 =	vmul.f32 $3.200000000e+01, v6;
	v5 =	vld [tilespmem:s6+$0x2000]  }
0x109: {  	[tilespmem:s23+$0x12400] =	vst v9;
	v6 =	vmul.f32 $3.200000000e+01, v8;
	v8 =	vld [tilespmem:s23+$0x2460]  }
0x10a: {  	[tilespmem:s23+$0x12410] =	vst v4;
	v3 =	vmul.f32 $3.200000000e+01, v3;
	v4 =	vld [tilespmem:s23+$0x2470]  }
0x10b: {  	[tilespmem:s23+$0x12420] =	vst v6;
	v6 =	vmul.f32 $3.200000000e+01, v7;
	v7 =	vld [tilespmem:s23+$0x2800]  }
0x10c: {  	[tilespmem:s23+$0x12430] =	vst v3;
	v3 =	vmul.f32 $3.200000000e+01, v10;
	v9 =	vld [tilespmem:s23+$0x2810]  }
0x10d: {  	[tilespmem:s23+$0x12440] =	vst v6;
	v6 =	vld [tilespmem:s23+$0x2820];
	v5 =	vmul.f32 $3.200000000e+01, v5  }
0x10e: {  	[tilespmem:s23+$0x12450] =	vst v3;
	v3 =	vmul.f32 $3.200000000e+01, v8;
	v8 =	vld [tilespmem:s23+$0x2830]  }
0x10f: {  	v4 =	vmul.f32 $3.200000000e+01, v4;
	v10 =	vld [tilespmem:s23+$0x2840];
	[tilespmem:s6+$0x12000] =	vst v5;
	s6 =	sor.u32 $0x1C20, s24  }
0x110: {  	[tilespmem:s23+$0x12460] =	vst v3;
	v3 =	vmul.f32 $3.200000000e+01, v7;
	v5 =	vld [tilespmem:s6+$0x2000]  }
0x111: {  	[tilespmem:s23+$0x12470] =	vst v4;
	v4 =	vmul.f32 $3.200000000e+01, v9;
	v7 =	vld [tilespmem:s23+$0x2850]  }
0x112: {  	[tilespmem:s23+$0x12800] =	vst v3;
	v3 =	vmul.f32 $3.200000000e+01, v6;
	v6 =	vld [tilespmem:s23+$0x2860]  }
0x113: {  	[tilespmem:s23+$0x12810] =	vst v4;
	v4 =	vmul.f32 $3.200000000e+01, v8;
	v8 =	vld [tilespmem:s23+$0x2870]  }
0x114: {  	[tilespmem:s23+$0x12820] =	vst v3;
	v3 =	vmul.f32 $3.200000000e+01, v10;
	v9 =	vld [tilespmem:s23+$0x2C00]  }
0x115: {  	[tilespmem:s23+$0x12830] =	vst v4;
	v4 =	vld [tilespmem:s23+$0x2C10];
	v5 =	vmul.f32 $3.200000000e+01, v5  }
0x116: {  	[tilespmem:s23+$0x12840] =	vst v3;
	v3 =	vmul.f32 $3.200000000e+01, v7;
	v7 =	vld [tilespmem:s23+$0x2C20]  }
0x117: {  	v6 =	vmul.f32 $3.200000000e+01, v6;
	v10 =	vld [tilespmem:s23+$0x2C30];
	[tilespmem:s6+$0x12000] =	vst v5;
	s6 =	sor.u32 $0x1C30, s24  }
0x118: {  	[tilespmem:s23+$0x12850] =	vst v3;
	v3 =	vmul.f32 $3.200000000e+01, v8;
	v5 =	vld [tilespmem:s6+$0x2000]  }
0x119: {  	[tilespmem:s23+$0x12860] =	vst v6;
	v6 =	vmul.f32 $3.200000000e+01, v9;
	v8 =	vld [tilespmem:s23+$0x2C40]  }
0x11a: {  	[tilespmem:s23+$0x12870] =	vst v3;
	v3 =	vmul.f32 $3.200000000e+01, v4;
	v4 =	vld [tilespmem:s23+$0x2C50]  }
0x11b: {  	[tilespmem:s23+$0x12C00] =	vst v6;
	v6 =	vmul.f32 $3.200000000e+01, v7;
	v7 =	vld [tilespmem:s23+$0x2C60]  }
0x11c: {  	[tilespmem:s23+$0x12C10] =	vst v3;
	v3 =	vmul.f32 $3.200000000e+01, v10;
	v9 =	vld [tilespmem:s23+$0x2C70]  }
0x11d: {  	[tilespmem:s23+$0x12C20] =	vst v6;
	v6 =	vld [tilespmem:s23+$0x3000];
	v5 =	vmul.f32 $3.200000000e+01, v5  }
0x11e: {  	[tilespmem:s23+$0x12C30] =	vst v3;
	v3 =	vmul.f32 $3.200000000e+01, v8;
	v8 =	vld [tilespmem:s23+$0x3010]  }
0x11f: {  	v4 =	vmul.f32 $3.200000000e+01, v4;
	v10 =	vld [tilespmem:s23+$0x3020];
	[tilespmem:s6+$0x12000] =	vst v5;
	s6 =	sor.u32 $0x1C40, s24  }
0x120: {  	[tilespmem:s23+$0x12C40] =	vst v3;
	v3 =	vmul.f32 $3.200000000e+01, v7;
	v5 =	vld [tilespmem:s6+$0x2000]  }
0x121: {  	[tilespmem:s23+$0x12C50] =	vst v4;
	v4 =	vmul.f32 $3.200000000e+01, v9;
	v7 =	vld [tilespmem:s23+$0x3030]  }
0x122: {  	[tilespmem:s23+$0x12C60] =	vst v3;
	v3 =	vmul.f32 $3.200000000e+01, v6;
	v6 =	vld [tilespmem:s23+$0x3040]  }
0x123: {  	[tilespmem:s23+$0x12C70] =	vst v4;
	v4 =	vmul.f32 $3.200000000e+01, v8;
	v8 =	vld [tilespmem:s23+$0x3050]  }
0x124: {  	[tilespmem:s23+$0x13000] =	vst v3;
	v3 =	vmul.f32 $3.200000000e+01, v10;
	v9 =	vld [tilespmem:s23+$0x3060]  }
0x125: {  	[tilespmem:s23+$0x13010] =	vst v4;
	v4 =	vld [tilespmem:s23+$0x3070];
	v5 =	vmul.f32 $3.200000000e+01, v5  }
0x126: {  	[tilespmem:s23+$0x13020] =	vst v3;
	v3 =	vmul.f32 $3.200000000e+01, v7;
	v7 =	vld [tilespmem:s23+$0x3400]  }
0x127: {  	v6 =	vmul.f32 $3.200000000e+01, v6;
	v10 =	vld [tilespmem:s23+$0x3410];
	[tilespmem:s6+$0x12000] =	vst v5;
	s6 =	sor.u32 $0x1C50, s24  }
0x128: {  	[tilespmem:s23+$0x13030] =	vst v3;
	v3 =	vmul.f32 $3.200000000e+01, v8;
	v5 =	vld [tilespmem:s6+$0x2000]  }
0x129: {  	[tilespmem:s23+$0x13040] =	vst v6;
	v6 =	vmul.f32 $3.200000000e+01, v9;
	v8 =	vld [tilespmem:s23+$0x3420]  }
0x12a: {  	[tilespmem:s23+$0x13050] =	vst v3;
	v3 =	vmul.f32 $3.200000000e+01, v4;
	v4 =	vld [tilespmem:s23+$0x3430]  }
0x12b: {  	[tilespmem:s23+$0x13060] =	vst v6;
	v6 =	vmul.f32 $3.200000000e+01, v7;
	v7 =	vld [tilespmem:s23+$0x3440]  }
0x12c: {  	[tilespmem:s23+$0x13070] =	vst v3;
	v3 =	vmul.f32 $3.200000000e+01, v10;
	v9 =	vld [tilespmem:s23+$0x3450]  }
0x12d: {  	[tilespmem:s23+$0x13400] =	vst v6;
	v6 =	vld [tilespmem:s23+$0x3460];
	v5 =	vmul.f32 $3.200000000e+01, v5  }
0x12e: {  	[tilespmem:s23+$0x13410] =	vst v3;
	v3 =	vmul.f32 $3.200000000e+01, v8;
	v10 =	vld [tilespmem:s23+$0x3470]  }
0x12f: {  	v4 =	vmul.f32 $3.200000000e+01, v4;
	v11 =	vld [tilespmem:s23+$0x3800];
	[tilespmem:s6+$0x12000] =	vst v5;
	s6 =	sor.u32 $0x1C60, s24  }
0x130: {  	[tilespmem:s23+$0x13420] =	vst v3;
	v3 =	vmul.f32 $3.200000000e+01, v7;
	v12 =	vld [tilespmem:s6+$0x2000]  }
.Ltmp0:
0x131: {  	[tilespmem:s23+$0x13430] =	vst v4;
	v5 =	vmul.f32 $3.200000000e+01, v9;
	v4 =	vld [tilespmem:s23+$0x3810];
	(pc) =	sbr.rel @p0 .LBB2_3-.Ltmp0, $4  }
0x132: {  	[tilespmem:s23+$0x13440] =	vst v3;
	v3 =	vmul.f32 $3.200000000e+01, v6;
	v8 =	vld [tilespmem:s23+$0x3820]  }
0x133: {  	[tilespmem:s23+$0x13450] =	vst v5;
	v7 =	vmul.f32 $3.200000000e+01, v10;
	v5 =	vld [tilespmem:s23+$0x3830]  }
0x134: {  	[tilespmem:s23+$0x13460] =	vst v3;
	v9 =	vmul.f32 $3.200000000e+01, v11;
	v6 =	vld [tilespmem:s23+$0x3840]  }
0x135: {  	s26 =	sadd.s32 $0x400, s26;
	s28 =	sadd.s32 $0x80, s28;
	[tilespmem:s23+$0x13470] =	vst v7;
	v7 =	vld [tilespmem:s23+$0x3850];
	v3 =	vmul.f32 $3.200000000e+01, v12  }
0x136: {  	[tilespmem:s23+$0x13800] =	vst v9;
	v4 =	vmul.f32 $3.200000000e+01, v4;
	v9 =	vld [tilespmem:s23+$0x3860]  }
0x137: {  	v10 =	vld [tilespmem:s23+$0x3870];
	v8 =	vmul.f32 $3.200000000e+01, v8  }
0x138: {  	[tilespmem:s23+$0x13810] =	vst v4;
	v4 =	vmul.f32 $3.200000000e+01, v5  }
0x139: {  	[tilespmem:s23+$0x13820] =	vst v8;
	v5 =	vmul.f32 $3.200000000e+01, v6  }
0x13a: {  	s13 =	sadd.s32 $0x1, s22;
	[tilespmem:s23+$0x13830] =	vst v4;
	v4 =	vmul.f32 $3.200000000e+01, v7  }
0x13b: {  	s13 =	sand.u32 $0x7, s13;
	[tilespmem:s23+$0x13840] =	vst v5;
	v5 =	vmul.f32 $3.200000000e+01, v9  }
0x13c: {  	s14 =	sadd.s32 $0x400, s25;
	s13 =	sshll.u32 s13, $0x7;
	[tilespmem:s23+$0x13850] =	vst v4;
	v4 =	vmul.f32 $3.200000000e+01, v10  }
0x13d: {  	s13 =	sadd.s32 s13, s14;
	[tilespmem:s23+$0x13860] =	vst v5  }
0x13e: {  	s22 =	sor.u32 $0x1C00, s13;
	[tilespmem:s23+$0x13870] =	vst v4  }
0x13f: {  	v4 =	vld [tilespmem:s22+$0x2000];
	_ =	sdelay $0x4  }
0x140: {  	v4 =	vmul.f32 $3.200000000e+01, v4;
	_ =	sdelay $0x1  }
0x141: {  	s19 =	sor.u32 $0x1C10, s13;
	[tilespmem:s22+$0x12000] =	vst v4  }
0x142: {  	v4 =	vld [tilespmem:s19+$0x2000];
	_ =	sdelay $0x4  }
0x143: {  	v4 =	vmul.f32 $3.200000000e+01, v4;
	_ =	sdelay $0x1  }
0x144: {  	s23 =	sor.u32 $0x1C20, s13;
	[tilespmem:s19+$0x12000] =	vst v4  }
0x145: {  	v4 =	vld [tilespmem:s23+$0x2000];
	_ =	sdelay $0x4  }
0x146: {  	v4 =	vmul.f32 $3.200000000e+01, v4;
	_ =	sdelay $0x1  }
0x147: {  	s25 =	sor.u32 $0x1C30, s13;
	[tilespmem:s23+$0x12000] =	vst v4  }
0x148: {  	v4 =	vld [tilespmem:s25+$0x2000];
	_ =	sdelay $0x4  }
0x149: {  	v4 =	vmul.f32 $3.200000000e+01, v4;
	_ =	sdelay $0x1  }
0x14a: {  	s26 =	sor.u32 $0x1C40, s13;
	[tilespmem:s25+$0x12000] =	vst v4  }
0x14b: {  	v4 =	vld [tilespmem:s26+$0x2000];
	_ =	sdelay $0x4  }
0x14c: {  	v4 =	vmul.f32 $3.200000000e+01, v4;
	_ =	sdelay $0x1  }
0x14d: {  	s14 =	sor.u32 $0x1C50, s13;
	[tilespmem:s26+$0x12000] =	vst v4  }
0x14e: {  	v4 =	vld [tilespmem:s14+$0x2000];
	_ =	sdelay $0x4  }
0x14f: {  	v4 =	vmul.f32 $3.200000000e+01, v4;
	_ =	sdelay $0x1  }
0x150: {  	s19 =	sor.u32 $0x1C60, s13;
	[tilespmem:s14+$0x12000] =	vst v4  }
0x151: {  	v4 =	vld [tilespmem:s19+$0x2000];
	_ =	sdelay $0x4  }
0x152: {  	v4 =	vmul.f32 $3.200000000e+01, v4  }
0x153: {  	[tilespmem:s6+$0x12000] =	vst v3;
	s23 =	sor.u32 $0x1C70, s24  }
0x154: {  	s13 =	sor.u32 $0x1C70, s13;
	v3 =	vld [tilespmem:s23+$0x2000];
	[tilespmem:s19+$0x12000] =	vst v4  }
0x155: {  	v4 =	vld [tilespmem:s13+$0x2000];
	_ =	sdelay $0x3  }
0x156: {  	v3 =	vmul.f32 $3.200000000e+01, v3  }
0x157: {  	p0 =	seq.s32 s20, $0xF;
	v4 =	vmul.f32 $3.200000000e+01, v4  }
0x158: {  	s6 =	sshll.u32 @!p0 s20, $0x9;
	[tilespmem:s23+$0x12000] =	vst v3  }
0x159: {  	s22 =	sand.u32 @!p0 $0x3FFFFE00, s6;
	[tilespmem:s13+$0x12000] =	vst v4  }
0x15a: {  	v3 =	vld @!p0 [tilespmem:s22+$0x200];
	_ =	sdelay $0x4  }
0x15b: {  	v4 =	vshll.u32 @!p0 v3, $0x3  }
0x15c: {  	v5 =	vlaneseq.u32 @!p0;
	v3 =	vand.u32 @!p0 $0x7, v3;
	v4 =	vand.u32 @!p0 $0xFFFFFFC0, v4  }
0x15d: {  	v6 =	vshrl.u32 @!p0 v5, $0x3;
	v3 =	vor.u32 @!p0 v3, v4;
	v4 =	vand.u32 @!p0 $0x7, v5  }
0x15e: {  	v6 =	vmul.u32 @!p0 $0x8, v6;
	v4 =	vperm.xlane @!p0 v3, v4;
	_ =	sdelay $0x1  }
0x15f: {  	v4 =	vadd.s32 @!p0 v6, v4;
	_ =	sdelay $0x3  }
0x160: {  	vm1 =	vmmov @!p0 $0xffff;
	s6 =	simm.s32 @!p0 $0x0;
	s13 =	simm.s32 @!p0 $0x2000  }
0x161: {  	v5 =	vor.u32 @!p0 $0x8, v5;
	[tilespmem:s13], [sflag:$0x1] =	stream.indirect_vreg.gather @!p0 [hbm4b:s2+s6], $0x80, v4, vm1, $0xb8;
	[tilespmem:$0x1A000] =	vst v63  }
0x162: {  	v3 =	vperm.xlane @!p0 v3, v5;
	s13 =	simm.s32 @!p0 $0x2800  }
0x163: {  	[tilespmem:s13], [sflag:$0x1] =	stream.indirect_vreg.gather @!p0 [hbm4b:s7+s6], $0x80, v4, vm1, $0xb8;
	[tilespmem:$0x1A000] =	vst v63  }
0x164: {  	v3 =	vadd.s32 @!p0 v6, v3;
	s13 =	simm.s32 @!p0 $0x3000  }
0x165: {  	[tilespmem:s13], [sflag:$0x1] =	stream.indirect_vreg.gather @!p0 [hbm4b:s8+s6], $0x80, v4, vm1, $0xb8;
	[tilespmem:$0x1A000] =	vst v63  }
0x166: {  	s13 =	simm.s32 @!p0 $0x3800  }
0x167: {  	[tilespmem:s13], [sflag:$0x1] =	stream.indirect_vreg.gather @!p0 [hbm4b:s9+s6], $0x80, v4, vm1, $0xb8;
	[tilespmem:$0x1A000] =	vst v63  }
0x168: {  	s13 =	simm.s32 @!p0 $0x4000  }
0x169: {  	[tilespmem:s13], [sflag:$0x1] =	stream.indirect_vreg.gather @!p0 [hbm4b:s2+s6], $0x80, v3, vm1, $0xb8;
	[tilespmem:$0x1A000] =	vst v63  }
0x16a: {  	s13 =	simm.s32 @!p0 $0x4800  }
0x16b: {  	[tilespmem:s13], [sflag:$0x1] =	stream.indirect_vreg.gather @!p0 [hbm4b:s7+s6], $0x80, v3, vm1, $0xb8;
	[tilespmem:$0x1A000] =	vst v63  }
0x16c: {  	s13 =	simm.s32 @!p0 $0x5000  }
0x16d: {  	[tilespmem:s13], [sflag:$0x1] =	stream.indirect_vreg.gather @!p0 [hbm4b:s8+s6], $0x80, v3, vm1, $0xb8;
	[tilespmem:$0x1A000] =	vst v63  }
0x16e: {  	s23 =	sor.u32 s5, s21;
	s13 =	simm.s32 @!p0 $0x5800  }
0x16f: {  	[tilespmem:s13], [sflag:$0x1] =	stream.indirect_vreg.gather @!p0 [hbm4b:s9+s6], $0x80, v3, vm1, $0xb8;
	[tilespmem:$0x1A000] =	vst v63  }
0x170: {  	s24 =	sadd.s32 s3, s23  }
0x171: {  	[hbm4b:s24+s4] =	stream.linear.scatter [tilespmem:s31], [sflag:$0x5], $0x4000, $0x38;
	[tilespmem:$0x1A000] =	vst v63  }
0x172: {  	_ =	swait.ge [sflag:s0], $0x4000  }
0x173: {  	[sflag:s0] =	ssyncset.done $0x0  }
0x174: {  	s6 =	simm.s32 @!p1 $0x6;
	[sflag:s0] =	ssyncadd.s32 $0xFFFFC000  }
0x175: {  	s25 =	simm.s32 $0x0;
	s24 =	simm.s32 $0x0;
	_ =	swait.ge @!p1 [sflag:s6], $0x4000  }
0x176: {  	s13 =	sand.u32 $0x2000, s25;
	s26 =	sand.u32 $0x380, s24;
	[sflag:s6] =	ssyncset.done @!p1 $0x0  }
0x177: {  	[sflag:s6] =	ssyncadd.s32 @!p1 $0xFFFFC000;
	s6 =	sor.u32 s26, s13  }
0x178: {  	v3 =	vld [tilespmem:s6+$0x6000]  }
0x179: {  	v4 =	vld [tilespmem:s6+$0x6010]  }
0x17a: {  	v5 =	vld [tilespmem:s6+$0x6020]  }
0x17b: {  	v6 =	vld [tilespmem:s6+$0x6030]  }
0x17c: {  	v7 =	vld [tilespmem:s6+$0x6040]  }
0x17d: {  	v8 =	vld [tilespmem:s6+$0x6050];
	v3 =	vmul.f32 $3.200000000e+01, v3  }
0x17e: {  	v9 =	vld [tilespmem:s6+$0x6060];
	v4 =	vmul.f32 $3.200000000e+01, v4  }
0x17f: {  	s14 =	simm.s32 $0x80;
	s19 =	simm.s32 $0x400;
	v10 =	vld [tilespmem:s6+$0x6070];
	[tilespmem:s6+$0x16000] =	vst v3;
	v3 =	vmul.f32 $3.200000000e+01, v5  }
0x180: {  	s25 =	sand.u32 $0x2000, s19;
	s13 =	sand.u32 $0x380, s14;
	v11 =	vld [tilespmem:s6+$0x6400];
	[tilespmem:s6+$0x16010] =	vst v4;
	v4 =	vmul.f32 $3.200000000e+01, v6  }
0x181: {  	v12 =	vld [tilespmem:s6+$0x6410];
	s25 =	sor.u32 s13, s25;
	[tilespmem:s6+$0x16020] =	vst v3;
	v3 =	vmul.f32 $3.200000000e+01, v7  }
0x182: {  	v61 =	vld [tilespmem:s25+$0x6060];
	[tilespmem:s6+$0x16030] =	vst v4;
	v4 =	vmul.f32 $3.200000000e+01, v8  }
0x183: {  	v5 =	vld [tilespmem:s6+$0x6420];
	[tilespmem:s6+$0x16040] =	vst v3;
	v3 =	vmul.f32 $3.200000000e+01, v9  }
0x184: {  	v6 =	vld [tilespmem:s6+$0x6430];
	[tilespmem:s6+$0x16050] =	vst v4;
	v4 =	vmul.f32 $3.200000000e+01, v10  }
0x185: {  	v62 =	vld [tilespmem:s6+$0x7460];
	[tilespmem:s6+$0x16060] =	vst v3;
	v3 =	vmul.f32 $3.200000000e+01, v11  }
0x186: {  	v7 =	vld [tilespmem:s6+$0x6440];
	[tilespmem:s6+$0x16070] =	vst v4;
	v4 =	vmul.f32 $3.200000000e+01, v12  }
0x187: {  	v8 =	vld [tilespmem:s6+$0x6450];
	v12 =	vmul.f32 $3.200000000e+01, v61;
	[tilespmem:s6+$0x16400] =	vst v3  }
0x188: {  	v9 =	vld [tilespmem:s6+$0x6460];
	v3 =	vmul.f32 $3.200000000e+01, v5;
	[tilespmem:s6+$0x16410] =	vst v4  }
0x189: {  	v10 =	vld [tilespmem:s6+$0x6470];
	v4 =	vmul.f32 $3.200000000e+01, v6;
	[tilespmem:s25+$0x16060] =	vst v12  }
0x18a: {  	v11 =	vld [tilespmem:s6+$0x6800];
	v12 =	vmul.f32 $3.200000000e+01, v62;
	[tilespmem:s6+$0x16420] =	vst v3  }
0x18b: {  	v57 =	vld [tilespmem:s6+$0x6810];
	v3 =	vmul.f32 $3.200000000e+01, v7;
	[tilespmem:s6+$0x16430] =	vst v4  }
0x18c: {  	v5 =	vld [tilespmem:s6+$0x6820];
	v4 =	vmul.f32 $3.200000000e+01, v8;
	[tilespmem:s6+$0x17460] =	vst v12  }
0x18d: {  	v6 =	vld [tilespmem:s6+$0x6830];
	[tilespmem:s6+$0x16440] =	vst v3;
	v3 =	vmul.f32 $3.200000000e+01, v9  }
0x18e: {  	v7 =	vld [tilespmem:s6+$0x6840];
	[tilespmem:s6+$0x16450] =	vst v4;
	v4 =	vmul.f32 $3.200000000e+01, v10  }
0x18f: {  	v8 =	vld [tilespmem:s6+$0x6850];
	[tilespmem:s6+$0x16460] =	vst v3;
	v3 =	vmul.f32 $3.200000000e+01, v11  }
0x190: {  	v9 =	vld [tilespmem:s6+$0x6860];
	[tilespmem:s6+$0x16470] =	vst v4;
	v4 =	vmul.f32 $3.200000000e+01, v57  }
0x191: {  	v10 =	vld [tilespmem:s6+$0x6870];
	[tilespmem:s6+$0x16800] =	vst v3;
	v3 =	vmul.f32 $3.200000000e+01, v5  }
0x192: {  	v11 =	vld [tilespmem:s6+$0x6C00];
	[tilespmem:s6+$0x16810] =	vst v4;
	v4 =	vmul.f32 $3.200000000e+01, v6  }
0x193: {  	v58 =	vld [tilespmem:s6+$0x6C10];
	[tilespmem:s6+$0x16820] =	vst v3;
	v3 =	vmul.f32 $3.200000000e+01, v7  }
0x194: {  	v5 =	vld [tilespmem:s6+$0x6C20];
	[tilespmem:s6+$0x16830] =	vst v4;
	v4 =	vmul.f32 $3.200000000e+01, v8  }
0x195: {  	v6 =	vld [tilespmem:s6+$0x6C30];
	[tilespmem:s6+$0x16840] =	vst v3;
	v3 =	vmul.f32 $3.200000000e+01, v9  }
0x196: {  	v7 =	vld [tilespmem:s6+$0x6C40];
	[tilespmem:s6+$0x16850] =	vst v4;
	v4 =	vmul.f32 $3.200000000e+01, v10  }
0x197: {  	v8 =	vld [tilespmem:s6+$0x6C50];
	[tilespmem:s6+$0x16860] =	vst v3;
	v3 =	vmul.f32 $3.200000000e+01, v11  }
0x198: {  	v9 =	vld [tilespmem:s6+$0x6C60];
	[tilespmem:s6+$0x16870] =	vst v4;
	v4 =	vmul.f32 $3.200000000e+01, v58  }
0x199: {  	v10 =	vld [tilespmem:s6+$0x6C70];
	[tilespmem:s6+$0x16C00] =	vst v3;
	v3 =	vmul.f32 $3.200000000e+01, v5  }
0x19a: {  	v11 =	vld [tilespmem:s6+$0x7000];
	[tilespmem:s6+$0x16C10] =	vst v4;
	v4 =	vmul.f32 $3.200000000e+01, v6  }
0x19b: {  	v59 =	vld [tilespmem:s6+$0x7010];
	[tilespmem:s6+$0x16C20] =	vst v3;
	v3 =	vmul.f32 $3.200000000e+01, v7  }
0x19c: {  	[tilespmem:s6+$0x16C30] =	vst v4;
	v4 =	vmul.f32 $3.200000000e+01, v8;
	v8 =	vld [tilespmem:s6+$0x7050]  }
0x19d: {  	v5 =	vld [tilespmem:s6+$0x7020];
	[tilespmem:s6+$0x16C40] =	vst v3;
	v3 =	vmul.f32 $3.200000000e+01, v9  }
0x19e: {  	v6 =	vld [tilespmem:s6+$0x7030];
	[tilespmem:s6+$0x16C50] =	vst v4;
	v4 =	vmul.f32 $3.200000000e+01, v10  }
0x19f: {  	v9 =	vld [tilespmem:s6+$0x7060];
	[tilespmem:s6+$0x16C60] =	vst v3;
	v3 =	vmul.f32 $3.200000000e+01, v11  }
0x1a0: {  	v10 =	vld [tilespmem:s6+$0x7070];
	[tilespmem:s6+$0x16C70] =	vst v4;
	v4 =	vmul.f32 $3.200000000e+01, v59  }
0x1a1: {  	v7 =	vld [tilespmem:s6+$0x7040];
	v8 =	vmul.f32 $3.200000000e+01, v8;
	[tilespmem:s6+$0x17000] =	vst v3  }
0x1a2: {  	v11 =	vld [tilespmem:s25+$0x6000];
	v3 =	vmul.f32 $3.200000000e+01, v5;
	[tilespmem:s6+$0x17010] =	vst v4  }
0x1a3: {  	v60 =	vld [tilespmem:s25+$0x6010];
	v4 =	vmul.f32 $3.200000000e+01, v6;
	[tilespmem:s6+$0x17050] =	vst v8  }
0x1a4: {  	v6 =	vld [tilespmem:s25+$0x6030];
	v9 =	vmul.f32 $3.200000000e+01, v9;
	[tilespmem:s6+$0x17020] =	vst v3  }
0x1a5: {  	v5 =	vld [tilespmem:s25+$0x6020];
	v10 =	vmul.f32 $3.200000000e+01, v10;
	[tilespmem:s6+$0x17030] =	vst v4  }
0x1a6: {  	v3 =	vmul.f32 $3.200000000e+01, v7;
	v7 =	vld [tilespmem:s25+$0x6040];
	[tilespmem:s6+$0x17060] =	vst v9  }
0x1a7: {  	v4 =	vmul.f32 $3.200000000e+01, v11;
	v11 =	vld [tilespmem:s25+$0x6050];
	[tilespmem:s6+$0x17070] =	vst v10  }
0x1a8: {  	v10 =	vld [tilespmem:s25+$0x6410];
	[tilespmem:s6+$0x17040] =	vst v3;
	v3 =	vmul.f32 $3.200000000e+01, v60  }
0x1a9: {  	[tilespmem:s25+$0x16000] =	vst v4;
	v4 =	vld [tilespmem:s6+$0x7400];
	v6 =	vmul.f32 $3.200000000e+01, v6  }
0x1aa: {  	v5 =	vmul.f32 $3.200000000e+01, v5;
	[tilespmem:s25+$0x16010] =	vst v3;
	v3 =	vld [tilespmem:s6+$0x7410]  }
0x1ab: {  	[tilespmem:s25+$0x16030] =	vst v6;
	v6 =	vld [tilespmem:s6+$0x7430];
	v7 =	vmul.f32 $3.200000000e+01, v7  }
0x1ac: {  	[tilespmem:s25+$0x16020] =	vst v5;
	v5 =	vld [tilespmem:s6+$0x7420];
	v11 =	vmul.f32 $3.200000000e+01, v11  }
0x1ad: {  	v9 =	vld [tilespmem:s25+$0x6400];
	v10 =	vmul.f32 $3.200000000e+01, v10;
	[tilespmem:s25+$0x16040] =	vst v7  }
0x1ae: {  	v7 =	vld [tilespmem:s6+$0x7440];
	v4 =	vmul.f32 $3.200000000e+01, v4;
	[tilespmem:s25+$0x16050] =	vst v11  }
0x1af: {  	v8 =	vld [tilespmem:s25+$0x6070];
	[tilespmem:s25+$0x16410] =	vst v10;
	v3 =	vmul.f32 $3.200000000e+01, v3  }
0x1b0: {  	v11 =	vld [tilespmem:s6+$0x7450];
	[tilespmem:s6+$0x17400] =	vst v4;
	v6 =	vmul.f32 $3.200000000e+01, v6  }
0x1b1: {  	v4 =	vld [tilespmem:s25+$0x6420];
	[tilespmem:s6+$0x17410] =	vst v3;
	v3 =	vmul.f32 $3.200000000e+01, v5  }
0x1b2: {  	v5 =	vld [tilespmem:s25+$0x6430];
	[tilespmem:s6+$0x17430] =	vst v6;
	v6 =	vmul.f32 $3.200000000e+01, v9  }
0x1b3: {  	v9 =	vld [tilespmem:s25+$0x6450];
	v7 =	vmul.f32 $3.200000000e+01, v7;
	[tilespmem:s6+$0x17420] =	vst v3  }
0x1b4: {  	v3 =	vmul.f32 $3.200000000e+01, v8;
	v8 =	vld [tilespmem:s25+$0x6440];
	[tilespmem:s25+$0x16400] =	vst v6  }
0x1b5: {  	v11 =	vmul.f32 $3.200000000e+01, v11;
	v6 =	vld [tilespmem:s6+$0x7800];
	[tilespmem:s6+$0x17440] =	vst v7  }
0x1b6: {  	[tilespmem:s25+$0x16070] =	vst v3;
	v3 =	vld [tilespmem:s6+$0x7470];
	v4 =	vmul.f32 $3.200000000e+01, v4  }
0x1b7: {  	v10 =	vld [tilespmem:s6+$0x7810];
	[tilespmem:s6+$0x17450] =	vst v11;
	v5 =	vmul.f32 $3.200000000e+01, v5  }
0x1b8: {  	[tilespmem:s25+$0x16420] =	vst v4;
	v4 =	vld [tilespmem:s6+$0x7820];
	v9 =	vmul.f32 $3.200000000e+01, v9  }
0x1b9: {  	v7 =	vld [tilespmem:s25+$0x6460];
	[tilespmem:s25+$0x16430] =	vst v5;
	v8 =	vmul.f32 $3.200000000e+01, v8  }
0x1ba: {  	v11 =	vld [tilespmem:s25+$0x6470];
	v6 =	vmul.f32 $3.200000000e+01, v6;
	[tilespmem:s25+$0x16450] =	vst v9  }
0x1bb: {  	v63 =	vld [tilespmem:s25+$0x6800];
	v3 =	vmul.f32 $3.200000000e+01, v3;
	[tilespmem:s25+$0x16440] =	vst v8  }
0x1bc: {  	v5 =	vld [tilespmem:s6+$0x7830];
	[tilespmem:s6+$0x17800] =	vst v6;
	v6 =	vmul.f32 $3.200000000e+01, v10  }
0x1bd: {  	v9 =	vld [tilespmem:s6+$0x7850];
	[tilespmem:s6+$0x17470] =	vst v3;
	v4 =	vmul.f32 $3.200000000e+01, v4  }
0x1be: {  	v3 =	vld [tilespmem:s25+$0x6810];
	[tilespmem:s6+$0x17810] =	vst v6;
	v6 =	vmul.f32 $3.200000000e+01, v7  }
0x1bf: {  	v8 =	vld [tilespmem:s6+$0x7840];
	[tilespmem:s6+$0x17820] =	vst v4;
	v4 =	vmul.f32 $3.200000000e+01, v11  }
0x1c0: {  	v10 =	vld [tilespmem:s25+$0x6820];
	[tilespmem:s25+$0x16460] =	vst v6;
	v6 =	vmul.f32 $3.200000000e+01, v63  }
0x1c1: {  	v5 =	vmul.f32 $3.200000000e+01, v5;
	[tilespmem:s25+$0x16470] =	vst v4;
	v4 =	vld [tilespmem:s6+$0x7860]  }
0x1c2: {  	v9 =	vmul.f32 $3.200000000e+01, v9;
	[tilespmem:s25+$0x16800] =	vst v6;
	v6 =	vld [tilespmem:s6+$0x7870]  }
0x1c3: {  	v7 =	vld [tilespmem:s25+$0x6830];
	[tilespmem:s6+$0x17830] =	vst v5;
	v3 =	vmul.f32 $3.200000000e+01, v3  }
0x1c4: {  	v8 =	vmul.f32 $3.200000000e+01, v8;
	[tilespmem:s6+$0x17850] =	vst v9  }
0x1c5: {  	[tilespmem:s25+$0x16810] =	vst v3;
	v3 =	vmul.f32 $3.200000000e+01, v10  }
0x1c6: {  	s26 =	sand.u32 $0x7, s24;
	[tilespmem:s6+$0x17840] =	vst v8;
	v4 =	vmul.f32 $3.200000000e+01, v4  }
0x1c7: {  	s13 =	sshll.u32 s26, $0x7;
	[tilespmem:s25+$0x16820] =	vst v3;
	v3 =	vmul.f32 $3.200000000e+01, v6  }
0x1c8: {  	s26 =	sadd.s32 $0x0, s13;
	v7 =	vmul.f32 $3.200000000e+01, v7;
	[tilespmem:s6+$0x17860] =	vst v4  }
0x1c9: {  	s13 =	sor.u32 $0x1C00, s26;
	[tilespmem:s6+$0x17870] =	vst v3  }
0x1ca: {  	[tilespmem:s25+$0x16830] =	vst v7;
	v7 =	vld [tilespmem:s13+$0x6000];
	_ =	sdelay $0x1  }
0x1cb: {  	v8 =	vld [tilespmem:s25+$0x6860]  }
0x1cc: {  	v11 =	vld [tilespmem:s25+$0x6840];
	_ =	sdelay $0x1  }
0x1cd: {  	v7 =	vmul.f32 $3.200000000e+01, v7;
	_ =	sdelay $0x1  }
0x1ce: {  	s14 =	sor.u32 $0x1C10, s26;
	v8 =	vmul.f32 $3.200000000e+01, v8;
	v3 =	vld [tilespmem:s25+$0x6C10];
	[tilespmem:s13+$0x16000] =	vst v7  }
0x1cf: {  	v6 =	vmul.f32 $3.200000000e+01, v11;
	v7 =	vld [tilespmem:s14+$0x6000]  }
0x1d0: {  	[tilespmem:s25+$0x16860] =	vst v8;
	v8 =	vld [tilespmem:s25+$0x6C40]  }
0x1d1: {  	[tilespmem:s25+$0x16840] =	vst v6;
	v6 =	vld [tilespmem:s25+$0x6C20];
	_ =	sdelay $0x1  }
0x1d2: {  	v3 =	vmul.f32 $3.200000000e+01, v3  }
0x1d3: {  	v5 =	vld [tilespmem:s25+$0x6850];
	v7 =	vmul.f32 $3.200000000e+01, v7  }
0x1d4: {  	v8 =	vmul.f32 $3.200000000e+01, v8;
	[tilespmem:s25+$0x16C10] =	vst v3;
	v3 =	vld [tilespmem:s25+$0x6C70]  }
0x1d5: {  	s19 =	sor.u32 $0x1C20, s26;
	v9 =	vld [tilespmem:s25+$0x6870];
	v6 =	vmul.f32 $3.200000000e+01, v6;
	[tilespmem:s14+$0x16000] =	vst v7  }
0x1d6: {  	[tilespmem:s25+$0x16C40] =	vst v8;
	v8 =	vld [tilespmem:s19+$0x6000]  }
0x1d7: {  	[tilespmem:s25+$0x16C20] =	vst v6;
	v6 =	vld [tilespmem:s25+$0x7000]  }
0x1d8: {  	v5 =	vmul.f32 $3.200000000e+01, v5  }
0x1d9: {  	v3 =	vmul.f32 $3.200000000e+01, v3  }
0x1da: {  	[tilespmem:s25+$0x16850] =	vst v5;
	v5 =	vmul.f32 $3.200000000e+01, v9  }
0x1db: {  	v4 =	vld [tilespmem:s25+$0x6C00];
	[tilespmem:s25+$0x16C70] =	vst v3;
	v3 =	vmul.f32 $3.200000000e+01, v8  }
0x1dc: {  	[tilespmem:s25+$0x16870] =	vst v5;
	v5 =	vld [tilespmem:s25+$0x6C50];
	v6 =	vmul.f32 $3.200000000e+01, v6  }
0x1dd: {  	v10 =	vld [tilespmem:s25+$0x6C30];
	s13 =	sor.u32 $0x1C30, s26;
	[tilespmem:s19+$0x16000] =	vst v3  }
0x1de: {  	[tilespmem:s25+$0x17000] =	vst v6;
	v6 =	vld [tilespmem:s13+$0x6000];
	_ =	sdelay $0x1  }
0x1df: {  	v4 =	vmul.f32 $3.200000000e+01, v4;
	v7 =	vld [tilespmem:s25+$0x7020]  }
0x1e0: {  	v5 =	vmul.f32 $3.200000000e+01, v5  }
0x1e1: {  	v9 =	vmul.f32 $3.200000000e+01, v10;
	[tilespmem:s25+$0x16C00] =	vst v4;
	v4 =	vld [tilespmem:s25+$0x6C60]  }
0x1e2: {  	[tilespmem:s25+$0x16C50] =	vst v5;
	v5 =	vld [tilespmem:s25+$0x7030];
	v6 =	vmul.f32 $3.200000000e+01, v6  }
0x1e3: {  	[tilespmem:s25+$0x16C30] =	vst v9;
	v9 =	vld [tilespmem:s25+$0x7010]  }
0x1e4: {  	s14 =	sor.u32 $0x1C40, s26;
	v7 =	vmul.f32 $3.200000000e+01, v7;
	v8 =	vld [tilespmem:s25+$0x7050];
	[tilespmem:s13+$0x16000] =	vst v6  }
0x1e5: {  	v6 =	vld [tilespmem:s14+$0x6000]  }
0x1e6: {  	v4 =	vmul.f32 $3.200000000e+01, v4;
	[tilespmem:s25+$0x17020] =	vst v7;
	v7 =	vld [tilespmem:s25+$0x7400]  }
0x1e7: {  	v5 =	vmul.f32 $3.200000000e+01, v5;
	v3 =	vld [tilespmem:s25+$0x7060]  }
0x1e8: {  	v9 =	vmul.f32 $3.200000000e+01, v9;
	[tilespmem:s25+$0x16C60] =	vst v4;
	v4 =	vld [tilespmem:s25+$0x7040]  }
0x1e9: {  	[tilespmem:s25+$0x17030] =	vst v5;
	v5 =	vmul.f32 $3.200000000e+01, v8  }
0x1ea: {  	[tilespmem:s25+$0x17010] =	vst v9;
	v9 =	vld [tilespmem:s25+$0x7070];
	v6 =	vmul.f32 $3.200000000e+01, v6  }
0x1eb: {  	v7 =	vmul.f32 $3.200000000e+01, v7;
	[tilespmem:s25+$0x17050] =	vst v5;
	v5 =	vld [tilespmem:s25+$0x7430]  }
0x1ec: {  	v10 =	vld [tilespmem:s25+$0x7410];
	s19 =	sor.u32 $0x1C50, s26;
	v3 =	vmul.f32 $3.200000000e+01, v3;
	[tilespmem:s14+$0x16000] =	vst v6  }
0x1ed: {  	v4 =	vmul.f32 $3.200000000e+01, v4;
	[tilespmem:s25+$0x17400] =	vst v7;
	v7 =	vld [tilespmem:s19+$0x6000]  }
0x1ee: {  	[tilespmem:s25+$0x17060] =	vst v3;
	v3 =	vld [tilespmem:s25+$0x7440]  }
0x1ef: {  	[tilespmem:s25+$0x17040] =	vst v4;
	v4 =	vld [tilespmem:s25+$0x7420];
	v8 =	vmul.f32 $3.200000000e+01, v9  }
0x1f0: {  	v5 =	vmul.f32 $3.200000000e+01, v5  }
0x1f1: {  	v9 =	vmul.f32 $3.200000000e+01, v10;
	[tilespmem:s25+$0x17070] =	vst v8;
	v8 =	vld [tilespmem:s25+$0x7450]  }
0x1f2: {  	[tilespmem:s25+$0x17430] =	vst v5;
	v6 =	vld [tilespmem:s25+$0x7460];
	v5 =	vmul.f32 $3.200000000e+01, v7  }
0x1f3: {  	[tilespmem:s25+$0x17410] =	vst v9;
	v9 =	vld [tilespmem:s25+$0x7470];
	v3 =	vmul.f32 $3.200000000e+01, v3  }
0x1f4: {  	v4 =	vmul.f32 $3.200000000e+01, v4;
	v10 =	vld [tilespmem:s25+$0x7800];
	s13 =	sor.u32 $0x1C60, s26;
	[tilespmem:s19+$0x16000] =	vst v5  }
0x1f5: {  	[tilespmem:s25+$0x17440] =	vst v3;
	v3 =	vld [tilespmem:s13+$0x6000]  }
0x1f6: {  	[tilespmem:s25+$0x17420] =	vst v4;
	v4 =	vld [tilespmem:s25+$0x7810];
	v7 =	vmul.f32 $3.200000000e+01, v8  }
0x1f7: {  	v6 =	vmul.f32 $3.200000000e+01, v6;
	v8 =	vld [tilespmem:s25+$0x7820]  }
0x1f8: {  	[tilespmem:s25+$0x17450] =	vst v7;
	v5 =	vld [tilespmem:s25+$0x7830];
	v7 =	vmul.f32 $3.200000000e+01, v9  }
0x1f9: {  	[tilespmem:s25+$0x17460] =	vst v6;
	v6 =	vld [tilespmem:s25+$0x7840];
	v9 =	vmul.f32 $3.200000000e+01, v10  }
0x1fa: {  	s29 =	simm.s32 $0xFFFFC800;
	s28 =	simm.s32 $0x0;
	s6 =	simm.s32 $0x100;
	[tilespmem:s25+$0x17470] =	vst v7;
	v7 =	vld [tilespmem:s25+$0x7850];
	v3 =	vmul.f32 $3.200000000e+01, v3  }
.LBB2_5:
0x1fb: {  	s14 =	sadd.s32 $0x4000, s29;
	p1 =	sne.s32 s6, $0x780;
	[tilespmem:s25+$0x17800] =	vst v9;
	v4 =	vmul.f32 $3.200000000e+01, v4;
	v9 =	vld [tilespmem:s25+$0x7860]  }
0x1fc: {  	s19 =	sand.u32 $0x380, s6;
	s14 =	sand.u32 $0x2000, s14;
	v8 =	vmul.f32 $3.200000000e+01, v8;
	v10 =	vld [tilespmem:s25+$0x7870];
	[tilespmem:s13+$0x16000] =	vst v3;
	s13 =	sor.u32 $0x1C70, s26  }
0x1fd: {  	s14 =	sor.u32 s19, s14;
	[tilespmem:s25+$0x17810] =	vst v4;
	v3 =	vmul.f32 $3.200000000e+01, v5;
	v4 =	vld [tilespmem:s13+$0x6000]  }
0x1fe: {  	v5 =	vld [tilespmem:s14+$0x6000];
	[tilespmem:s25+$0x17820] =	vst v8;
	v6 =	vmul.f32 $3.200000000e+01, v6  }
0x1ff: {  	v8 =	vld [tilespmem:s14+$0x6010];
	[tilespmem:s25+$0x17830] =	vst v3;
	v3 =	vmul.f32 $3.200000000e+01, v7  }
0x200: {  	s24 =	sadd.s32 $0x1, s24;
	v7 =	vld [tilespmem:s14+$0x6020];
	[tilespmem:s25+$0x17840] =	vst v6;
	v6 =	vmul.f32 $3.200000000e+01, v9  }
0x201: {  	s19 =	sand.u32 $0x7, s24;
	v9 =	vld [tilespmem:s14+$0x6030];
	[tilespmem:s25+$0x17850] =	vst v3;
	v3 =	vmul.f32 $3.200000000e+01, v10  }
0x202: {  	s28 =	sadd.s32 $0x400, s28;
	s19 =	sshll.u32 s19, $0x7;
	v10 =	vld [tilespmem:s14+$0x6040];
	[tilespmem:s25+$0x17860] =	vst v6;
	v4 =	vmul.f32 $3.200000000e+01, v4  }
0x203: {  	s26 =	sadd.s32 s19, s28;
	v5 =	vmul.f32 $3.200000000e+01, v5;
	v6 =	vld [tilespmem:s14+$0x6050];
	[tilespmem:s25+$0x17870] =	vst v3;
	s25 =	smov.u32 s14  }
0x204: {  	s14 =	sor.u32 $0x1C00, s26;
	v3 =	vmul.f32 $3.200000000e+01, v8;
	v8 =	vld [tilespmem:s25+$0x6060];
	[tilespmem:s13+$0x16000] =	vst v4  }
0x205: {  	[tilespmem:s25+$0x16000] =	vst v5;
	v4 =	vmul.f32 $3.200000000e+01, v7;
	v5 =	vld [tilespmem:s14+$0x6000]  }
0x206: {  	[tilespmem:s25+$0x16010] =	vst v3;
	v3 =	vmul.f32 $3.200000000e+01, v9;
	v7 =	vld [tilespmem:s25+$0x6070]  }
0x207: {  	[tilespmem:s25+$0x16020] =	vst v4;
	v4 =	vmul.f32 $3.200000000e+01, v10;
	v9 =	vld [tilespmem:s25+$0x6400]  }
0x208: {  	[tilespmem:s25+$0x16030] =	vst v3;
	v3 =	vmul.f32 $3.200000000e+01, v6;
	v6 =	vld [tilespmem:s25+$0x6410]  }
0x209: {  	[tilespmem:s25+$0x16040] =	vst v4;
	v4 =	vmul.f32 $3.200000000e+01, v8;
	v8 =	vld [tilespmem:s25+$0x6420]  }
0x20a: {  	[tilespmem:s25+$0x16050] =	vst v3;
	v3 =	vld [tilespmem:s25+$0x6430];
	v5 =	vmul.f32 $3.200000000e+01, v5  }
0x20b: {  	[tilespmem:s25+$0x16060] =	vst v4;
	v4 =	vmul.f32 $3.200000000e+01, v7;
	v7 =	vld [tilespmem:s25+$0x6440]  }
0x20c: {  	s13 =	sor.u32 $0x1C10, s26;
	v9 =	vmul.f32 $3.200000000e+01, v9;
	v10 =	vld [tilespmem:s25+$0x6450];
	[tilespmem:s14+$0x16000] =	vst v5  }
0x20d: {  	[tilespmem:s25+$0x16070] =	vst v4;
	v4 =	vmul.f32 $3.200000000e+01, v6;
	v5 =	vld [tilespmem:s13+$0x6000]  }
0x20e: {  	[tilespmem:s25+$0x16400] =	vst v9;
	v6 =	vmul.f32 $3.200000000e+01, v8;
	v8 =	vld [tilespmem:s25+$0x6460]  }
0x20f: {  	[tilespmem:s25+$0x16410] =	vst v4;
	v3 =	vmul.f32 $3.200000000e+01, v3;
	v4 =	vld [tilespmem:s25+$0x6470]  }
0x210: {  	[tilespmem:s25+$0x16420] =	vst v6;
	v6 =	vmul.f32 $3.200000000e+01, v7;
	v7 =	vld [tilespmem:s25+$0x6800]  }
0x211: {  	[tilespmem:s25+$0x16430] =	vst v3;
	v3 =	vmul.f32 $3.200000000e+01, v10;
	v9 =	vld [tilespmem:s25+$0x6810]  }
0x212: {  	[tilespmem:s25+$0x16440] =	vst v6;
	v6 =	vld [tilespmem:s25+$0x6820];
	v5 =	vmul.f32 $3.200000000e+01, v5  }
0x213: {  	[tilespmem:s25+$0x16450] =	vst v3;
	v3 =	vmul.f32 $3.200000000e+01, v8;
	v8 =	vld [tilespmem:s25+$0x6830]  }
0x214: {  	v4 =	vmul.f32 $3.200000000e+01, v4;
	v10 =	vld [tilespmem:s25+$0x6840];
	[tilespmem:s13+$0x16000] =	vst v5;
	s13 =	sor.u32 $0x1C20, s26  }
0x215: {  	[tilespmem:s25+$0x16460] =	vst v3;
	v3 =	vmul.f32 $3.200000000e+01, v7;
	v5 =	vld [tilespmem:s13+$0x6000]  }
0x216: {  	[tilespmem:s25+$0x16470] =	vst v4;
	v4 =	vmul.f32 $3.200000000e+01, v9;
	v7 =	vld [tilespmem:s25+$0x6850]  }
0x217: {  	[tilespmem:s25+$0x16800] =	vst v3;
	v3 =	vmul.f32 $3.200000000e+01, v6;
	v6 =	vld [tilespmem:s25+$0x6860]  }
0x218: {  	[tilespmem:s25+$0x16810] =	vst v4;
	v4 =	vmul.f32 $3.200000000e+01, v8;
	v8 =	vld [tilespmem:s25+$0x6870]  }
0x219: {  	[tilespmem:s25+$0x16820] =	vst v3;
	v3 =	vmul.f32 $3.200000000e+01, v10;
	v9 =	vld [tilespmem:s25+$0x6C00]  }
0x21a: {  	[tilespmem:s25+$0x16830] =	vst v4;
	v4 =	vld [tilespmem:s25+$0x6C10];
	v5 =	vmul.f32 $3.200000000e+01, v5  }
0x21b: {  	[tilespmem:s25+$0x16840] =	vst v3;
	v3 =	vmul.f32 $3.200000000e+01, v7;
	v7 =	vld [tilespmem:s25+$0x6C20]  }
0x21c: {  	v6 =	vmul.f32 $3.200000000e+01, v6;
	v10 =	vld [tilespmem:s25+$0x6C30];
	[tilespmem:s13+$0x16000] =	vst v5;
	s13 =	sor.u32 $0x1C30, s26  }
0x21d: {  	[tilespmem:s25+$0x16850] =	vst v3;
	v3 =	vmul.f32 $3.200000000e+01, v8;
	v5 =	vld [tilespmem:s13+$0x6000]  }
0x21e: {  	[tilespmem:s25+$0x16860] =	vst v6;
	v6 =	vmul.f32 $3.200000000e+01, v9;
	v8 =	vld [tilespmem:s25+$0x6C40]  }
0x21f: {  	[tilespmem:s25+$0x16870] =	vst v3;
	v3 =	vmul.f32 $3.200000000e+01, v4;
	v4 =	vld [tilespmem:s25+$0x6C50]  }
0x220: {  	[tilespmem:s25+$0x16C00] =	vst v6;
	v6 =	vmul.f32 $3.200000000e+01, v7;
	v7 =	vld [tilespmem:s25+$0x6C60]  }
0x221: {  	[tilespmem:s25+$0x16C10] =	vst v3;
	v3 =	vmul.f32 $3.200000000e+01, v10;
	v9 =	vld [tilespmem:s25+$0x6C70]  }
0x222: {  	[tilespmem:s25+$0x16C20] =	vst v6;
	v6 =	vld [tilespmem:s25+$0x7000];
	v5 =	vmul.f32 $3.200000000e+01, v5  }
0x223: {  	[tilespmem:s25+$0x16C30] =	vst v3;
	v3 =	vmul.f32 $3.200000000e+01, v8;
	v8 =	vld [tilespmem:s25+$0x7010]  }
0x224: {  	v4 =	vmul.f32 $3.200000000e+01, v4;
	v10 =	vld [tilespmem:s25+$0x7020];
	[tilespmem:s13+$0x16000] =	vst v5;
	s13 =	sor.u32 $0x1C40, s26  }
0x225: {  	[tilespmem:s25+$0x16C40] =	vst v3;
	v3 =	vmul.f32 $3.200000000e+01, v7;
	v5 =	vld [tilespmem:s13+$0x6000]  }
0x226: {  	[tilespmem:s25+$0x16C50] =	vst v4;
	v4 =	vmul.f32 $3.200000000e+01, v9;
	v7 =	vld [tilespmem:s25+$0x7030]  }
0x227: {  	[tilespmem:s25+$0x16C60] =	vst v3;
	v3 =	vmul.f32 $3.200000000e+01, v6;
	v6 =	vld [tilespmem:s25+$0x7040]  }
0x228: {  	[tilespmem:s25+$0x16C70] =	vst v4;
	v4 =	vmul.f32 $3.200000000e+01, v8;
	v8 =	vld [tilespmem:s25+$0x7050]  }
0x229: {  	[tilespmem:s25+$0x17000] =	vst v3;
	v3 =	vmul.f32 $3.200000000e+01, v10;
	v9 =	vld [tilespmem:s25+$0x7060]  }
0x22a: {  	[tilespmem:s25+$0x17010] =	vst v4;
	v4 =	vld [tilespmem:s25+$0x7070];
	v5 =	vmul.f32 $3.200000000e+01, v5  }
0x22b: {  	[tilespmem:s25+$0x17020] =	vst v3;
	v3 =	vmul.f32 $3.200000000e+01, v7;
	v7 =	vld [tilespmem:s25+$0x7400]  }
0x22c: {  	v6 =	vmul.f32 $3.200000000e+01, v6;
	v10 =	vld [tilespmem:s25+$0x7410];
	[tilespmem:s13+$0x16000] =	vst v5;
	s13 =	sor.u32 $0x1C50, s26  }
0x22d: {  	[tilespmem:s25+$0x17030] =	vst v3;
	v3 =	vmul.f32 $3.200000000e+01, v8;
	v5 =	vld [tilespmem:s13+$0x6000]  }
0x22e: {  	[tilespmem:s25+$0x17040] =	vst v6;
	v6 =	vmul.f32 $3.200000000e+01, v9;
	v8 =	vld [tilespmem:s25+$0x7420]  }
0x22f: {  	[tilespmem:s25+$0x17050] =	vst v3;
	v3 =	vmul.f32 $3.200000000e+01, v4;
	v4 =	vld [tilespmem:s25+$0x7430]  }
0x230: {  	[tilespmem:s25+$0x17060] =	vst v6;
	v6 =	vmul.f32 $3.200000000e+01, v7;
	v7 =	vld [tilespmem:s25+$0x7440]  }
0x231: {  	[tilespmem:s25+$0x17070] =	vst v3;
	v3 =	vmul.f32 $3.200000000e+01, v10;
	v9 =	vld [tilespmem:s25+$0x7450]  }
0x232: {  	[tilespmem:s25+$0x17400] =	vst v6;
	v6 =	vld [tilespmem:s25+$0x7460];
	v5 =	vmul.f32 $3.200000000e+01, v5  }
0x233: {  	[tilespmem:s25+$0x17410] =	vst v3;
	v3 =	vmul.f32 $3.200000000e+01, v8;
	v10 =	vld [tilespmem:s25+$0x7470]  }
0x234: {  	v4 =	vmul.f32 $3.200000000e+01, v4;
	v11 =	vld [tilespmem:s25+$0x7800];
	[tilespmem:s13+$0x16000] =	vst v5;
	s13 =	sor.u32 $0x1C60, s26  }
0x235: {  	[tilespmem:s25+$0x17420] =	vst v3;
	v3 =	vmul.f32 $3.200000000e+01, v7;
	v12 =	vld [tilespmem:s13+$0x6000]  }
.Ltmp1:
0x236: {  	[tilespmem:s25+$0x17430] =	vst v4;
	v5 =	vmul.f32 $3.200000000e+01, v9;
	v4 =	vld [tilespmem:s25+$0x7810];
	(pc) =	sbr.rel @p1 .LBB2_5-.Ltmp1, $4  }
0x237: {  	[tilespmem:s25+$0x17440] =	vst v3;
	v3 =	vmul.f32 $3.200000000e+01, v6;
	v8 =	vld [tilespmem:s25+$0x7820]  }
0x238: {  	[tilespmem:s25+$0x17450] =	vst v5;
	v7 =	vmul.f32 $3.200000000e+01, v10;
	v5 =	vld [tilespmem:s25+$0x7830]  }
0x239: {  	[tilespmem:s25+$0x17460] =	vst v3;
	v9 =	vmul.f32 $3.200000000e+01, v11;
	v6 =	vld [tilespmem:s25+$0x7840]  }
0x23a: {  	s29 =	sadd.s32 $0x400, s29;
	s6 =	sadd.s32 $0x80, s6;
	[tilespmem:s25+$0x17470] =	vst v7;
	v7 =	vld [tilespmem:s25+$0x7850];
	v3 =	vmul.f32 $3.200000000e+01, v12  }
0x23b: {  	[tilespmem:s25+$0x17800] =	vst v9;
	v4 =	vmul.f32 $3.200000000e+01, v4;
	v9 =	vld [tilespmem:s25+$0x7860]  }
0x23c: {  	v10 =	vld [tilespmem:s25+$0x7870];
	v8 =	vmul.f32 $3.200000000e+01, v8  }
0x23d: {  	[tilespmem:s25+$0x17810] =	vst v4;
	v4 =	vmul.f32 $3.200000000e+01, v5  }
0x23e: {  	[tilespmem:s25+$0x17820] =	vst v8;
	v5 =	vmul.f32 $3.200000000e+01, v6  }
0x23f: {  	s6 =	sadd.s32 $0x1, s24;
	[tilespmem:s25+$0x17830] =	vst v4;
	v4 =	vmul.f32 $3.200000000e+01, v7  }
0x240: {  	s6 =	sand.u32 $0x7, s6;
	[tilespmem:s25+$0x17840] =	vst v5;
	v5 =	vmul.f32 $3.200000000e+01, v9  }
0x241: {  	s14 =	sadd.s32 $0x400, s28;
	s6 =	sshll.u32 s6, $0x7;
	[tilespmem:s25+$0x17850] =	vst v4;
	v4 =	vmul.f32 $3.200000000e+01, v10  }
0x242: {  	s6 =	sadd.s32 s6, s14;
	[tilespmem:s25+$0x17860] =	vst v5  }
0x243: {  	s14 =	sor.u32 $0x1C00, s6;
	[tilespmem:s25+$0x17870] =	vst v4  }
0x244: {  	v4 =	vld [tilespmem:s14+$0x6000];
	_ =	sdelay $0x4  }
0x245: {  	v4 =	vmul.f32 $3.200000000e+01, v4;
	_ =	sdelay $0x1  }
0x246: {  	s25 =	sor.u32 $0x1C10, s6;
	[tilespmem:s14+$0x16000] =	vst v4  }
0x247: {  	v4 =	vld [tilespmem:s25+$0x6000];
	_ =	sdelay $0x4  }
0x248: {  	v4 =	vmul.f32 $3.200000000e+01, v4;
	_ =	sdelay $0x1  }
0x249: {  	s19 =	sor.u32 $0x1C20, s6;
	[tilespmem:s25+$0x16000] =	vst v4  }
0x24a: {  	v4 =	vld [tilespmem:s19+$0x6000];
	_ =	sdelay $0x4  }
0x24b: {  	v4 =	vmul.f32 $3.200000000e+01, v4;
	_ =	sdelay $0x1  }
0x24c: {  	s24 =	sor.u32 $0x1C30, s6;
	[tilespmem:s19+$0x16000] =	vst v4  }
0x24d: {  	v4 =	vld [tilespmem:s24+$0x6000];
	_ =	sdelay $0x4  }
0x24e: {  	v4 =	vmul.f32 $3.200000000e+01, v4;
	_ =	sdelay $0x1  }
0x24f: {  	s25 =	sor.u32 $0x1C40, s6;
	[tilespmem:s24+$0x16000] =	vst v4  }
0x250: {  	v4 =	vld [tilespmem:s25+$0x6000];
	_ =	sdelay $0x4  }
0x251: {  	v4 =	vmul.f32 $3.200000000e+01, v4;
	_ =	sdelay $0x1  }
0x252: {  	s19 =	sor.u32 $0x1C50, s6;
	[tilespmem:s25+$0x16000] =	vst v4  }
0x253: {  	v4 =	vld [tilespmem:s19+$0x6000];
	_ =	sdelay $0x4  }
0x254: {  	v4 =	vmul.f32 $3.200000000e+01, v4;
	_ =	sdelay $0x1  }
0x255: {  	s24 =	sor.u32 $0x1C60, s6;
	[tilespmem:s19+$0x16000] =	vst v4  }
0x256: {  	v4 =	vld [tilespmem:s24+$0x6000];
	_ =	sdelay $0x4  }
0x257: {  	v4 =	vmul.f32 $3.200000000e+01, v4  }
0x258: {  	[tilespmem:s13+$0x16000] =	vst v3;
	s25 =	sor.u32 $0x1C70, s26  }
0x259: {  	s6 =	sor.u32 $0x1C70, s6;
	v3 =	vld [tilespmem:s25+$0x6000];
	[tilespmem:s24+$0x16000] =	vst v4  }
0x25a: {  	v4 =	vld [tilespmem:s6+$0x6000];
	_ =	sdelay $0x3  }
0x25b: {  	v3 =	vmul.f32 $3.200000000e+01, v3  }
0x25c: {  	v4 =	vmul.f32 $3.200000000e+01, v4  }
0x25d: {  	[tilespmem:s25+$0x16000] =	vst v3  }
0x25e: {  	[tilespmem:s6+$0x16000] =	vst v4  }
0x25f: {  	v3 =	vld @!p0 [tilespmem:s22+$0x280];
	_ =	sdelay $0x4  }
0x260: {  	v4 =	vshll.u32 @!p0 v3, $0x3  }
0x261: {  	v5 =	vlaneseq.u32 @!p0;
	v3 =	vand.u32 @!p0 $0x7, v3;
	v4 =	vand.u32 @!p0 $0xFFFFFFC0, v4  }
0x262: {  	v6 =	vshrl.u32 @!p0 v5, $0x3;
	v3 =	vor.u32 @!p0 v3, v4;
	v4 =	vand.u32 @!p0 $0x7, v5  }
0x263: {  	v6 =	vmul.u32 @!p0 $0x8, v6;
	v4 =	vperm.xlane @!p0 v3, v4;
	_ =	sdelay $0x1  }
0x264: {  	v4 =	vadd.s32 @!p0 v6, v4;
	_ =	sdelay $0x3  }
0x265: {  	s13 =	simm.s32 @!p0 $0x6000;
	s6 =	simm.s32 @!p0 $0x0  }
0x266: {  	v5 =	vor.u32 @!p0 $0x8, v5;
	[tilespmem:s13], [sflag:$0x2] =	stream.indirect_vreg.gather @!p0 [hbm4b:s2+s6], $0x80, v4, vm1, $0xb8;
	[tilespmem:$0x1A000] =	vst v63  }
0x267: {  	v3 =	vperm.xlane @!p0 v3, v5;
	s13 =	simm.s32 @!p0 $0x6800  }
0x268: {  	[tilespmem:s13], [sflag:$0x2] =	stream.indirect_vreg.gather @!p0 [hbm4b:s7+s6], $0x80, v4, vm1, $0xb8;
	[tilespmem:$0x1A000] =	vst v63  }
0x269: {  	v3 =	vadd.s32 @!p0 v6, v3;
	s13 =	simm.s32 @!p0 $0x7000  }
0x26a: {  	[tilespmem:s13], [sflag:$0x2] =	stream.indirect_vreg.gather @!p0 [hbm4b:s8+s6], $0x80, v4, vm1, $0xb8;
	[tilespmem:$0x1A000] =	vst v63  }
0x26b: {  	s13 =	simm.s32 @!p0 $0x7800  }
0x26c: {  	[tilespmem:s13], [sflag:$0x2] =	stream.indirect_vreg.gather @!p0 [hbm4b:s9+s6], $0x80, v4, vm1, $0xb8;
	[tilespmem:$0x1A000] =	vst v63  }
0x26d: {  	s13 =	simm.s32 @!p0 $0x8000  }
0x26e: {  	[tilespmem:s13], [sflag:$0x2] =	stream.indirect_vreg.gather @!p0 [hbm4b:s2+s6], $0x80, v3, vm1, $0xb8;
	[tilespmem:$0x1A000] =	vst v63  }
0x26f: {  	s13 =	simm.s32 @!p0 $0x8800  }
0x270: {  	[tilespmem:s13], [sflag:$0x2] =	stream.indirect_vreg.gather @!p0 [hbm4b:s7+s6], $0x80, v3, vm1, $0xb8;
	[tilespmem:$0x1A000] =	vst v63  }
0x271: {  	s13 =	simm.s32 @!p0 $0x9000  }
0x272: {  	[tilespmem:s13], [sflag:$0x2] =	stream.indirect_vreg.gather @!p0 [hbm4b:s8+s6], $0x80, v3, vm1, $0xb8;
	[tilespmem:$0x1A000] =	vst v63  }
0x273: {  	s13 =	simm.s32 @!p0 $0x9800  }
0x274: {  	[tilespmem:s13], [sflag:$0x2] =	stream.indirect_vreg.gather @!p0 [hbm4b:s9+s6], $0x80, v3, vm1, $0xb8;
	[tilespmem:$0x1A000] =	vst v63  }
0x275: {  	s26 =	sadd.s32 s23, s10;
	s24 =	simm.s32 $0x0  }
0x276: {  	[hbm4b:s26+s24] =	stream.linear.scatter [tilespmem:s1], [sflag:$0x6], $0x4000, $0x38;
	[tilespmem:$0x1A000] =	vst v63  }
0x277: {  	_ =	swait.ge [sflag:s15], $0x4000  }
0x278: {  	[sflag:s15] =	ssyncset.done $0x0  }
0x279: {  	[sflag:s15] =	ssyncadd.s32 $0xFFFFC000  }
0x27a: {  	s13 =	simm.s32 $0x0;
	_ =	swait.ge [sflag:s16], $0x4000  }
0x27b: {  	s14 =	sand.u32 $0x380, s24;
	s6 =	sand.u32 $0x2000, s13;
	[sflag:s16] =	ssyncset.done $0x0  }
0x27c: {  	s6 =	sor.u32 s14, s6;
	[sflag:s16] =	ssyncadd.s32 $0xFFFFC000  }
0x27d: {  	v3 =	vld [tilespmem:s6+$0xA000]  }
0x27e: {  	v4 =	vld [tilespmem:s6+$0xA010]  }
0x27f: {  	v5 =	vld [tilespmem:s6+$0xA020]  }
0x280: {  	v6 =	vld [tilespmem:s6+$0xA030]  }
0x281: {  	v7 =	vld [tilespmem:s6+$0xA040]  }
0x282: {  	v8 =	vld [tilespmem:s6+$0xA050];
	v3 =	vmul.f32 $3.200000000e+01, v3  }
0x283: {  	v9 =	vld [tilespmem:s6+$0xA060];
	v4 =	vmul.f32 $3.200000000e+01, v4  }
0x284: {  	s19 =	simm.s32 $0x80;
	s25 =	simm.s32 $0x400;
	v10 =	vld [tilespmem:s6+$0xA070];
	[tilespmem:s6+$0x12000] =	vst v3;
	v3 =	vmul.f32 $3.200000000e+01, v5  }
0x285: {  	s13 =	sand.u32 $0x380, s19;
	s14 =	sand.u32 $0x2000, s25;
	v11 =	vld [tilespmem:s6+$0xA400];
	[tilespmem:s6+$0x12010] =	vst v4;
	v4 =	vmul.f32 $3.200000000e+01, v6  }
0x286: {  	s25 =	sor.u32 s13, s14;
	v12 =	vld [tilespmem:s6+$0xA410];
	[tilespmem:s6+$0x12020] =	vst v3;
	v3 =	vmul.f32 $3.200000000e+01, v7  }
0x287: {  	v61 =	vld [tilespmem:s25+$0xA060];
	[tilespmem:s6+$0x12030] =	vst v4;
	v4 =	vmul.f32 $3.200000000e+01, v8  }
0x288: {  	v5 =	vld [tilespmem:s6+$0xA420];
	[tilespmem:s6+$0x12040] =	vst v3;
	v3 =	vmul.f32 $3.200000000e+01, v9  }
0x289: {  	v6 =	vld [tilespmem:s6+$0xA430];
	[tilespmem:s6+$0x12050] =	vst v4;
	v4 =	vmul.f32 $3.200000000e+01, v10  }
0x28a: {  	v62 =	vld [tilespmem:s6+$0xB460];
	[tilespmem:s6+$0x12060] =	vst v3;
	v3 =	vmul.f32 $3.200000000e+01, v11  }
0x28b: {  	v7 =	vld [tilespmem:s6+$0xA440];
	[tilespmem:s6+$0x12070] =	vst v4;
	v4 =	vmul.f32 $3.200000000e+01, v12  }
0x28c: {  	v8 =	vld [tilespmem:s6+$0xA450];
	v12 =	vmul.f32 $3.200000000e+01, v61;
	[tilespmem:s6+$0x12400] =	vst v3  }
0x28d: {  	v9 =	vld [tilespmem:s6+$0xA460];
	v3 =	vmul.f32 $3.200000000e+01, v5;
	[tilespmem:s6+$0x12410] =	vst v4  }
0x28e: {  	v10 =	vld [tilespmem:s6+$0xA470];
	v4 =	vmul.f32 $3.200000000e+01, v6;
	[tilespmem:s25+$0x12060] =	vst v12  }
0x28f: {  	v11 =	vld [tilespmem:s6+$0xA800];
	v12 =	vmul.f32 $3.200000000e+01, v62;
	[tilespmem:s6+$0x12420] =	vst v3  }
0x290: {  	v57 =	vld [tilespmem:s6+$0xA810];
	v3 =	vmul.f32 $3.200000000e+01, v7;
	[tilespmem:s6+$0x12430] =	vst v4  }
0x291: {  	v5 =	vld [tilespmem:s6+$0xA820];
	v4 =	vmul.f32 $3.200000000e+01, v8;
	[tilespmem:s6+$0x13460] =	vst v12  }
0x292: {  	v6 =	vld [tilespmem:s6+$0xA830];
	[tilespmem:s6+$0x12440] =	vst v3;
	v3 =	vmul.f32 $3.200000000e+01, v9  }
0x293: {  	v7 =	vld [tilespmem:s6+$0xA840];
	[tilespmem:s6+$0x12450] =	vst v4;
	v4 =	vmul.f32 $3.200000000e+01, v10  }
0x294: {  	v8 =	vld [tilespmem:s6+$0xA850];
	[tilespmem:s6+$0x12460] =	vst v3;
	v3 =	vmul.f32 $3.200000000e+01, v11  }
0x295: {  	v9 =	vld [tilespmem:s6+$0xA860];
	[tilespmem:s6+$0x12470] =	vst v4;
	v4 =	vmul.f32 $3.200000000e+01, v57  }
0x296: {  	v10 =	vld [tilespmem:s6+$0xA870];
	[tilespmem:s6+$0x12800] =	vst v3;
	v3 =	vmul.f32 $3.200000000e+01, v5  }
0x297: {  	v11 =	vld [tilespmem:s6+$0xAC00];
	[tilespmem:s6+$0x12810] =	vst v4;
	v4 =	vmul.f32 $3.200000000e+01, v6  }
0x298: {  	v58 =	vld [tilespmem:s6+$0xAC10];
	[tilespmem:s6+$0x12820] =	vst v3;
	v3 =	vmul.f32 $3.200000000e+01, v7  }
0x299: {  	v5 =	vld [tilespmem:s6+$0xAC20];
	[tilespmem:s6+$0x12830] =	vst v4;
	v4 =	vmul.f32 $3.200000000e+01, v8  }
0x29a: {  	v6 =	vld [tilespmem:s6+$0xAC30];
	[tilespmem:s6+$0x12840] =	vst v3;
	v3 =	vmul.f32 $3.200000000e+01, v9  }
0x29b: {  	v7 =	vld [tilespmem:s6+$0xAC40];
	[tilespmem:s6+$0x12850] =	vst v4;
	v4 =	vmul.f32 $3.200000000e+01, v10  }
0x29c: {  	v8 =	vld [tilespmem:s6+$0xAC50];
	[tilespmem:s6+$0x12860] =	vst v3;
	v3 =	vmul.f32 $3.200000000e+01, v11  }
0x29d: {  	v9 =	vld [tilespmem:s6+$0xAC60];
	[tilespmem:s6+$0x12870] =	vst v4;
	v4 =	vmul.f32 $3.200000000e+01, v58  }
0x29e: {  	v10 =	vld [tilespmem:s6+$0xAC70];
	[tilespmem:s6+$0x12C00] =	vst v3;
	v3 =	vmul.f32 $3.200000000e+01, v5  }
0x29f: {  	v11 =	vld [tilespmem:s6+$0xB000];
	[tilespmem:s6+$0x12C10] =	vst v4;
	v4 =	vmul.f32 $3.200000000e+01, v6  }
0x2a0: {  	v59 =	vld [tilespmem:s6+$0xB010];
	[tilespmem:s6+$0x12C20] =	vst v3;
	v3 =	vmul.f32 $3.200000000e+01, v7  }
0x2a1: {  	[tilespmem:s6+$0x12C30] =	vst v4;
	v4 =	vmul.f32 $3.200000000e+01, v8;
	v8 =	vld [tilespmem:s6+$0xB050]  }
0x2a2: {  	v5 =	vld [tilespmem:s6+$0xB020];
	[tilespmem:s6+$0x12C40] =	vst v3;
	v3 =	vmul.f32 $3.200000000e+01, v9  }
0x2a3: {  	v6 =	vld [tilespmem:s6+$0xB030];
	[tilespmem:s6+$0x12C50] =	vst v4;
	v4 =	vmul.f32 $3.200000000e+01, v10  }
0x2a4: {  	v9 =	vld [tilespmem:s6+$0xB060];
	[tilespmem:s6+$0x12C60] =	vst v3;
	v3 =	vmul.f32 $3.200000000e+01, v11  }
0x2a5: {  	v10 =	vld [tilespmem:s6+$0xB070];
	[tilespmem:s6+$0x12C70] =	vst v4;
	v4 =	vmul.f32 $3.200000000e+01, v59  }
0x2a6: {  	v7 =	vld [tilespmem:s6+$0xB040];
	v8 =	vmul.f32 $3.200000000e+01, v8;
	[tilespmem:s6+$0x13000] =	vst v3  }
0x2a7: {  	v11 =	vld [tilespmem:s25+$0xA000];
	v3 =	vmul.f32 $3.200000000e+01, v5;
	[tilespmem:s6+$0x13010] =	vst v4  }
0x2a8: {  	v60 =	vld [tilespmem:s25+$0xA010];
	v4 =	vmul.f32 $3.200000000e+01, v6;
	[tilespmem:s6+$0x13050] =	vst v8  }
0x2a9: {  	v6 =	vld [tilespmem:s25+$0xA030];
	v9 =	vmul.f32 $3.200000000e+01, v9;
	[tilespmem:s6+$0x13020] =	vst v3  }
0x2aa: {  	v5 =	vld [tilespmem:s25+$0xA020];
	v10 =	vmul.f32 $3.200000000e+01, v10;
	[tilespmem:s6+$0x13030] =	vst v4  }
0x2ab: {  	v3 =	vmul.f32 $3.200000000e+01, v7;
	v7 =	vld [tilespmem:s25+$0xA040];
	[tilespmem:s6+$0x13060] =	vst v9  }
0x2ac: {  	v4 =	vmul.f32 $3.200000000e+01, v11;
	v11 =	vld [tilespmem:s25+$0xA050];
	[tilespmem:s6+$0x13070] =	vst v10  }
0x2ad: {  	v10 =	vld [tilespmem:s25+$0xA410];
	[tilespmem:s6+$0x13040] =	vst v3;
	v3 =	vmul.f32 $3.200000000e+01, v60  }
0x2ae: {  	[tilespmem:s25+$0x12000] =	vst v4;
	v4 =	vld [tilespmem:s6+$0xB400];
	v6 =	vmul.f32 $3.200000000e+01, v6  }
0x2af: {  	v5 =	vmul.f32 $3.200000000e+01, v5;
	[tilespmem:s25+$0x12010] =	vst v3;
	v3 =	vld [tilespmem:s6+$0xB410]  }
0x2b0: {  	[tilespmem:s25+$0x12030] =	vst v6;
	v6 =	vld [tilespmem:s6+$0xB430];
	v7 =	vmul.f32 $3.200000000e+01, v7  }
0x2b1: {  	[tilespmem:s25+$0x12020] =	vst v5;
	v5 =	vld [tilespmem:s6+$0xB420];
	v11 =	vmul.f32 $3.200000000e+01, v11  }
0x2b2: {  	v9 =	vld [tilespmem:s25+$0xA400];
	v10 =	vmul.f32 $3.200000000e+01, v10;
	[tilespmem:s25+$0x12040] =	vst v7  }
0x2b3: {  	v7 =	vld [tilespmem:s6+$0xB440];
	v4 =	vmul.f32 $3.200000000e+01, v4;
	[tilespmem:s25+$0x12050] =	vst v11  }
0x2b4: {  	v8 =	vld [tilespmem:s25+$0xA070];
	[tilespmem:s25+$0x12410] =	vst v10;
	v3 =	vmul.f32 $3.200000000e+01, v3  }
0x2b5: {  	v11 =	vld [tilespmem:s6+$0xB450];
	[tilespmem:s6+$0x13400] =	vst v4;
	v6 =	vmul.f32 $3.200000000e+01, v6  }
0x2b6: {  	v4 =	vld [tilespmem:s25+$0xA420];
	[tilespmem:s6+$0x13410] =	vst v3;
	v3 =	vmul.f32 $3.200000000e+01, v5  }
0x2b7: {  	v5 =	vld [tilespmem:s25+$0xA430];
	[tilespmem:s6+$0x13430] =	vst v6;
	v6 =	vmul.f32 $3.200000000e+01, v9  }
0x2b8: {  	v9 =	vld [tilespmem:s25+$0xA450];
	v7 =	vmul.f32 $3.200000000e+01, v7;
	[tilespmem:s6+$0x13420] =	vst v3  }
0x2b9: {  	v3 =	vmul.f32 $3.200000000e+01, v8;
	v8 =	vld [tilespmem:s25+$0xA440];
	[tilespmem:s25+$0x12400] =	vst v6  }
0x2ba: {  	v11 =	vmul.f32 $3.200000000e+01, v11;
	v6 =	vld [tilespmem:s6+$0xB800];
	[tilespmem:s6+$0x13440] =	vst v7  }
0x2bb: {  	[tilespmem:s25+$0x12070] =	vst v3;
	v3 =	vld [tilespmem:s6+$0xB470];
	v4 =	vmul.f32 $3.200000000e+01, v4  }
0x2bc: {  	v10 =	vld [tilespmem:s6+$0xB810];
	[tilespmem:s6+$0x13450] =	vst v11;
	v5 =	vmul.f32 $3.200000000e+01, v5  }
0x2bd: {  	[tilespmem:s25+$0x12420] =	vst v4;
	v4 =	vld [tilespmem:s6+$0xB820];
	v9 =	vmul.f32 $3.200000000e+01, v9  }
0x2be: {  	v7 =	vld [tilespmem:s25+$0xA460];
	[tilespmem:s25+$0x12430] =	vst v5;
	v8 =	vmul.f32 $3.200000000e+01, v8  }
0x2bf: {  	v11 =	vld [tilespmem:s25+$0xA470];
	v6 =	vmul.f32 $3.200000000e+01, v6;
	[tilespmem:s25+$0x12450] =	vst v9  }
0x2c0: {  	v63 =	vld [tilespmem:s25+$0xA800];
	v3 =	vmul.f32 $3.200000000e+01, v3;
	[tilespmem:s25+$0x12440] =	vst v8  }
0x2c1: {  	v5 =	vld [tilespmem:s6+$0xB830];
	[tilespmem:s6+$0x13800] =	vst v6;
	v6 =	vmul.f32 $3.200000000e+01, v10  }
0x2c2: {  	v9 =	vld [tilespmem:s6+$0xB850];
	[tilespmem:s6+$0x13470] =	vst v3;
	v4 =	vmul.f32 $3.200000000e+01, v4  }
0x2c3: {  	v3 =	vld [tilespmem:s25+$0xA810];
	[tilespmem:s6+$0x13810] =	vst v6;
	v6 =	vmul.f32 $3.200000000e+01, v7  }
0x2c4: {  	v8 =	vld [tilespmem:s6+$0xB840];
	[tilespmem:s6+$0x13820] =	vst v4;
	v4 =	vmul.f32 $3.200000000e+01, v11  }
0x2c5: {  	v10 =	vld [tilespmem:s25+$0xA820];
	[tilespmem:s25+$0x12460] =	vst v6;
	v6 =	vmul.f32 $3.200000000e+01, v63  }
0x2c6: {  	v5 =	vmul.f32 $3.200000000e+01, v5;
	[tilespmem:s25+$0x12470] =	vst v4;
	v4 =	vld [tilespmem:s6+$0xB860]  }
0x2c7: {  	v9 =	vmul.f32 $3.200000000e+01, v9;
	[tilespmem:s25+$0x12800] =	vst v6;
	v6 =	vld [tilespmem:s6+$0xB870]  }
0x2c8: {  	v7 =	vld [tilespmem:s25+$0xA830];
	[tilespmem:s6+$0x13830] =	vst v5;
	v3 =	vmul.f32 $3.200000000e+01, v3  }
0x2c9: {  	v8 =	vmul.f32 $3.200000000e+01, v8;
	[tilespmem:s6+$0x13850] =	vst v9  }
0x2ca: {  	[tilespmem:s25+$0x12810] =	vst v3;
	v3 =	vmul.f32 $3.200000000e+01, v10  }
0x2cb: {  	s26 =	sand.u32 $0x7, s24;
	[tilespmem:s6+$0x13840] =	vst v8;
	v4 =	vmul.f32 $3.200000000e+01, v4  }
0x2cc: {  	s13 =	sshll.u32 s26, $0x7;
	[tilespmem:s25+$0x12820] =	vst v3;
	v3 =	vmul.f32 $3.200000000e+01, v6  }
0x2cd: {  	s26 =	sadd.s32 $0x0, s13;
	v7 =	vmul.f32 $3.200000000e+01, v7;
	[tilespmem:s6+$0x13860] =	vst v4  }
0x2ce: {  	s13 =	sor.u32 $0x1C00, s26;
	[tilespmem:s6+$0x13870] =	vst v3  }
0x2cf: {  	[tilespmem:s25+$0x12830] =	vst v7;
	v7 =	vld [tilespmem:s13+$0xA000];
	_ =	sdelay $0x1  }
0x2d0: {  	v8 =	vld [tilespmem:s25+$0xA860]  }
0x2d1: {  	v11 =	vld [tilespmem:s25+$0xA840];
	_ =	sdelay $0x1  }
0x2d2: {  	v7 =	vmul.f32 $3.200000000e+01, v7;
	_ =	sdelay $0x1  }
0x2d3: {  	s14 =	sor.u32 $0x1C10, s26;
	v8 =	vmul.f32 $3.200000000e+01, v8;
	v3 =	vld [tilespmem:s25+$0xAC10];
	[tilespmem:s13+$0x12000] =	vst v7  }
0x2d4: {  	v6 =	vmul.f32 $3.200000000e+01, v11;
	v7 =	vld [tilespmem:s14+$0xA000]  }
0x2d5: {  	[tilespmem:s25+$0x12860] =	vst v8;
	v8 =	vld [tilespmem:s25+$0xAC40]  }
0x2d6: {  	[tilespmem:s25+$0x12840] =	vst v6;
	v6 =	vld [tilespmem:s25+$0xAC20];
	_ =	sdelay $0x1  }
0x2d7: {  	v3 =	vmul.f32 $3.200000000e+01, v3  }
0x2d8: {  	v5 =	vld [tilespmem:s25+$0xA850];
	v7 =	vmul.f32 $3.200000000e+01, v7  }
0x2d9: {  	v8 =	vmul.f32 $3.200000000e+01, v8;
	[tilespmem:s25+$0x12C10] =	vst v3;
	v3 =	vld [tilespmem:s25+$0xAC70]  }
0x2da: {  	s19 =	sor.u32 $0x1C20, s26;
	v9 =	vld [tilespmem:s25+$0xA870];
	v6 =	vmul.f32 $3.200000000e+01, v6;
	[tilespmem:s14+$0x12000] =	vst v7  }
0x2db: {  	[tilespmem:s25+$0x12C40] =	vst v8;
	v8 =	vld [tilespmem:s19+$0xA000]  }
0x2dc: {  	[tilespmem:s25+$0x12C20] =	vst v6;
	v6 =	vld [tilespmem:s25+$0xB000]  }
0x2dd: {  	v5 =	vmul.f32 $3.200000000e+01, v5  }
0x2de: {  	v3 =	vmul.f32 $3.200000000e+01, v3  }
0x2df: {  	[tilespmem:s25+$0x12850] =	vst v5;
	v5 =	vmul.f32 $3.200000000e+01, v9  }
0x2e0: {  	v4 =	vld [tilespmem:s25+$0xAC00];
	[tilespmem:s25+$0x12C70] =	vst v3;
	v3 =	vmul.f32 $3.200000000e+01, v8  }
0x2e1: {  	[tilespmem:s25+$0x12870] =	vst v5;
	v5 =	vld [tilespmem:s25+$0xAC50];
	v6 =	vmul.f32 $3.200000000e+01, v6  }
0x2e2: {  	v10 =	vld [tilespmem:s25+$0xAC30];
	s13 =	sor.u32 $0x1C30, s26;
	[tilespmem:s19+$0x12000] =	vst v3  }
0x2e3: {  	[tilespmem:s25+$0x13000] =	vst v6;
	v6 =	vld [tilespmem:s13+$0xA000];
	_ =	sdelay $0x1  }
0x2e4: {  	v4 =	vmul.f32 $3.200000000e+01, v4;
	v7 =	vld [tilespmem:s25+$0xB020]  }
0x2e5: {  	v5 =	vmul.f32 $3.200000000e+01, v5  }
0x2e6: {  	v9 =	vmul.f32 $3.200000000e+01, v10;
	[tilespmem:s25+$0x12C00] =	vst v4;
	v4 =	vld [tilespmem:s25+$0xAC60]  }
0x2e7: {  	[tilespmem:s25+$0x12C50] =	vst v5;
	v5 =	vld [tilespmem:s25+$0xB030];
	v6 =	vmul.f32 $3.200000000e+01, v6  }
0x2e8: {  	[tilespmem:s25+$0x12C30] =	vst v9;
	v9 =	vld [tilespmem:s25+$0xB010]  }
0x2e9: {  	s14 =	sor.u32 $0x1C40, s26;
	v7 =	vmul.f32 $3.200000000e+01, v7;
	v8 =	vld [tilespmem:s25+$0xB050];
	[tilespmem:s13+$0x12000] =	vst v6  }
0x2ea: {  	v6 =	vld [tilespmem:s14+$0xA000]  }
0x2eb: {  	v4 =	vmul.f32 $3.200000000e+01, v4;
	[tilespmem:s25+$0x13020] =	vst v7;
	v7 =	vld [tilespmem:s25+$0xB400]  }
0x2ec: {  	v5 =	vmul.f32 $3.200000000e+01, v5;
	v3 =	vld [tilespmem:s25+$0xB060]  }
0x2ed: {  	v9 =	vmul.f32 $3.200000000e+01, v9;
	[tilespmem:s25+$0x12C60] =	vst v4;
	v4 =	vld [tilespmem:s25+$0xB040]  }
0x2ee: {  	[tilespmem:s25+$0x13030] =	vst v5;
	v5 =	vmul.f32 $3.200000000e+01, v8  }
0x2ef: {  	[tilespmem:s25+$0x13010] =	vst v9;
	v9 =	vld [tilespmem:s25+$0xB070];
	v6 =	vmul.f32 $3.200000000e+01, v6  }
0x2f0: {  	v7 =	vmul.f32 $3.200000000e+01, v7;
	[tilespmem:s25+$0x13050] =	vst v5;
	v5 =	vld [tilespmem:s25+$0xB430]  }
0x2f1: {  	v10 =	vld [tilespmem:s25+$0xB410];
	s19 =	sor.u32 $0x1C50, s26;
	v3 =	vmul.f32 $3.200000000e+01, v3;
	[tilespmem:s14+$0x12000] =	vst v6  }
0x2f2: {  	v4 =	vmul.f32 $3.200000000e+01, v4;
	[tilespmem:s25+$0x13400] =	vst v7;
	v7 =	vld [tilespmem:s19+$0xA000]  }
0x2f3: {  	[tilespmem:s25+$0x13060] =	vst v3;
	v3 =	vld [tilespmem:s25+$0xB440]  }
0x2f4: {  	[tilespmem:s25+$0x13040] =	vst v4;
	v4 =	vld [tilespmem:s25+$0xB420];
	v8 =	vmul.f32 $3.200000000e+01, v9  }
0x2f5: {  	v5 =	vmul.f32 $3.200000000e+01, v5  }
0x2f6: {  	v9 =	vmul.f32 $3.200000000e+01, v10;
	[tilespmem:s25+$0x13070] =	vst v8;
	v8 =	vld [tilespmem:s25+$0xB450]  }
0x2f7: {  	[tilespmem:s25+$0x13430] =	vst v5;
	v6 =	vld [tilespmem:s25+$0xB460];
	v5 =	vmul.f32 $3.200000000e+01, v7  }
0x2f8: {  	[tilespmem:s25+$0x13410] =	vst v9;
	v9 =	vld [tilespmem:s25+$0xB470];
	v3 =	vmul.f32 $3.200000000e+01, v3  }
0x2f9: {  	v4 =	vmul.f32 $3.200000000e+01, v4;
	v10 =	vld [tilespmem:s25+$0xB800];
	s13 =	sor.u32 $0x1C60, s26;
	[tilespmem:s19+$0x12000] =	vst v5  }
0x2fa: {  	[tilespmem:s25+$0x13440] =	vst v3;
	v3 =	vld [tilespmem:s13+$0xA000]  }
0x2fb: {  	[tilespmem:s25+$0x13420] =	vst v4;
	v4 =	vld [tilespmem:s25+$0xB810];
	v7 =	vmul.f32 $3.200000000e+01, v8  }
0x2fc: {  	v6 =	vmul.f32 $3.200000000e+01, v6;
	v8 =	vld [tilespmem:s25+$0xB820]  }
0x2fd: {  	[tilespmem:s25+$0x13450] =	vst v7;
	v5 =	vld [tilespmem:s25+$0xB830];
	v7 =	vmul.f32 $3.200000000e+01, v9  }
0x2fe: {  	[tilespmem:s25+$0x13460] =	vst v6;
	v6 =	vld [tilespmem:s25+$0xB840];
	v9 =	vmul.f32 $3.200000000e+01, v10  }
0x2ff: {  	s29 =	simm.s32 $0xFFFFC800;
	s28 =	simm.s32 $0x0;
	s6 =	simm.s32 $0x100;
	[tilespmem:s25+$0x13470] =	vst v7;
	v7 =	vld [tilespmem:s25+$0xB850];
	v3 =	vmul.f32 $3.200000000e+01, v3  }
.LBB2_7:
0x300: {  	s14 =	sadd.s32 $0x4000, s29;
	p1 =	sne.s32 s6, $0x780;
	[tilespmem:s25+$0x13800] =	vst v9;
	v4 =	vmul.f32 $3.200000000e+01, v4;
	v9 =	vld [tilespmem:s25+$0xB860]  }
0x301: {  	s19 =	sand.u32 $0x380, s6;
	s14 =	sand.u32 $0x2000, s14;
	v8 =	vmul.f32 $3.200000000e+01, v8;
	v10 =	vld [tilespmem:s25+$0xB870];
	[tilespmem:s13+$0x12000] =	vst v3;
	s13 =	sor.u32 $0x1C70, s26  }
0x302: {  	s14 =	sor.u32 s19, s14;
	[tilespmem:s25+$0x13810] =	vst v4;
	v3 =	vmul.f32 $3.200000000e+01, v5;
	v4 =	vld [tilespmem:s13+$0xA000]  }
0x303: {  	v5 =	vld [tilespmem:s14+$0xA000];
	[tilespmem:s25+$0x13820] =	vst v8;
	v6 =	vmul.f32 $3.200000000e+01, v6  }
0x304: {  	v8 =	vld [tilespmem:s14+$0xA010];
	[tilespmem:s25+$0x13830] =	vst v3;
	v3 =	vmul.f32 $3.200000000e+01, v7  }
0x305: {  	s24 =	sadd.s32 $0x1, s24;
	v7 =	vld [tilespmem:s14+$0xA020];
	[tilespmem:s25+$0x13840] =	vst v6;
	v6 =	vmul.f32 $3.200000000e+01, v9  }
0x306: {  	s19 =	sand.u32 $0x7, s24;
	v9 =	vld [tilespmem:s14+$0xA030];
	[tilespmem:s25+$0x13850] =	vst v3;
	v3 =	vmul.f32 $3.200000000e+01, v10  }
0x307: {  	s28 =	sadd.s32 $0x400, s28;
	s19 =	sshll.u32 s19, $0x7;
	v10 =	vld [tilespmem:s14+$0xA040];
	[tilespmem:s25+$0x13860] =	vst v6;
	v4 =	vmul.f32 $3.200000000e+01, v4  }
0x308: {  	s26 =	sadd.s32 s19, s28;
	v5 =	vmul.f32 $3.200000000e+01, v5;
	v6 =	vld [tilespmem:s14+$0xA050];
	[tilespmem:s25+$0x13870] =	vst v3;
	s25 =	smov.u32 s14  }
0x309: {  	s14 =	sor.u32 $0x1C00, s26;
	v3 =	vmul.f32 $3.200000000e+01, v8;
	v8 =	vld [tilespmem:s25+$0xA060];
	[tilespmem:s13+$0x12000] =	vst v4  }
0x30a: {  	[tilespmem:s25+$0x12000] =	vst v5;
	v4 =	vmul.f32 $3.200000000e+01, v7;
	v5 =	vld [tilespmem:s14+$0xA000]  }
0x30b: {  	[tilespmem:s25+$0x12010] =	vst v3;
	v3 =	vmul.f32 $3.200000000e+01, v9;
	v7 =	vld [tilespmem:s25+$0xA070]  }
0x30c: {  	[tilespmem:s25+$0x12020] =	vst v4;
	v4 =	vmul.f32 $3.200000000e+01, v10;
	v9 =	vld [tilespmem:s25+$0xA400]  }
0x30d: {  	[tilespmem:s25+$0x12030] =	vst v3;
	v3 =	vmul.f32 $3.200000000e+01, v6;
	v6 =	vld [tilespmem:s25+$0xA410]  }
0x30e: {  	[tilespmem:s25+$0x12040] =	vst v4;
	v4 =	vmul.f32 $3.200000000e+01, v8;
	v8 =	vld [tilespmem:s25+$0xA420]  }
0x30f: {  	[tilespmem:s25+$0x12050] =	vst v3;
	v3 =	vld [tilespmem:s25+$0xA430];
	v5 =	vmul.f32 $3.200000000e+01, v5  }
0x310: {  	[tilespmem:s25+$0x12060] =	vst v4;
	v4 =	vmul.f32 $3.200000000e+01, v7;
	v7 =	vld [tilespmem:s25+$0xA440]  }
0x311: {  	s13 =	sor.u32 $0x1C10, s26;
	v9 =	vmul.f32 $3.200000000e+01, v9;
	v10 =	vld [tilespmem:s25+$0xA450];
	[tilespmem:s14+$0x12000] =	vst v5  }
0x312: {  	[tilespmem:s25+$0x12070] =	vst v4;
	v4 =	vmul.f32 $3.200000000e+01, v6;
	v5 =	vld [tilespmem:s13+$0xA000]  }
0x313: {  	[tilespmem:s25+$0x12400] =	vst v9;
	v6 =	vmul.f32 $3.200000000e+01, v8;
	v8 =	vld [tilespmem:s25+$0xA460]  }
0x314: {  	[tilespmem:s25+$0x12410] =	vst v4;
	v3 =	vmul.f32 $3.200000000e+01, v3;
	v4 =	vld [tilespmem:s25+$0xA470]  }
0x315: {  	[tilespmem:s25+$0x12420] =	vst v6;
	v6 =	vmul.f32 $3.200000000e+01, v7;
	v7 =	vld [tilespmem:s25+$0xA800]  }
0x316: {  	[tilespmem:s25+$0x12430] =	vst v3;
	v3 =	vmul.f32 $3.200000000e+01, v10;
	v9 =	vld [tilespmem:s25+$0xA810]  }
0x317: {  	[tilespmem:s25+$0x12440] =	vst v6;
	v6 =	vld [tilespmem:s25+$0xA820];
	v5 =	vmul.f32 $3.200000000e+01, v5  }
0x318: {  	[tilespmem:s25+$0x12450] =	vst v3;
	v3 =	vmul.f32 $3.200000000e+01, v8;
	v8 =	vld [tilespmem:s25+$0xA830]  }
0x319: {  	v4 =	vmul.f32 $3.200000000e+01, v4;
	v10 =	vld [tilespmem:s25+$0xA840];
	[tilespmem:s13+$0x12000] =	vst v5;
	s13 =	sor.u32 $0x1C20, s26  }
0x31a: {  	[tilespmem:s25+$0x12460] =	vst v3;
	v3 =	vmul.f32 $3.200000000e+01, v7;
	v5 =	vld [tilespmem:s13+$0xA000]  }
0x31b: {  	[tilespmem:s25+$0x12470] =	vst v4;
	v4 =	vmul.f32 $3.200000000e+01, v9;
	v7 =	vld [tilespmem:s25+$0xA850]  }
0x31c: {  	[tilespmem:s25+$0x12800] =	vst v3;
	v3 =	vmul.f32 $3.200000000e+01, v6;
	v6 =	vld [tilespmem:s25+$0xA860]  }
0x31d: {  	[tilespmem:s25+$0x12810] =	vst v4;
	v4 =	vmul.f32 $3.200000000e+01, v8;
	v8 =	vld [tilespmem:s25+$0xA870]  }
0x31e: {  	[tilespmem:s25+$0x12820] =	vst v3;
	v3 =	vmul.f32 $3.200000000e+01, v10;
	v9 =	vld [tilespmem:s25+$0xAC00]  }
0x31f: {  	[tilespmem:s25+$0x12830] =	vst v4;
	v4 =	vld [tilespmem:s25+$0xAC10];
	v5 =	vmul.f32 $3.200000000e+01, v5  }
0x320: {  	[tilespmem:s25+$0x12840] =	vst v3;
	v3 =	vmul.f32 $3.200000000e+01, v7;
	v7 =	vld [tilespmem:s25+$0xAC20]  }
0x321: {  	v6 =	vmul.f32 $3.200000000e+01, v6;
	v10 =	vld [tilespmem:s25+$0xAC30];
	[tilespmem:s13+$0x12000] =	vst v5;
	s13 =	sor.u32 $0x1C30, s26  }
0x322: {  	[tilespmem:s25+$0x12850] =	vst v3;
	v3 =	vmul.f32 $3.200000000e+01, v8;
	v5 =	vld [tilespmem:s13+$0xA000]  }
0x323: {  	[tilespmem:s25+$0x12860] =	vst v6;
	v6 =	vmul.f32 $3.200000000e+01, v9;
	v8 =	vld [tilespmem:s25+$0xAC40]  }
0x324: {  	[tilespmem:s25+$0x12870] =	vst v3;
	v3 =	vmul.f32 $3.200000000e+01, v4;
	v4 =	vld [tilespmem:s25+$0xAC50]  }
0x325: {  	[tilespmem:s25+$0x12C00] =	vst v6;
	v6 =	vmul.f32 $3.200000000e+01, v7;
	v7 =	vld [tilespmem:s25+$0xAC60]  }
0x326: {  	[tilespmem:s25+$0x12C10] =	vst v3;
	v3 =	vmul.f32 $3.200000000e+01, v10;
	v9 =	vld [tilespmem:s25+$0xAC70]  }
0x327: {  	[tilespmem:s25+$0x12C20] =	vst v6;
	v6 =	vld [tilespmem:s25+$0xB000];
	v5 =	vmul.f32 $3.200000000e+01, v5  }
0x328: {  	[tilespmem:s25+$0x12C30] =	vst v3;
	v3 =	vmul.f32 $3.200000000e+01, v8;
	v8 =	vld [tilespmem:s25+$0xB010]  }
0x329: {  	v4 =	vmul.f32 $3.200000000e+01, v4;
	v10 =	vld [tilespmem:s25+$0xB020];
	[tilespmem:s13+$0x12000] =	vst v5;
	s13 =	sor.u32 $0x1C40, s26  }
0x32a: {  	[tilespmem:s25+$0x12C40] =	vst v3;
	v3 =	vmul.f32 $3.200000000e+01, v7;
	v5 =	vld [tilespmem:s13+$0xA000]  }
0x32b: {  	[tilespmem:s25+$0x12C50] =	vst v4;
	v4 =	vmul.f32 $3.200000000e+01, v9;
	v7 =	vld [tilespmem:s25+$0xB030]  }
0x32c: {  	[tilespmem:s25+$0x12C60] =	vst v3;
	v3 =	vmul.f32 $3.200000000e+01, v6;
	v6 =	vld [tilespmem:s25+$0xB040]  }
0x32d: {  	[tilespmem:s25+$0x12C70] =	vst v4;
	v4 =	vmul.f32 $3.200000000e+01, v8;
	v8 =	vld [tilespmem:s25+$0xB050]  }
0x32e: {  	[tilespmem:s25+$0x13000] =	vst v3;
	v3 =	vmul.f32 $3.200000000e+01, v10;
	v9 =	vld [tilespmem:s25+$0xB060]  }
0x32f: {  	[tilespmem:s25+$0x13010] =	vst v4;
	v4 =	vld [tilespmem:s25+$0xB070];
	v5 =	vmul.f32 $3.200000000e+01, v5  }
0x330: {  	[tilespmem:s25+$0x13020] =	vst v3;
	v3 =	vmul.f32 $3.200000000e+01, v7;
	v7 =	vld [tilespmem:s25+$0xB400]  }
0x331: {  	v6 =	vmul.f32 $3.200000000e+01, v6;
	v10 =	vld [tilespmem:s25+$0xB410];
	[tilespmem:s13+$0x12000] =	vst v5;
	s13 =	sor.u32 $0x1C50, s26  }
0x332: {  	[tilespmem:s25+$0x13030] =	vst v3;
	v3 =	vmul.f32 $3.200000000e+01, v8;
	v5 =	vld [tilespmem:s13+$0xA000]  }
0x333: {  	[tilespmem:s25+$0x13040] =	vst v6;
	v6 =	vmul.f32 $3.200000000e+01, v9;
	v8 =	vld [tilespmem:s25+$0xB420]  }
0x334: {  	[tilespmem:s25+$0x13050] =	vst v3;
	v3 =	vmul.f32 $3.200000000e+01, v4;
	v4 =	vld [tilespmem:s25+$0xB430]  }
0x335: {  	[tilespmem:s25+$0x13060] =	vst v6;
	v6 =	vmul.f32 $3.200000000e+01, v7;
	v7 =	vld [tilespmem:s25+$0xB440]  }
0x336: {  	[tilespmem:s25+$0x13070] =	vst v3;
	v3 =	vmul.f32 $3.200000000e+01, v10;
	v9 =	vld [tilespmem:s25+$0xB450]  }
0x337: {  	[tilespmem:s25+$0x13400] =	vst v6;
	v6 =	vld [tilespmem:s25+$0xB460];
	v5 =	vmul.f32 $3.200000000e+01, v5  }
0x338: {  	[tilespmem:s25+$0x13410] =	vst v3;
	v3 =	vmul.f32 $3.200000000e+01, v8;
	v10 =	vld [tilespmem:s25+$0xB470]  }
0x339: {  	v4 =	vmul.f32 $3.200000000e+01, v4;
	v11 =	vld [tilespmem:s25+$0xB800];
	[tilespmem:s13+$0x12000] =	vst v5;
	s13 =	sor.u32 $0x1C60, s26  }
0x33a: {  	[tilespmem:s25+$0x13420] =	vst v3;
	v3 =	vmul.f32 $3.200000000e+01, v7;
	v12 =	vld [tilespmem:s13+$0xA000]  }
.Ltmp2:
0x33b: {  	[tilespmem:s25+$0x13430] =	vst v4;
	v5 =	vmul.f32 $3.200000000e+01, v9;
	v4 =	vld [tilespmem:s25+$0xB810];
	(pc) =	sbr.rel @p1 .LBB2_7-.Ltmp2, $4  }
0x33c: {  	[tilespmem:s25+$0x13440] =	vst v3;
	v3 =	vmul.f32 $3.200000000e+01, v6;
	v8 =	vld [tilespmem:s25+$0xB820]  }
0x33d: {  	[tilespmem:s25+$0x13450] =	vst v5;
	v7 =	vmul.f32 $3.200000000e+01, v10;
	v5 =	vld [tilespmem:s25+$0xB830]  }
0x33e: {  	[tilespmem:s25+$0x13460] =	vst v3;
	v9 =	vmul.f32 $3.200000000e+01, v11;
	v6 =	vld [tilespmem:s25+$0xB840]  }
0x33f: {  	s29 =	sadd.s32 $0x400, s29;
	s6 =	sadd.s32 $0x80, s6;
	[tilespmem:s25+$0x13470] =	vst v7;
	v7 =	vld [tilespmem:s25+$0xB850];
	v3 =	vmul.f32 $3.200000000e+01, v12  }
0x340: {  	[tilespmem:s25+$0x13800] =	vst v9;
	v4 =	vmul.f32 $3.200000000e+01, v4;
	v9 =	vld [tilespmem:s25+$0xB860]  }
0x341: {  	v10 =	vld [tilespmem:s25+$0xB870];
	v8 =	vmul.f32 $3.200000000e+01, v8  }
0x342: {  	[tilespmem:s25+$0x13810] =	vst v4;
	v4 =	vmul.f32 $3.200000000e+01, v5  }
0x343: {  	[tilespmem:s25+$0x13820] =	vst v8;
	v5 =	vmul.f32 $3.200000000e+01, v6  }
0x344: {  	s6 =	sadd.s32 $0x1, s24;
	[tilespmem:s25+$0x13830] =	vst v4;
	v4 =	vmul.f32 $3.200000000e+01, v7  }
0x345: {  	s6 =	sand.u32 $0x7, s6;
	[tilespmem:s25+$0x13840] =	vst v5;
	v5 =	vmul.f32 $3.200000000e+01, v9  }
0x346: {  	s14 =	sadd.s32 $0x400, s28;
	s6 =	sshll.u32 s6, $0x7;
	[tilespmem:s25+$0x13850] =	vst v4;
	v4 =	vmul.f32 $3.200000000e+01, v10  }
0x347: {  	s6 =	sadd.s32 s6, s14;
	[tilespmem:s25+$0x13860] =	vst v5  }
0x348: {  	s14 =	sor.u32 $0x1C00, s6;
	[tilespmem:s25+$0x13870] =	vst v4  }
0x349: {  	v4 =	vld [tilespmem:s14+$0xA000];
	_ =	sdelay $0x4  }
0x34a: {  	v4 =	vmul.f32 $3.200000000e+01, v4;
	_ =	sdelay $0x1  }
0x34b: {  	s24 =	sor.u32 $0x1C10, s6;
	[tilespmem:s14+$0x12000] =	vst v4  }
0x34c: {  	v4 =	vld [tilespmem:s24+$0xA000];
	_ =	sdelay $0x4  }
0x34d: {  	v4 =	vmul.f32 $3.200000000e+01, v4;
	_ =	sdelay $0x1  }
0x34e: {  	s25 =	sor.u32 $0x1C20, s6;
	[tilespmem:s24+$0x12000] =	vst v4  }
0x34f: {  	v4 =	vld [tilespmem:s25+$0xA000];
	_ =	sdelay $0x4  }
0x350: {  	v4 =	vmul.f32 $3.200000000e+01, v4;
	_ =	sdelay $0x1  }
0x351: {  	s29 =	sor.u32 $0x1C30, s6;
	[tilespmem:s25+$0x12000] =	vst v4  }
0x352: {  	v4 =	vld [tilespmem:s29+$0xA000];
	_ =	sdelay $0x4  }
0x353: {  	v4 =	vmul.f32 $3.200000000e+01, v4;
	_ =	sdelay $0x1  }
0x354: {  	s19 =	sor.u32 $0x1C40, s6;
	[tilespmem:s29+$0x12000] =	vst v4  }
0x355: {  	v4 =	vld [tilespmem:s19+$0xA000];
	_ =	sdelay $0x4  }
0x356: {  	v4 =	vmul.f32 $3.200000000e+01, v4;
	_ =	sdelay $0x1  }
0x357: {  	s24 =	sor.u32 $0x1C50, s6;
	[tilespmem:s19+$0x12000] =	vst v4  }
0x358: {  	v4 =	vld [tilespmem:s24+$0xA000];
	_ =	sdelay $0x4  }
0x359: {  	v4 =	vmul.f32 $3.200000000e+01, v4;
	_ =	sdelay $0x1  }
0x35a: {  	s25 =	sor.u32 $0x1C60, s6;
	[tilespmem:s24+$0x12000] =	vst v4  }
0x35b: {  	v4 =	vld [tilespmem:s25+$0xA000];
	_ =	sdelay $0x4  }
0x35c: {  	v4 =	vmul.f32 $3.200000000e+01, v4  }
0x35d: {  	[tilespmem:s13+$0x12000] =	vst v3;
	s29 =	sor.u32 $0x1C70, s26  }
0x35e: {  	s6 =	sor.u32 $0x1C70, s6;
	v3 =	vld [tilespmem:s29+$0xA000];
	[tilespmem:s25+$0x12000] =	vst v4  }
0x35f: {  	v4 =	vld [tilespmem:s6+$0xA000];
	_ =	sdelay $0x3  }
0x360: {  	v3 =	vmul.f32 $3.200000000e+01, v3  }
0x361: {  	v4 =	vmul.f32 $3.200000000e+01, v4  }
0x362: {  	[tilespmem:s29+$0x12000] =	vst v3  }
0x363: {  	[tilespmem:s6+$0x12000] =	vst v4  }
0x364: {  	v3 =	vld @!p0 [tilespmem:s22+$0x300];
	_ =	sdelay $0x4  }
0x365: {  	v4 =	vshll.u32 @!p0 v3, $0x3  }
0x366: {  	v5 =	vlaneseq.u32 @!p0;
	v3 =	vand.u32 @!p0 $0x7, v3;
	v4 =	vand.u32 @!p0 $0xFFFFFFC0, v4  }
0x367: {  	v6 =	vshrl.u32 @!p0 v5, $0x3;
	v3 =	vor.u32 @!p0 v3, v4;
	v4 =	vand.u32 @!p0 $0x7, v5  }
0x368: {  	v6 =	vmul.u32 @!p0 $0x8, v6;
	v4 =	vperm.xlane @!p0 v3, v4;
	_ =	sdelay $0x1  }
0x369: {  	v4 =	vadd.s32 @!p0 v6, v4;
	_ =	sdelay $0x3  }
0x36a: {  	s13 =	simm.s32 @!p0 $0xA000;
	s6 =	simm.s32 @!p0 $0x0  }
0x36b: {  	v5 =	vor.u32 @!p0 $0x8, v5;
	[tilespmem:s13], [sflag:$0x3] =	stream.indirect_vreg.gather @!p0 [hbm4b:s2+s6], $0x80, v4, vm1, $0xb8;
	[tilespmem:$0x1A000] =	vst v63  }
0x36c: {  	v3 =	vperm.xlane @!p0 v3, v5;
	s13 =	simm.s32 @!p0 $0xA800  }
0x36d: {  	[tilespmem:s13], [sflag:$0x3] =	stream.indirect_vreg.gather @!p0 [hbm4b:s7+s6], $0x80, v4, vm1, $0xb8;
	[tilespmem:$0x1A000] =	vst v63  }
0x36e: {  	v3 =	vadd.s32 @!p0 v6, v3;
	s13 =	simm.s32 @!p0 $0xB000  }
0x36f: {  	[tilespmem:s13], [sflag:$0x3] =	stream.indirect_vreg.gather @!p0 [hbm4b:s8+s6], $0x80, v4, vm1, $0xb8;
	[tilespmem:$0x1A000] =	vst v63  }
0x370: {  	s13 =	simm.s32 @!p0 $0xB800  }
0x371: {  	[tilespmem:s13], [sflag:$0x3] =	stream.indirect_vreg.gather @!p0 [hbm4b:s9+s6], $0x80, v4, vm1, $0xb8;
	[tilespmem:$0x1A000] =	vst v63  }
0x372: {  	s13 =	simm.s32 @!p0 $0xC000  }
0x373: {  	[tilespmem:s13], [sflag:$0x3] =	stream.indirect_vreg.gather @!p0 [hbm4b:s2+s6], $0x80, v3, vm1, $0xb8;
	[tilespmem:$0x1A000] =	vst v63  }
0x374: {  	s13 =	simm.s32 @!p0 $0xC800  }
0x375: {  	[tilespmem:s13], [sflag:$0x3] =	stream.indirect_vreg.gather @!p0 [hbm4b:s7+s6], $0x80, v3, vm1, $0xb8;
	[tilespmem:$0x1A000] =	vst v63  }
0x376: {  	s13 =	simm.s32 @!p0 $0xD000  }
0x377: {  	[tilespmem:s13], [sflag:$0x3] =	stream.indirect_vreg.gather @!p0 [hbm4b:s8+s6], $0x80, v3, vm1, $0xb8;
	[tilespmem:$0x1A000] =	vst v63  }
0x378: {  	s13 =	simm.s32 @!p0 $0xD800  }
0x379: {  	[tilespmem:s13], [sflag:$0x3] =	stream.indirect_vreg.gather @!p0 [hbm4b:s9+s6], $0x80, v3, vm1, $0xb8;
	[tilespmem:$0x1A000] =	vst v63  }
0x37a: {  	s13 =	sadd.s32 s23, s11;
	s23 =	simm.s32 $0x0  }
0x37b: {  	[hbm4b:s13+s23] =	stream.linear.scatter [tilespmem:s31], [sflag:$0x5], $0x4000, $0x38;
	[tilespmem:$0x1A000] =	vst v63  }
0x37c: {  	_ =	swait.ge [sflag:s17], $0x4000  }
0x37d: {  	[sflag:s17] =	ssyncset.done $0x0  }
0x37e: {  	[sflag:s17] =	ssyncadd.s32 $0xFFFFC000  }
0x37f: {  	s14 =	simm.s32 $0x0;
	_ =	swait.ge [sflag:s18], $0x4000  }
0x380: {  	s6 =	sand.u32 $0x2000, s14;
	s19 =	sand.u32 $0x380, s23;
	[sflag:s18] =	ssyncset.done $0x0  }
0x381: {  	s6 =	sor.u32 s19, s6;
	[sflag:s18] =	ssyncadd.s32 $0xFFFFC000  }
0x382: {  	v3 =	vld [tilespmem:s6+$0xE000]  }
0x383: {  	v4 =	vld [tilespmem:s6+$0xE010]  }
0x384: {  	v5 =	vld [tilespmem:s6+$0xE020]  }
0x385: {  	v6 =	vld [tilespmem:s6+$0xE030]  }
0x386: {  	v7 =	vld [tilespmem:s6+$0xE040]  }
0x387: {  	v8 =	vld [tilespmem:s6+$0xE050];
	v3 =	vmul.f32 $3.200000000e+01, v3  }
0x388: {  	v9 =	vld [tilespmem:s6+$0xE060];
	v4 =	vmul.f32 $3.200000000e+01, v4  }
0x389: {  	s24 =	simm.s32 $0x80;
	s25 =	simm.s32 $0x400;
	v10 =	vld [tilespmem:s6+$0xE070];
	[tilespmem:s6+$0x16000] =	vst v3;
	v3 =	vmul.f32 $3.200000000e+01, v5  }
0x38a: {  	s14 =	sand.u32 $0x2000, s25;
	s13 =	sand.u32 $0x380, s24;
	v11 =	vld [tilespmem:s6+$0xE400];
	[tilespmem:s6+$0x16010] =	vst v4;
	v4 =	vmul.f32 $3.200000000e+01, v6  }
0x38b: {  	s24 =	sor.u32 s13, s14;
	v12 =	vld [tilespmem:s6+$0xE410];
	[tilespmem:s6+$0x16020] =	vst v3;
	v3 =	vmul.f32 $3.200000000e+01, v7  }
0x38c: {  	v61 =	vld [tilespmem:s24+$0xE060];
	[tilespmem:s6+$0x16030] =	vst v4;
	v4 =	vmul.f32 $3.200000000e+01, v8  }
0x38d: {  	v5 =	vld [tilespmem:s6+$0xE420];
	[tilespmem:s6+$0x16040] =	vst v3;
	v3 =	vmul.f32 $3.200000000e+01, v9  }
0x38e: {  	v6 =	vld [tilespmem:s6+$0xE430];
	[tilespmem:s6+$0x16050] =	vst v4;
	v4 =	vmul.f32 $3.200000000e+01, v10  }
0x38f: {  	v62 =	vld [tilespmem:s6+$0xF460];
	[tilespmem:s6+$0x16060] =	vst v3;
	v3 =	vmul.f32 $3.200000000e+01, v11  }
0x390: {  	v7 =	vld [tilespmem:s6+$0xE440];
	[tilespmem:s6+$0x16070] =	vst v4;
	v4 =	vmul.f32 $3.200000000e+01, v12  }
0x391: {  	v8 =	vld [tilespmem:s6+$0xE450];
	v12 =	vmul.f32 $3.200000000e+01, v61;
	[tilespmem:s6+$0x16400] =	vst v3  }
0x392: {  	v9 =	vld [tilespmem:s6+$0xE460];
	v3 =	vmul.f32 $3.200000000e+01, v5;
	[tilespmem:s6+$0x16410] =	vst v4  }
0x393: {  	v10 =	vld [tilespmem:s6+$0xE470];
	v4 =	vmul.f32 $3.200000000e+01, v6;
	[tilespmem:s24+$0x16060] =	vst v12  }
0x394: {  	v11 =	vld [tilespmem:s6+$0xE800];
	v12 =	vmul.f32 $3.200000000e+01, v62;
	[tilespmem:s6+$0x16420] =	vst v3  }
0x395: {  	v57 =	vld [tilespmem:s6+$0xE810];
	v3 =	vmul.f32 $3.200000000e+01, v7;
	[tilespmem:s6+$0x16430] =	vst v4  }
0x396: {  	v5 =	vld [tilespmem:s6+$0xE820];
	v4 =	vmul.f32 $3.200000000e+01, v8;
	[tilespmem:s6+$0x17460] =	vst v12  }
0x397: {  	v6 =	vld [tilespmem:s6+$0xE830];
	[tilespmem:s6+$0x16440] =	vst v3;
	v3 =	vmul.f32 $3.200000000e+01, v9  }
0x398: {  	v7 =	vld [tilespmem:s6+$0xE840];
	[tilespmem:s6+$0x16450] =	vst v4;
	v4 =	vmul.f32 $3.200000000e+01, v10  }
0x399: {  	v8 =	vld [tilespmem:s6+$0xE850];
	[tilespmem:s6+$0x16460] =	vst v3;
	v3 =	vmul.f32 $3.200000000e+01, v11  }
0x39a: {  	v9 =	vld [tilespmem:s6+$0xE860];
	[tilespmem:s6+$0x16470] =	vst v4;
	v4 =	vmul.f32 $3.200000000e+01, v57  }
0x39b: {  	v10 =	vld [tilespmem:s6+$0xE870];
	[tilespmem:s6+$0x16800] =	vst v3;
	v3 =	vmul.f32 $3.200000000e+01, v5  }
0x39c: {  	v11 =	vld [tilespmem:s6+$0xEC00];
	[tilespmem:s6+$0x16810] =	vst v4;
	v4 =	vmul.f32 $3.200000000e+01, v6  }
0x39d: {  	v58 =	vld [tilespmem:s6+$0xEC10];
	[tilespmem:s6+$0x16820] =	vst v3;
	v3 =	vmul.f32 $3.200000000e+01, v7  }
0x39e: {  	v5 =	vld [tilespmem:s6+$0xEC20];
	[tilespmem:s6+$0x16830] =	vst v4;
	v4 =	vmul.f32 $3.200000000e+01, v8  }
0x39f: {  	v6 =	vld [tilespmem:s6+$0xEC30];
	[tilespmem:s6+$0x16840] =	vst v3;
	v3 =	vmul.f32 $3.200000000e+01, v9  }
0x3a0: {  	v7 =	vld [tilespmem:s6+$0xEC40];
	[tilespmem:s6+$0x16850] =	vst v4;
	v4 =	vmul.f32 $3.200000000e+01, v10  }
0x3a1: {  	v8 =	vld [tilespmem:s6+$0xEC50];
	[tilespmem:s6+$0x16860] =	vst v3;
	v3 =	vmul.f32 $3.200000000e+01, v11  }
0x3a2: {  	v9 =	vld [tilespmem:s6+$0xEC60];
	[tilespmem:s6+$0x16870] =	vst v4;
	v4 =	vmul.f32 $3.200000000e+01, v58  }
0x3a3: {  	v10 =	vld [tilespmem:s6+$0xEC70];
	[tilespmem:s6+$0x16C00] =	vst v3;
	v3 =	vmul.f32 $3.200000000e+01, v5  }
0x3a4: {  	v11 =	vld [tilespmem:s6+$0xF000];
	[tilespmem:s6+$0x16C10] =	vst v4;
	v4 =	vmul.f32 $3.200000000e+01, v6  }
0x3a5: {  	v59 =	vld [tilespmem:s6+$0xF010];
	[tilespmem:s6+$0x16C20] =	vst v3;
	v3 =	vmul.f32 $3.200000000e+01, v7  }
0x3a6: {  	[tilespmem:s6+$0x16C30] =	vst v4;
	v4 =	vmul.f32 $3.200000000e+01, v8;
	v8 =	vld [tilespmem:s6+$0xF050]  }
0x3a7: {  	v5 =	vld [tilespmem:s6+$0xF020];
	[tilespmem:s6+$0x16C40] =	vst v3;
	v3 =	vmul.f32 $3.200000000e+01, v9  }
0x3a8: {  	v6 =	vld [tilespmem:s6+$0xF030];
	[tilespmem:s6+$0x16C50] =	vst v4;
	v4 =	vmul.f32 $3.200000000e+01, v10  }
0x3a9: {  	v9 =	vld [tilespmem:s6+$0xF060];
	[tilespmem:s6+$0x16C60] =	vst v3;
	v3 =	vmul.f32 $3.200000000e+01, v11  }
0x3aa: {  	v10 =	vld [tilespmem:s6+$0xF070];
	[tilespmem:s6+$0x16C70] =	vst v4;
	v4 =	vmul.f32 $3.200000000e+01, v59  }
0x3ab: {  	v7 =	vld [tilespmem:s6+$0xF040];
	v8 =	vmul.f32 $3.200000000e+01, v8;
	[tilespmem:s6+$0x17000] =	vst v3  }
0x3ac: {  	v11 =	vld [tilespmem:s24+$0xE000];
	v3 =	vmul.f32 $3.200000000e+01, v5;
	[tilespmem:s6+$0x17010] =	vst v4  }
0x3ad: {  	v60 =	vld [tilespmem:s24+$0xE010];
	v4 =	vmul.f32 $3.200000000e+01, v6;
	[tilespmem:s6+$0x17050] =	vst v8  }
0x3ae: {  	v6 =	vld [tilespmem:s24+$0xE030];
	v9 =	vmul.f32 $3.200000000e+01, v9;
	[tilespmem:s6+$0x17020] =	vst v3  }
0x3af: {  	v5 =	vld [tilespmem:s24+$0xE020];
	v10 =	vmul.f32 $3.200000000e+01, v10;
	[tilespmem:s6+$0x17030] =	vst v4  }
0x3b0: {  	v3 =	vmul.f32 $3.200000000e+01, v7;
	v7 =	vld [tilespmem:s24+$0xE040];
	[tilespmem:s6+$0x17060] =	vst v9  }
0x3b1: {  	v4 =	vmul.f32 $3.200000000e+01, v11;
	v11 =	vld [tilespmem:s24+$0xE050];
	[tilespmem:s6+$0x17070] =	vst v10  }
0x3b2: {  	v10 =	vld [tilespmem:s24+$0xE410];
	[tilespmem:s6+$0x17040] =	vst v3;
	v3 =	vmul.f32 $3.200000000e+01, v60  }
0x3b3: {  	[tilespmem:s24+$0x16000] =	vst v4;
	v4 =	vld [tilespmem:s6+$0xF400];
	v6 =	vmul.f32 $3.200000000e+01, v6  }
0x3b4: {  	v5 =	vmul.f32 $3.200000000e+01, v5;
	[tilespmem:s24+$0x16010] =	vst v3;
	v3 =	vld [tilespmem:s6+$0xF410]  }
0x3b5: {  	[tilespmem:s24+$0x16030] =	vst v6;
	v6 =	vld [tilespmem:s6+$0xF430];
	v7 =	vmul.f32 $3.200000000e+01, v7  }
0x3b6: {  	[tilespmem:s24+$0x16020] =	vst v5;
	v5 =	vld [tilespmem:s6+$0xF420];
	v11 =	vmul.f32 $3.200000000e+01, v11  }
0x3b7: {  	v9 =	vld [tilespmem:s24+$0xE400];
	v10 =	vmul.f32 $3.200000000e+01, v10;
	[tilespmem:s24+$0x16040] =	vst v7  }
0x3b8: {  	v7 =	vld [tilespmem:s6+$0xF440];
	v4 =	vmul.f32 $3.200000000e+01, v4;
	[tilespmem:s24+$0x16050] =	vst v11  }
0x3b9: {  	v8 =	vld [tilespmem:s24+$0xE070];
	[tilespmem:s24+$0x16410] =	vst v10;
	v3 =	vmul.f32 $3.200000000e+01, v3  }
0x3ba: {  	v11 =	vld [tilespmem:s6+$0xF450];
	[tilespmem:s6+$0x17400] =	vst v4;
	v6 =	vmul.f32 $3.200000000e+01, v6  }
0x3bb: {  	v4 =	vld [tilespmem:s24+$0xE420];
	[tilespmem:s6+$0x17410] =	vst v3;
	v3 =	vmul.f32 $3.200000000e+01, v5  }
0x3bc: {  	v5 =	vld [tilespmem:s24+$0xE430];
	[tilespmem:s6+$0x17430] =	vst v6;
	v6 =	vmul.f32 $3.200000000e+01, v9  }
0x3bd: {  	v9 =	vld [tilespmem:s24+$0xE450];
	v7 =	vmul.f32 $3.200000000e+01, v7;
	[tilespmem:s6+$0x17420] =	vst v3  }
0x3be: {  	v3 =	vmul.f32 $3.200000000e+01, v8;
	v8 =	vld [tilespmem:s24+$0xE440];
	[tilespmem:s24+$0x16400] =	vst v6  }
0x3bf: {  	v11 =	vmul.f32 $3.200000000e+01, v11;
	v6 =	vld [tilespmem:s6+$0xF800];
	[tilespmem:s6+$0x17440] =	vst v7  }
0x3c0: {  	[tilespmem:s24+$0x16070] =	vst v3;
	v3 =	vld [tilespmem:s6+$0xF470];
	v4 =	vmul.f32 $3.200000000e+01, v4  }
0x3c1: {  	v10 =	vld [tilespmem:s6+$0xF810];
	[tilespmem:s6+$0x17450] =	vst v11;
	v5 =	vmul.f32 $3.200000000e+01, v5  }
0x3c2: {  	[tilespmem:s24+$0x16420] =	vst v4;
	v4 =	vld [tilespmem:s6+$0xF820];
	v9 =	vmul.f32 $3.200000000e+01, v9  }
0x3c3: {  	v7 =	vld [tilespmem:s24+$0xE460];
	[tilespmem:s24+$0x16430] =	vst v5;
	v8 =	vmul.f32 $3.200000000e+01, v8  }
0x3c4: {  	v11 =	vld [tilespmem:s24+$0xE470];
	v6 =	vmul.f32 $3.200000000e+01, v6;
	[tilespmem:s24+$0x16450] =	vst v9  }
0x3c5: {  	v63 =	vld [tilespmem:s24+$0xE800];
	v3 =	vmul.f32 $3.200000000e+01, v3;
	[tilespmem:s24+$0x16440] =	vst v8  }
0x3c6: {  	v5 =	vld [tilespmem:s6+$0xF830];
	[tilespmem:s6+$0x17800] =	vst v6;
	v6 =	vmul.f32 $3.200000000e+01, v10  }
0x3c7: {  	v9 =	vld [tilespmem:s6+$0xF850];
	[tilespmem:s6+$0x17470] =	vst v3;
	v4 =	vmul.f32 $3.200000000e+01, v4  }
0x3c8: {  	v3 =	vld [tilespmem:s24+$0xE810];
	[tilespmem:s6+$0x17810] =	vst v6;
	v6 =	vmul.f32 $3.200000000e+01, v7  }
0x3c9: {  	v8 =	vld [tilespmem:s6+$0xF840];
	[tilespmem:s6+$0x17820] =	vst v4;
	v4 =	vmul.f32 $3.200000000e+01, v11  }
0x3ca: {  	v10 =	vld [tilespmem:s24+$0xE820];
	[tilespmem:s24+$0x16460] =	vst v6;
	v6 =	vmul.f32 $3.200000000e+01, v63  }
0x3cb: {  	v5 =	vmul.f32 $3.200000000e+01, v5;
	[tilespmem:s24+$0x16470] =	vst v4;
	v4 =	vld [tilespmem:s6+$0xF860]  }
0x3cc: {  	v9 =	vmul.f32 $3.200000000e+01, v9;
	[tilespmem:s24+$0x16800] =	vst v6;
	v6 =	vld [tilespmem:s6+$0xF870]  }
0x3cd: {  	v7 =	vld [tilespmem:s24+$0xE830];
	[tilespmem:s6+$0x17830] =	vst v5;
	v3 =	vmul.f32 $3.200000000e+01, v3  }
0x3ce: {  	v8 =	vmul.f32 $3.200000000e+01, v8;
	[tilespmem:s6+$0x17850] =	vst v9  }
0x3cf: {  	[tilespmem:s24+$0x16810] =	vst v3;
	v3 =	vmul.f32 $3.200000000e+01, v10  }
0x3d0: {  	s26 =	sand.u32 $0x7, s23;
	[tilespmem:s6+$0x17840] =	vst v8;
	v4 =	vmul.f32 $3.200000000e+01, v4  }
0x3d1: {  	s13 =	sshll.u32 s26, $0x7;
	[tilespmem:s24+$0x16820] =	vst v3;
	v3 =	vmul.f32 $3.200000000e+01, v6  }
0x3d2: {  	s25 =	sadd.s32 $0x0, s13;
	v7 =	vmul.f32 $3.200000000e+01, v7;
	[tilespmem:s6+$0x17860] =	vst v4  }
0x3d3: {  	s29 =	sor.u32 $0x1C00, s25;
	[tilespmem:s6+$0x17870] =	vst v3  }
0x3d4: {  	[tilespmem:s24+$0x16830] =	vst v7;
	v7 =	vld [tilespmem:s29+$0xE000];
	_ =	sdelay $0x1  }
0x3d5: {  	v8 =	vld [tilespmem:s24+$0xE860]  }
0x3d6: {  	v11 =	vld [tilespmem:s24+$0xE840];
	_ =	sdelay $0x1  }
0x3d7: {  	v7 =	vmul.f32 $3.200000000e+01, v7;
	_ =	sdelay $0x1  }
0x3d8: {  	s13 =	sor.u32 $0x1C10, s25;
	v8 =	vmul.f32 $3.200000000e+01, v8;
	v3 =	vld [tilespmem:s24+$0xEC10];
	[tilespmem:s29+$0x16000] =	vst v7  }
0x3d9: {  	v6 =	vmul.f32 $3.200000000e+01, v11;
	v7 =	vld [tilespmem:s13+$0xE000]  }
0x3da: {  	[tilespmem:s24+$0x16860] =	vst v8;
	v8 =	vld [tilespmem:s24+$0xEC40]  }
0x3db: {  	[tilespmem:s24+$0x16840] =	vst v6;
	v6 =	vld [tilespmem:s24+$0xEC20];
	_ =	sdelay $0x1  }
0x3dc: {  	v3 =	vmul.f32 $3.200000000e+01, v3  }
0x3dd: {  	v5 =	vld [tilespmem:s24+$0xE850];
	v7 =	vmul.f32 $3.200000000e+01, v7  }
0x3de: {  	v8 =	vmul.f32 $3.200000000e+01, v8;
	[tilespmem:s24+$0x16C10] =	vst v3;
	v3 =	vld [tilespmem:s24+$0xEC70]  }
0x3df: {  	s14 =	sor.u32 $0x1C20, s25;
	v9 =	vld [tilespmem:s24+$0xE870];
	v6 =	vmul.f32 $3.200000000e+01, v6;
	[tilespmem:s13+$0x16000] =	vst v7  }
0x3e0: {  	[tilespmem:s24+$0x16C40] =	vst v8;
	v8 =	vld [tilespmem:s14+$0xE000]  }
0x3e1: {  	[tilespmem:s24+$0x16C20] =	vst v6;
	v6 =	vld [tilespmem:s24+$0xF000]  }
0x3e2: {  	v5 =	vmul.f32 $3.200000000e+01, v5  }
0x3e3: {  	v3 =	vmul.f32 $3.200000000e+01, v3  }
0x3e4: {  	[tilespmem:s24+$0x16850] =	vst v5;
	v5 =	vmul.f32 $3.200000000e+01, v9  }
0x3e5: {  	v4 =	vld [tilespmem:s24+$0xEC00];
	[tilespmem:s24+$0x16C70] =	vst v3;
	v3 =	vmul.f32 $3.200000000e+01, v8  }
0x3e6: {  	[tilespmem:s24+$0x16870] =	vst v5;
	v5 =	vld [tilespmem:s24+$0xEC50];
	v6 =	vmul.f32 $3.200000000e+01, v6  }
0x3e7: {  	s19 =	sor.u32 $0x1C30, s25;
	v10 =	vld [tilespmem:s24+$0xEC30];
	[tilespmem:s14+$0x16000] =	vst v3  }
0x3e8: {  	[tilespmem:s24+$0x17000] =	vst v6;
	v6 =	vld [tilespmem:s19+$0xE000];
	_ =	sdelay $0x1  }
0x3e9: {  	v4 =	vmul.f32 $3.200000000e+01, v4;
	v7 =	vld [tilespmem:s24+$0xF020]  }
0x3ea: {  	v5 =	vmul.f32 $3.200000000e+01, v5  }
0x3eb: {  	v9 =	vmul.f32 $3.200000000e+01, v10;
	[tilespmem:s24+$0x16C00] =	vst v4;
	v4 =	vld [tilespmem:s24+$0xEC60]  }
0x3ec: {  	[tilespmem:s24+$0x16C50] =	vst v5;
	v5 =	vld [tilespmem:s24+$0xF030];
	v6 =	vmul.f32 $3.200000000e+01, v6  }
0x3ed: {  	[tilespmem:s24+$0x16C30] =	vst v9;
	v9 =	vld [tilespmem:s24+$0xF010]  }
0x3ee: {  	s26 =	sor.u32 $0x1C40, s25;
	v7 =	vmul.f32 $3.200000000e+01, v7;
	v8 =	vld [tilespmem:s24+$0xF050];
	[tilespmem:s19+$0x16000] =	vst v6  }
0x3ef: {  	v6 =	vld [tilespmem:s26+$0xE000]  }
0x3f0: {  	v4 =	vmul.f32 $3.200000000e+01, v4;
	[tilespmem:s24+$0x17020] =	vst v7;
	v7 =	vld [tilespmem:s24+$0xF400]  }
0x3f1: {  	v5 =	vmul.f32 $3.200000000e+01, v5;
	v3 =	vld [tilespmem:s24+$0xF060]  }
0x3f2: {  	v9 =	vmul.f32 $3.200000000e+01, v9;
	[tilespmem:s24+$0x16C60] =	vst v4;
	v4 =	vld [tilespmem:s24+$0xF040]  }
0x3f3: {  	[tilespmem:s24+$0x17030] =	vst v5;
	v5 =	vmul.f32 $3.200000000e+01, v8  }
0x3f4: {  	[tilespmem:s24+$0x17010] =	vst v9;
	v9 =	vld [tilespmem:s24+$0xF070];
	v6 =	vmul.f32 $3.200000000e+01, v6  }
0x3f5: {  	v7 =	vmul.f32 $3.200000000e+01, v7;
	[tilespmem:s24+$0x17050] =	vst v5;
	v5 =	vld [tilespmem:s24+$0xF430]  }
0x3f6: {  	v10 =	vld [tilespmem:s24+$0xF410];
	s29 =	sor.u32 $0x1C50, s25;
	v3 =	vmul.f32 $3.200000000e+01, v3;
	[tilespmem:s26+$0x16000] =	vst v6  }
0x3f7: {  	v4 =	vmul.f32 $3.200000000e+01, v4;
	[tilespmem:s24+$0x17400] =	vst v7;
	v7 =	vld [tilespmem:s29+$0xE000]  }
0x3f8: {  	[tilespmem:s24+$0x17060] =	vst v3;
	v3 =	vld [tilespmem:s24+$0xF440]  }
0x3f9: {  	[tilespmem:s24+$0x17040] =	vst v4;
	v4 =	vld [tilespmem:s24+$0xF420];
	v8 =	vmul.f32 $3.200000000e+01, v9  }
0x3fa: {  	v5 =	vmul.f32 $3.200000000e+01, v5  }
0x3fb: {  	v9 =	vmul.f32 $3.200000000e+01, v10;
	[tilespmem:s24+$0x17070] =	vst v8;
	v8 =	vld [tilespmem:s24+$0xF450]  }
0x3fc: {  	[tilespmem:s24+$0x17430] =	vst v5;
	v6 =	vld [tilespmem:s24+$0xF460];
	v5 =	vmul.f32 $3.200000000e+01, v7  }
0x3fd: {  	[tilespmem:s24+$0x17410] =	vst v9;
	v9 =	vld [tilespmem:s24+$0xF470];
	v3 =	vmul.f32 $3.200000000e+01, v3  }
0x3fe: {  	s13 =	sor.u32 $0x1C60, s25;
	v4 =	vmul.f32 $3.200000000e+01, v4;
	v10 =	vld [tilespmem:s24+$0xF800];
	[tilespmem:s29+$0x16000] =	vst v5  }
0x3ff: {  	[tilespmem:s24+$0x17440] =	vst v3;
	v3 =	vld [tilespmem:s13+$0xE000]  }
0x400: {  	[tilespmem:s24+$0x17420] =	vst v4;
	v4 =	vld [tilespmem:s24+$0xF810];
	v7 =	vmul.f32 $3.200000000e+01, v8  }
0x401: {  	v6 =	vmul.f32 $3.200000000e+01, v6;
	v8 =	vld [tilespmem:s24+$0xF820]  }
0x402: {  	[tilespmem:s24+$0x17450] =	vst v7;
	v5 =	vld [tilespmem:s24+$0xF830];
	v7 =	vmul.f32 $3.200000000e+01, v9  }
0x403: {  	[tilespmem:s24+$0x17460] =	vst v6;
	v6 =	vld [tilespmem:s24+$0xF840];
	v9 =	vmul.f32 $3.200000000e+01, v10  }
0x404: {  	s28 =	simm.s32 $0xFFFFC800;
	s6 =	simm.s32 $0x100;
	s26 =	simm.s32 $0x0;
	[tilespmem:s24+$0x17470] =	vst v7;
	v7 =	vld [tilespmem:s24+$0xF850];
	v3 =	vmul.f32 $3.200000000e+01, v3  }
.LBB2_9:
0x405: {  	s14 =	sadd.s32 $0x4000, s28;
	p1 =	sne.s32 s6, $0x780;
	[tilespmem:s24+$0x17800] =	vst v9;
	v4 =	vmul.f32 $3.200000000e+01, v4;
	v9 =	vld [tilespmem:s24+$0xF860]  }
0x406: {  	s19 =	sand.u32 $0x380, s6;
	s14 =	sand.u32 $0x2000, s14;
	v8 =	vmul.f32 $3.200000000e+01, v8;
	v10 =	vld [tilespmem:s24+$0xF870];
	[tilespmem:s13+$0x16000] =	vst v3;
	s13 =	sor.u32 $0x1C70, s25  }
0x407: {  	s14 =	sor.u32 s19, s14;
	[tilespmem:s24+$0x17810] =	vst v4;
	v3 =	vmul.f32 $3.200000000e+01, v5;
	v4 =	vld [tilespmem:s13+$0xE000]  }
0x408: {  	v5 =	vld [tilespmem:s14+$0xE000];
	[tilespmem:s24+$0x17820] =	vst v8;
	v6 =	vmul.f32 $3.200000000e+01, v6  }
0x409: {  	v8 =	vld [tilespmem:s14+$0xE010];
	[tilespmem:s24+$0x17830] =	vst v3;
	v3 =	vmul.f32 $3.200000000e+01, v7  }
0x40a: {  	s23 =	sadd.s32 $0x1, s23;
	v7 =	vld [tilespmem:s14+$0xE020];
	[tilespmem:s24+$0x17840] =	vst v6;
	v6 =	vmul.f32 $3.200000000e+01, v9  }
0x40b: {  	s19 =	sand.u32 $0x7, s23;
	v9 =	vld [tilespmem:s14+$0xE030];
	[tilespmem:s24+$0x17850] =	vst v3;
	v3 =	vmul.f32 $3.200000000e+01, v10  }
0x40c: {  	s26 =	sadd.s32 $0x400, s26;
	s19 =	sshll.u32 s19, $0x7;
	v10 =	vld [tilespmem:s14+$0xE040];
	[tilespmem:s24+$0x17860] =	vst v6;
	v4 =	vmul.f32 $3.200000000e+01, v4  }
0x40d: {  	s25 =	sadd.s32 s19, s26;
	v5 =	vmul.f32 $3.200000000e+01, v5;
	v6 =	vld [tilespmem:s14+$0xE050];
	[tilespmem:s24+$0x17870] =	vst v3;
	s24 =	smov.u32 s14  }
0x40e: {  	s14 =	sor.u32 $0x1C00, s25;
	v3 =	vmul.f32 $3.200000000e+01, v8;
	v8 =	vld [tilespmem:s24+$0xE060];
	[tilespmem:s13+$0x16000] =	vst v4  }
0x40f: {  	[tilespmem:s24+$0x16000] =	vst v5;
	v4 =	vmul.f32 $3.200000000e+01, v7;
	v5 =	vld [tilespmem:s14+$0xE000]  }
0x410: {  	[tilespmem:s24+$0x16010] =	vst v3;
	v3 =	vmul.f32 $3.200000000e+01, v9;
	v7 =	vld [tilespmem:s24+$0xE070]  }
0x411: {  	[tilespmem:s24+$0x16020] =	vst v4;
	v4 =	vmul.f32 $3.200000000e+01, v10;
	v9 =	vld [tilespmem:s24+$0xE400]  }
0x412: {  	[tilespmem:s24+$0x16030] =	vst v3;
	v3 =	vmul.f32 $3.200000000e+01, v6;
	v6 =	vld [tilespmem:s24+$0xE410]  }
0x413: {  	[tilespmem:s24+$0x16040] =	vst v4;
	v4 =	vmul.f32 $3.200000000e+01, v8;
	v8 =	vld [tilespmem:s24+$0xE420]  }
0x414: {  	[tilespmem:s24+$0x16050] =	vst v3;
	v3 =	vld [tilespmem:s24+$0xE430];
	v5 =	vmul.f32 $3.200000000e+01, v5  }
0x415: {  	[tilespmem:s24+$0x16060] =	vst v4;
	v4 =	vmul.f32 $3.200000000e+01, v7;
	v7 =	vld [tilespmem:s24+$0xE440]  }
0x416: {  	s13 =	sor.u32 $0x1C10, s25;
	v9 =	vmul.f32 $3.200000000e+01, v9;
	v10 =	vld [tilespmem:s24+$0xE450];
	[tilespmem:s14+$0x16000] =	vst v5  }
0x417: {  	[tilespmem:s24+$0x16070] =	vst v4;
	v4 =	vmul.f32 $3.200000000e+01, v6;
	v5 =	vld [tilespmem:s13+$0xE000]  }
0x418: {  	[tilespmem:s24+$0x16400] =	vst v9;
	v6 =	vmul.f32 $3.200000000e+01, v8;
	v8 =	vld [tilespmem:s24+$0xE460]  }
0x419: {  	[tilespmem:s24+$0x16410] =	vst v4;
	v3 =	vmul.f32 $3.200000000e+01, v3;
	v4 =	vld [tilespmem:s24+$0xE470]  }
0x41a: {  	[tilespmem:s24+$0x16420] =	vst v6;
	v6 =	vmul.f32 $3.200000000e+01, v7;
	v7 =	vld [tilespmem:s24+$0xE800]  }
0x41b: {  	[tilespmem:s24+$0x16430] =	vst v3;
	v3 =	vmul.f32 $3.200000000e+01, v10;
	v9 =	vld [tilespmem:s24+$0xE810]  }
0x41c: {  	[tilespmem:s24+$0x16440] =	vst v6;
	v6 =	vld [tilespmem:s24+$0xE820];
	v5 =	vmul.f32 $3.200000000e+01, v5  }
0x41d: {  	[tilespmem:s24+$0x16450] =	vst v3;
	v3 =	vmul.f32 $3.200000000e+01, v8;
	v8 =	vld [tilespmem:s24+$0xE830]  }
0x41e: {  	v4 =	vmul.f32 $3.200000000e+01, v4;
	v10 =	vld [tilespmem:s24+$0xE840];
	[tilespmem:s13+$0x16000] =	vst v5;
	s13 =	sor.u32 $0x1C20, s25  }
0x41f: {  	[tilespmem:s24+$0x16460] =	vst v3;
	v3 =	vmul.f32 $3.200000000e+01, v7;
	v5 =	vld [tilespmem:s13+$0xE000]  }
0x420: {  	[tilespmem:s24+$0x16470] =	vst v4;
	v4 =	vmul.f32 $3.200000000e+01, v9;
	v7 =	vld [tilespmem:s24+$0xE850]  }
0x421: {  	[tilespmem:s24+$0x16800] =	vst v3;
	v3 =	vmul.f32 $3.200000000e+01, v6;
	v6 =	vld [tilespmem:s24+$0xE860]  }
0x422: {  	[tilespmem:s24+$0x16810] =	vst v4;
	v4 =	vmul.f32 $3.200000000e+01, v8;
	v8 =	vld [tilespmem:s24+$0xE870]  }
0x423: {  	[tilespmem:s24+$0x16820] =	vst v3;
	v3 =	vmul.f32 $3.200000000e+01, v10;
	v9 =	vld [tilespmem:s24+$0xEC00]  }
0x424: {  	[tilespmem:s24+$0x16830] =	vst v4;
	v4 =	vld [tilespmem:s24+$0xEC10];
	v5 =	vmul.f32 $3.200000000e+01, v5  }
0x425: {  	[tilespmem:s24+$0x16840] =	vst v3;
	v3 =	vmul.f32 $3.200000000e+01, v7;
	v7 =	vld [tilespmem:s24+$0xEC20]  }
0x426: {  	v6 =	vmul.f32 $3.200000000e+01, v6;
	v10 =	vld [tilespmem:s24+$0xEC30];
	[tilespmem:s13+$0x16000] =	vst v5;
	s13 =	sor.u32 $0x1C30, s25  }
0x427: {  	[tilespmem:s24+$0x16850] =	vst v3;
	v3 =	vmul.f32 $3.200000000e+01, v8;
	v5 =	vld [tilespmem:s13+$0xE000]  }
0x428: {  	[tilespmem:s24+$0x16860] =	vst v6;
	v6 =	vmul.f32 $3.200000000e+01, v9;
	v8 =	vld [tilespmem:s24+$0xEC40]  }
0x429: {  	[tilespmem:s24+$0x16870] =	vst v3;
	v3 =	vmul.f32 $3.200000000e+01, v4;
	v4 =	vld [tilespmem:s24+$0xEC50]  }
0x42a: {  	[tilespmem:s24+$0x16C00] =	vst v6;
	v6 =	vmul.f32 $3.200000000e+01, v7;
	v7 =	vld [tilespmem:s24+$0xEC60]  }
0x42b: {  	[tilespmem:s24+$0x16C10] =	vst v3;
	v3 =	vmul.f32 $3.200000000e+01, v10;
	v9 =	vld [tilespmem:s24+$0xEC70]  }
0x42c: {  	[tilespmem:s24+$0x16C20] =	vst v6;
	v6 =	vld [tilespmem:s24+$0xF000];
	v5 =	vmul.f32 $3.200000000e+01, v5  }
0x42d: {  	[tilespmem:s24+$0x16C30] =	vst v3;
	v3 =	vmul.f32 $3.200000000e+01, v8;
	v8 =	vld [tilespmem:s24+$0xF010]  }
0x42e: {  	v4 =	vmul.f32 $3.200000000e+01, v4;
	v10 =	vld [tilespmem:s24+$0xF020];
	[tilespmem:s13+$0x16000] =	vst v5;
	s13 =	sor.u32 $0x1C40, s25  }
0x42f: {  	[tilespmem:s24+$0x16C40] =	vst v3;
	v3 =	vmul.f32 $3.200000000e+01, v7;
	v5 =	vld [tilespmem:s13+$0xE000]  }
0x430: {  	[tilespmem:s24+$0x16C50] =	vst v4;
	v4 =	vmul.f32 $3.200000000e+01, v9;
	v7 =	vld [tilespmem:s24+$0xF030]  }
0x431: {  	[tilespmem:s24+$0x16C60] =	vst v3;
	v3 =	vmul.f32 $3.200000000e+01, v6;
	v6 =	vld [tilespmem:s24+$0xF040]  }
0x432: {  	[tilespmem:s24+$0x16C70] =	vst v4;
	v4 =	vmul.f32 $3.200000000e+01, v8;
	v8 =	vld [tilespmem:s24+$0xF050]  }
0x433: {  	[tilespmem:s24+$0x17000] =	vst v3;
	v3 =	vmul.f32 $3.200000000e+01, v10;
	v9 =	vld [tilespmem:s24+$0xF060]  }
0x434: {  	[tilespmem:s24+$0x17010] =	vst v4;
	v4 =	vld [tilespmem:s24+$0xF070];
	v5 =	vmul.f32 $3.200000000e+01, v5  }
0x435: {  	[tilespmem:s24+$0x17020] =	vst v3;
	v3 =	vmul.f32 $3.200000000e+01, v7;
	v7 =	vld [tilespmem:s24+$0xF400]  }
0x436: {  	v6 =	vmul.f32 $3.200000000e+01, v6;
	v10 =	vld [tilespmem:s24+$0xF410];
	[tilespmem:s13+$0x16000] =	vst v5;
	s13 =	sor.u32 $0x1C50, s25  }
0x437: {  	[tilespmem:s24+$0x17030] =	vst v3;
	v3 =	vmul.f32 $3.200000000e+01, v8;
	v5 =	vld [tilespmem:s13+$0xE000]  }
0x438: {  	[tilespmem:s24+$0x17040] =	vst v6;
	v6 =	vmul.f32 $3.200000000e+01, v9;
	v8 =	vld [tilespmem:s24+$0xF420]  }
0x439: {  	[tilespmem:s24+$0x17050] =	vst v3;
	v3 =	vmul.f32 $3.200000000e+01, v4;
	v4 =	vld [tilespmem:s24+$0xF430]  }
0x43a: {  	[tilespmem:s24+$0x17060] =	vst v6;
	v6 =	vmul.f32 $3.200000000e+01, v7;
	v7 =	vld [tilespmem:s24+$0xF440]  }
0x43b: {  	[tilespmem:s24+$0x17070] =	vst v3;
	v3 =	vmul.f32 $3.200000000e+01, v10;
	v9 =	vld [tilespmem:s24+$0xF450]  }
0x43c: {  	[tilespmem:s24+$0x17400] =	vst v6;
	v6 =	vld [tilespmem:s24+$0xF460];
	v5 =	vmul.f32 $3.200000000e+01, v5  }
0x43d: {  	[tilespmem:s24+$0x17410] =	vst v3;
	v3 =	vmul.f32 $3.200000000e+01, v8;
	v10 =	vld [tilespmem:s24+$0xF470]  }
0x43e: {  	v4 =	vmul.f32 $3.200000000e+01, v4;
	v11 =	vld [tilespmem:s24+$0xF800];
	[tilespmem:s13+$0x16000] =	vst v5;
	s13 =	sor.u32 $0x1C60, s25  }
0x43f: {  	[tilespmem:s24+$0x17420] =	vst v3;
	v3 =	vmul.f32 $3.200000000e+01, v7;
	v12 =	vld [tilespmem:s13+$0xE000]  }
.Ltmp3:
0x440: {  	[tilespmem:s24+$0x17430] =	vst v4;
	v5 =	vmul.f32 $3.200000000e+01, v9;
	v4 =	vld [tilespmem:s24+$0xF810];
	(pc) =	sbr.rel @p1 .LBB2_9-.Ltmp3, $4  }
0x441: {  	[tilespmem:s24+$0x17440] =	vst v3;
	v3 =	vmul.f32 $3.200000000e+01, v6;
	v8 =	vld [tilespmem:s24+$0xF820]  }
0x442: {  	[tilespmem:s24+$0x17450] =	vst v5;
	v7 =	vmul.f32 $3.200000000e+01, v10;
	v5 =	vld [tilespmem:s24+$0xF830]  }
0x443: {  	[tilespmem:s24+$0x17460] =	vst v3;
	v9 =	vmul.f32 $3.200000000e+01, v11;
	v6 =	vld [tilespmem:s24+$0xF840]  }
0x444: {  	s28 =	sadd.s32 $0x400, s28;
	s6 =	sadd.s32 $0x80, s6;
	[tilespmem:s24+$0x17470] =	vst v7;
	v7 =	vld [tilespmem:s24+$0xF850];
	v3 =	vmul.f32 $3.200000000e+01, v12  }
0x445: {  	v4 =	vmul.f32 $3.200000000e+01, v4;
	v58 =	vld [tilespmem:s24+$0xF860]  }
0x446: {  	[tilespmem:s24+$0x17800] =	vst v9;
	v10 =	vld [tilespmem:s24+$0xF870];
	v8 =	vmul.f32 $3.200000000e+01, v8  }
0x447: {  	[tilespmem:s24+$0x17810] =	vst v4;
	v59 =	vmul.f32 $3.200000000e+01, v5  }
0x448: {  	[tilespmem:s24+$0x17820] =	vst v8;
	v60 =	vmul.f32 $3.200000000e+01, v6  }
0x449: {  	s6 =	sadd.s32 $0x1, s23;
	[tilespmem:s24+$0x17830] =	vst v59;
	v61 =	vmul.f32 $3.200000000e+01, v7  }
0x44a: {  	s6 =	sand.u32 $0x7, s6;
	[tilespmem:s24+$0x17840] =	vst v60;
	v62 =	vmul.f32 $3.200000000e+01, v58  }
0x44b: {  	s14 =	sadd.s32 $0x400, s26;
	s6 =	sshll.u32 s6, $0x7;
	v63 =	vmul.f32 $3.200000000e+01, v10;
	[tilespmem:s24+$0x17850] =	vst v61  }
0x44c: {  	s6 =	sadd.s32 s6, s14;
	[tilespmem:s24+$0x17860] =	vst v62  }
0x44d: {  	s14 =	sor.u32 $0x1C00, s6;
	[tilespmem:s24+$0x17870] =	vst v63  }
0x44e: {  	v4 =	vld [tilespmem:s14+$0xE000];
	_ =	sdelay $0x4  }
0x44f: {  	v4 =	vmul.f32 $3.200000000e+01, v4;
	_ =	sdelay $0x1  }
0x450: {  	s26 =	sor.u32 $0x1C10, s6;
	[tilespmem:s14+$0x16000] =	vst v4  }
0x451: {  	v4 =	vld [tilespmem:s26+$0xE000];
	_ =	sdelay $0x4  }
0x452: {  	v4 =	vmul.f32 $3.200000000e+01, v4;
	_ =	sdelay $0x1  }
0x453: {  	s28 =	sor.u32 $0x1C20, s6;
	[tilespmem:s26+$0x16000] =	vst v4  }
0x454: {  	v4 =	vld [tilespmem:s28+$0xE000];
	_ =	sdelay $0x4  }
0x455: {  	v4 =	vmul.f32 $3.200000000e+01, v4;
	_ =	sdelay $0x1  }
0x456: {  	s29 =	sor.u32 $0x1C30, s6;
	[tilespmem:s28+$0x16000] =	vst v4  }
0x457: {  	v4 =	vld [tilespmem:s29+$0xE000];
	_ =	sdelay $0x4  }
0x458: {  	v4 =	vmul.f32 $3.200000000e+01, v4;
	_ =	sdelay $0x1  }
0x459: {  	s19 =	sor.u32 $0x1C40, s6;
	[tilespmem:s29+$0x16000] =	vst v4  }
0x45a: {  	v4 =	vld [tilespmem:s19+$0xE000];
	_ =	sdelay $0x4  }
0x45b: {  	v4 =	vmul.f32 $3.200000000e+01, v4;
	_ =	sdelay $0x1  }
0x45c: {  	s23 =	sor.u32 $0x1C50, s6;
	[tilespmem:s19+$0x16000] =	vst v4  }
0x45d: {  	v4 =	vld [tilespmem:s23+$0xE000];
	_ =	sdelay $0x4  }
0x45e: {  	v4 =	vmul.f32 $3.200000000e+01, v4;
	_ =	sdelay $0x1  }
0x45f: {  	s24 =	sor.u32 $0x1C60, s6;
	[tilespmem:s23+$0x16000] =	vst v4  }
0x460: {  	v4 =	vld [tilespmem:s24+$0xE000];
	_ =	sdelay $0x4  }
0x461: {  	v4 =	vmul.f32 $3.200000000e+01, v4  }
0x462: {  	[tilespmem:s13+$0x16000] =	vst v3;
	s26 =	sor.u32 $0x1C70, s25  }
0x463: {  	s6 =	sor.u32 $0x1C70, s6;
	v3 =	vld [tilespmem:s26+$0xE000];
	[tilespmem:s24+$0x16000] =	vst v4  }
0x464: {  	v4 =	vld [tilespmem:s6+$0xE000];
	_ =	sdelay $0x3  }
0x465: {  	v3 =	vmul.f32 $3.200000000e+01, v3  }
0x466: {  	v4 =	vmul.f32 $3.200000000e+01, v4  }
0x467: {  	[tilespmem:s26+$0x16000] =	vst v3  }
0x468: {  	[tilespmem:s6+$0x16000] =	vst v4  }
0x469: {  	v3 =	vld @!p0 [tilespmem:s22+$0x380];
	_ =	sdelay $0x4  }
0x46a: {  	v4 =	vshll.u32 @!p0 v3, $0x3  }
0x46b: {  	v5 =	vlaneseq.u32 @!p0;
	v3 =	vand.u32 @!p0 $0x7, v3;
	v4 =	vand.u32 @!p0 $0xFFFFFFC0, v4  }
0x46c: {  	v6 =	vshrl.u32 @!p0 v5, $0x3;
	v3 =	vor.u32 @!p0 v3, v4;
	v4 =	vand.u32 @!p0 $0x7, v5  }
0x46d: {  	v6 =	vmul.u32 @!p0 $0x8, v6;
	v4 =	vperm.xlane @!p0 v3, v4;
	_ =	sdelay $0x1  }
0x46e: {  	v4 =	vadd.s32 @!p0 v6, v4;
	_ =	sdelay $0x3  }
0x46f: {  	s13 =	simm.s32 @!p0 $0xE000;
	s6 =	simm.s32 @!p0 $0x0  }
0x470: {  	v5 =	vor.u32 @!p0 $0x8, v5;
	[tilespmem:s13], [sflag:$0x4] =	stream.indirect_vreg.gather @!p0 [hbm4b:s2+s6], $0x80, v4, vm1, $0xb8;
	[tilespmem:$0x1A000] =	vst v63  }
0x471: {  	v3 =	vperm.xlane @!p0 v3, v5;
	s13 =	simm.s32 @!p0 $0xE800  }
0x472: {  	[tilespmem:s13], [sflag:$0x4] =	stream.indirect_vreg.gather @!p0 [hbm4b:s7+s6], $0x80, v4, vm1, $0xb8;
	[tilespmem:$0x1A000] =	vst v63  }
0x473: {  	v3 =	vadd.s32 @!p0 v6, v3;
	s13 =	simm.s32 @!p0 $0xF000  }
0x474: {  	[tilespmem:s13], [sflag:$0x4] =	stream.indirect_vreg.gather @!p0 [hbm4b:s8+s6], $0x80, v4, vm1, $0xb8;
	[tilespmem:$0x1A000] =	vst v63  }
0x475: {  	s13 =	simm.s32 @!p0 $0xF800  }
0x476: {  	[tilespmem:s13], [sflag:$0x4] =	stream.indirect_vreg.gather @!p0 [hbm4b:s9+s6], $0x80, v4, vm1, $0xb8;
	[tilespmem:$0x1A000] =	vst v63  }
0x477: {  	s13 =	simm.s32 @!p0 $0x10000  }
0x478: {  	[tilespmem:s13], [sflag:$0x4] =	stream.indirect_vreg.gather @!p0 [hbm4b:s2+s6], $0x80, v3, vm1, $0xb8;
	[tilespmem:$0x1A000] =	vst v63  }
0x479: {  	s13 =	simm.s32 @!p0 $0x10800  }
0x47a: {  	[tilespmem:s13], [sflag:$0x4] =	stream.indirect_vreg.gather @!p0 [hbm4b:s7+s6], $0x80, v3, vm1, $0xb8;
	[tilespmem:$0x1A000] =	vst v63  }
0x47b: {  	s13 =	simm.s32 @!p0 $0x11000  }
0x47c: {  	[tilespmem:s13], [sflag:$0x4] =	stream.indirect_vreg.gather @!p0 [hbm4b:s8+s6], $0x80, v3, vm1, $0xb8;
	[tilespmem:$0x1A000] =	vst v63  }
0x47d: {  	s20 =	sadd.s32 $0x1, s20;
	s14 =	simm.s32 @!p0 $0x11800  }
0x47e: {  	[tilespmem:s14], [sflag:$0x4] =	stream.indirect_vreg.gather @!p0 [hbm4b:s9+s6], $0x80, v3, vm1, $0xb8;
	[tilespmem:$0x1A000] =	vst v63  }
0x47f: {  	p0 =	sne.s32 s20, $0x10  }
.Ltmp4:
0x480: {  	_ = 	snop;
	(pc) =	sbr.rel @p0 .LBB2_2-.Ltmp4, $4  }
0x481: {  	_ = 	snop  }
0x482: {  	s28 =	sor.u32 $0x1800, s21  }
0x483: {  	s29 =	sadd.s32 s28, s12  }
0x484: {  	[hbm4b:s29+s4] =	stream.linear.scatter [tilespmem:s1], [sflag:$0x6], $0x4000, $0x38;
	[tilespmem:$0x1A000] =	vst v63  }
0x485: {  	_ =	swait.ge [sflag:s16], $0x4000  }
0x486: {  	[sflag:s16] =	ssyncset.done $0x0  }
0x487: {  	[sflag:s16] =	ssyncadd.s32 $0xFFFFC000  }
0x488: {  	_ =	swait.ge [sflag:s18], $0x4000  }
0x489: {  	s13 =	rddreg [dreg:$0x6]  }
0x48a: {  	s6 =	rddreg [dreg:$0x5];
	s13 =	sadd.s32 $0x1, s13  }
0x48b: {  	p0 =	sne.s32 s13, s6  }
.Ltmp5:
0x48c: {  	_ = 	snop;
	(pc) =	sbr.rel @p0 .LBB2_1-.Ltmp5, $3  }
0x48d: {  	_ =	sdelay $0x1  }
0x48e: {  	[sflag:s18] =	ssyncset.done $0x0  }
0x48f: {  	[sflag:s18] =	ssyncadd.s32 $0xFFFFC000  }
0x490: {  	_ =	sfence.sel $0x180000  }
0x491: {  	[bflag:$0x0] =	sbarrier.arrive $0xFFFF  }
0x492: {  	_ =	strace $0x90000047  }
0x493: {  	s0 =	stileid.u32;
	[bflag:$0x2] =	sbarrier.arrive $0xFFFF  }
0x494: {  	p0 =	sne.s32 s0, $0x0;
	s0 =	rddreg [dreg:$0x3]  }
0x495: {  	s0 =	sadd.s32 @!p0 $0x100000, s0  }
0x496: {  	[sflag:s0] =	ssyncadd.tile.s32 @!p0 $0x1;
	_ =	shalt  }
.Lfunc_end2:
_tile_overlayer_lowered:
.L_overlay_start_2:
0x497: {  	(tag) =	ssettag $0x2  }
0x498: {  	s0 =	rddreg [dreg:$0x0];
	s2 =	stileid.u32  }
0x499: {  	s1 =	rddreg [dreg:$0x1];
	p0 =	sne.s32 s2, $0x0  }
0x49a: {  	s3 =	rddreg [dreg:$0x2];
	[bflag:$0x3] =	sbarrier.arrive $0xFFFF;
	s2 =	simm.s32 @!p0 $0x1C07  }
0x49b: {  	[timem:s3], [sflag:s2] =	dma.local @!p0 [hbm:s0], s1  }
0x49c: {  	s0 =	simm.s32 @!p0 $0x7  }
0x49d: {  	_ =	swait.ge @!p0 [sflag:s0], s1  }
0x49e: {  	s1 =	ssub.s32 @!p0 $0x0, s1;
	[sflag:s0] =	ssyncset.done @!p0 $0x0  }
0x49f: {  	[sflag:s0] =	ssyncadd.s32 @!p0 s1  }
0x4a0: {  	[bflag:$0x3] =	sbarrier.arrive $0xFFFF  }
0x4a1: {  	_ =	shalt  }

</sc_bundles>
